<compile_context>
chip_gen: v7x
topology: tpu7x:2x2x1
jax: 0.10.2.dev20260603
libtpu: 0.0.44.dev20260713+nightly
codegen_flags: <defaults>
</compile_context>

<pallas_src>
import functools

import jax
import jax.numpy as jnp
from jax import lax
from jax.experimental import pallas as pl
from jax.experimental.pallas import tpu as pltpu
from jax.experimental.pallas import tpu_sc as plsc

N = 100000
NPAD = 100096
E = 3200000
EPAD = 3276800
NC, NS = 2, 16
NW = NC * NS
CH = 2048
ROWS = CH // 128
TPS = NPAD // NS
EPT = EPAD // NW
NCHUNK = EPT // CH

_mesh = plsc.VectorSubcoreMesh(core_axis_name="c", subcore_axis_name="s")


def _f32(shape):
    return jax.ShapeDtypeStruct(shape, jnp.float32)


@functools.partial(
    pl.kernel,
    out_type=_f32((NC * NPAD,)),
    mesh=_mesh,
    compiler_params=pltpu.CompilerParams(needs_layout_passes=False, use_tc_tiling_on_sc=False),
    scratch_types=dict(
        xbuf=pltpu.VMEM((NPAD,), jnp.float32),
        srcb=pltpu.VMEM((CH,), jnp.int32),
        dstb=pltpu.VMEM((CH,), jnp.int32),
        valb=pltpu.VMEM((CH,), jnp.float32),
        zbuf=pltpu.VMEM((TPS,), jnp.float32),
        acc=pltpu.VMEM_SHARED((NPAD,), jnp.float32),
    ),
)
def _f1_scalar_scatter(src_h, dst_h, x_h, out_h, *, xbuf, srcb, dstb,
                       valb, zbuf, acc):
    c = lax.axis_index("c")
    s = lax.axis_index("s")
    wid = c * NS + s
    base = wid * EPT
    baserow = base // 128
    def zfill(i, carry):
        zbuf[pl.ds(i * 16, 16)] = jnp.zeros((16,), jnp.float32)
        return carry
    lax.fori_loop(0, TPS // 16, zfill, 0)
    off = pl.multiple_of(s * TPS, 8)
    pltpu.sync_copy(zbuf, acc.at[pl.ds(off, TPS)])
    pltpu.sync_copy(x_h, xbuf)
    plsc.subcore_barrier()

    def chunk(ci, carry):
        eoff = pl.multiple_of(base + ci * CH, 128)
        pltpu.sync_copy(src_h.at[pl.ds(eoff, CH)], srcb)
        pltpu.sync_copy(dst_h.at[pl.ds(eoff, CH)], dstb)
        def fill(j, carry2):
            sv = srcb[pl.ds(j * 16, 16)]
            valb[pl.ds(j * 16, 16)] = plsc.load_gather(xbuf, [sv])
            return carry2
        lax.fori_loop(0, CH // 16, fill, 0)
        pltpu.sync_copy(valb, acc.at[dstb], add=True)
        return carry

    lax.fori_loop(0, NCHUNK, chunk, 0)
    plsc.subcore_barrier()
    off = pl.multiple_of(s * TPS, 8)
    oof = pl.multiple_of(c * NPAD + s * TPS, 8)
    pltpu.sync_copy(acc.at[pl.ds(off, TPS)], zbuf)
    pltpu.sync_copy(zbuf, out_h.at[pl.ds(oof, TPS)])


EPT_B = EPAD // NS
NCHUNK_B = EPT_B // CH

@functools.partial(
    pl.kernel,
    out_type=_f32((NC * 8 * NPAD,)),
    mesh=_mesh,
    compiler_params=pltpu.CompilerParams(needs_layout_passes=False, use_tc_tiling_on_sc=False),
    scratch_types=dict(
        srcb=pltpu.VMEM((CH,), jnp.int32),
        dstb=pltpu.VMEM((CH,), jnp.int32),
        vbs=[pltpu.VMEM((CH,), jnp.float32) for _ in range(8)],
        zbuf=pltpu.VMEM((TPS,), jnp.float32),
        sem=pltpu.SemaphoreType.DMA,
        planes=[pltpu.VMEM_SHARED((NPAD,), jnp.float32) for _ in range(8)],
        accs=[pltpu.VMEM_SHARED((NPAD,), jnp.float32) for _ in range(8)],
    ),
)
def _f_row_scatter(srcf_h, dstf_h, tflat_h, out_h, *, srcb, dstb, vbs, zbuf,
                   sem, planes, accs):
    c = lax.axis_index("c")
    s = lax.axis_index("s")
    base = s * EPT_B
    baserow = base // 128
    off = pl.multiple_of(s * TPS, 8)
    def zfill(i, carry):
        zbuf[pl.ds(i * 16, 16)] = jnp.zeros((16,), jnp.float32)
        return carry
    lax.fori_loop(0, TPS // 16, zfill, 0)
    for i in range(8):
        pltpu.sync_copy(zbuf, accs[i].at[pl.ds(off, TPS)])
    for i in range(8):
        hoff = pl.multiple_of((c * 8 + i) * NPAD + s * TPS, 8)
        pltpu.sync_copy(tflat_h.at[pl.ds(hoff, TPS)], zbuf)
        pltpu.sync_copy(zbuf, planes[i].at[pl.ds(off, TPS)])
    plsc.subcore_barrier()

    def chunk(ci, carry):
        eoff = pl.multiple_of(base + ci * CH, 128)
        pltpu.sync_copy(srcf_h.at[pl.ds(eoff, CH)], srcb)
        pltpu.sync_copy(dstf_h.at[pl.ds(eoff, CH)], dstb)
        gs = [pltpu.async_copy(planes[i].at[srcb], vbs[i], sem)
              for i in range(8)]
        for g in gs:
            g.wait()
        for i in range(8):
            pltpu.sync_copy(vbs[i], accs[i].at[dstb], add=True)
        return carry

    lax.fori_loop(0, NCHUNK_B, chunk, 0)
    plsc.subcore_barrier()
    for i in range(8):
        ooff = pl.multiple_of((c * 8 + i) * NPAD + s * TPS, 8)
        pltpu.sync_copy(accs[i].at[pl.ds(off, TPS)], zbuf)
        pltpu.sync_copy(zbuf, out_h.at[pl.ds(ooff, TPS)])


@functools.partial(
    pl.kernel,
    out_type=_f32((NC * NS * 16,)),
    mesh=_mesh,
    compiler_params=pltpu.CompilerParams(needs_layout_passes=False, use_tc_tiling_on_sc=False),
    scratch_types=dict(
        stab=pltpu.VMEM((NPAD,), jnp.float32),
        srcb=pltpu.VMEM((CH,), jnp.int32),
        dstb=pltpu.VMEM((CH,), jnp.int32),
        obuf=pltpu.VMEM((16,), jnp.float32),
    ),
)
def _f4_masked_sum(src_h, dst_h, s_h, out_h, *, stab, srcb, dstb, obuf):
    c = lax.axis_index("c")
    s = lax.axis_index("s")
    wid = c * NS + s
    base = wid * EPT
    pltpu.sync_copy(s_h, stab)

    def chunk(ci, acc):
        pltpu.sync_copy(src_h.at[pl.ds(pl.multiple_of(base + ci * CH, 128), CH)], srcb)
        pltpu.sync_copy(dst_h.at[pl.ds(pl.multiple_of(base + ci * CH, 128), CH)], dstb)

        def step(j, acc):
            dv = dstb[pl.ds(j * 16, 16)]
            sv = srcb[pl.ds(j * 16, 16)]
            m = dv == 1
            vals = plsc.load_gather(stab, [sv])
            return acc + jnp.where(m, vals, 0.0)

        return lax.fori_loop(0, CH // 16, step, acc)

    acc = lax.fori_loop(0, NCHUNK, chunk, jnp.zeros((16,), jnp.float32))
    obuf[...] = acc
    oof = pl.multiple_of(wid * 16, 8)
    pltpu.sync_copy(obuf, out_h.at[pl.ds(oof, 16)])


def _lrelu(x):
    return jnp.maximum(x, 0.01 * x)


def _t1_body(a1_ref, w0c_ref, b0c_ref, w1t_ref, o_ref):
    a = a1_ref[0:1, :] + a1_ref[1:2, :]
    h = _lrelu(w0c_ref[...] * a + b0c_ref[...])
    o_ref[...] = jnp.dot(w1t_ref[...], h, preferred_element_type=jnp.float32)


def _t2_body(a_ref, bc_ref, wt_ref, o_ref):
    h = _lrelu(a_ref[...] + bc_ref[...])
    o_ref[...] = jnp.dot(wt_ref[...], h, preferred_element_type=jnp.float32)


def _t4_body(p_ref, b3_ref, o_ref):
    o_ref[...] = _lrelu(jnp.sum(p_ref[...]) + b3_ref[0, 0])[None, None]


def kernel(in_feat, edge_index, W0, b0, W1, b1, W2, b2, W3, b3):
    src = edge_index[0].astype(jnp.int32)
    dst = edge_index[1].astype(jnp.int32)
    src_p = jnp.concatenate([src, jnp.zeros((EPAD - E,), jnp.int32)])
    dst_p = jnp.concatenate([dst, jnp.full((EPAD - E,), N, jnp.int32)])
    src2 = src_p.reshape(EPAD // 128, 128)
    dst2 = dst_p.reshape(EPAD // 128, 128)
    x1 = jnp.pad(in_feat[:, 0], (0, NPAD - N))

    a1 = _f1_scalar_scatter(src_p, dst_p, x1).reshape(NC, NPAD)

    t1T = pl.pallas_call(_t1_body, out_shape=_f32((16, NPAD)))(
        a1, W0.reshape(16, 1), b0.reshape(16, 1), W1.T)

    a2T = _f_row_scatter(src_p, dst_p, t1T.reshape(16 * NPAD)).reshape(16, NPAD)

    g2T = pl.pallas_call(_t2_body, out_shape=_f32((16, NPAD)))(
        a2T, b1.reshape(16, 1), W2.T)

    a3T = _f_row_scatter(src_p, dst_p, g2T.reshape(16 * NPAD)).reshape(16, NPAD)

    sT = pl.pallas_call(_t2_body, out_shape=_f32((1, NPAD)))(
        a3T, b2.reshape(16, 1), W3.T)

    part = _f4_masked_sum(src_p, dst_p, sT.reshape(NPAD)).reshape(NW, 16)

    out = pl.pallas_call(_t4_body, out_shape=_f32((1, 1)))(
        part, b3.reshape(1, 1))
    return out.reshape(1)

# --- scband reference (transcript-rebuilt; emitter-appended) ---
"""Pipeline reference for scband-dummy-gcn4-3745211482886 (READ-ONLY COPY).

The authoritative reference and input builder live on the scoring server;
editing this copy changes nothing except your own understanding.
"""

import jax, jax.numpy as jnp
import numpy as np

N_NODES = 100000
N_EDGES = 3200000


def _graph_conv(x, src, dst, W, b, n_nodes):
    # DGL GraphConv with norm='none', weight=True, bias=True.
    # mult W first if in_feats <= out_feats, else aggregate first (same math, fewer flops).
    in_f, out_f = W.shape
    if in_f > out_f:
        agg = jnp.zeros((n_nodes, in_f), dtype=x.dtype).at[dst].add(x[src])
        rst = agg @ W
    else:
        h = x @ W
        rst = jnp.zeros((n_nodes, out_f), dtype=x.dtype).at[dst].add(h[src])
    return rst + b


def setup_inputs(seed: int = 0) -> dict:
    key = jax.random.key(seed)
    k0, k1, k2, k3, k4, k5 = jax.random.split(key, 6)
    in_feat = jax.random.normal(k0, (N_NODES, 1), dtype=jnp.float32)
    edge_index = jax.random.randint(k1, (2, N_EDGES), 0, N_NODES, dtype=jnp.int64)
    h1, h2, h3 = 16, 16, 16
    def glorot(k, shape):
        fan = shape[0] + shape[1]
        lim = np.sqrt(6.0 / fan)
        return jax.random.uniform(k, shape, dtype=jnp.float32, minval=-lim, maxval=lim)
    W0 = glorot(k2, (1, h1)); b0 = jnp.zeros((h1,), dtype=jnp.float32)
    W1 = glorot(k3, (h1, h2)); b1 = jnp.zeros((h2,), dtype=jnp.float32)
    W2 = glorot(k4, (h2, h3)); b2 = jnp.zeros((h3,), dtype=jnp.float32)
    W3 = glorot(k5, (h3, 1)); b3 = jnp.zeros((1,), dtype=jnp.float32)
    return {"in_feat": in_feat, "edge_index": edge_index,
            "W0": W0, "b0": b0, "W1": W1, "b1": b1,
            "W2": W2, "b2": b2, "W3": W3, "b3": b3}


def reference(in_feat, edge_index, W0, b0, W1, b1, W2, b2, W3, b3):
    src = edge_index[0]
    dst = edge_index[1]
    h = _graph_conv(in_feat, src, dst, W0, b0, N_NODES)
    h = jax.nn.leaky_relu(h, negative_slope=0.01)
    h = _graph_conv(h, src, dst, W1, b1, N_NODES)
    h = jax.nn.leaky_relu(h, negative_slope=0.01)
    h = _graph_conv(h, src, dst, W2, b2, N_NODES)
    h = jax.nn.leaky_relu(h, negative_slope=0.01)
    h = _graph_conv(h, src, dst, W3, b3, N_NODES)
    h = jax.nn.leaky_relu(h, negative_slope=0.01)
    return h[1]

if __name__ == "__main__":
    import jax
    _d = setup_inputs()
    print(jax.jit(kernel)(*tuple(_d.values())))

</pallas_src>

<mosaic_0001>
#map = affine_map<(d0, d1) -> (0)>
module attributes {stable_mosaic.version = 14 : i64} {
  func.func @_f4_masked_sum(%arg0: i32, %arg1: i32, %arg2: memref<3276800xi32, #tpu.memory_space<hbm>>, %arg3: memref<3276800xi32, #tpu.memory_space<hbm>>, %arg4: memref<100096xf32, #tpu.memory_space<hbm>>, %arg5: memref<512xf32, #tpu.memory_space<hbm>>, %arg6: memref<2048xi32, #tpu.memory_space<vmem>>, %arg7: memref<16xf32, #tpu.memory_space<vmem>>, %arg8: memref<2048xi32, #tpu.memory_space<vmem>>, %arg9: memref<100096xf32, #tpu.memory_space<vmem>>) attributes {dimension_semantics = [#tpu.dimension_semantics<core_parallel>, #tpu.dimension_semantics<subcore_parallel>], iteration_bounds = array<i64: 2, 16>, scalar_prefetch = 0 : i64, scratch_operands = 4 : i64, tpu.core_type = #tpu.core_type<sc_vector_subcore>, window_params = [{transform_indices = #map}, {transform_indices = #map}, {transform_indices = #map}, {transform_indices = #map}]} {
    %mul3A = arith.constant 16 : i32
    %mul3A_0 = arith.muli %arg0, %mul3A : i32
    %add3A = arith.addi %mul3A_0, %arg1 : i32
    %mul3A_1 = arith.constant 102400 : i32
    %mul3A_2 = arith.muli %add3A, %mul3A_1 : i32
    "tpu.region"() ({
      %run_scoped3A = tpu.sem_alloc : memref<!tpu.dma_semaphore, #tpu.memory_space<semaphore_mem>>
      tpu.enqueue_dma source(%arg4 : memref<100096xf32, #tpu.memory_space<hbm>>) target(%arg9 : memref<100096xf32, #tpu.memory_space<vmem>>) target_semaphore(%run_scoped3A : memref<!tpu.dma_semaphore, #tpu.memory_space<semaphore_mem>>)
      tpu.wait_dma2 semaphore(%run_scoped3A : memref<!tpu.dma_semaphore, #tpu.memory_space<semaphore_mem>>) src(%arg4 : memref<100096xf32, #tpu.memory_space<hbm>>) dst(%arg9 : memref<100096xf32, #tpu.memory_space<vmem>>)
      tpu.yield
    }) : () -> ()
    %broadcast_in_dim3A = arith.constant 0.000000e+00 : f32
    %broadcast_in_dim3A_3 = vector.broadcast %broadcast_in_dim3A : f32 to vector<16xf32>
    %scan3A = arith.constant 0 : i32
    %scan3A_4 = arith.constant 50 : i32
    %scan3A_5 = arith.addi %scan3A, %scan3A_4 : i32
    %scan3A_6 = arith.constant 1 : i32
    %scan3A_7 = scf.for %scan3A_12 = %scan3A to %scan3A_5 step %scan3A_6 iter_args(%scan3A_13 = %broadcast_in_dim3A_3) -> (vector<16xf32>)  : i32 {
      %mul3A_14 = arith.constant 2048 : i32
      %mul3A_15 = arith.muli %scan3A_12, %mul3A_14 : i32
      %add3A_16 = arith.addi %mul3A_2, %mul3A_15 : i32
      %multiple_of3A_17 = tpu.assume_multiple %add3A_16, 128 : i32
      "tpu.region"() ({
        %run_scoped3A = tpu.sem_alloc : memref<!tpu.dma_semaphore, #tpu.memory_space<semaphore_mem>>
        %dma_start3A = tpu.memref_slice %arg2[%multiple_of3A_17] : memref<3276800xi32, #tpu.memory_space<hbm>> -> memref<2048xi32, #tpu.memory_space<hbm>>
        %dma_start3A_28 = tpu.memref_slice %arg2[%multiple_of3A_17] : memref<3276800xi32, #tpu.memory_space<hbm>> -> memref<2048xi32, #tpu.memory_space<hbm>>
        tpu.enqueue_dma source(%dma_start3A_28 : memref<2048xi32, #tpu.memory_space<hbm>>) target(%arg8 : memref<2048xi32, #tpu.memory_space<vmem>>) target_semaphore(%run_scoped3A : memref<!tpu.dma_semaphore, #tpu.memory_space<semaphore_mem>>)
        %dma_wait3A = tpu.memref_slice %arg2[%multiple_of3A_17] : memref<3276800xi32, #tpu.memory_space<hbm>> -> memref<2048xi32, #tpu.memory_space<hbm>>
        %dma_wait3A_29 = tpu.memref_slice %arg2[%multiple_of3A_17] : memref<3276800xi32, #tpu.memory_space<hbm>> -> memref<2048xi32, #tpu.memory_space<hbm>>
        tpu.wait_dma2 semaphore(%run_scoped3A : memref<!tpu.dma_semaphore, #tpu.memory_space<semaphore_mem>>) src(%dma_wait3A_29 : memref<2048xi32, #tpu.memory_space<hbm>>) dst(%arg8 : memref<2048xi32, #tpu.memory_space<vmem>>)
        tpu.yield
      }) : () -> ()
      %mul3A_18 = arith.constant 2048 : i32
      %mul3A_19 = arith.muli %scan3A_12, %mul3A_18 : i32
      %add3A_20 = arith.addi %mul3A_2, %mul3A_19 : i32
      %multiple_of3A_21 = tpu.assume_multiple %add3A_20, 128 : i32
      "tpu.region"() ({
        %run_scoped3A = tpu.sem_alloc : memref<!tpu.dma_semaphore, #tpu.memory_space<semaphore_mem>>
        %dma_start3A = tpu.memref_slice %arg3[%multiple_of3A_21] : memref<3276800xi32, #tpu.memory_space<hbm>> -> memref<2048xi32, #tpu.memory_space<hbm>>
        %dma_start3A_28 = tpu.memref_slice %arg3[%multiple_of3A_21] : memref<3276800xi32, #tpu.memory_space<hbm>> -> memref<2048xi32, #tpu.memory_space<hbm>>
        tpu.enqueue_dma source(%dma_start3A_28 : memref<2048xi32, #tpu.memory_space<hbm>>) target(%arg6 : memref<2048xi32, #tpu.memory_space<vmem>>) target_semaphore(%run_scoped3A : memref<!tpu.dma_semaphore, #tpu.memory_space<semaphore_mem>>)
        %dma_wait3A = tpu.memref_slice %arg3[%multiple_of3A_21] : memref<3276800xi32, #tpu.memory_space<hbm>> -> memref<2048xi32, #tpu.memory_space<hbm>>
        %dma_wait3A_29 = tpu.memref_slice %arg3[%multiple_of3A_21] : memref<3276800xi32, #tpu.memory_space<hbm>> -> memref<2048xi32, #tpu.memory_space<hbm>>
        tpu.wait_dma2 semaphore(%run_scoped3A : memref<!tpu.dma_semaphore, #tpu.memory_space<semaphore_mem>>) src(%dma_wait3A_29 : memref<2048xi32, #tpu.memory_space<hbm>>) dst(%arg6 : memref<2048xi32, #tpu.memory_space<vmem>>)
        tpu.yield
      }) : () -> ()
      %scan3A_22 = arith.constant 0 : i32
      %scan3A_23 = arith.constant 128 : i32
      %scan3A_24 = arith.addi %scan3A_22, %scan3A_23 : i32
      %scan3A_25 = arith.constant 1 : i32
      %scan3A_26 = scf.for %scan3A_28 = %scan3A_22 to %scan3A_24 step %scan3A_25 iter_args(%scan3A_29 = %scan3A_13) -> (vector<16xf32>)  : i32 {
        %mul3A_30 = arith.constant 16 : i32
        %mul3A_31 = arith.muli %scan3A_28, %mul3A_30 : i32
        %get3A = arith.index_cast %mul3A_31 : i32 to index
        %get3A_32 = tpu.vector_load %arg6[%get3A] {strides = array<i32>} : memref<2048xi32, #tpu.memory_space<vmem>>, vector<16xi32>,
        %mul3A_33 = arith.constant 16 : i32
        %mul3A_34 = arith.muli %scan3A_28, %mul3A_33 : i32
        %get3A_35 = arith.index_cast %mul3A_34 : i32 to index
        %get3A_36 = tpu.vector_load %arg8[%get3A_35] {strides = array<i32>} : memref<2048xi32, #tpu.memory_space<vmem>>, vector<16xi32>,
        %eq3A = arith.constant 1 : i32
        %eq3A_37 = vector.broadcast %eq3A : i32 to vector<16xi32>
        %eq3A_38 = arith.cmpi eq, %get3A_32, %eq3A_37 : vector<16xi32>
        %gather3A = tpu.vector_load_idx %arg9[%get3A_36] : memref<100096xf32, #tpu.memory_space<vmem>>[vector<16xi32>], vector<16xf32>,
        %jit3A = arith.constant 0.000000e+00 : f32
        %broadcast_in_dim3A_39 = vector.broadcast %jit3A : f32 to vector<16xf32>
        %select_n3A = arith.select %eq3A_38, %gather3A, %broadcast_in_dim3A_39 : vector<16xi1>, vector<16xf32>
        %add3A_40 = arith.addf %scan3A_29, %select_n3A : vector<16xf32>
        scf.yield %add3A_40 : vector<16xf32>
      }
      %scan3A_27 = arith.constant 128 : i32
      scf.yield %scan3A_26 : vector<16xf32>
    }
    %scan3A_8 = arith.constant 50 : i32
    %swap3A = arith.constant 0 : index
    %swap3A_9 = tpu.vector_load %arg7[%swap3A] {strides = array<i32>} : memref<16xf32, #tpu.memory_space<vmem>>, vector<16xf32>,
    tpu.vector_store %arg7[%swap3A], %scan3A_7 {strides = array<i32>} : memref<16xf32, #tpu.memory_space<vmem>>, vector<16xf32>,
    %mul3A_10 = arith.constant 16 : i32
    %mul3A_11 = arith.muli %add3A, %mul3A_10 : i32
    %multiple_of3A = tpu.assume_multiple %mul3A_11, 8 : i32
    "tpu.region"() ({
      %run_scoped3A = tpu.sem_alloc : memref<!tpu.dma_semaphore, #tpu.memory_space<semaphore_mem>>
      %dma_start3A = tpu.memref_slice %arg5[%multiple_of3A] : memref<512xf32, #tpu.memory_space<hbm>> -> memref<16xf32, #tpu.memory_space<hbm>>
      %dma_start3A_12 = tpu.memref_slice %arg5[%multiple_of3A] : memref<512xf32, #tpu.memory_space<hbm>> -> memref<16xf32, #tpu.memory_space<hbm>>
      tpu.enqueue_dma source(%arg7 : memref<16xf32, #tpu.memory_space<vmem>>) target(%dma_start3A_12 : memref<16xf32, #tpu.memory_space<hbm>>) target_semaphore(%run_scoped3A : memref<!tpu.dma_semaphore, #tpu.memory_space<semaphore_mem>>)
      %dma_wait3A = tpu.memref_slice %arg5[%multiple_of3A] : memref<512xf32, #tpu.memory_space<hbm>> -> memref<16xf32, #tpu.memory_space<hbm>>
      %dma_wait3A_13 = tpu.memref_slice %arg5[%multiple_of3A] : memref<512xf32, #tpu.memory_space<hbm>> -> memref<16xf32, #tpu.memory_space<hbm>>
      tpu.wait_dma2 semaphore(%run_scoped3A : memref<!tpu.dma_semaphore, #tpu.memory_space<semaphore_mem>>) src(%arg7 : memref<16xf32, #tpu.memory_space<vmem>>) dst(%dma_wait3A_13 : memref<16xf32, #tpu.memory_space<hbm>>)
      tpu.yield
    }) : () -> ()
    return
  }
}

#map = affine_map<(d0, d1) -> (0)>
module attributes {stable_mosaic.version = 14 : i64} {
  func.func @_f_row_scatter(%arg0: i32, %arg1: i32, %arg2: memref<3276800xi32, #tpu.memory_space<hbm>>, %arg3: memref<3276800xi32, #tpu.memory_space<hbm>>, %arg4: memref<1601536xf32, #tpu.memory_space<hbm>>, %arg5: memref<1601536xf32, #tpu.memory_space<hbm>>, %arg6: memref<100096xf32, #tpu.memory_space<vmem_shared>>, %arg7: memref<100096xf32, #tpu.memory_space<vmem_shared>>, %arg8: memref<100096xf32, #tpu.memory_space<vmem_shared>>, %arg9: memref<100096xf32, #tpu.memory_space<vmem_shared>>, %arg10: memref<100096xf32, #tpu.memory_space<vmem_shared>>, %arg11: memref<100096xf32, #tpu.memory_space<vmem_shared>>, %arg12: memref<100096xf32, #tpu.memory_space<vmem_shared>>, %arg13: memref<100096xf32, #tpu.memory_space<vmem_shared>>, %arg14: memref<2048xi32, #tpu.memory_space<vmem>>, %arg15: memref<100096xf32, #tpu.memory_space<vmem_shared>>, %arg16: memref<100096xf32, #tpu.memory_space<vmem_shared>>, %arg17: memref<100096xf32, #tpu.memory_space<vmem_shared>>, %arg18: memref<100096xf32, #tpu.memory_space<vmem_shared>>, %arg19: memref<100096xf32, #tpu.memory_space<vmem_shared>>, %arg20: memref<100096xf32, #tpu.memory_space<vmem_shared>>, %arg21: memref<100096xf32, #tpu.memory_space<vmem_shared>>, %arg22: memref<100096xf32, #tpu.memory_space<vmem_shared>>, %arg23: memref<!tpu.dma_semaphore, #tpu.memory_space<semaphore_mem>>, %arg24: memref<2048xi32, #tpu.memory_space<vmem>>, %arg25: memref<2048xf32, #tpu.memory_space<vmem>>, %arg26: memref<2048xf32, #tpu.memory_space<vmem>>, %arg27: memref<2048xf32, #tpu.memory_space<vmem>>, %arg28: memref<2048xf32, #tpu.memory_space<vmem>>, %arg29: memref<2048xf32, #tpu.memory_space<vmem>>, %arg30: memref<2048xf32, #tpu.memory_space<vmem>>, %arg31: memref<2048xf32, #tpu.memory_space<vmem>>, %arg32: memref<2048xf32, #tpu.memory_space<vmem>>, %arg33: memref<6256xf32, #tpu.memory_space<vmem>>) attributes {dimension_semantics = [#tpu.dimension_semantics<core_parallel>, #tpu.dimension_semantics<subcore_parallel>], iteration_bounds = array<i64: 2, 16>, scalar_prefetch = 0 : i64, scratch_operands = 28 : i64, tpu.core_type = #tpu.core_type<sc_vector_subcore>, window_params = [{transform_indices = #map}, {transform_indices = #map}, {transform_indices = #map}, {transform_indices = #map}]} {
    %mul3A = arith.constant 204800 : i32
    %mul3A_0 = arith.muli %arg1, %mul3A : i32
    %jit3A = arith.constant 128 : i32
    %div3A = arith.divsi %mul3A_0, %jit3A : i32
    %sign3A = arith.constant 0 : i32
    %sign3A_1 = arith.cmpi sgt, %mul3A_0, %sign3A : i32
    %sign3A_2 = arith.extui %sign3A_1 : i1 to i32
    %sign3A_3 = arith.constant 0 : i32
    %sign3A_4 = arith.cmpi slt, %mul3A_0, %sign3A_3 : i32
    %sign3A_5 = arith.extui %sign3A_4 : i1 to i32
    %sign3A_6 = arith.subi %sign3A_2, %sign3A_5 : i32
    %sign3A_7 = arith.constant 0 : i32
    %sign3A_8 = arith.cmpi sgt, %jit3A, %sign3A_7 : i32
    %sign3A_9 = arith.extui %sign3A_8 : i1 to i32
    %sign3A_10 = arith.constant 0 : i32
    %sign3A_11 = arith.cmpi slt, %jit3A, %sign3A_10 : i32
    %sign3A_12 = arith.extui %sign3A_11 : i1 to i32
    %sign3A_13 = arith.subi %sign3A_9, %sign3A_12 : i32
    %ne3A = arith.cmpi ne, %sign3A_6, %sign3A_13 : i32
    %rem3A = arith.remsi %mul3A_0, %jit3A : i32
    %ne3A_14 = arith.constant 0 : i32
    %ne3A_15 = arith.cmpi ne, %rem3A, %ne3A_14 : i32
    %and3A = arith.andi %ne3A, %ne3A_15 : i1
    %sub3A = arith.constant 1 : i32
    %sub3A_16 = arith.subi %div3A, %sub3A : i32
    %select_n3A = arith.select %and3A, %sub3A_16, %div3A : i32
    %mul3A_17 = arith.constant 6256 : i32
    %mul3A_18 = arith.muli %arg1, %mul3A_17 : i32
    %multiple_of3A = tpu.assume_multiple %mul3A_18, 8 : i32
    %scan3A = arith.constant 0 : i32
    %scan3A_19 = arith.constant 0 : i32
    %scan3A_20 = arith.constant 391 : i32
    %scan3A_21 = arith.addi %scan3A_19, %scan3A_20 : i32
    %scan3A_22 = arith.constant 1 : i32
    scf.for %scan3A_190 = %scan3A_19 to %scan3A_21 step %scan3A_22  : i32 {
      %broadcast_in_dim3A = arith.constant 0.000000e+00 : f32
      %broadcast_in_dim3A_191 = vector.broadcast %broadcast_in_dim3A : f32 to vector<16xf32>
      %mul3A_192 = arith.constant 16 : i32
      %mul3A_193 = arith.muli %scan3A_190, %mul3A_192 : i32
      %swap3A = arith.index_cast %mul3A_193 : i32 to index
      %swap3A_194 = tpu.vector_load %arg33[%swap3A] {strides = array<i32>} : memref<6256xf32, #tpu.memory_space<vmem>>, vector<16xf32>,
      tpu.vector_store %arg33[%swap3A], %broadcast_in_dim3A_191 {strides = array<i32>} : memref<6256xf32, #tpu.memory_space<vmem>>, vector<16xf32>,
    }
    %scan3A_23 = arith.constant 391 : i32
    "tpu.region"() ({
      %run_scoped3A = tpu.sem_alloc : memref<!tpu.dma_semaphore, #tpu.memory_space<semaphore_mem>>
      %dma_start3A = tpu.memref_slice %arg6[%multiple_of3A] : memref<100096xf32, #tpu.memory_space<vmem_shared>> -> memref<6256xf32, #tpu.memory_space<vmem_shared>>
      %dma_start3A_190 = tpu.memref_slice %arg6[%multiple_of3A] : memref<100096xf32, #tpu.memory_space<vmem_shared>> -> memref<6256xf32, #tpu.memory_space<vmem_shared>>
      tpu.enqueue_dma source(%arg33 : memref<6256xf32, #tpu.memory_space<vmem>>) target(%dma_start3A_190 : memref<6256xf32, #tpu.memory_space<vmem_shared>>) target_semaphore(%run_scoped3A : memref<!tpu.dma_semaphore, #tpu.memory_space<semaphore_mem>>)
      %dma_wait3A = tpu.memref_slice %arg6[%multiple_of3A] : memref<100096xf32, #tpu.memory_space<vmem_shared>> -> memref<6256xf32, #tpu.memory_space<vmem_shared>>
      %dma_wait3A_191 = tpu.memref_slice %arg6[%multiple_of3A] : memref<100096xf32, #tpu.memory_space<vmem_shared>> -> memref<6256xf32, #tpu.memory_space<vmem_shared>>
      tpu.wait_dma2 semaphore(%run_scoped3A : memref<!tpu.dma_semaphore, #tpu.memory_space<semaphore_mem>>) src(%arg33 : memref<6256xf32, #tpu.memory_space<vmem>>) dst(%dma_wait3A_191 : memref<6256xf32, #tpu.memory_space<vmem_shared>>)
      tpu.yield
    }) : () -> ()
    "tpu.region"() ({
      %run_scoped3A = tpu.sem_alloc : memref<!tpu.dma_semaphore, #tpu.memory_space<semaphore_mem>>
      %dma_start3A = tpu.memref_slice %arg7[%multiple_of3A] : memref<100096xf32, #tpu.memory_space<vmem_shared>> -> memref<6256xf32, #tpu.memory_space<vmem_shared>>
      %dma_start3A_190 = tpu.memref_slice %arg7[%multiple_of3A] : memref<100096xf32, #tpu.memory_space<vmem_shared>> -> memref<6256xf32, #tpu.memory_space<vmem_shared>>
      tpu.enqueue_dma source(%arg33 : memref<6256xf32, #tpu.memory_space<vmem>>) target(%dma_start3A_190 : memref<6256xf32, #tpu.memory_space<vmem_shared>>) target_semaphore(%run_scoped3A : memref<!tpu.dma_semaphore, #tpu.memory_space<semaphore_mem>>)
      %dma_wait3A = tpu.memref_slice %arg7[%multiple_of3A] : memref<100096xf32, #tpu.memory_space<vmem_shared>> -> memref<6256xf32, #tpu.memory_space<vmem_shared>>
      %dma_wait3A_191 = tpu.memref_slice %arg7[%multiple_of3A] : memref<100096xf32, #tpu.memory_space<vmem_shared>> -> memref<6256xf32, #tpu.memory_space<vmem_shared>>
      tpu.wait_dma2 semaphore(%run_scoped3A : memref<!tpu.dma_semaphore, #tpu.memory_space<semaphore_mem>>) src(%arg33 : memref<6256xf32, #tpu.memory_space<vmem>>) dst(%dma_wait3A_191 : memref<6256xf32, #tpu.memory_space<vmem_shared>>)
      tpu.yield
    }) : () -> ()
    "tpu.region"() ({
      %run_scoped3A = tpu.sem_alloc : memref<!tpu.dma_semaphore, #tpu.memory_space<semaphore_mem>>
      %dma_start3A = tpu.memref_slice %arg8[%multiple_of3A] : memref<100096xf32, #tpu.memory_space<vmem_shared>> -> memref<6256xf32, #tpu.memory_space<vmem_shared>>
      %dma_start3A_190 = tpu.memref_slice %arg8[%multiple_of3A] : memref<100096xf32, #tpu.memory_space<vmem_shared>> -> memref<6256xf32, #tpu.memory_space<vmem_shared>>
      tpu.enqueue_dma source(%arg33 : memref<6256xf32, #tpu.memory_space<vmem>>) target(%dma_start3A_190 : memref<6256xf32, #tpu.memory_space<vmem_shared>>) target_semaphore(%run_scoped3A : memref<!tpu.dma_semaphore, #tpu.memory_space<semaphore_mem>>)
      %dma_wait3A = tpu.memref_slice %arg8[%multiple_of3A] : memref<100096xf32, #tpu.memory_space<vmem_shared>> -> memref<6256xf32, #tpu.memory_space<vmem_shared>>
      %dma_wait3A_191 = tpu.memref_slice %arg8[%multiple_of3A] : memref<100096xf32, #tpu.memory_space<vmem_shared>> -> memref<6256xf32, #tpu.memory_space<vmem_shared>>
      tpu.wait_dma2 semaphore(%run_scoped3A : memref<!tpu.dma_semaphore, #tpu.memory_space<semaphore_mem>>) src(%arg33 : memref<6256xf32, #tpu.memory_space<vmem>>) dst(%dma_wait3A_191 : memref<6256xf32, #tpu.memory_space<vmem_shared>>)
      tpu.yield
    }) : () -> ()
    "tpu.region"() ({
      %run_scoped3A = tpu.sem_alloc : memref<!tpu.dma_semaphore, #tpu.memory_space<semaphore_mem>>
      %dma_start3A = tpu.memref_slice %arg9[%multiple_of3A] : memref<100096xf32, #tpu.memory_space<vmem_shared>> -> memref<6256xf32, #tpu.memory_space<vmem_shared>>
      %dma_start3A_190 = tpu.memref_slice %arg9[%multiple_of3A] : memref<100096xf32, #tpu.memory_space<vmem_shared>> -> memref<6256xf32, #tpu.memory_space<vmem_shared>>
      tpu.enqueue_dma source(%arg33 : memref<6256xf32, #tpu.memory_space<vmem>>) target(%dma_start3A_190 : memref<6256xf32, #tpu.memory_space<vmem_shared>>) target_semaphore(%run_scoped3A : memref<!tpu.dma_semaphore, #tpu.memory_space<semaphore_mem>>)
      %dma_wait3A = tpu.memref_slice %arg9[%multiple_of3A] : memref<100096xf32, #tpu.memory_space<vmem_shared>> -> memref<6256xf32, #tpu.memory_space<vmem_shared>>
      %dma_wait3A_191 = tpu.memref_slice %arg9[%multiple_of3A] : memref<100096xf32, #tpu.memory_space<vmem_shared>> -> memref<6256xf32, #tpu.memory_space<vmem_shared>>
      tpu.wait_dma2 semaphore(%run_scoped3A : memref<!tpu.dma_semaphore, #tpu.memory_space<semaphore_mem>>) src(%arg33 : memref<6256xf32, #tpu.memory_space<vmem>>) dst(%dma_wait3A_191 : memref<6256xf32, #tpu.memory_space<vmem_shared>>)
      tpu.yield
    }) : () -> ()
    "tpu.region"() ({
      %run_scoped3A = tpu.sem_alloc : memref<!tpu.dma_semaphore, #tpu.memory_space<semaphore_mem>>
      %dma_start3A = tpu.memref_slice %arg10[%multiple_of3A] : memref<100096xf32, #tpu.memory_space<vmem_shared>> -> memref<6256xf32, #tpu.memory_space<vmem_shared>>
      %dma_start3A_190 = tpu.memref_slice %arg10[%multiple_of3A] : memref<100096xf32, #tpu.memory_space<vmem_shared>> -> memref<6256xf32, #tpu.memory_space<vmem_shared>>
      tpu.enqueue_dma source(%arg33 : memref<6256xf32, #tpu.memory_space<vmem>>) target(%dma_start3A_190 : memref<6256xf32, #tpu.memory_space<vmem_shared>>) target_semaphore(%run_scoped3A : memref<!tpu.dma_semaphore, #tpu.memory_space<semaphore_mem>>)
      %dma_wait3A = tpu.memref_slice %arg10[%multiple_of3A] : memref<100096xf32, #tpu.memory_space<vmem_shared>> -> memref<6256xf32, #tpu.memory_space<vmem_shared>>
      %dma_wait3A_191 = tpu.memref_slice %arg10[%multiple_of3A] : memref<100096xf32, #tpu.memory_space<vmem_shared>> -> memref<6256xf32, #tpu.memory_space<vmem_shared>>
      tpu.wait_dma2 semaphore(%run_scoped3A : memref<!tpu.dma_semaphore, #tpu.memory_space<semaphore_mem>>) src(%arg33 : memref<6256xf32, #tpu.memory_space<vmem>>) dst(%dma_wait3A_191 : memref<6256xf32, #tpu.memory_space<vmem_shared>>)
      tpu.yield
    }) : () -> ()
    "tpu.region"() ({
      %run_scoped3A = tpu.sem_alloc : memref<!tpu.dma_semaphore, #tpu.memory_space<semaphore_mem>>
      %dma_start3A = tpu.memref_slice %arg11[%multiple_of3A] : memref<100096xf32, #tpu.memory_space<vmem_shared>> -> memref<6256xf32, #tpu.memory_space<vmem_shared>>
      %dma_start3A_190 = tpu.memref_slice %arg11[%multiple_of3A] : memref<100096xf32, #tpu.memory_space<vmem_shared>> -> memref<6256xf32, #tpu.memory_space<vmem_shared>>
      tpu.enqueue_dma source(%arg33 : memref<6256xf32, #tpu.memory_space<vmem>>) target(%dma_start3A_190 : memref<6256xf32, #tpu.memory_space<vmem_shared>>) target_semaphore(%run_scoped3A : memref<!tpu.dma_semaphore, #tpu.memory_space<semaphore_mem>>)
      %dma_wait3A = tpu.memref_slice %arg11[%multiple_of3A] : memref<100096xf32, #tpu.memory_space<vmem_shared>> -> memref<6256xf32, #tpu.memory_space<vmem_shared>>
      %dma_wait3A_191 = tpu.memref_slice %arg11[%multiple_of3A] : memref<100096xf32, #tpu.memory_space<vmem_shared>> -> memref<6256xf32, #tpu.memory_space<vmem_shared>>
      tpu.wait_dma2 semaphore(%run_scoped3A : memref<!tpu.dma_semaphore, #tpu.memory_space<semaphore_mem>>) src(%arg33 : memref<6256xf32, #tpu.memory_space<vmem>>) dst(%dma_wait3A_191 : memref<6256xf32, #tpu.memory_space<vmem_shared>>)
      tpu.yield
    }) : () -> ()
    "tpu.region"() ({
      %run_scoped3A = tpu.sem_alloc : memref<!tpu.dma_semaphore, #tpu.memory_space<semaphore_mem>>
      %dma_start3A = tpu.memref_slice %arg12[%multiple_of3A] : memref<100096xf32, #tpu.memory_space<vmem_shared>> -> memref<6256xf32, #tpu.memory_space<vmem_shared>>
      %dma_start3A_190 = tpu.memref_slice %arg12[%multiple_of3A] : memref<100096xf32, #tpu.memory_space<vmem_shared>> -> memref<6256xf32, #tpu.memory_space<vmem_shared>>
      tpu.enqueue_dma source(%arg33 : memref<6256xf32, #tpu.memory_space<vmem>>) target(%dma_start3A_190 : memref<6256xf32, #tpu.memory_space<vmem_shared>>) target_semaphore(%run_scoped3A : memref<!tpu.dma_semaphore, #tpu.memory_space<semaphore_mem>>)
      %dma_wait3A = tpu.memref_slice %arg12[%multiple_of3A] : memref<100096xf32, #tpu.memory_space<vmem_shared>> -> memref<6256xf32, #tpu.memory_space<vmem_shared>>
      %dma_wait3A_191 = tpu.memref_slice %arg12[%multiple_of3A] : memref<100096xf32, #tpu.memory_space<vmem_shared>> -> memref<6256xf32, #tpu.memory_space<vmem_shared>>
      tpu.wait_dma2 semaphore(%run_scoped3A : memref<!tpu.dma_semaphore, #tpu.memory_space<semaphore_mem>>) src(%arg33 : memref<6256xf32, #tpu.memory_space<vmem>>) dst(%dma_wait3A_191 : memref<6256xf32, #tpu.memory_space<vmem_shared>>)
      tpu.yield
    }) : () -> ()
    "tpu.region"() ({
      %run_scoped3A = tpu.sem_alloc : memref<!tpu.dma_semaphore, #tpu.memory_space<semaphore_mem>>
      %dma_start3A = tpu.memref_slice %arg13[%multiple_of3A] : memref<100096xf32, #tpu.memory_space<vmem_shared>> -> memref<6256xf32, #tpu.memory_space<vmem_shared>>
      %dma_start3A_190 = tpu.memref_slice %arg13[%multiple_of3A] : memref<100096xf32, #tpu.memory_space<vmem_shared>> -> memref<6256xf32, #tpu.memory_space<vmem_shared>>
      tpu.enqueue_dma source(%arg33 : memref<6256xf32, #tpu.memory_space<vmem>>) target(%dma_start3A_190 : memref<6256xf32, #tpu.memory_space<vmem_shared>>) target_semaphore(%run_scoped3A : memref<!tpu.dma_semaphore, #tpu.memory_space<semaphore_mem>>)
      %dma_wait3A = tpu.memref_slice %arg13[%multiple_of3A] : memref<100096xf32, #tpu.memory_space<vmem_shared>> -> memref<6256xf32, #tpu.memory_space<vmem_shared>>
      %dma_wait3A_191 = tpu.memref_slice %arg13[%multiple_of3A] : memref<100096xf32, #tpu.memory_space<vmem_shared>> -> memref<6256xf32, #tpu.memory_space<vmem_shared>>
      tpu.wait_dma2 semaphore(%run_scoped3A : memref<!tpu.dma_semaphore, #tpu.memory_space<semaphore_mem>>) src(%arg33 : memref<6256xf32, #tpu.memory_space<vmem>>) dst(%dma_wait3A_191 : memref<6256xf32, #tpu.memory_space<vmem_shared>>)
      tpu.yield
    }) : () -> ()
    %mul3A_24 = arith.constant 8 : i32
    %mul3A_25 = arith.muli %arg0, %mul3A_24 : i32
    %add3A = arith.constant 0 : i32
    %add3A_26 = arith.addi %mul3A_25, %add3A : i32
    %mul3A_27 = arith.constant 100096 : i32
    %mul3A_28 = arith.muli %add3A_26, %mul3A_27 : i32
    %mul3A_29 = arith.constant 6256 : i32
    %mul3A_30 = arith.muli %arg1, %mul3A_29 : i32
    %add3A_31 = arith.addi %mul3A_28, %mul3A_30 : i32
    %multiple_of3A_32 = tpu.assume_multiple %add3A_31, 8 : i32
    "tpu.region"() ({
      %run_scoped3A = tpu.sem_alloc : memref<!tpu.dma_semaphore, #tpu.memory_space<semaphore_mem>>
      %dma_start3A = tpu.memref_slice %arg4[%multiple_of3A_32] : memref<1601536xf32, #tpu.memory_space<hbm>> -> memref<6256xf32, #tpu.memory_space<hbm>>
      %dma_start3A_190 = tpu.memref_slice %arg4[%multiple_of3A_32] : memref<1601536xf32, #tpu.memory_space<hbm>> -> memref<6256xf32, #tpu.memory_space<hbm>>
      tpu.enqueue_dma source(%dma_start3A_190 : memref<6256xf32, #tpu.memory_space<hbm>>) target(%arg33 : memref<6256xf32, #tpu.memory_space<vmem>>) target_semaphore(%run_scoped3A : memref<!tpu.dma_semaphore, #tpu.memory_space<semaphore_mem>>)
      %dma_wait3A = tpu.memref_slice %arg4[%multiple_of3A_32] : memref<1601536xf32, #tpu.memory_space<hbm>> -> memref<6256xf32, #tpu.memory_space<hbm>>
      %dma_wait3A_191 = tpu.memref_slice %arg4[%multiple_of3A_32] : memref<1601536xf32, #tpu.memory_space<hbm>> -> memref<6256xf32, #tpu.memory_space<hbm>>
      tpu.wait_dma2 semaphore(%run_scoped3A : memref<!tpu.dma_semaphore, #tpu.memory_space<semaphore_mem>>) src(%dma_wait3A_191 : memref<6256xf32, #tpu.memory_space<hbm>>) dst(%arg33 : memref<6256xf32, #tpu.memory_space<vmem>>)
      tpu.yield
    }) : () -> ()
    "tpu.region"() ({
      %run_scoped3A = tpu.sem_alloc : memref<!tpu.dma_semaphore, #tpu.memory_space<semaphore_mem>>
      %dma_start3A = tpu.memref_slice %arg15[%multiple_of3A] : memref<100096xf32, #tpu.memory_space<vmem_shared>> -> memref<6256xf32, #tpu.memory_space<vmem_shared>>
      %dma_start3A_190 = tpu.memref_slice %arg15[%multiple_of3A] : memref<100096xf32, #tpu.memory_space<vmem_shared>> -> memref<6256xf32, #tpu.memory_space<vmem_shared>>
      tpu.enqueue_dma source(%arg33 : memref<6256xf32, #tpu.memory_space<vmem>>) target(%dma_start3A_190 : memref<6256xf32, #tpu.memory_space<vmem_shared>>) target_semaphore(%run_scoped3A : memref<!tpu.dma_semaphore, #tpu.memory_space<semaphore_mem>>)
      %dma_wait3A = tpu.memref_slice %arg15[%multiple_of3A] : memref<100096xf32, #tpu.memory_space<vmem_shared>> -> memref<6256xf32, #tpu.memory_space<vmem_shared>>
      %dma_wait3A_191 = tpu.memref_slice %arg15[%multiple_of3A] : memref<100096xf32, #tpu.memory_space<vmem_shared>> -> memref<6256xf32, #tpu.memory_space<vmem_shared>>
      tpu.wait_dma2 semaphore(%run_scoped3A : memref<!tpu.dma_semaphore, #tpu.memory_space<semaphore_mem>>) src(%arg33 : memref<6256xf32, #tpu.memory_space<vmem>>) dst(%dma_wait3A_191 : memref<6256xf32, #tpu.memory_space<vmem_shared>>)
      tpu.yield
    }) : () -> ()
    %mul3A_33 = arith.constant 8 : i32
    %mul3A_34 = arith.muli %arg0, %mul3A_33 : i32
    %add3A_35 = arith.constant 1 : i32
    %add3A_36 = arith.addi %mul3A_34, %add3A_35 : i32
    %mul3A_37 = arith.constant 100096 : i32
    %mul3A_38 = arith.muli %add3A_36, %mul3A_37 : i32
    %mul3A_39 = arith.constant 6256 : i32
    %mul3A_40 = arith.muli %arg1, %mul3A_39 : i32
    %add3A_41 = arith.addi %mul3A_38, %mul3A_40 : i32
    %multiple_of3A_42 = tpu.assume_multiple %add3A_41, 8 : i32
    "tpu.region"() ({
      %run_scoped3A = tpu.sem_alloc : memref<!tpu.dma_semaphore, #tpu.memory_space<semaphore_mem>>
      %dma_start3A = tpu.memref_slice %arg4[%multiple_of3A_42] : memref<1601536xf32, #tpu.memory_space<hbm>> -> memref<6256xf32, #tpu.memory_space<hbm>>
      %dma_start3A_190 = tpu.memref_slice %arg4[%multiple_of3A_42] : memref<1601536xf32, #tpu.memory_space<hbm>> -> memref<6256xf32, #tpu.memory_space<hbm>>
      tpu.enqueue_dma source(%dma_start3A_190 : memref<6256xf32, #tpu.memory_space<hbm>>) target(%arg33 : memref<6256xf32, #tpu.memory_space<vmem>>) target_semaphore(%run_scoped3A : memref<!tpu.dma_semaphore, #tpu.memory_space<semaphore_mem>>)
      %dma_wait3A = tpu.memref_slice %arg4[%multiple_of3A_42] : memref<1601536xf32, #tpu.memory_space<hbm>> -> memref<6256xf32, #tpu.memory_space<hbm>>
      %dma_wait3A_191 = tpu.memref_slice %arg4[%multiple_of3A_42] : memref<1601536xf32, #tpu.memory_space<hbm>> -> memref<6256xf32, #tpu.memory_space<hbm>>
      tpu.wait_dma2 semaphore(%run_scoped3A : memref<!tpu.dma_semaphore, #tpu.memory_space<semaphore_mem>>) src(%dma_wait3A_191 : memref<6256xf32, #tpu.memory_space<hbm>>) dst(%arg33 : memref<6256xf32, #tpu.memory_space<vmem>>)
      tpu.yield
    }) : () -> ()
    "tpu.region"() ({
      %run_scoped3A = tpu.sem_alloc : memref<!tpu.dma_semaphore, #tpu.memory_space<semaphore_mem>>
      %dma_start3A = tpu.memref_slice %arg16[%multiple_of3A] : memref<100096xf32, #tpu.memory_space<vmem_shared>> -> memref<6256xf32, #tpu.memory_space<vmem_shared>>
      %dma_start3A_190 = tpu.memref_slice %arg16[%multiple_of3A] : memref<100096xf32, #tpu.memory_space<vmem_shared>> -> memref<6256xf32, #tpu.memory_space<vmem_shared>>
      tpu.enqueue_dma source(%arg33 : memref<6256xf32, #tpu.memory_space<vmem>>) target(%dma_start3A_190 : memref<6256xf32, #tpu.memory_space<vmem_shared>>) target_semaphore(%run_scoped3A : memref<!tpu.dma_semaphore, #tpu.memory_space<semaphore_mem>>)
      %dma_wait3A = tpu.memref_slice %arg16[%multiple_of3A] : memref<100096xf32, #tpu.memory_space<vmem_shared>> -> memref<6256xf32, #tpu.memory_space<vmem_shared>>
      %dma_wait3A_191 = tpu.memref_slice %arg16[%multiple_of3A] : memref<100096xf32, #tpu.memory_space<vmem_shared>> -> memref<6256xf32, #tpu.memory_space<vmem_shared>>
      tpu.wait_dma2 semaphore(%run_scoped3A : memref<!tpu.dma_semaphore, #tpu.memory_space<semaphore_mem>>) src(%arg33 : memref<6256xf32, #tpu.memory_space<vmem>>) dst(%dma_wait3A_191 : memref<6256xf32, #tpu.memory_space<vmem_shared>>)
      tpu.yield
    }) : () -> ()
    %mul3A_43 = arith.constant 8 : i32
    %mul3A_44 = arith.muli %arg0, %mul3A_43 : i32
    %add3A_45 = arith.constant 2 : i32
    %add3A_46 = arith.addi %mul3A_44, %add3A_45 : i32
    %mul3A_47 = arith.constant 100096 : i32
    %mul3A_48 = arith.muli %add3A_46, %mul3A_47 : i32
    %mul3A_49 = arith.constant 6256 : i32
    %mul3A_50 = arith.muli %arg1, %mul3A_49 : i32
    %add3A_51 = arith.addi %mul3A_48, %mul3A_50 : i32
    %multiple_of3A_52 = tpu.assume_multiple %add3A_51, 8 : i32
    "tpu.region"() ({
      %run_scoped3A = tpu.sem_alloc : memref<!tpu.dma_semaphore, #tpu.memory_space<semaphore_mem>>
      %dma_start3A = tpu.memref_slice %arg4[%multiple_of3A_52] : memref<1601536xf32, #tpu.memory_space<hbm>> -> memref<6256xf32, #tpu.memory_space<hbm>>
      %dma_start3A_190 = tpu.memref_slice %arg4[%multiple_of3A_52] : memref<1601536xf32, #tpu.memory_space<hbm>> -> memref<6256xf32, #tpu.memory_space<hbm>>
      tpu.enqueue_dma source(%dma_start3A_190 : memref<6256xf32, #tpu.memory_space<hbm>>) target(%arg33 : memref<6256xf32, #tpu.memory_space<vmem>>) target_semaphore(%run_scoped3A : memref<!tpu.dma_semaphore, #tpu.memory_space<semaphore_mem>>)
      %dma_wait3A = tpu.memref_slice %arg4[%multiple_of3A_52] : memref<1601536xf32, #tpu.memory_space<hbm>> -> memref<6256xf32, #tpu.memory_space<hbm>>
      %dma_wait3A_191 = tpu.memref_slice %arg4[%multiple_of3A_52] : memref<1601536xf32, #tpu.memory_space<hbm>> -> memref<6256xf32, #tpu.memory_space<hbm>>
      tpu.wait_dma2 semaphore(%run_scoped3A : memref<!tpu.dma_semaphore, #tpu.memory_space<semaphore_mem>>) src(%dma_wait3A_191 : memref<6256xf32, #tpu.memory_space<hbm>>) dst(%arg33 : memref<6256xf32, #tpu.memory_space<vmem>>)
      tpu.yield
    }) : () -> ()
    "tpu.region"() ({
      %run_scoped3A = tpu.sem_alloc : memref<!tpu.dma_semaphore, #tpu.memory_space<semaphore_mem>>
      %dma_start3A = tpu.memref_slice %arg17[%multiple_of3A] : memref<100096xf32, #tpu.memory_space<vmem_shared>> -> memref<6256xf32, #tpu.memory_space<vmem_shared>>
      %dma_start3A_190 = tpu.memref_slice %arg17[%multiple_of3A] : memref<100096xf32, #tpu.memory_space<vmem_shared>> -> memref<6256xf32, #tpu.memory_space<vmem_shared>>
      tpu.enqueue_dma source(%arg33 : memref<6256xf32, #tpu.memory_space<vmem>>) target(%dma_start3A_190 : memref<6256xf32, #tpu.memory_space<vmem_shared>>) target_semaphore(%run_scoped3A : memref<!tpu.dma_semaphore, #tpu.memory_space<semaphore_mem>>)
      %dma_wait3A = tpu.memref_slice %arg17[%multiple_of3A] : memref<100096xf32, #tpu.memory_space<vmem_shared>> -> memref<6256xf32, #tpu.memory_space<vmem_shared>>
      %dma_wait3A_191 = tpu.memref_slice %arg17[%multiple_of3A] : memref<100096xf32, #tpu.memory_space<vmem_shared>> -> memref<6256xf32, #tpu.memory_space<vmem_shared>>
      tpu.wait_dma2 semaphore(%run_scoped3A : memref<!tpu.dma_semaphore, #tpu.memory_space<semaphore_mem>>) src(%arg33 : memref<6256xf32, #tpu.memory_space<vmem>>) dst(%dma_wait3A_191 : memref<6256xf32, #tpu.memory_space<vmem_shared>>)
      tpu.yield
    }) : () -> ()
    %mul3A_53 = arith.constant 8 : i32
    %mul3A_54 = arith.muli %arg0, %mul3A_53 : i32
    %add3A_55 = arith.constant 3 : i32
    %add3A_56 = arith.addi %mul3A_54, %add3A_55 : i32
    %mul3A_57 = arith.constant 100096 : i32
    %mul3A_58 = arith.muli %add3A_56, %mul3A_57 : i32
    %mul3A_59 = arith.constant 6256 : i32
    %mul3A_60 = arith.muli %arg1, %mul3A_59 : i32
    %add3A_61 = arith.addi %mul3A_58, %mul3A_60 : i32
    %multiple_of3A_62 = tpu.assume_multiple %add3A_61, 8 : i32
    "tpu.region"() ({
      %run_scoped3A = tpu.sem_alloc : memref<!tpu.dma_semaphore, #tpu.memory_space<semaphore_mem>>
      %dma_start3A = tpu.memref_slice %arg4[%multiple_of3A_62] : memref<1601536xf32, #tpu.memory_space<hbm>> -> memref<6256xf32, #tpu.memory_space<hbm>>
      %dma_start3A_190 = tpu.memref_slice %arg4[%multiple_of3A_62] : memref<1601536xf32, #tpu.memory_space<hbm>> -> memref<6256xf32, #tpu.memory_space<hbm>>
      tpu.enqueue_dma source(%dma_start3A_190 : memref<6256xf32, #tpu.memory_space<hbm>>) target(%arg33 : memref<6256xf32, #tpu.memory_space<vmem>>) target_semaphore(%run_scoped3A : memref<!tpu.dma_semaphore, #tpu.memory_space<semaphore_mem>>)
      %dma_wait3A = tpu.memref_slice %arg4[%multiple_of3A_62] : memref<1601536xf32, #tpu.memory_space<hbm>> -> memref<6256xf32, #tpu.memory_space<hbm>>
      %dma_wait3A_191 = tpu.memref_slice %arg4[%multiple_of3A_62] : memref<1601536xf32, #tpu.memory_space<hbm>> -> memref<6256xf32, #tpu.memory_space<hbm>>
      tpu.wait_dma2 semaphore(%run_scoped3A : memref<!tpu.dma_semaphore, #tpu.memory_space<semaphore_mem>>) src(%dma_wait3A_191 : memref<6256xf32, #tpu.memory_space<hbm>>) dst(%arg33 : memref<6256xf32, #tpu.memory_space<vmem>>)
      tpu.yield
    }) : () -> ()
    "tpu.region"() ({
      %run_scoped3A = tpu.sem_alloc : memref<!tpu.dma_semaphore, #tpu.memory_space<semaphore_mem>>
      %dma_start3A = tpu.memref_slice %arg18[%multiple_of3A] : memref<100096xf32, #tpu.memory_space<vmem_shared>> -> memref<6256xf32, #tpu.memory_space<vmem_shared>>
      %dma_start3A_190 = tpu.memref_slice %arg18[%multiple_of3A] : memref<100096xf32, #tpu.memory_space<vmem_shared>> -> memref<6256xf32, #tpu.memory_space<vmem_shared>>
      tpu.enqueue_dma source(%arg33 : memref<6256xf32, #tpu.memory_space<vmem>>) target(%dma_start3A_190 : memref<6256xf32, #tpu.memory_space<vmem_shared>>) target_semaphore(%run_scoped3A : memref<!tpu.dma_semaphore, #tpu.memory_space<semaphore_mem>>)
      %dma_wait3A = tpu.memref_slice %arg18[%multiple_of3A] : memref<100096xf32, #tpu.memory_space<vmem_shared>> -> memref<6256xf32, #tpu.memory_space<vmem_shared>>
      %dma_wait3A_191 = tpu.memref_slice %arg18[%multiple_of3A] : memref<100096xf32, #tpu.memory_space<vmem_shared>> -> memref<6256xf32, #tpu.memory_space<vmem_shared>>
      tpu.wait_dma2 semaphore(%run_scoped3A : memref<!tpu.dma_semaphore, #tpu.memory_space<semaphore_mem>>) src(%arg33 : memref<6256xf32, #tpu.memory_space<vmem>>) dst(%dma_wait3A_191 : memref<6256xf32, #tpu.memory_space<vmem_shared>>)
      tpu.yield
    }) : () -> ()
    %mul3A_63 = arith.constant 8 : i32
    %mul3A_64 = arith.muli %arg0, %mul3A_63 : i32
    %add3A_65 = arith.constant 4 : i32
    %add3A_66 = arith.addi %mul3A_64, %add3A_65 : i32
    %mul3A_67 = arith.constant 100096 : i32
    %mul3A_68 = arith.muli %add3A_66, %mul3A_67 : i32
    %mul3A_69 = arith.constant 6256 : i32
    %mul3A_70 = arith.muli %arg1, %mul3A_69 : i32
    %add3A_71 = arith.addi %mul3A_68, %mul3A_70 : i32
    %multiple_of3A_72 = tpu.assume_multiple %add3A_71, 8 : i32
    "tpu.region"() ({
      %run_scoped3A = tpu.sem_alloc : memref<!tpu.dma_semaphore, #tpu.memory_space<semaphore_mem>>
      %dma_start3A = tpu.memref_slice %arg4[%multiple_of3A_72] : memref<1601536xf32, #tpu.memory_space<hbm>> -> memref<6256xf32, #tpu.memory_space<hbm>>
      %dma_start3A_190 = tpu.memref_slice %arg4[%multiple_of3A_72] : memref<1601536xf32, #tpu.memory_space<hbm>> -> memref<6256xf32, #tpu.memory_space<hbm>>
      tpu.enqueue_dma source(%dma_start3A_190 : memref<6256xf32, #tpu.memory_space<hbm>>) target(%arg33 : memref<6256xf32, #tpu.memory_space<vmem>>) target_semaphore(%run_scoped3A : memref<!tpu.dma_semaphore, #tpu.memory_space<semaphore_mem>>)
      %dma_wait3A = tpu.memref_slice %arg4[%multiple_of3A_72] : memref<1601536xf32, #tpu.memory_space<hbm>> -> memref<6256xf32, #tpu.memory_space<hbm>>
      %dma_wait3A_191 = tpu.memref_slice %arg4[%multiple_of3A_72] : memref<1601536xf32, #tpu.memory_space<hbm>> -> memref<6256xf32, #tpu.memory_space<hbm>>
      tpu.wait_dma2 semaphore(%run_scoped3A : memref<!tpu.dma_semaphore, #tpu.memory_space<semaphore_mem>>) src(%dma_wait3A_191 : memref<6256xf32, #tpu.memory_space<hbm>>) dst(%arg33 : memref<6256xf32, #tpu.memory_space<vmem>>)
      tpu.yield
    }) : () -> ()
    "tpu.region"() ({
      %run_scoped3A = tpu.sem_alloc : memref<!tpu.dma_semaphore, #tpu.memory_space<semaphore_mem>>
      %dma_start3A = tpu.memref_slice %arg19[%multiple_of3A] : memref<100096xf32, #tpu.memory_space<vmem_shared>> -> memref<6256xf32, #tpu.memory_space<vmem_shared>>
      %dma_start3A_190 = tpu.memref_slice %arg19[%multiple_of3A] : memref<100096xf32, #tpu.memory_space<vmem_shared>> -> memref<6256xf32, #tpu.memory_space<vmem_shared>>
      tpu.enqueue_dma source(%arg33 : memref<6256xf32, #tpu.memory_space<vmem>>) target(%dma_start3A_190 : memref<6256xf32, #tpu.memory_space<vmem_shared>>) target_semaphore(%run_scoped3A : memref<!tpu.dma_semaphore, #tpu.memory_space<semaphore_mem>>)
      %dma_wait3A = tpu.memref_slice %arg19[%multiple_of3A] : memref<100096xf32, #tpu.memory_space<vmem_shared>> -> memref<6256xf32, #tpu.memory_space<vmem_shared>>
      %dma_wait3A_191 = tpu.memref_slice %arg19[%multiple_of3A] : memref<100096xf32, #tpu.memory_space<vmem_shared>> -> memref<6256xf32, #tpu.memory_space<vmem_shared>>
      tpu.wait_dma2 semaphore(%run_scoped3A : memref<!tpu.dma_semaphore, #tpu.memory_space<semaphore_mem>>) src(%arg33 : memref<6256xf32, #tpu.memory_space<vmem>>) dst(%dma_wait3A_191 : memref<6256xf32, #tpu.memory_space<vmem_shared>>)
      tpu.yield
    }) : () -> ()
    %mul3A_73 = arith.constant 8 : i32
    %mul3A_74 = arith.muli %arg0, %mul3A_73 : i32
    %add3A_75 = arith.constant 5 : i32
    %add3A_76 = arith.addi %mul3A_74, %add3A_75 : i32
    %mul3A_77 = arith.constant 100096 : i32
    %mul3A_78 = arith.muli %add3A_76, %mul3A_77 : i32
    %mul3A_79 = arith.constant 6256 : i32
    %mul3A_80 = arith.muli %arg1, %mul3A_79 : i32
    %add3A_81 = arith.addi %mul3A_78, %mul3A_80 : i32
    %multiple_of3A_82 = tpu.assume_multiple %add3A_81, 8 : i32
    "tpu.region"() ({
      %run_scoped3A = tpu.sem_alloc : memref<!tpu.dma_semaphore, #tpu.memory_space<semaphore_mem>>
      %dma_start3A = tpu.memref_slice %arg4[%multiple_of3A_82] : memref<1601536xf32, #tpu.memory_space<hbm>> -> memref<6256xf32, #tpu.memory_space<hbm>>
      %dma_start3A_190 = tpu.memref_slice %arg4[%multiple_of3A_82] : memref<1601536xf32, #tpu.memory_space<hbm>> -> memref<6256xf32, #tpu.memory_space<hbm>>
      tpu.enqueue_dma source(%dma_start3A_190 : memref<6256xf32, #tpu.memory_space<hbm>>) target(%arg33 : memref<6256xf32, #tpu.memory_space<vmem>>) target_semaphore(%run_scoped3A : memref<!tpu.dma_semaphore, #tpu.memory_space<semaphore_mem>>)
      %dma_wait3A = tpu.memref_slice %arg4[%multiple_of3A_82] : memref<1601536xf32, #tpu.memory_space<hbm>> -> memref<6256xf32, #tpu.memory_space<hbm>>
      %dma_wait3A_191 = tpu.memref_slice %arg4[%multiple_of3A_82] : memref<1601536xf32, #tpu.memory_space<hbm>> -> memref<6256xf32, #tpu.memory_space<hbm>>
      tpu.wait_dma2 semaphore(%run_scoped3A : memref<!tpu.dma_semaphore, #tpu.memory_space<semaphore_mem>>) src(%dma_wait3A_191 : memref<6256xf32, #tpu.memory_space<hbm>>) dst(%arg33 : memref<6256xf32, #tpu.memory_space<vmem>>)
      tpu.yield
    }) : () -> ()
    "tpu.region"() ({
      %run_scoped3A = tpu.sem_alloc : memref<!tpu.dma_semaphore, #tpu.memory_space<semaphore_mem>>
      %dma_start3A = tpu.memref_slice %arg20[%multiple_of3A] : memref<100096xf32, #tpu.memory_space<vmem_shared>> -> memref<6256xf32, #tpu.memory_space<vmem_shared>>
      %dma_start3A_190 = tpu.memref_slice %arg20[%multiple_of3A] : memref<100096xf32, #tpu.memory_space<vmem_shared>> -> memref<6256xf32, #tpu.memory_space<vmem_shared>>
      tpu.enqueue_dma source(%arg33 : memref<6256xf32, #tpu.memory_space<vmem>>) target(%dma_start3A_190 : memref<6256xf32, #tpu.memory_space<vmem_shared>>) target_semaphore(%run_scoped3A : memref<!tpu.dma_semaphore, #tpu.memory_space<semaphore_mem>>)
      %dma_wait3A = tpu.memref_slice %arg20[%multiple_of3A] : memref<100096xf32, #tpu.memory_space<vmem_shared>> -> memref<6256xf32, #tpu.memory_space<vmem_shared>>
      %dma_wait3A_191 = tpu.memref_slice %arg20[%multiple_of3A] : memref<100096xf32, #tpu.memory_space<vmem_shared>> -> memref<6256xf32, #tpu.memory_space<vmem_shared>>
      tpu.wait_dma2 semaphore(%run_scoped3A : memref<!tpu.dma_semaphore, #tpu.memory_space<semaphore_mem>>) src(%arg33 : memref<6256xf32, #tpu.memory_space<vmem>>) dst(%dma_wait3A_191 : memref<6256xf32, #tpu.memory_space<vmem_shared>>)
      tpu.yield
    }) : () -> ()
    %mul3A_83 = arith.constant 8 : i32
    %mul3A_84 = arith.muli %arg0, %mul3A_83 : i32
    %add3A_85 = arith.constant 6 : i32
    %add3A_86 = arith.addi %mul3A_84, %add3A_85 : i32
    %mul3A_87 = arith.constant 100096 : i32
    %mul3A_88 = arith.muli %add3A_86, %mul3A_87 : i32
    %mul3A_89 = arith.constant 6256 : i32
    %mul3A_90 = arith.muli %arg1, %mul3A_89 : i32
    %add3A_91 = arith.addi %mul3A_88, %mul3A_90 : i32
    %multiple_of3A_92 = tpu.assume_multiple %add3A_91, 8 : i32
    "tpu.region"() ({
      %run_scoped3A = tpu.sem_alloc : memref<!tpu.dma_semaphore, #tpu.memory_space<semaphore_mem>>
      %dma_start3A = tpu.memref_slice %arg4[%multiple_of3A_92] : memref<1601536xf32, #tpu.memory_space<hbm>> -> memref<6256xf32, #tpu.memory_space<hbm>>
      %dma_start3A_190 = tpu.memref_slice %arg4[%multiple_of3A_92] : memref<1601536xf32, #tpu.memory_space<hbm>> -> memref<6256xf32, #tpu.memory_space<hbm>>
      tpu.enqueue_dma source(%dma_start3A_190 : memref<6256xf32, #tpu.memory_space<hbm>>) target(%arg33 : memref<6256xf32, #tpu.memory_space<vmem>>) target_semaphore(%run_scoped3A : memref<!tpu.dma_semaphore, #tpu.memory_space<semaphore_mem>>)
      %dma_wait3A = tpu.memref_slice %arg4[%multiple_of3A_92] : memref<1601536xf32, #tpu.memory_space<hbm>> -> memref<6256xf32, #tpu.memory_space<hbm>>
      %dma_wait3A_191 = tpu.memref_slice %arg4[%multiple_of3A_92] : memref<1601536xf32, #tpu.memory_space<hbm>> -> memref<6256xf32, #tpu.memory_space<hbm>>
      tpu.wait_dma2 semaphore(%run_scoped3A : memref<!tpu.dma_semaphore, #tpu.memory_space<semaphore_mem>>) src(%dma_wait3A_191 : memref<6256xf32, #tpu.memory_space<hbm>>) dst(%arg33 : memref<6256xf32, #tpu.memory_space<vmem>>)
      tpu.yield
    }) : () -> ()
    "tpu.region"() ({
      %run_scoped3A = tpu.sem_alloc : memref<!tpu.dma_semaphore, #tpu.memory_space<semaphore_mem>>
      %dma_start3A = tpu.memref_slice %arg21[%multiple_of3A] : memref<100096xf32, #tpu.memory_space<vmem_shared>> -> memref<6256xf32, #tpu.memory_space<vmem_shared>>
      %dma_start3A_190 = tpu.memref_slice %arg21[%multiple_of3A] : memref<100096xf32, #tpu.memory_space<vmem_shared>> -> memref<6256xf32, #tpu.memory_space<vmem_shared>>
      tpu.enqueue_dma source(%arg33 : memref<6256xf32, #tpu.memory_space<vmem>>) target(%dma_start3A_190 : memref<6256xf32, #tpu.memory_space<vmem_shared>>) target_semaphore(%run_scoped3A : memref<!tpu.dma_semaphore, #tpu.memory_space<semaphore_mem>>)
      %dma_wait3A = tpu.memref_slice %arg21[%multiple_of3A] : memref<100096xf32, #tpu.memory_space<vmem_shared>> -> memref<6256xf32, #tpu.memory_space<vmem_shared>>
      %dma_wait3A_191 = tpu.memref_slice %arg21[%multiple_of3A] : memref<100096xf32, #tpu.memory_space<vmem_shared>> -> memref<6256xf32, #tpu.memory_space<vmem_shared>>
      tpu.wait_dma2 semaphore(%run_scoped3A : memref<!tpu.dma_semaphore, #tpu.memory_space<semaphore_mem>>) src(%arg33 : memref<6256xf32, #tpu.memory_space<vmem>>) dst(%dma_wait3A_191 : memref<6256xf32, #tpu.memory_space<vmem_shared>>)
      tpu.yield
    }) : () -> ()
    %mul3A_93 = arith.constant 8 : i32
    %mul3A_94 = arith.muli %arg0, %mul3A_93 : i32
    %add3A_95 = arith.constant 7 : i32
    %add3A_96 = arith.addi %mul3A_94, %add3A_95 : i32
    %mul3A_97 = arith.constant 100096 : i32
    %mul3A_98 = arith.muli %add3A_96, %mul3A_97 : i32
    %mul3A_99 = arith.constant 6256 : i32
    %mul3A_100 = arith.muli %arg1, %mul3A_99 : i32
    %add3A_101 = arith.addi %mul3A_98, %mul3A_100 : i32
    %multiple_of3A_102 = tpu.assume_multiple %add3A_101, 8 : i32
    "tpu.region"() ({
      %run_scoped3A = tpu.sem_alloc : memref<!tpu.dma_semaphore, #tpu.memory_space<semaphore_mem>>
      %dma_start3A = tpu.memref_slice %arg4[%multiple_of3A_102] : memref<1601536xf32, #tpu.memory_space<hbm>> -> memref<6256xf32, #tpu.memory_space<hbm>>
      %dma_start3A_190 = tpu.memref_slice %arg4[%multiple_of3A_102] : memref<1601536xf32, #tpu.memory_space<hbm>> -> memref<6256xf32, #tpu.memory_space<hbm>>
      tpu.enqueue_dma source(%dma_start3A_190 : memref<6256xf32, #tpu.memory_space<hbm>>) target(%arg33 : memref<6256xf32, #tpu.memory_space<vmem>>) target_semaphore(%run_scoped3A : memref<!tpu.dma_semaphore, #tpu.memory_space<semaphore_mem>>)
      %dma_wait3A = tpu.memref_slice %arg4[%multiple_of3A_102] : memref<1601536xf32, #tpu.memory_space<hbm>> -> memref<6256xf32, #tpu.memory_space<hbm>>
      %dma_wait3A_191 = tpu.memref_slice %arg4[%multiple_of3A_102] : memref<1601536xf32, #tpu.memory_space<hbm>> -> memref<6256xf32, #tpu.memory_space<hbm>>
      tpu.wait_dma2 semaphore(%run_scoped3A : memref<!tpu.dma_semaphore, #tpu.memory_space<semaphore_mem>>) src(%dma_wait3A_191 : memref<6256xf32, #tpu.memory_space<hbm>>) dst(%arg33 : memref<6256xf32, #tpu.memory_space<vmem>>)
      tpu.yield
    }) : () -> ()
    "tpu.region"() ({
      %run_scoped3A = tpu.sem_alloc : memref<!tpu.dma_semaphore, #tpu.memory_space<semaphore_mem>>
      %dma_start3A = tpu.memref_slice %arg22[%multiple_of3A] : memref<100096xf32, #tpu.memory_space<vmem_shared>> -> memref<6256xf32, #tpu.memory_space<vmem_shared>>
      %dma_start3A_190 = tpu.memref_slice %arg22[%multiple_of3A] : memref<100096xf32, #tpu.memory_space<vmem_shared>> -> memref<6256xf32, #tpu.memory_space<vmem_shared>>
      tpu.enqueue_dma source(%arg33 : memref<6256xf32, #tpu.memory_space<vmem>>) target(%dma_start3A_190 : memref<6256xf32, #tpu.memory_space<vmem_shared>>) target_semaphore(%run_scoped3A : memref<!tpu.dma_semaphore, #tpu.memory_space<semaphore_mem>>)
      %dma_wait3A = tpu.memref_slice %arg22[%multiple_of3A] : memref<100096xf32, #tpu.memory_space<vmem_shared>> -> memref<6256xf32, #tpu.memory_space<vmem_shared>>
      %dma_wait3A_191 = tpu.memref_slice %arg22[%multiple_of3A] : memref<100096xf32, #tpu.memory_space<vmem_shared>> -> memref<6256xf32, #tpu.memory_space<vmem_shared>>
      tpu.wait_dma2 semaphore(%run_scoped3A : memref<!tpu.dma_semaphore, #tpu.memory_space<semaphore_mem>>) src(%arg33 : memref<6256xf32, #tpu.memory_space<vmem>>) dst(%dma_wait3A_191 : memref<6256xf32, #tpu.memory_space<vmem_shared>>)
      tpu.yield
    }) : () -> ()
    %barrier3A = arith.constant 0 : index
    tpu.barrier barrier_id(%barrier3A)
    %scan3A_103 = arith.constant 0 : i32
    %scan3A_104 = arith.constant 0 : i32
    %scan3A_105 = arith.constant 100 : i32
    %scan3A_106 = arith.addi %scan3A_104, %scan3A_105 : i32
    %scan3A_107 = arith.constant 1 : i32
    scf.for %scan3A_190 = %scan3A_104 to %scan3A_106 step %scan3A_107  : i32 {
      %mul3A_191 = arith.constant 2048 : i32
      %mul3A_192 = arith.muli %scan3A_190, %mul3A_191 : i32
      %add3A_193 = arith.addi %mul3A_0, %mul3A_192 : i32
      %multiple_of3A_194 = tpu.assume_multiple %add3A_193, 128 : i32
      "tpu.region"() ({
        %run_scoped3A = tpu.sem_alloc : memref<!tpu.dma_semaphore, #tpu.memory_space<semaphore_mem>>
        %dma_start3A_225 = tpu.memref_slice %arg2[%multiple_of3A_194] : memref<3276800xi32, #tpu.memory_space<hbm>> -> memref<2048xi32, #tpu.memory_space<hbm>>
        %dma_start3A_226 = tpu.memref_slice %arg2[%multiple_of3A_194] : memref<3276800xi32, #tpu.memory_space<hbm>> -> memref<2048xi32, #tpu.memory_space<hbm>>
        tpu.enqueue_dma source(%dma_start3A_226 : memref<2048xi32, #tpu.memory_space<hbm>>) target(%arg24 : memref<2048xi32, #tpu.memory_space<vmem>>) target_semaphore(%run_scoped3A : memref<!tpu.dma_semaphore, #tpu.memory_space<semaphore_mem>>)
        %dma_wait3A_227 = tpu.memref_slice %arg2[%multiple_of3A_194] : memref<3276800xi32, #tpu.memory_space<hbm>> -> memref<2048xi32, #tpu.memory_space<hbm>>
        %dma_wait3A_228 = tpu.memref_slice %arg2[%multiple_of3A_194] : memref<3276800xi32, #tpu.memory_space<hbm>> -> memref<2048xi32, #tpu.memory_space<hbm>>
        tpu.wait_dma2 semaphore(%run_scoped3A : memref<!tpu.dma_semaphore, #tpu.memory_space<semaphore_mem>>) src(%dma_wait3A_228 : memref<2048xi32, #tpu.memory_space<hbm>>) dst(%arg24 : memref<2048xi32, #tpu.memory_space<vmem>>)
        tpu.yield
      }) : () -> ()
      "tpu.region"() ({
        %run_scoped3A = tpu.sem_alloc : memref<!tpu.dma_semaphore, #tpu.memory_space<semaphore_mem>>
        %dma_start3A_225 = tpu.memref_slice %arg3[%multiple_of3A_194] : memref<3276800xi32, #tpu.memory_space<hbm>> -> memref<2048xi32, #tpu.memory_space<hbm>>
        %dma_start3A_226 = tpu.memref_slice %arg3[%multiple_of3A_194] : memref<3276800xi32, #tpu.memory_space<hbm>> -> memref<2048xi32, #tpu.memory_space<hbm>>
        tpu.enqueue_dma source(%dma_start3A_226 : memref<2048xi32, #tpu.memory_space<hbm>>) target(%arg14 : memref<2048xi32, #tpu.memory_space<vmem>>) target_semaphore(%run_scoped3A : memref<!tpu.dma_semaphore, #tpu.memory_space<semaphore_mem>>)
        %dma_wait3A_227 = tpu.memref_slice %arg3[%multiple_of3A_194] : memref<3276800xi32, #tpu.memory_space<hbm>> -> memref<2048xi32, #tpu.memory_space<hbm>>
        %dma_wait3A_228 = tpu.memref_slice %arg3[%multiple_of3A_194] : memref<3276800xi32, #tpu.memory_space<hbm>> -> memref<2048xi32, #tpu.memory_space<hbm>>
        tpu.wait_dma2 semaphore(%run_scoped3A : memref<!tpu.dma_semaphore, #tpu.memory_space<semaphore_mem>>) src(%dma_wait3A_228 : memref<2048xi32, #tpu.memory_space<hbm>>) dst(%arg14 : memref<2048xi32, #tpu.memory_space<vmem>>)
        tpu.yield
      }) : () -> ()
      %dma_start3A = arith.constant 0 : i32
      %dma_start3A_195 = tpu.memref_slice %arg15[%dma_start3A] : memref<100096xf32, #tpu.memory_space<vmem_shared>> -> memref<100096xf32, #tpu.memory_space<vmem_shared>>
      tpu.enqueue_indirect_dma source(%dma_start3A_195 : memref<100096xf32, #tpu.memory_space<vmem_shared>>) target(%arg25 : memref<2048xf32, #tpu.memory_space<vmem>>) offsets(%arg24 : memref<2048xi32, #tpu.memory_space<vmem>>) semaphore(%arg23 : memref<!tpu.dma_semaphore, #tpu.memory_space<semaphore_mem>>)
      %dma_start3A_196 = arith.constant 0 : i32
      %dma_start3A_197 = tpu.memref_slice %arg16[%dma_start3A_196] : memref<100096xf32, #tpu.memory_space<vmem_shared>> -> memref<100096xf32, #tpu.memory_space<vmem_shared>>
      tpu.enqueue_indirect_dma source(%dma_start3A_197 : memref<100096xf32, #tpu.memory_space<vmem_shared>>) target(%arg26 : memref<2048xf32, #tpu.memory_space<vmem>>) offsets(%arg24 : memref<2048xi32, #tpu.memory_space<vmem>>) semaphore(%arg23 : memref<!tpu.dma_semaphore, #tpu.memory_space<semaphore_mem>>)
      %dma_start3A_198 = arith.constant 0 : i32
      %dma_start3A_199 = tpu.memref_slice %arg17[%dma_start3A_198] : memref<100096xf32, #tpu.memory_space<vmem_shared>> -> memref<100096xf32, #tpu.memory_space<vmem_shared>>
      tpu.enqueue_indirect_dma source(%dma_start3A_199 : memref<100096xf32, #tpu.memory_space<vmem_shared>>) target(%arg27 : memref<2048xf32, #tpu.memory_space<vmem>>) offsets(%arg24 : memref<2048xi32, #tpu.memory_space<vmem>>) semaphore(%arg23 : memref<!tpu.dma_semaphore, #tpu.memory_space<semaphore_mem>>)
      %dma_start3A_200 = arith.constant 0 : i32
      %dma_start3A_201 = tpu.memref_slice %arg18[%dma_start3A_200] : memref<100096xf32, #tpu.memory_space<vmem_shared>> -> memref<100096xf32, #tpu.memory_space<vmem_shared>>
      tpu.enqueue_indirect_dma source(%dma_start3A_201 : memref<100096xf32, #tpu.memory_space<vmem_shared>>) target(%arg28 : memref<2048xf32, #tpu.memory_space<vmem>>) offsets(%arg24 : memref<2048xi32, #tpu.memory_space<vmem>>) semaphore(%arg23 : memref<!tpu.dma_semaphore, #tpu.memory_space<semaphore_mem>>)
      %dma_start3A_202 = arith.constant 0 : i32
      %dma_start3A_203 = tpu.memref_slice %arg19[%dma_start3A_202] : memref<100096xf32, #tpu.memory_space<vmem_shared>> -> memref<100096xf32, #tpu.memory_space<vmem_shared>>
      tpu.enqueue_indirect_dma source(%dma_start3A_203 : memref<100096xf32, #tpu.memory_space<vmem_shared>>) target(%arg29 : memref<2048xf32, #tpu.memory_space<vmem>>) offsets(%arg24 : memref<2048xi32, #tpu.memory_space<vmem>>) semaphore(%arg23 : memref<!tpu.dma_semaphore, #tpu.memory_space<semaphore_mem>>)
      %dma_start3A_204 = arith.constant 0 : i32
      %dma_start3A_205 = tpu.memref_slice %arg20[%dma_start3A_204] : memref<100096xf32, #tpu.memory_space<vmem_shared>> -> memref<100096xf32, #tpu.memory_space<vmem_shared>>
      tpu.enqueue_indirect_dma source(%dma_start3A_205 : memref<100096xf32, #tpu.memory_space<vmem_shared>>) target(%arg30 : memref<2048xf32, #tpu.memory_space<vmem>>) offsets(%arg24 : memref<2048xi32, #tpu.memory_space<vmem>>) semaphore(%arg23 : memref<!tpu.dma_semaphore, #tpu.memory_space<semaphore_mem>>)
      %dma_start3A_206 = arith.constant 0 : i32
      %dma_start3A_207 = tpu.memref_slice %arg21[%dma_start3A_206] : memref<100096xf32, #tpu.memory_space<vmem_shared>> -> memref<100096xf32, #tpu.memory_space<vmem_shared>>
      tpu.enqueue_indirect_dma source(%dma_start3A_207 : memref<100096xf32, #tpu.memory_space<vmem_shared>>) target(%arg31 : memref<2048xf32, #tpu.memory_space<vmem>>) offsets(%arg24 : memref<2048xi32, #tpu.memory_space<vmem>>) semaphore(%arg23 : memref<!tpu.dma_semaphore, #tpu.memory_space<semaphore_mem>>)
      %dma_start3A_208 = arith.constant 0 : i32
      %dma_start3A_209 = tpu.memref_slice %arg22[%dma_start3A_208] : memref<100096xf32, #tpu.memory_space<vmem_shared>> -> memref<100096xf32, #tpu.memory_space<vmem_shared>>
      tpu.enqueue_indirect_dma source(%dma_start3A_209 : memref<100096xf32, #tpu.memory_space<vmem_shared>>) target(%arg32 : memref<2048xf32, #tpu.memory_space<vmem>>) offsets(%arg24 : memref<2048xi32, #tpu.memory_space<vmem>>) semaphore(%arg23 : memref<!tpu.dma_semaphore, #tpu.memory_space<semaphore_mem>>)
      %dma_wait3A = arith.constant 0 : i32
      %dma_wait3A_210 = tpu.memref_slice %arg15[%dma_wait3A] : memref<100096xf32, #tpu.memory_space<vmem_shared>> -> memref<100096xf32, #tpu.memory_space<vmem_shared>>
      tpu.wait_indirect_dma semaphore(%arg23 : memref<!tpu.dma_semaphore, #tpu.memory_space<semaphore_mem>>) src(%dma_wait3A_210 : memref<100096xf32, #tpu.memory_space<vmem_shared>>) dst(%arg25 : memref<2048xf32, #tpu.memory_space<vmem>>)
      %dma_wait3A_211 = arith.constant 0 : i32
      %dma_wait3A_212 = tpu.memref_slice %arg16[%dma_wait3A_211] : memref<100096xf32, #tpu.memory_space<vmem_shared>> -> memref<100096xf32, #tpu.memory_space<vmem_shared>>
      tpu.wait_indirect_dma semaphore(%arg23 : memref<!tpu.dma_semaphore, #tpu.memory_space<semaphore_mem>>) src(%dma_wait3A_212 : memref<100096xf32, #tpu.memory_space<vmem_shared>>) dst(%arg26 : memref<2048xf32, #tpu.memory_space<vmem>>)
      %dma_wait3A_213 = arith.constant 0 : i32
      %dma_wait3A_214 = tpu.memref_slice %arg17[%dma_wait3A_213] : memref<100096xf32, #tpu.memory_space<vmem_shared>> -> memref<100096xf32, #tpu.memory_space<vmem_shared>>
      tpu.wait_indirect_dma semaphore(%arg23 : memref<!tpu.dma_semaphore, #tpu.memory_space<semaphore_mem>>) src(%dma_wait3A_214 : memref<100096xf32, #tpu.memory_space<vmem_shared>>) dst(%arg27 : memref<2048xf32, #tpu.memory_space<vmem>>)
      %dma_wait3A_215 = arith.constant 0 : i32
      %dma_wait3A_216 = tpu.memref_slice %arg18[%dma_wait3A_215] : memref<100096xf32, #tpu.memory_space<vmem_shared>> -> memref<100096xf32, #tpu.memory_space<vmem_shared>>
      tpu.wait_indirect_dma semaphore(%arg23 : memref<!tpu.dma_semaphore, #tpu.memory_space<semaphore_mem>>) src(%dma_wait3A_216 : memref<100096xf32, #tpu.memory_space<vmem_shared>>) dst(%arg28 : memref<2048xf32, #tpu.memory_space<vmem>>)
      %dma_wait3A_217 = arith.constant 0 : i32
      %dma_wait3A_218 = tpu.memref_slice %arg19[%dma_wait3A_217] : memref<100096xf32, #tpu.memory_space<vmem_shared>> -> memref<100096xf32, #tpu.memory_space<vmem_shared>>
      tpu.wait_indirect_dma semaphore(%arg23 : memref<!tpu.dma_semaphore, #tpu.memory_space<semaphore_mem>>) src(%dma_wait3A_218 : memref<100096xf32, #tpu.memory_space<vmem_shared>>) dst(%arg29 : memref<2048xf32, #tpu.memory_space<vmem>>)
      %dma_wait3A_219 = arith.constant 0 : i32
      %dma_wait3A_220 = tpu.memref_slice %arg20[%dma_wait3A_219] : memref<100096xf32, #tpu.memory_space<vmem_shared>> -> memref<100096xf32, #tpu.memory_space<vmem_shared>>
      tpu.wait_indirect_dma semaphore(%arg23 : memref<!tpu.dma_semaphore, #tpu.memory_space<semaphore_mem>>) src(%dma_wait3A_220 : memref<100096xf32, #tpu.memory_space<vmem_shared>>) dst(%arg30 : memref<2048xf32, #tpu.memory_space<vmem>>)
      %dma_wait3A_221 = arith.constant 0 : i32
      %dma_wait3A_222 = tpu.memref_slice %arg21[%dma_wait3A_221] : memref<100096xf32, #tpu.memory_space<vmem_shared>> -> memref<100096xf32, #tpu.memory_space<vmem_shared>>
      tpu.wait_indirect_dma semaphore(%arg23 : memref<!tpu.dma_semaphore, #tpu.memory_space<semaphore_mem>>) src(%dma_wait3A_222 : memref<100096xf32, #tpu.memory_space<vmem_shared>>) dst(%arg31 : memref<2048xf32, #tpu.memory_space<vmem>>)
      %dma_wait3A_223 = arith.constant 0 : i32
      %dma_wait3A_224 = tpu.memref_slice %arg22[%dma_wait3A_223] : memref<100096xf32, #tpu.memory_space<vmem_shared>> -> memref<100096xf32, #tpu.memory_space<vmem_shared>>
      tpu.wait_indirect_dma semaphore(%arg23 : memref<!tpu.dma_semaphore, #tpu.memory_space<semaphore_mem>>) src(%dma_wait3A_224 : memref<100096xf32, #tpu.memory_space<vmem_shared>>) dst(%arg32 : memref<2048xf32, #tpu.memory_space<vmem>>)
      "tpu.region"() ({
        %run_scoped3A = tpu.sem_alloc : memref<!tpu.dma_semaphore, #tpu.memory_space<semaphore_mem>>
        %dma_start3A_225 = arith.constant 0 : i32
        %dma_start3A_226 = tpu.memref_slice %arg6[%dma_start3A_225] : memref<100096xf32, #tpu.memory_space<vmem_shared>> -> memref<100096xf32, #tpu.memory_space<vmem_shared>>
        tpu.enqueue_indirect_dma source(%arg25 : memref<2048xf32, #tpu.memory_space<vmem>>) target(%dma_start3A_226 : memref<100096xf32, #tpu.memory_space<vmem_shared>>) offsets(%arg14 : memref<2048xi32, #tpu.memory_space<vmem>>) semaphore(%run_scoped3A : memref<!tpu.dma_semaphore, #tpu.memory_space<semaphore_mem>>) {add = true}
        %dma_wait3A_227 = arith.constant 0 : i32
        %dma_wait3A_228 = tpu.memref_slice %arg6[%dma_wait3A_227] : memref<100096xf32, #tpu.memory_space<vmem_shared>> -> memref<100096xf32, #tpu.memory_space<vmem_shared>>
        tpu.wait_indirect_dma semaphore(%run_scoped3A : memref<!tpu.dma_semaphore, #tpu.memory_space<semaphore_mem>>) src(%arg25 : memref<2048xf32, #tpu.memory_space<vmem>>) dst(%dma_wait3A_228 : memref<100096xf32, #tpu.memory_space<vmem_shared>>)
        tpu.yield
      }) : () -> ()
      "tpu.region"() ({
        %run_scoped3A = tpu.sem_alloc : memref<!tpu.dma_semaphore, #tpu.memory_space<semaphore_mem>>
        %dma_start3A_225 = arith.constant 0 : i32
        %dma_start3A_226 = tpu.memref_slice %arg7[%dma_start3A_225] : memref<100096xf32, #tpu.memory_space<vmem_shared>> -> memref<100096xf32, #tpu.memory_space<vmem_shared>>
        tpu.enqueue_indirect_dma source(%arg26 : memref<2048xf32, #tpu.memory_space<vmem>>) target(%dma_start3A_226 : memref<100096xf32, #tpu.memory_space<vmem_shared>>) offsets(%arg14 : memref<2048xi32, #tpu.memory_space<vmem>>) semaphore(%run_scoped3A : memref<!tpu.dma_semaphore, #tpu.memory_space<semaphore_mem>>) {add = true}
        %dma_wait3A_227 = arith.constant 0 : i32
        %dma_wait3A_228 = tpu.memref_slice %arg7[%dma_wait3A_227] : memref<100096xf32, #tpu.memory_space<vmem_shared>> -> memref<100096xf32, #tpu.memory_space<vmem_shared>>
        tpu.wait_indirect_dma semaphore(%run_scoped3A : memref<!tpu.dma_semaphore, #tpu.memory_space<semaphore_mem>>) src(%arg26 : memref<2048xf32, #tpu.memory_space<vmem>>) dst(%dma_wait3A_228 : memref<100096xf32, #tpu.memory_space<vmem_shared>>)
        tpu.yield
      }) : () -> ()
      "tpu.region"() ({
        %run_scoped3A = tpu.sem_alloc : memref<!tpu.dma_semaphore, #tpu.memory_space<semaphore_mem>>
        %dma_start3A_225 = arith.constant 0 : i32
        %dma_start3A_226 = tpu.memref_slice %arg8[%dma_start3A_225] : memref<100096xf32, #tpu.memory_space<vmem_shared>> -> memref<100096xf32, #tpu.memory_space<vmem_shared>>
        tpu.enqueue_indirect_dma source(%arg27 : memref<2048xf32, #tpu.memory_space<vmem>>) target(%dma_start3A_226 : memref<100096xf32, #tpu.memory_space<vmem_shared>>) offsets(%arg14 : memref<2048xi32, #tpu.memory_space<vmem>>) semaphore(%run_scoped3A : memref<!tpu.dma_semaphore, #tpu.memory_space<semaphore_mem>>) {add = true}
        %dma_wait3A_227 = arith.constant 0 : i32
        %dma_wait3A_228 = tpu.memref_slice %arg8[%dma_wait3A_227] : memref<100096xf32, #tpu.memory_space<vmem_shared>> -> memref<100096xf32, #tpu.memory_space<vmem_shared>>
        tpu.wait_indirect_dma semaphore(%run_scoped3A : memref<!tpu.dma_semaphore, #tpu.memory_space<semaphore_mem>>) src(%arg27 : memref<2048xf32, #tpu.memory_space<vmem>>) dst(%dma_wait3A_228 : memref<100096xf32, #tpu.memory_space<vmem_shared>>)
        tpu.yield
      }) : () -> ()
      "tpu.region"() ({
        %run_scoped3A = tpu.sem_alloc : memref<!tpu.dma_semaphore, #tpu.memory_space<semaphore_mem>>
        %dma_start3A_225 = arith.constant 0 : i32
        %dma_start3A_226 = tpu.memref_slice %arg9[%dma_start3A_225] : memref<100096xf32, #tpu.memory_space<vmem_shared>> -> memref<100096xf32, #tpu.memory_space<vmem_shared>>
        tpu.enqueue_indirect_dma source(%arg28 : memref<2048xf32, #tpu.memory_space<vmem>>) target(%dma_start3A_226 : memref<100096xf32, #tpu.memory_space<vmem_shared>>) offsets(%arg14 : memref<2048xi32, #tpu.memory_space<vmem>>) semaphore(%run_scoped3A : memref<!tpu.dma_semaphore, #tpu.memory_space<semaphore_mem>>) {add = true}
        %dma_wait3A_227 = arith.constant 0 : i32
        %dma_wait3A_228 = tpu.memref_slice %arg9[%dma_wait3A_227] : memref<100096xf32, #tpu.memory_space<vmem_shared>> -> memref<100096xf32, #tpu.memory_space<vmem_shared>>
        tpu.wait_indirect_dma semaphore(%run_scoped3A : memref<!tpu.dma_semaphore, #tpu.memory_space<semaphore_mem>>) src(%arg28 : memref<2048xf32, #tpu.memory_space<vmem>>) dst(%dma_wait3A_228 : memref<100096xf32, #tpu.memory_space<vmem_shared>>)
        tpu.yield
      }) : () -> ()
      "tpu.region"() ({
        %run_scoped3A = tpu.sem_alloc : memref<!tpu.dma_semaphore, #tpu.memory_space<semaphore_mem>>
        %dma_start3A_225 = arith.constant 0 : i32
        %dma_start3A_226 = tpu.memref_slice %arg10[%dma_start3A_225] : memref<100096xf32, #tpu.memory_space<vmem_shared>> -> memref<100096xf32, #tpu.memory_space<vmem_shared>>
        tpu.enqueue_indirect_dma source(%arg29 : memref<2048xf32, #tpu.memory_space<vmem>>) target(%dma_start3A_226 : memref<100096xf32, #tpu.memory_space<vmem_shared>>) offsets(%arg14 : memref<2048xi32, #tpu.memory_space<vmem>>) semaphore(%run_scoped3A : memref<!tpu.dma_semaphore, #tpu.memory_space<semaphore_mem>>) {add = true}
        %dma_wait3A_227 = arith.constant 0 : i32
        %dma_wait3A_228 = tpu.memref_slice %arg10[%dma_wait3A_227] : memref<100096xf32, #tpu.memory_space<vmem_shared>> -> memref<100096xf32, #tpu.memory_space<vmem_shared>>
        tpu.wait_indirect_dma semaphore(%run_scoped3A : memref<!tpu.dma_semaphore, #tpu.memory_space<semaphore_mem>>) src(%arg29 : memref<2048xf32, #tpu.memory_space<vmem>>) dst(%dma_wait3A_228 : memref<100096xf32, #tpu.memory_space<vmem_shared>>)
        tpu.yield
      }) : () -> ()
      "tpu.region"() ({
        %run_scoped3A = tpu.sem_alloc : memref<!tpu.dma_semaphore, #tpu.memory_space<semaphore_mem>>
        %dma_start3A_225 = arith.constant 0 : i32
        %dma_start3A_226 = tpu.memref_slice %arg11[%dma_start3A_225] : memref<100096xf32, #tpu.memory_space<vmem_shared>> -> memref<100096xf32, #tpu.memory_space<vmem_shared>>
        tpu.enqueue_indirect_dma source(%arg30 : memref<2048xf32, #tpu.memory_space<vmem>>) target(%dma_start3A_226 : memref<100096xf32, #tpu.memory_space<vmem_shared>>) offsets(%arg14 : memref<2048xi32, #tpu.memory_space<vmem>>) semaphore(%run_scoped3A : memref<!tpu.dma_semaphore, #tpu.memory_space<semaphore_mem>>) {add = true}
        %dma_wait3A_227 = arith.constant 0 : i32
        %dma_wait3A_228 = tpu.memref_slice %arg11[%dma_wait3A_227] : memref<100096xf32, #tpu.memory_space<vmem_shared>> -> memref<100096xf32, #tpu.memory_space<vmem_shared>>
        tpu.wait_indirect_dma semaphore(%run_scoped3A : memref<!tpu.dma_semaphore, #tpu.memory_space<semaphore_mem>>) src(%arg30 : memref<2048xf32, #tpu.memory_space<vmem>>) dst(%dma_wait3A_228 : memref<100096xf32, #tpu.memory_space<vmem_shared>>)
        tpu.yield
      }) : () -> ()
      "tpu.region"() ({
        %run_scoped3A = tpu.sem_alloc : memref<!tpu.dma_semaphore, #tpu.memory_space<semaphore_mem>>
        %dma_start3A_225 = arith.constant 0 : i32
        %dma_start3A_226 = tpu.memref_slice %arg12[%dma_start3A_225] : memref<100096xf32, #tpu.memory_space<vmem_shared>> -> memref<100096xf32, #tpu.memory_space<vmem_shared>>
        tpu.enqueue_indirect_dma source(%arg31 : memref<2048xf32, #tpu.memory_space<vmem>>) target(%dma_start3A_226 : memref<100096xf32, #tpu.memory_space<vmem_shared>>) offsets(%arg14 : memref<2048xi32, #tpu.memory_space<vmem>>) semaphore(%run_scoped3A : memref<!tpu.dma_semaphore, #tpu.memory_space<semaphore_mem>>) {add = true}
        %dma_wait3A_227 = arith.constant 0 : i32
        %dma_wait3A_228 = tpu.memref_slice %arg12[%dma_wait3A_227] : memref<100096xf32, #tpu.memory_space<vmem_shared>> -> memref<100096xf32, #tpu.memory_space<vmem_shared>>
        tpu.wait_indirect_dma semaphore(%run_scoped3A : memref<!tpu.dma_semaphore, #tpu.memory_space<semaphore_mem>>) src(%arg31 : memref<2048xf32, #tpu.memory_space<vmem>>) dst(%dma_wait3A_228 : memref<100096xf32, #tpu.memory_space<vmem_shared>>)
        tpu.yield
      }) : () -> ()
      "tpu.region"() ({
        %run_scoped3A = tpu.sem_alloc : memref<!tpu.dma_semaphore, #tpu.memory_space<semaphore_mem>>
        %dma_start3A_225 = arith.constant 0 : i32
        %dma_start3A_226 = tpu.memref_slice %arg13[%dma_start3A_225] : memref<100096xf32, #tpu.memory_space<vmem_shared>> -> memref<100096xf32, #tpu.memory_space<vmem_shared>>
        tpu.enqueue_indirect_dma source(%arg32 : memref<2048xf32, #tpu.memory_space<vmem>>) target(%dma_start3A_226 : memref<100096xf32, #tpu.memory_space<vmem_shared>>) offsets(%arg14 : memref<2048xi32, #tpu.memory_space<vmem>>) semaphore(%run_scoped3A : memref<!tpu.dma_semaphore, #tpu.memory_space<semaphore_mem>>) {add = true}
        %dma_wait3A_227 = arith.constant 0 : i32
        %dma_wait3A_228 = tpu.memref_slice %arg13[%dma_wait3A_227] : memref<100096xf32, #tpu.memory_space<vmem_shared>> -> memref<100096xf32, #tpu.memory_space<vmem_shared>>
        tpu.wait_indirect_dma semaphore(%run_scoped3A : memref<!tpu.dma_semaphore, #tpu.memory_space<semaphore_mem>>) src(%arg32 : memref<2048xf32, #tpu.memory_space<vmem>>) dst(%dma_wait3A_228 : memref<100096xf32, #tpu.memory_space<vmem_shared>>)
        tpu.yield
      }) : () -> ()
    }
    %scan3A_108 = arith.constant 100 : i32
    %barrier3A_109 = arith.constant 0 : index
    tpu.barrier barrier_id(%barrier3A_109)
    %mul3A_110 = arith.constant 8 : i32
    %mul3A_111 = arith.muli %arg0, %mul3A_110 : i32
    %add3A_112 = arith.constant 0 : i32
    %add3A_113 = arith.addi %mul3A_111, %add3A_112 : i32
    %mul3A_114 = arith.constant 100096 : i32
    %mul3A_115 = arith.muli %add3A_113, %mul3A_114 : i32
    %mul3A_116 = arith.constant 6256 : i32
    %mul3A_117 = arith.muli %arg1, %mul3A_116 : i32
    %add3A_118 = arith.addi %mul3A_115, %mul3A_117 : i32
    %multiple_of3A_119 = tpu.assume_multiple %add3A_118, 8 : i32
    "tpu.region"() ({
      %run_scoped3A = tpu.sem_alloc : memref<!tpu.dma_semaphore, #tpu.memory_space<semaphore_mem>>
      %dma_start3A = tpu.memref_slice %arg6[%multiple_of3A] : memref<100096xf32, #tpu.memory_space<vmem_shared>> -> memref<6256xf32, #tpu.memory_space<vmem_shared>>
      %dma_start3A_190 = tpu.memref_slice %arg6[%multiple_of3A] : memref<100096xf32, #tpu.memory_space<vmem_shared>> -> memref<6256xf32, #tpu.memory_space<vmem_shared>>
      tpu.enqueue_dma source(%dma_start3A_190 : memref<6256xf32, #tpu.memory_space<vmem_shared>>) target(%arg33 : memref<6256xf32, #tpu.memory_space<vmem>>) target_semaphore(%run_scoped3A : memref<!tpu.dma_semaphore, #tpu.memory_space<semaphore_mem>>)
      %dma_wait3A = tpu.memref_slice %arg6[%multiple_of3A] : memref<100096xf32, #tpu.memory_space<vmem_shared>> -> memref<6256xf32, #tpu.memory_space<vmem_shared>>
      %dma_wait3A_191 = tpu.memref_slice %arg6[%multiple_of3A] : memref<100096xf32, #tpu.memory_space<vmem_shared>> -> memref<6256xf32, #tpu.memory_space<vmem_shared>>
      tpu.wait_dma2 semaphore(%run_scoped3A : memref<!tpu.dma_semaphore, #tpu.memory_space<semaphore_mem>>) src(%dma_wait3A_191 : memref<6256xf32, #tpu.memory_space<vmem_shared>>) dst(%arg33 : memref<6256xf32, #tpu.memory_space<vmem>>)
      tpu.yield
    }) : () -> ()
    "tpu.region"() ({
      %run_scoped3A = tpu.sem_alloc : memref<!tpu.dma_semaphore, #tpu.memory_space<semaphore_mem>>
      %dma_start3A = tpu.memref_slice %arg5[%multiple_of3A_119] : memref<1601536xf32, #tpu.memory_space<hbm>> -> memref<6256xf32, #tpu.memory_space<hbm>>
      %dma_start3A_190 = tpu.memref_slice %arg5[%multiple_of3A_119] : memref<1601536xf32, #tpu.memory_space<hbm>> -> memref<6256xf32, #tpu.memory_space<hbm>>
      tpu.enqueue_dma source(%arg33 : memref<6256xf32, #tpu.memory_space<vmem>>) target(%dma_start3A_190 : memref<6256xf32, #tpu.memory_space<hbm>>) target_semaphore(%run_scoped3A : memref<!tpu.dma_semaphore, #tpu.memory_space<semaphore_mem>>)
      %dma_wait3A = tpu.memref_slice %arg5[%multiple_of3A_119] : memref<1601536xf32, #tpu.memory_space<hbm>> -> memref<6256xf32, #tpu.memory_space<hbm>>
      %dma_wait3A_191 = tpu.memref_slice %arg5[%multiple_of3A_119] : memref<1601536xf32, #tpu.memory_space<hbm>> -> memref<6256xf32, #tpu.memory_space<hbm>>
      tpu.wait_dma2 semaphore(%run_scoped3A : memref<!tpu.dma_semaphore, #tpu.memory_space<semaphore_mem>>) src(%arg33 : memref<6256xf32, #tpu.memory_space<vmem>>) dst(%dma_wait3A_191 : memref<6256xf32, #tpu.memory_space<hbm>>)
      tpu.yield
    }) : () -> ()
    %mul3A_120 = arith.constant 8 : i32
    %mul3A_121 = arith.muli %arg0, %mul3A_120 : i32
    %add3A_122 = arith.constant 1 : i32
    %add3A_123 = arith.addi %mul3A_121, %add3A_122 : i32
    %mul3A_124 = arith.constant 100096 : i32
    %mul3A_125 = arith.muli %add3A_123, %mul3A_124 : i32
    %mul3A_126 = arith.constant 6256 : i32
    %mul3A_127 = arith.muli %arg1, %mul3A_126 : i32
    %add3A_128 = arith.addi %mul3A_125, %mul3A_127 : i32
    %multiple_of3A_129 = tpu.assume_multiple %add3A_128, 8 : i32
    "tpu.region"() ({
      %run_scoped3A = tpu.sem_alloc : memref<!tpu.dma_semaphore, #tpu.memory_space<semaphore_mem>>
      %dma_start3A = tpu.memref_slice %arg7[%multiple_of3A] : memref<100096xf32, #tpu.memory_space<vmem_shared>> -> memref<6256xf32, #tpu.memory_space<vmem_shared>>
      %dma_start3A_190 = tpu.memref_slice %arg7[%multiple_of3A] : memref<100096xf32, #tpu.memory_space<vmem_shared>> -> memref<6256xf32, #tpu.memory_space<vmem_shared>>
      tpu.enqueue_dma source(%dma_start3A_190 : memref<6256xf32, #tpu.memory_space<vmem_shared>>) target(%arg33 : memref<6256xf32, #tpu.memory_space<vmem>>) target_semaphore(%run_scoped3A : memref<!tpu.dma_semaphore, #tpu.memory_space<semaphore_mem>>)
      %dma_wait3A = tpu.memref_slice %arg7[%multiple_of3A] : memref<100096xf32, #tpu.memory_space<vmem_shared>> -> memref<6256xf32, #tpu.memory_space<vmem_shared>>
      %dma_wait3A_191 = tpu.memref_slice %arg7[%multiple_of3A] : memref<100096xf32, #tpu.memory_space<vmem_shared>> -> memref<6256xf32, #tpu.memory_space<vmem_shared>>
      tpu.wait_dma2 semaphore(%run_scoped3A : memref<!tpu.dma_semaphore, #tpu.memory_space<semaphore_mem>>) src(%dma_wait3A_191 : memref<6256xf32, #tpu.memory_space<vmem_shared>>) dst(%arg33 : memref<6256xf32, #tpu.memory_space<vmem>>)
      tpu.yield
    }) : () -> ()
    "tpu.region"() ({
      %run_scoped3A = tpu.sem_alloc : memref<!tpu.dma_semaphore, #tpu.memory_space<semaphore_mem>>
      %dma_start3A = tpu.memref_slice %arg5[%multiple_of3A_129] : memref<1601536xf32, #tpu.memory_space<hbm>> -> memref<6256xf32, #tpu.memory_space<hbm>>
      %dma_start3A_190 = tpu.memref_slice %arg5[%multiple_of3A_129] : memref<1601536xf32, #tpu.memory_space<hbm>> -> memref<6256xf32, #tpu.memory_space<hbm>>
      tpu.enqueue_dma source(%arg33 : memref<6256xf32, #tpu.memory_space<vmem>>) target(%dma_start3A_190 : memref<6256xf32, #tpu.memory_space<hbm>>) target_semaphore(%run_scoped3A : memref<!tpu.dma_semaphore, #tpu.memory_space<semaphore_mem>>)
      %dma_wait3A = tpu.memref_slice %arg5[%multiple_of3A_129] : memref<1601536xf32, #tpu.memory_space<hbm>> -> memref<6256xf32, #tpu.memory_space<hbm>>
      %dma_wait3A_191 = tpu.memref_slice %arg5[%multiple_of3A_129] : memref<1601536xf32, #tpu.memory_space<hbm>> -> memref<6256xf32, #tpu.memory_space<hbm>>
      tpu.wait_dma2 semaphore(%run_scoped3A : memref<!tpu.dma_semaphore, #tpu.memory_space<semaphore_mem>>) src(%arg33 : memref<6256xf32, #tpu.memory_space<vmem>>) dst(%dma_wait3A_191 : memref<6256xf32, #tpu.memory_space<hbm>>)
      tpu.yield
    }) : () -> ()
    %mul3A_130 = arith.constant 8 : i32
    %mul3A_131 = arith.muli %arg0, %mul3A_130 : i32
    %add3A_132 = arith.constant 2 : i32
    %add3A_133 = arith.addi %mul3A_131, %add3A_132 : i32
    %mul3A_134 = arith.constant 100096 : i32
    %mul3A_135 = arith.muli %add3A_133, %mul3A_134 : i32
    %mul3A_136 = arith.constant 6256 : i32
    %mul3A_137 = arith.muli %arg1, %mul3A_136 : i32
    %add3A_138 = arith.addi %mul3A_135, %mul3A_137 : i32
    %multiple_of3A_139 = tpu.assume_multiple %add3A_138, 8 : i32
    "tpu.region"() ({
      %run_scoped3A = tpu.sem_alloc : memref<!tpu.dma_semaphore, #tpu.memory_space<semaphore_mem>>
      %dma_start3A = tpu.memref_slice %arg8[%multiple_of3A] : memref<100096xf32, #tpu.memory_space<vmem_shared>> -> memref<6256xf32, #tpu.memory_space<vmem_shared>>
      %dma_start3A_190 = tpu.memref_slice %arg8[%multiple_of3A] : memref<100096xf32, #tpu.memory_space<vmem_shared>> -> memref<6256xf32, #tpu.memory_space<vmem_shared>>
      tpu.enqueue_dma source(%dma_start3A_190 : memref<6256xf32, #tpu.memory_space<vmem_shared>>) target(%arg33 : memref<6256xf32, #tpu.memory_space<vmem>>) target_semaphore(%run_scoped3A : memref<!tpu.dma_semaphore, #tpu.memory_space<semaphore_mem>>)
      %dma_wait3A = tpu.memref_slice %arg8[%multiple_of3A] : memref<100096xf32, #tpu.memory_space<vmem_shared>> -> memref<6256xf32, #tpu.memory_space<vmem_shared>>
      %dma_wait3A_191 = tpu.memref_slice %arg8[%multiple_of3A] : memref<100096xf32, #tpu.memory_space<vmem_shared>> -> memref<6256xf32, #tpu.memory_space<vmem_shared>>
      tpu.wait_dma2 semaphore(%run_scoped3A : memref<!tpu.dma_semaphore, #tpu.memory_space<semaphore_mem>>) src(%dma_wait3A_191 : memref<6256xf32, #tpu.memory_space<vmem_shared>>) dst(%arg33 : memref<6256xf32, #tpu.memory_space<vmem>>)
      tpu.yield
    }) : () -> ()
    "tpu.region"() ({
      %run_scoped3A = tpu.sem_alloc : memref<!tpu.dma_semaphore, #tpu.memory_space<semaphore_mem>>
      %dma_start3A = tpu.memref_slice %arg5[%multiple_of3A_139] : memref<1601536xf32, #tpu.memory_space<hbm>> -> memref<6256xf32, #tpu.memory_space<hbm>>
      %dma_start3A_190 = tpu.memref_slice %arg5[%multiple_of3A_139] : memref<1601536xf32, #tpu.memory_space<hbm>> -> memref<6256xf32, #tpu.memory_space<hbm>>
      tpu.enqueue_dma source(%arg33 : memref<6256xf32, #tpu.memory_space<vmem>>) target(%dma_start3A_190 : memref<6256xf32, #tpu.memory_space<hbm>>) target_semaphore(%run_scoped3A : memref<!tpu.dma_semaphore, #tpu.memory_space<semaphore_mem>>)
      %dma_wait3A = tpu.memref_slice %arg5[%multiple_of3A_139] : memref<1601536xf32, #tpu.memory_space<hbm>> -> memref<6256xf32, #tpu.memory_space<hbm>>
      %dma_wait3A_191 = tpu.memref_slice %arg5[%multiple_of3A_139] : memref<1601536xf32, #tpu.memory_space<hbm>> -> memref<6256xf32, #tpu.memory_space<hbm>>
      tpu.wait_dma2 semaphore(%run_scoped3A : memref<!tpu.dma_semaphore, #tpu.memory_space<semaphore_mem>>) src(%arg33 : memref<6256xf32, #tpu.memory_space<vmem>>) dst(%dma_wait3A_191 : memref<6256xf32, #tpu.memory_space<hbm>>)
      tpu.yield
    }) : () -> ()
    %mul3A_140 = arith.constant 8 : i32
    %mul3A_141 = arith.muli %arg0, %mul3A_140 : i32
    %add3A_142 = arith.constant 3 : i32
    %add3A_143 = arith.addi %mul3A_141, %add3A_142 : i32
    %mul3A_144 = arith.constant 100096 : i32
    %mul3A_145 = arith.muli %add3A_143, %mul3A_144 : i32
    %mul3A_146 = arith.constant 6256 : i32
    %mul3A_147 = arith.muli %arg1, %mul3A_146 : i32
    %add3A_148 = arith.addi %mul3A_145, %mul3A_147 : i32
    %multiple_of3A_149 = tpu.assume_multiple %add3A_148, 8 : i32
    "tpu.region"() ({
      %run_scoped3A = tpu.sem_alloc : memref<!tpu.dma_semaphore, #tpu.memory_space<semaphore_mem>>
      %dma_start3A = tpu.memref_slice %arg9[%multiple_of3A] : memref<100096xf32, #tpu.memory_space<vmem_shared>> -> memref<6256xf32, #tpu.memory_space<vmem_shared>>
      %dma_start3A_190 = tpu.memref_slice %arg9[%multiple_of3A] : memref<100096xf32, #tpu.memory_space<vmem_shared>> -> memref<6256xf32, #tpu.memory_space<vmem_shared>>
      tpu.enqueue_dma source(%dma_start3A_190 : memref<6256xf32, #tpu.memory_space<vmem_shared>>) target(%arg33 : memref<6256xf32, #tpu.memory_space<vmem>>) target_semaphore(%run_scoped3A : memref<!tpu.dma_semaphore, #tpu.memory_space<semaphore_mem>>)
      %dma_wait3A = tpu.memref_slice %arg9[%multiple_of3A] : memref<100096xf32, #tpu.memory_space<vmem_shared>> -> memref<6256xf32, #tpu.memory_space<vmem_shared>>
      %dma_wait3A_191 = tpu.memref_slice %arg9[%multiple_of3A] : memref<100096xf32, #tpu.memory_space<vmem_shared>> -> memref<6256xf32, #tpu.memory_space<vmem_shared>>
      tpu.wait_dma2 semaphore(%run_scoped3A : memref<!tpu.dma_semaphore, #tpu.memory_space<semaphore_mem>>) src(%dma_wait3A_191 : memref<6256xf32, #tpu.memory_space<vmem_shared>>) dst(%arg33 : memref<6256xf32, #tpu.memory_space<vmem>>)
      tpu.yield
    }) : () -> ()
    "tpu.region"() ({
      %run_scoped3A = tpu.sem_alloc : memref<!tpu.dma_semaphore, #tpu.memory_space<semaphore_mem>>
      %dma_start3A = tpu.memref_slice %arg5[%multiple_of3A_149] : memref<1601536xf32, #tpu.memory_space<hbm>> -> memref<6256xf32, #tpu.memory_space<hbm>>
      %dma_start3A_190 = tpu.memref_slice %arg5[%multiple_of3A_149] : memref<1601536xf32, #tpu.memory_space<hbm>> -> memref<6256xf32, #tpu.memory_space<hbm>>
      tpu.enqueue_dma source(%arg33 : memref<6256xf32, #tpu.memory_space<vmem>>) target(%dma_start3A_190 : memref<6256xf32, #tpu.memory_space<hbm>>) target_semaphore(%run_scoped3A : memref<!tpu.dma_semaphore, #tpu.memory_space<semaphore_mem>>)
      %dma_wait3A = tpu.memref_slice %arg5[%multiple_of3A_149] : memref<1601536xf32, #tpu.memory_space<hbm>> -> memref<6256xf32, #tpu.memory_space<hbm>>
      %dma_wait3A_191 = tpu.memref_slice %arg5[%multiple_of3A_149] : memref<1601536xf32, #tpu.memory_space<hbm>> -> memref<6256xf32, #tpu.memory_space<hbm>>
      tpu.wait_dma2 semaphore(%run_scoped3A : memref<!tpu.dma_semaphore, #tpu.memory_space<semaphore_mem>>) src(%arg33 : memref<6256xf32, #tpu.memory_space<vmem>>) dst(%dma_wait3A_191 : memref<6256xf32, #tpu.memory_space<hbm>>)
      tpu.yield
    }) : () -> ()
    %mul3A_150 = arith.constant 8 : i32
    %mul3A_151 = arith.muli %arg0, %mul3A_150 : i32
    %add3A_152 = arith.constant 4 : i32
    %add3A_153 = arith.addi %mul3A_151, %add3A_152 : i32
    %mul3A_154 = arith.constant 100096 : i32
    %mul3A_155 = arith.muli %add3A_153, %mul3A_154 : i32
    %mul3A_156 = arith.constant 6256 : i32
    %mul3A_157 = arith.muli %arg1, %mul3A_156 : i32
    %add3A_158 = arith.addi %mul3A_155, %mul3A_157 : i32
    %multiple_of3A_159 = tpu.assume_multiple %add3A_158, 8 : i32
    "tpu.region"() ({
      %run_scoped3A = tpu.sem_alloc : memref<!tpu.dma_semaphore, #tpu.memory_space<semaphore_mem>>
      %dma_start3A = tpu.memref_slice %arg10[%multiple_of3A] : memref<100096xf32, #tpu.memory_space<vmem_shared>> -> memref<6256xf32, #tpu.memory_space<vmem_shared>>
      %dma_start3A_190 = tpu.memref_slice %arg10[%multiple_of3A] : memref<100096xf32, #tpu.memory_space<vmem_shared>> -> memref<6256xf32, #tpu.memory_space<vmem_shared>>
      tpu.enqueue_dma source(%dma_start3A_190 : memref<6256xf32, #tpu.memory_space<vmem_shared>>) target(%arg33 : memref<6256xf32, #tpu.memory_space<vmem>>) target_semaphore(%run_scoped3A : memref<!tpu.dma_semaphore, #tpu.memory_space<semaphore_mem>>)
      %dma_wait3A = tpu.memref_slice %arg10[%multiple_of3A] : memref<100096xf32, #tpu.memory_space<vmem_shared>> -> memref<6256xf32, #tpu.memory_space<vmem_shared>>
      %dma_wait3A_191 = tpu.memref_slice %arg10[%multiple_of3A] : memref<100096xf32, #tpu.memory_space<vmem_shared>> -> memref<6256xf32, #tpu.memory_space<vmem_shared>>
      tpu.wait_dma2 semaphore(%run_scoped3A : memref<!tpu.dma_semaphore, #tpu.memory_space<semaphore_mem>>) src(%dma_wait3A_191 : memref<6256xf32, #tpu.memory_space<vmem_shared>>) dst(%arg33 : memref<6256xf32, #tpu.memory_space<vmem>>)
      tpu.yield
    }) : () -> ()
    "tpu.region"() ({
      %run_scoped3A = tpu.sem_alloc : memref<!tpu.dma_semaphore, #tpu.memory_space<semaphore_mem>>
      %dma_start3A = tpu.memref_slice %arg5[%multiple_of3A_159] : memref<1601536xf32, #tpu.memory_space<hbm>> -> memref<6256xf32, #tpu.memory_space<hbm>>
      %dma_start3A_190 = tpu.memref_slice %arg5[%multiple_of3A_159] : memref<1601536xf32, #tpu.memory_space<hbm>> -> memref<6256xf32, #tpu.memory_space<hbm>>
      tpu.enqueue_dma source(%arg33 : memref<6256xf32, #tpu.memory_space<vmem>>) target(%dma_start3A_190 : memref<6256xf32, #tpu.memory_space<hbm>>) target_semaphore(%run_scoped3A : memref<!tpu.dma_semaphore, #tpu.memory_space<semaphore_mem>>)
      %dma_wait3A = tpu.memref_slice %arg5[%multiple_of3A_159] : memref<1601536xf32, #tpu.memory_space<hbm>> -> memref<6256xf32, #tpu.memory_space<hbm>>
      %dma_wait3A_191 = tpu.memref_slice %arg5[%multiple_of3A_159] : memref<1601536xf32, #tpu.memory_space<hbm>> -> memref<6256xf32, #tpu.memory_space<hbm>>
      tpu.wait_dma2 semaphore(%run_scoped3A : memref<!tpu.dma_semaphore, #tpu.memory_space<semaphore_mem>>) src(%arg33 : memref<6256xf32, #tpu.memory_space<vmem>>) dst(%dma_wait3A_191 : memref<6256xf32, #tpu.memory_space<hbm>>)
      tpu.yield
    }) : () -> ()
    %mul3A_160 = arith.constant 8 : i32
    %mul3A_161 = arith.muli %arg0, %mul3A_160 : i32
    %add3A_162 = arith.constant 5 : i32
    %add3A_163 = arith.addi %mul3A_161, %add3A_162 : i32
    %mul3A_164 = arith.constant 100096 : i32
    %mul3A_165 = arith.muli %add3A_163, %mul3A_164 : i32
    %mul3A_166 = arith.constant 6256 : i32
    %mul3A_167 = arith.muli %arg1, %mul3A_166 : i32
    %add3A_168 = arith.addi %mul3A_165, %mul3A_167 : i32
    %multiple_of3A_169 = tpu.assume_multiple %add3A_168, 8 : i32
    "tpu.region"() ({
      %run_scoped3A = tpu.sem_alloc : memref<!tpu.dma_semaphore, #tpu.memory_space<semaphore_mem>>
      %dma_start3A = tpu.memref_slice %arg11[%multiple_of3A] : memref<100096xf32, #tpu.memory_space<vmem_shared>> -> memref<6256xf32, #tpu.memory_space<vmem_shared>>
      %dma_start3A_190 = tpu.memref_slice %arg11[%multiple_of3A] : memref<100096xf32, #tpu.memory_space<vmem_shared>> -> memref<6256xf32, #tpu.memory_space<vmem_shared>>
      tpu.enqueue_dma source(%dma_start3A_190 : memref<6256xf32, #tpu.memory_space<vmem_shared>>) target(%arg33 : memref<6256xf32, #tpu.memory_space<vmem>>) target_semaphore(%run_scoped3A : memref<!tpu.dma_semaphore, #tpu.memory_space<semaphore_mem>>)
      %dma_wait3A = tpu.memref_slice %arg11[%multiple_of3A] : memref<100096xf32, #tpu.memory_space<vmem_shared>> -> memref<6256xf32, #tpu.memory_space<vmem_shared>>
      %dma_wait3A_191 = tpu.memref_slice %arg11[%multiple_of3A] : memref<100096xf32, #tpu.memory_space<vmem_shared>> -> memref<6256xf32, #tpu.memory_space<vmem_shared>>
      tpu.wait_dma2 semaphore(%run_scoped3A : memref<!tpu.dma_semaphore, #tpu.memory_space<semaphore_mem>>) src(%dma_wait3A_191 : memref<6256xf32, #tpu.memory_space<vmem_shared>>) dst(%arg33 : memref<6256xf32, #tpu.memory_space<vmem>>)
      tpu.yield
    }) : () -> ()
    "tpu.region"() ({
      %run_scoped3A = tpu.sem_alloc : memref<!tpu.dma_semaphore, #tpu.memory_space<semaphore_mem>>
      %dma_start3A = tpu.memref_slice %arg5[%multiple_of3A_169] : memref<1601536xf32, #tpu.memory_space<hbm>> -> memref<6256xf32, #tpu.memory_space<hbm>>
      %dma_start3A_190 = tpu.memref_slice %arg5[%multiple_of3A_169] : memref<1601536xf32, #tpu.memory_space<hbm>> -> memref<6256xf32, #tpu.memory_space<hbm>>
      tpu.enqueue_dma source(%arg33 : memref<6256xf32, #tpu.memory_space<vmem>>) target(%dma_start3A_190 : memref<6256xf32, #tpu.memory_space<hbm>>) target_semaphore(%run_scoped3A : memref<!tpu.dma_semaphore, #tpu.memory_space<semaphore_mem>>)
      %dma_wait3A = tpu.memref_slice %arg5[%multiple_of3A_169] : memref<1601536xf32, #tpu.memory_space<hbm>> -> memref<6256xf32, #tpu.memory_space<hbm>>
      %dma_wait3A_191 = tpu.memref_slice %arg5[%multiple_of3A_169] : memref<1601536xf32, #tpu.memory_space<hbm>> -> memref<6256xf32, #tpu.memory_space<hbm>>
      tpu.wait_dma2 semaphore(%run_scoped3A : memref<!tpu.dma_semaphore, #tpu.memory_space<semaphore_mem>>) src(%arg33 : memref<6256xf32, #tpu.memory_space<vmem>>) dst(%dma_wait3A_191 : memref<6256xf32, #tpu.memory_space<hbm>>)
      tpu.yield
    }) : () -> ()
    %mul3A_170 = arith.constant 8 : i32
    %mul3A_171 = arith.muli %arg0, %mul3A_170 : i32
    %add3A_172 = arith.constant 6 : i32
    %add3A_173 = arith.addi %mul3A_171, %add3A_172 : i32
    %mul3A_174 = arith.constant 100096 : i32
    %mul3A_175 = arith.muli %add3A_173, %mul3A_174 : i32
    %mul3A_176 = arith.constant 6256 : i32
    %mul3A_177 = arith.muli %arg1, %mul3A_176 : i32
    %add3A_178 = arith.addi %mul3A_175, %mul3A_177 : i32
    %multiple_of3A_179 = tpu.assume_multiple %add3A_178, 8 : i32
    "tpu.region"() ({
      %run_scoped3A = tpu.sem_alloc : memref<!tpu.dma_semaphore, #tpu.memory_space<semaphore_mem>>
      %dma_start3A = tpu.memref_slice %arg12[%multiple_of3A] : memref<100096xf32, #tpu.memory_space<vmem_shared>> -> memref<6256xf32, #tpu.memory_space<vmem_shared>>
      %dma_start3A_190 = tpu.memref_slice %arg12[%multiple_of3A] : memref<100096xf32, #tpu.memory_space<vmem_shared>> -> memref<6256xf32, #tpu.memory_space<vmem_shared>>
      tpu.enqueue_dma source(%dma_start3A_190 : memref<6256xf32, #tpu.memory_space<vmem_shared>>) target(%arg33 : memref<6256xf32, #tpu.memory_space<vmem>>) target_semaphore(%run_scoped3A : memref<!tpu.dma_semaphore, #tpu.memory_space<semaphore_mem>>)
      %dma_wait3A = tpu.memref_slice %arg12[%multiple_of3A] : memref<100096xf32, #tpu.memory_space<vmem_shared>> -> memref<6256xf32, #tpu.memory_space<vmem_shared>>
      %dma_wait3A_191 = tpu.memref_slice %arg12[%multiple_of3A] : memref<100096xf32, #tpu.memory_space<vmem_shared>> -> memref<6256xf32, #tpu.memory_space<vmem_shared>>
      tpu.wait_dma2 semaphore(%run_scoped3A : memref<!tpu.dma_semaphore, #tpu.memory_space<semaphore_mem>>) src(%dma_wait3A_191 : memref<6256xf32, #tpu.memory_space<vmem_shared>>) dst(%arg33 : memref<6256xf32, #tpu.memory_space<vmem>>)
      tpu.yield
    }) : () -> ()
    "tpu.region"() ({
      %run_scoped3A = tpu.sem_alloc : memref<!tpu.dma_semaphore, #tpu.memory_space<semaphore_mem>>
      %dma_start3A = tpu.memref_slice %arg5[%multiple_of3A_179] : memref<1601536xf32, #tpu.memory_space<hbm>> -> memref<6256xf32, #tpu.memory_space<hbm>>
      %dma_start3A_190 = tpu.memref_slice %arg5[%multiple_of3A_179] : memref<1601536xf32, #tpu.memory_space<hbm>> -> memref<6256xf32, #tpu.memory_space<hbm>>
      tpu.enqueue_dma source(%arg33 : memref<6256xf32, #tpu.memory_space<vmem>>) target(%dma_start3A_190 : memref<6256xf32, #tpu.memory_space<hbm>>) target_semaphore(%run_scoped3A : memref<!tpu.dma_semaphore, #tpu.memory_space<semaphore_mem>>)
      %dma_wait3A = tpu.memref_slice %arg5[%multiple_of3A_179] : memref<1601536xf32, #tpu.memory_space<hbm>> -> memref<6256xf32, #tpu.memory_space<hbm>>
      %dma_wait3A_191 = tpu.memref_slice %arg5[%multiple_of3A_179] : memref<1601536xf32, #tpu.memory_space<hbm>> -> memref<6256xf32, #tpu.memory_space<hbm>>
      tpu.wait_dma2 semaphore(%run_scoped3A : memref<!tpu.dma_semaphore, #tpu.memory_space<semaphore_mem>>) src(%arg33 : memref<6256xf32, #tpu.memory_space<vmem>>) dst(%dma_wait3A_191 : memref<6256xf32, #tpu.memory_space<hbm>>)
      tpu.yield
    }) : () -> ()
    %mul3A_180 = arith.constant 8 : i32
    %mul3A_181 = arith.muli %arg0, %mul3A_180 : i32
    %add3A_182 = arith.constant 7 : i32
    %add3A_183 = arith.addi %mul3A_181, %add3A_182 : i32
    %mul3A_184 = arith.constant 100096 : i32
    %mul3A_185 = arith.muli %add3A_183, %mul3A_184 : i32
    %mul3A_186 = arith.constant 6256 : i32
    %mul3A_187 = arith.muli %arg1, %mul3A_186 : i32
    %add3A_188 = arith.addi %mul3A_185, %mul3A_187 : i32
    %multiple_of3A_189 = tpu.assume_multiple %add3A_188, 8 : i32
    "tpu.region"() ({
      %run_scoped3A = tpu.sem_alloc : memref<!tpu.dma_semaphore, #tpu.memory_space<semaphore_mem>>
      %dma_start3A = tpu.memref_slice %arg13[%multiple_of3A] : memref<100096xf32, #tpu.memory_space<vmem_shared>> -> memref<6256xf32, #tpu.memory_space<vmem_shared>>
      %dma_start3A_190 = tpu.memref_slice %arg13[%multiple_of3A] : memref<100096xf32, #tpu.memory_space<vmem_shared>> -> memref<6256xf32, #tpu.memory_space<vmem_shared>>
      tpu.enqueue_dma source(%dma_start3A_190 : memref<6256xf32, #tpu.memory_space<vmem_shared>>) target(%arg33 : memref<6256xf32, #tpu.memory_space<vmem>>) target_semaphore(%run_scoped3A : memref<!tpu.dma_semaphore, #tpu.memory_space<semaphore_mem>>)
      %dma_wait3A = tpu.memref_slice %arg13[%multiple_of3A] : memref<100096xf32, #tpu.memory_space<vmem_shared>> -> memref<6256xf32, #tpu.memory_space<vmem_shared>>
      %dma_wait3A_191 = tpu.memref_slice %arg13[%multiple_of3A] : memref<100096xf32, #tpu.memory_space<vmem_shared>> -> memref<6256xf32, #tpu.memory_space<vmem_shared>>
      tpu.wait_dma2 semaphore(%run_scoped3A : memref<!tpu.dma_semaphore, #tpu.memory_space<semaphore_mem>>) src(%dma_wait3A_191 : memref<6256xf32, #tpu.memory_space<vmem_shared>>) dst(%arg33 : memref<6256xf32, #tpu.memory_space<vmem>>)
      tpu.yield
    }) : () -> ()
    "tpu.region"() ({
      %run_scoped3A = tpu.sem_alloc : memref<!tpu.dma_semaphore, #tpu.memory_space<semaphore_mem>>
      %dma_start3A = tpu.memref_slice %arg5[%multiple_of3A_189] : memref<1601536xf32, #tpu.memory_space<hbm>> -> memref<6256xf32, #tpu.memory_space<hbm>>
      %dma_start3A_190 = tpu.memref_slice %arg5[%multiple_of3A_189] : memref<1601536xf32, #tpu.memory_space<hbm>> -> memref<6256xf32, #tpu.memory_space<hbm>>
      tpu.enqueue_dma source(%arg33 : memref<6256xf32, #tpu.memory_space<vmem>>) target(%dma_start3A_190 : memref<6256xf32, #tpu.memory_space<hbm>>) target_semaphore(%run_scoped3A : memref<!tpu.dma_semaphore, #tpu.memory_space<semaphore_mem>>)
      %dma_wait3A = tpu.memref_slice %arg5[%multiple_of3A_189] : memref<1601536xf32, #tpu.memory_space<hbm>> -> memref<6256xf32, #tpu.memory_space<hbm>>
      %dma_wait3A_191 = tpu.memref_slice %arg5[%multiple_of3A_189] : memref<1601536xf32, #tpu.memory_space<hbm>> -> memref<6256xf32, #tpu.memory_space<hbm>>
      tpu.wait_dma2 semaphore(%run_scoped3A : memref<!tpu.dma_semaphore, #tpu.memory_space<semaphore_mem>>) src(%arg33 : memref<6256xf32, #tpu.memory_space<vmem>>) dst(%dma_wait3A_191 : memref<6256xf32, #tpu.memory_space<hbm>>)
      tpu.yield
    }) : () -> ()
    return
  }
}

#map = affine_map<(d0, d1) -> (0)>
module attributes {stable_mosaic.version = 14 : i64} {
  func.func @_f1_scalar_scatter(%arg0: i32, %arg1: i32, %arg2: memref<3276800xi32, #tpu.memory_space<hbm>>, %arg3: memref<3276800xi32, #tpu.memory_space<hbm>>, %arg4: memref<100096xf32, #tpu.memory_space<hbm>>, %arg5: memref<200192xf32, #tpu.memory_space<hbm>>, %arg6: memref<100096xf32, #tpu.memory_space<vmem_shared>>, %arg7: memref<2048xi32, #tpu.memory_space<vmem>>, %arg8: memref<2048xi32, #tpu.memory_space<vmem>>, %arg9: memref<2048xf32, #tpu.memory_space<vmem>>, %arg10: memref<100096xf32, #tpu.memory_space<vmem>>, %arg11: memref<6256xf32, #tpu.memory_space<vmem>>) attributes {dimension_semantics = [#tpu.dimension_semantics<core_parallel>, #tpu.dimension_semantics<subcore_parallel>], iteration_bounds = array<i64: 2, 16>, scalar_prefetch = 0 : i64, scratch_operands = 6 : i64, tpu.core_type = #tpu.core_type<sc_vector_subcore>, window_params = [{transform_indices = #map}, {transform_indices = #map}, {transform_indices = #map}, {transform_indices = #map}]} {
    %mul3A = arith.constant 16 : i32
    %mul3A_0 = arith.muli %arg0, %mul3A : i32
    %add3A = arith.addi %mul3A_0, %arg1 : i32
    %mul3A_1 = arith.constant 102400 : i32
    %mul3A_2 = arith.muli %add3A, %mul3A_1 : i32
    %jit3A = arith.constant 128 : i32
    %div3A = arith.divsi %mul3A_2, %jit3A : i32
    %sign3A = arith.constant 0 : i32
    %sign3A_3 = arith.cmpi sgt, %mul3A_2, %sign3A : i32
    %sign3A_4 = arith.extui %sign3A_3 : i1 to i32
    %sign3A_5 = arith.constant 0 : i32
    %sign3A_6 = arith.cmpi slt, %mul3A_2, %sign3A_5 : i32
    %sign3A_7 = arith.extui %sign3A_6 : i1 to i32
    %sign3A_8 = arith.subi %sign3A_4, %sign3A_7 : i32
    %sign3A_9 = arith.constant 0 : i32
    %sign3A_10 = arith.cmpi sgt, %jit3A, %sign3A_9 : i32
    %sign3A_11 = arith.extui %sign3A_10 : i1 to i32
    %sign3A_12 = arith.constant 0 : i32
    %sign3A_13 = arith.cmpi slt, %jit3A, %sign3A_12 : i32
    %sign3A_14 = arith.extui %sign3A_13 : i1 to i32
    %sign3A_15 = arith.subi %sign3A_11, %sign3A_14 : i32
    %ne3A = arith.cmpi ne, %sign3A_8, %sign3A_15 : i32
    %rem3A = arith.remsi %mul3A_2, %jit3A : i32
    %ne3A_16 = arith.constant 0 : i32
    %ne3A_17 = arith.cmpi ne, %rem3A, %ne3A_16 : i32
    %and3A = arith.andi %ne3A, %ne3A_17 : i1
    %sub3A = arith.constant 1 : i32
    %sub3A_18 = arith.subi %div3A, %sub3A : i32
    %select_n3A = arith.select %and3A, %sub3A_18, %div3A : i32
    %scan3A = arith.constant 0 : i32
    %scan3A_19 = arith.constant 0 : i32
    %scan3A_20 = arith.constant 391 : i32
    %scan3A_21 = arith.addi %scan3A_19, %scan3A_20 : i32
    %scan3A_22 = arith.constant 1 : i32
    scf.for %scan3A_42 = %scan3A_19 to %scan3A_21 step %scan3A_22  : i32 {
      %broadcast_in_dim3A = arith.constant 0.000000e+00 : f32
      %broadcast_in_dim3A_43 = vector.broadcast %broadcast_in_dim3A : f32 to vector<16xf32>
      %mul3A_44 = arith.constant 16 : i32
      %mul3A_45 = arith.muli %scan3A_42, %mul3A_44 : i32
      %swap3A = arith.index_cast %mul3A_45 : i32 to index
      %swap3A_46 = tpu.vector_load %arg11[%swap3A] {strides = array<i32>} : memref<6256xf32, #tpu.memory_space<vmem>>, vector<16xf32>,
      tpu.vector_store %arg11[%swap3A], %broadcast_in_dim3A_43 {strides = array<i32>} : memref<6256xf32, #tpu.memory_space<vmem>>, vector<16xf32>,
    }
    %scan3A_23 = arith.constant 391 : i32
    %mul3A_24 = arith.constant 6256 : i32
    %mul3A_25 = arith.muli %arg1, %mul3A_24 : i32
    %multiple_of3A = tpu.assume_multiple %mul3A_25, 8 : i32
    "tpu.region"() ({
      %run_scoped3A = tpu.sem_alloc : memref<!tpu.dma_semaphore, #tpu.memory_space<semaphore_mem>>
      %dma_start3A = tpu.memref_slice %arg6[%multiple_of3A] : memref<100096xf32, #tpu.memory_space<vmem_shared>> -> memref<6256xf32, #tpu.memory_space<vmem_shared>>
      %dma_start3A_42 = tpu.memref_slice %arg6[%multiple_of3A] : memref<100096xf32, #tpu.memory_space<vmem_shared>> -> memref<6256xf32, #tpu.memory_space<vmem_shared>>
      tpu.enqueue_dma source(%arg11 : memref<6256xf32, #tpu.memory_space<vmem>>) target(%dma_start3A_42 : memref<6256xf32, #tpu.memory_space<vmem_shared>>) target_semaphore(%run_scoped3A : memref<!tpu.dma_semaphore, #tpu.memory_space<semaphore_mem>>)
      %dma_wait3A = tpu.memref_slice %arg6[%multiple_of3A] : memref<100096xf32, #tpu.memory_space<vmem_shared>> -> memref<6256xf32, #tpu.memory_space<vmem_shared>>
      %dma_wait3A_43 = tpu.memref_slice %arg6[%multiple_of3A] : memref<100096xf32, #tpu.memory_space<vmem_shared>> -> memref<6256xf32, #tpu.memory_space<vmem_shared>>
      tpu.wait_dma2 semaphore(%run_scoped3A : memref<!tpu.dma_semaphore, #tpu.memory_space<semaphore_mem>>) src(%arg11 : memref<6256xf32, #tpu.memory_space<vmem>>) dst(%dma_wait3A_43 : memref<6256xf32, #tpu.memory_space<vmem_shared>>)
      tpu.yield
    }) : () -> ()
    "tpu.region"() ({
      %run_scoped3A = tpu.sem_alloc : memref<!tpu.dma_semaphore, #tpu.memory_space<semaphore_mem>>
      tpu.enqueue_dma source(%arg4 : memref<100096xf32, #tpu.memory_space<hbm>>) target(%arg10 : memref<100096xf32, #tpu.memory_space<vmem>>) target_semaphore(%run_scoped3A : memref<!tpu.dma_semaphore, #tpu.memory_space<semaphore_mem>>)
      tpu.wait_dma2 semaphore(%run_scoped3A : memref<!tpu.dma_semaphore, #tpu.memory_space<semaphore_mem>>) src(%arg4 : memref<100096xf32, #tpu.memory_space<hbm>>) dst(%arg10 : memref<100096xf32, #tpu.memory_space<vmem>>)
      tpu.yield
    }) : () -> ()
    %barrier3A = arith.constant 0 : index
    tpu.barrier barrier_id(%barrier3A)
    %scan3A_26 = arith.constant 0 : i32
    %scan3A_27 = arith.constant 0 : i32
    %scan3A_28 = arith.constant 50 : i32
    %scan3A_29 = arith.addi %scan3A_27, %scan3A_28 : i32
    %scan3A_30 = arith.constant 1 : i32
    scf.for %scan3A_42 = %scan3A_27 to %scan3A_29 step %scan3A_30  : i32 {
      %mul3A_43 = arith.constant 2048 : i32
      %mul3A_44 = arith.muli %scan3A_42, %mul3A_43 : i32
      %add3A_45 = arith.addi %mul3A_2, %mul3A_44 : i32
      %multiple_of3A_46 = tpu.assume_multiple %add3A_45, 128 : i32
      "tpu.region"() ({
        %run_scoped3A = tpu.sem_alloc : memref<!tpu.dma_semaphore, #tpu.memory_space<semaphore_mem>>
        %dma_start3A = tpu.memref_slice %arg2[%multiple_of3A_46] : memref<3276800xi32, #tpu.memory_space<hbm>> -> memref<2048xi32, #tpu.memory_space<hbm>>
        %dma_start3A_53 = tpu.memref_slice %arg2[%multiple_of3A_46] : memref<3276800xi32, #tpu.memory_space<hbm>> -> memref<2048xi32, #tpu.memory_space<hbm>>
        tpu.enqueue_dma source(%dma_start3A_53 : memref<2048xi32, #tpu.memory_space<hbm>>) target(%arg8 : memref<2048xi32, #tpu.memory_space<vmem>>) target_semaphore(%run_scoped3A : memref<!tpu.dma_semaphore, #tpu.memory_space<semaphore_mem>>)
        %dma_wait3A = tpu.memref_slice %arg2[%multiple_of3A_46] : memref<3276800xi32, #tpu.memory_space<hbm>> -> memref<2048xi32, #tpu.memory_space<hbm>>
        %dma_wait3A_54 = tpu.memref_slice %arg2[%multiple_of3A_46] : memref<3276800xi32, #tpu.memory_space<hbm>> -> memref<2048xi32, #tpu.memory_space<hbm>>
        tpu.wait_dma2 semaphore(%run_scoped3A : memref<!tpu.dma_semaphore, #tpu.memory_space<semaphore_mem>>) src(%dma_wait3A_54 : memref<2048xi32, #tpu.memory_space<hbm>>) dst(%arg8 : memref<2048xi32, #tpu.memory_space<vmem>>)
        tpu.yield
      }) : () -> ()
      "tpu.region"() ({
        %run_scoped3A = tpu.sem_alloc : memref<!tpu.dma_semaphore, #tpu.memory_space<semaphore_mem>>
        %dma_start3A = tpu.memref_slice %arg3[%multiple_of3A_46] : memref<3276800xi32, #tpu.memory_space<hbm>> -> memref<2048xi32, #tpu.memory_space<hbm>>
        %dma_start3A_53 = tpu.memref_slice %arg3[%multiple_of3A_46] : memref<3276800xi32, #tpu.memory_space<hbm>> -> memref<2048xi32, #tpu.memory_space<hbm>>
        tpu.enqueue_dma source(%dma_start3A_53 : memref<2048xi32, #tpu.memory_space<hbm>>) target(%arg7 : memref<2048xi32, #tpu.memory_space<vmem>>) target_semaphore(%run_scoped3A : memref<!tpu.dma_semaphore, #tpu.memory_space<semaphore_mem>>)
        %dma_wait3A = tpu.memref_slice %arg3[%multiple_of3A_46] : memref<3276800xi32, #tpu.memory_space<hbm>> -> memref<2048xi32, #tpu.memory_space<hbm>>
        %dma_wait3A_54 = tpu.memref_slice %arg3[%multiple_of3A_46] : memref<3276800xi32, #tpu.memory_space<hbm>> -> memref<2048xi32, #tpu.memory_space<hbm>>
        tpu.wait_dma2 semaphore(%run_scoped3A : memref<!tpu.dma_semaphore, #tpu.memory_space<semaphore_mem>>) src(%dma_wait3A_54 : memref<2048xi32, #tpu.memory_space<hbm>>) dst(%arg7 : memref<2048xi32, #tpu.memory_space<vmem>>)
        tpu.yield
      }) : () -> ()
      %scan3A_47 = arith.constant 0 : i32
      %scan3A_48 = arith.constant 0 : i32
      %scan3A_49 = arith.constant 128 : i32
      %scan3A_50 = arith.addi %scan3A_48, %scan3A_49 : i32
      %scan3A_51 = arith.constant 1 : i32
      scf.for %scan3A_53 = %scan3A_48 to %scan3A_50 step %scan3A_51  : i32 {
        %mul3A_54 = arith.constant 16 : i32
        %mul3A_55 = arith.muli %scan3A_53, %mul3A_54 : i32
        %get3A = arith.index_cast %mul3A_55 : i32 to index
        %get3A_56 = tpu.vector_load %arg8[%get3A] {strides = array<i32>} : memref<2048xi32, #tpu.memory_space<vmem>>, vector<16xi32>,
        %gather3A = tpu.vector_load_idx %arg10[%get3A_56] : memref<100096xf32, #tpu.memory_space<vmem>>[vector<16xi32>], vector<16xf32>,
        %mul3A_57 = arith.constant 16 : i32
        %mul3A_58 = arith.muli %scan3A_53, %mul3A_57 : i32
        %swap3A = arith.index_cast %mul3A_58 : i32 to index
        %swap3A_59 = tpu.vector_load %arg9[%swap3A] {strides = array<i32>} : memref<2048xf32, #tpu.memory_space<vmem>>, vector<16xf32>,
        tpu.vector_store %arg9[%swap3A], %gather3A {strides = array<i32>} : memref<2048xf32, #tpu.memory_space<vmem>>, vector<16xf32>,
      }
      %scan3A_52 = arith.constant 128 : i32
      "tpu.region"() ({
        %run_scoped3A = tpu.sem_alloc : memref<!tpu.dma_semaphore, #tpu.memory_space<semaphore_mem>>
        %dma_start3A = arith.constant 0 : i32
        %dma_start3A_53 = tpu.memref_slice %arg6[%dma_start3A] : memref<100096xf32, #tpu.memory_space<vmem_shared>> -> memref<100096xf32, #tpu.memory_space<vmem_shared>>
        tpu.enqueue_indirect_dma source(%arg9 : memref<2048xf32, #tpu.memory_space<vmem>>) target(%dma_start3A_53 : memref<100096xf32, #tpu.memory_space<vmem_shared>>) offsets(%arg7 : memref<2048xi32, #tpu.memory_space<vmem>>) semaphore(%run_scoped3A : memref<!tpu.dma_semaphore, #tpu.memory_space<semaphore_mem>>) {add = true}
        %dma_wait3A = arith.constant 0 : i32
        %dma_wait3A_54 = tpu.memref_slice %arg6[%dma_wait3A] : memref<100096xf32, #tpu.memory_space<vmem_shared>> -> memref<100096xf32, #tpu.memory_space<vmem_shared>>
        tpu.wait_indirect_dma semaphore(%run_scoped3A : memref<!tpu.dma_semaphore, #tpu.memory_space<semaphore_mem>>) src(%arg9 : memref<2048xf32, #tpu.memory_space<vmem>>) dst(%dma_wait3A_54 : memref<100096xf32, #tpu.memory_space<vmem_shared>>)
        tpu.yield
      }) : () -> ()
    }
    %scan3A_31 = arith.constant 50 : i32
    %barrier3A_32 = arith.constant 0 : index
    tpu.barrier barrier_id(%barrier3A_32)
    %mul3A_33 = arith.constant 6256 : i32
    %mul3A_34 = arith.muli %arg1, %mul3A_33 : i32
    %multiple_of3A_35 = tpu.assume_multiple %mul3A_34, 8 : i32
    %mul3A_36 = arith.constant 100096 : i32
    %mul3A_37 = arith.muli %arg0, %mul3A_36 : i32
    %mul3A_38 = arith.constant 6256 : i32
    %mul3A_39 = arith.muli %arg1, %mul3A_38 : i32
    %add3A_40 = arith.addi %mul3A_37, %mul3A_39 : i32
    %multiple_of3A_41 = tpu.assume_multiple %add3A_40, 8 : i32
    "tpu.region"() ({
      %run_scoped3A = tpu.sem_alloc : memref<!tpu.dma_semaphore, #tpu.memory_space<semaphore_mem>>
      %dma_start3A = tpu.memref_slice %arg6[%multiple_of3A_35] : memref<100096xf32, #tpu.memory_space<vmem_shared>> -> memref<6256xf32, #tpu.memory_space<vmem_shared>>
      %dma_start3A_42 = tpu.memref_slice %arg6[%multiple_of3A_35] : memref<100096xf32, #tpu.memory_space<vmem_shared>> -> memref<6256xf32, #tpu.memory_space<vmem_shared>>
      tpu.enqueue_dma source(%dma_start3A_42 : memref<6256xf32, #tpu.memory_space<vmem_shared>>) target(%arg11 : memref<6256xf32, #tpu.memory_space<vmem>>) target_semaphore(%run_scoped3A : memref<!tpu.dma_semaphore, #tpu.memory_space<semaphore_mem>>)
      %dma_wait3A = tpu.memref_slice %arg6[%multiple_of3A_35] : memref<100096xf32, #tpu.memory_space<vmem_shared>> -> memref<6256xf32, #tpu.memory_space<vmem_shared>>
      %dma_wait3A_43 = tpu.memref_slice %arg6[%multiple_of3A_35] : memref<100096xf32, #tpu.memory_space<vmem_shared>> -> memref<6256xf32, #tpu.memory_space<vmem_shared>>
      tpu.wait_dma2 semaphore(%run_scoped3A : memref<!tpu.dma_semaphore, #tpu.memory_space<semaphore_mem>>) src(%dma_wait3A_43 : memref<6256xf32, #tpu.memory_space<vmem_shared>>) dst(%arg11 : memref<6256xf32, #tpu.memory_space<vmem>>)
      tpu.yield
    }) : () -> ()
    "tpu.region"() ({
      %run_scoped3A = tpu.sem_alloc : memref<!tpu.dma_semaphore, #tpu.memory_space<semaphore_mem>>
      %dma_start3A = tpu.memref_slice %arg5[%multiple_of3A_41] : memref<200192xf32, #tpu.memory_space<hbm>> -> memref<6256xf32, #tpu.memory_space<hbm>>
      %dma_start3A_42 = tpu.memref_slice %arg5[%multiple_of3A_41] : memref<200192xf32, #tpu.memory_space<hbm>> -> memref<6256xf32, #tpu.memory_space<hbm>>
      tpu.enqueue_dma source(%arg11 : memref<6256xf32, #tpu.memory_space<vmem>>) target(%dma_start3A_42 : memref<6256xf32, #tpu.memory_space<hbm>>) target_semaphore(%run_scoped3A : memref<!tpu.dma_semaphore, #tpu.memory_space<semaphore_mem>>)
      %dma_wait3A = tpu.memref_slice %arg5[%multiple_of3A_41] : memref<200192xf32, #tpu.memory_space<hbm>> -> memref<6256xf32, #tpu.memory_space<hbm>>
      %dma_wait3A_43 = tpu.memref_slice %arg5[%multiple_of3A_41] : memref<200192xf32, #tpu.memory_space<hbm>> -> memref<6256xf32, #tpu.memory_space<hbm>>
      tpu.wait_dma2 semaphore(%run_scoped3A : memref<!tpu.dma_semaphore, #tpu.memory_space<semaphore_mem>>) src(%arg11 : memref<6256xf32, #tpu.memory_space<vmem>>) dst(%dma_wait3A_43 : memref<6256xf32, #tpu.memory_space<hbm>>)
      tpu.yield
    }) : () -> ()
    return
  }
}

#map = affine_map<(d0, d1) -> (0)>
module attributes {stable_mosaic.version = 14 : i64} {
  func.func @_f_row_scatter(%arg0: i32, %arg1: i32, %arg2: memref<3276800xi32, #tpu.memory_space<hbm>>, %arg3: memref<3276800xi32, #tpu.memory_space<hbm>>, %arg4: memref<1601536xf32, #tpu.memory_space<hbm>>, %arg5: memref<1601536xf32, #tpu.memory_space<hbm>>, %arg6: memref<100096xf32, #tpu.memory_space<vmem_shared>>, %arg7: memref<100096xf32, #tpu.memory_space<vmem_shared>>, %arg8: memref<100096xf32, #tpu.memory_space<vmem_shared>>, %arg9: memref<100096xf32, #tpu.memory_space<vmem_shared>>, %arg10: memref<100096xf32, #tpu.memory_space<vmem_shared>>, %arg11: memref<100096xf32, #tpu.memory_space<vmem_shared>>, %arg12: memref<100096xf32, #tpu.memory_space<vmem_shared>>, %arg13: memref<100096xf32, #tpu.memory_space<vmem_shared>>, %arg14: memref<2048xi32, #tpu.memory_space<vmem>>, %arg15: memref<100096xf32, #tpu.memory_space<vmem_shared>>, %arg16: memref<100096xf32, #tpu.memory_space<vmem_shared>>, %arg17: memref<100096xf32, #tpu.memory_space<vmem_shared>>, %arg18: memref<100096xf32, #tpu.memory_space<vmem_shared>>, %arg19: memref<100096xf32, #tpu.memory_space<vmem_shared>>, %arg20: memref<100096xf32, #tpu.memory_space<vmem_shared>>, %arg21: memref<100096xf32, #tpu.memory_space<vmem_shared>>, %arg22: memref<100096xf32, #tpu.memory_space<vmem_shared>>, %arg23: memref<!tpu.dma_semaphore, #tpu.memory_space<semaphore_mem>>, %arg24: memref<2048xi32, #tpu.memory_space<vmem>>, %arg25: memref<2048xf32, #tpu.memory_space<vmem>>, %arg26: memref<2048xf32, #tpu.memory_space<vmem>>, %arg27: memref<2048xf32, #tpu.memory_space<vmem>>, %arg28: memref<2048xf32, #tpu.memory_space<vmem>>, %arg29: memref<2048xf32, #tpu.memory_space<vmem>>, %arg30: memref<2048xf32, #tpu.memory_space<vmem>>, %arg31: memref<2048xf32, #tpu.memory_space<vmem>>, %arg32: memref<2048xf32, #tpu.memory_space<vmem>>, %arg33: memref<6256xf32, #tpu.memory_space<vmem>>) attributes {dimension_semantics = [#tpu.dimension_semantics<core_parallel>, #tpu.dimension_semantics<subcore_parallel>], iteration_bounds = array<i64: 2, 16>, scalar_prefetch = 0 : i64, scratch_operands = 28 : i64, tpu.core_type = #tpu.core_type<sc_vector_subcore>, window_params = [{transform_indices = #map}, {transform_indices = #map}, {transform_indices = #map}, {transform_indices = #map}]} {
    %mul3A = arith.constant 204800 : i32
    %mul3A_0 = arith.muli %arg1, %mul3A : i32
    %jit3A = arith.constant 128 : i32
    %div3A = arith.divsi %mul3A_0, %jit3A : i32
    %sign3A = arith.constant 0 : i32
    %sign3A_1 = arith.cmpi sgt, %mul3A_0, %sign3A : i32
    %sign3A_2 = arith.extui %sign3A_1 : i1 to i32
    %sign3A_3 = arith.constant 0 : i32
    %sign3A_4 = arith.cmpi slt, %mul3A_0, %sign3A_3 : i32
    %sign3A_5 = arith.extui %sign3A_4 : i1 to i32
    %sign3A_6 = arith.subi %sign3A_2, %sign3A_5 : i32
    %sign3A_7 = arith.constant 0 : i32
    %sign3A_8 = arith.cmpi sgt, %jit3A, %sign3A_7 : i32
    %sign3A_9 = arith.extui %sign3A_8 : i1 to i32
    %sign3A_10 = arith.constant 0 : i32
    %sign3A_11 = arith.cmpi slt, %jit3A, %sign3A_10 : i32
    %sign3A_12 = arith.extui %sign3A_11 : i1 to i32
    %sign3A_13 = arith.subi %sign3A_9, %sign3A_12 : i32
    %ne3A = arith.cmpi ne, %sign3A_6, %sign3A_13 : i32
    %rem3A = arith.remsi %mul3A_0, %jit3A : i32
    %ne3A_14 = arith.constant 0 : i32
    %ne3A_15 = arith.cmpi ne, %rem3A, %ne3A_14 : i32
    %and3A = arith.andi %ne3A, %ne3A_15 : i1
    %sub3A = arith.constant 1 : i32
    %sub3A_16 = arith.subi %div3A, %sub3A : i32
    %select_n3A = arith.select %and3A, %sub3A_16, %div3A : i32
    %mul3A_17 = arith.constant 6256 : i32
    %mul3A_18 = arith.muli %arg1, %mul3A_17 : i32
    %multiple_of3A = tpu.assume_multiple %mul3A_18, 8 : i32
    %scan3A = arith.constant 0 : i32
    %scan3A_19 = arith.constant 0 : i32
    %scan3A_20 = arith.constant 391 : i32
    %scan3A_21 = arith.addi %scan3A_19, %scan3A_20 : i32
    %scan3A_22 = arith.constant 1 : i32
    scf.for %scan3A_190 = %scan3A_19 to %scan3A_21 step %scan3A_22  : i32 {
      %broadcast_in_dim3A = arith.constant 0.000000e+00 : f32
      %broadcast_in_dim3A_191 = vector.broadcast %broadcast_in_dim3A : f32 to vector<16xf32>
      %mul3A_192 = arith.constant 16 : i32
      %mul3A_193 = arith.muli %scan3A_190, %mul3A_192 : i32
      %swap3A = arith.index_cast %mul3A_193 : i32 to index
      %swap3A_194 = tpu.vector_load %arg33[%swap3A] {strides = array<i32>} : memref<6256xf32, #tpu.memory_space<vmem>>, vector<16xf32>,
      tpu.vector_store %arg33[%swap3A], %broadcast_in_dim3A_191 {strides = array<i32>} : memref<6256xf32, #tpu.memory_space<vmem>>, vector<16xf32>,
    }
    %scan3A_23 = arith.constant 391 : i32
    "tpu.region"() ({
      %run_scoped3A = tpu.sem_alloc : memref<!tpu.dma_semaphore, #tpu.memory_space<semaphore_mem>>
      %dma_start3A = tpu.memref_slice %arg6[%multiple_of3A] : memref<100096xf32, #tpu.memory_space<vmem_shared>> -> memref<6256xf32, #tpu.memory_space<vmem_shared>>
      %dma_start3A_190 = tpu.memref_slice %arg6[%multiple_of3A] : memref<100096xf32, #tpu.memory_space<vmem_shared>> -> memref<6256xf32, #tpu.memory_space<vmem_shared>>
      tpu.enqueue_dma source(%arg33 : memref<6256xf32, #tpu.memory_space<vmem>>) target(%dma_start3A_190 : memref<6256xf32, #tpu.memory_space<vmem_shared>>) target_semaphore(%run_scoped3A : memref<!tpu.dma_semaphore, #tpu.memory_space<semaphore_mem>>)
      %dma_wait3A = tpu.memref_slice %arg6[%multiple_of3A] : memref<100096xf32, #tpu.memory_space<vmem_shared>> -> memref<6256xf32, #tpu.memory_space<vmem_shared>>
      %dma_wait3A_191 = tpu.memref_slice %arg6[%multiple_of3A] : memref<100096xf32, #tpu.memory_space<vmem_shared>> -> memref<6256xf32, #tpu.memory_space<vmem_shared>>
      tpu.wait_dma2 semaphore(%run_scoped3A : memref<!tpu.dma_semaphore, #tpu.memory_space<semaphore_mem>>) src(%arg33 : memref<6256xf32, #tpu.memory_space<vmem>>) dst(%dma_wait3A_191 : memref<6256xf32, #tpu.memory_space<vmem_shared>>)
      tpu.yield
    }) : () -> ()
    "tpu.region"() ({
      %run_scoped3A = tpu.sem_alloc : memref<!tpu.dma_semaphore, #tpu.memory_space<semaphore_mem>>
      %dma_start3A = tpu.memref_slice %arg7[%multiple_of3A] : memref<100096xf32, #tpu.memory_space<vmem_shared>> -> memref<6256xf32, #tpu.memory_space<vmem_shared>>
      %dma_start3A_190 = tpu.memref_slice %arg7[%multiple_of3A] : memref<100096xf32, #tpu.memory_space<vmem_shared>> -> memref<6256xf32, #tpu.memory_space<vmem_shared>>
      tpu.enqueue_dma source(%arg33 : memref<6256xf32, #tpu.memory_space<vmem>>) target(%dma_start3A_190 : memref<6256xf32, #tpu.memory_space<vmem_shared>>) target_semaphore(%run_scoped3A : memref<!tpu.dma_semaphore, #tpu.memory_space<semaphore_mem>>)
      %dma_wait3A = tpu.memref_slice %arg7[%multiple_of3A] : memref<100096xf32, #tpu.memory_space<vmem_shared>> -> memref<6256xf32, #tpu.memory_space<vmem_shared>>
      %dma_wait3A_191 = tpu.memref_slice %arg7[%multiple_of3A] : memref<100096xf32, #tpu.memory_space<vmem_shared>> -> memref<6256xf32, #tpu.memory_space<vmem_shared>>
      tpu.wait_dma2 semaphore(%run_scoped3A : memref<!tpu.dma_semaphore, #tpu.memory_space<semaphore_mem>>) src(%arg33 : memref<6256xf32, #tpu.memory_space<vmem>>) dst(%dma_wait3A_191 : memref<6256xf32, #tpu.memory_space<vmem_shared>>)
      tpu.yield
    }) : () -> ()
    "tpu.region"() ({
      %run_scoped3A = tpu.sem_alloc : memref<!tpu.dma_semaphore, #tpu.memory_space<semaphore_mem>>
      %dma_start3A = tpu.memref_slice %arg8[%multiple_of3A] : memref<100096xf32, #tpu.memory_space<vmem_shared>> -> memref<6256xf32, #tpu.memory_space<vmem_shared>>
      %dma_start3A_190 = tpu.memref_slice %arg8[%multiple_of3A] : memref<100096xf32, #tpu.memory_space<vmem_shared>> -> memref<6256xf32, #tpu.memory_space<vmem_shared>>
      tpu.enqueue_dma source(%arg33 : memref<6256xf32, #tpu.memory_space<vmem>>) target(%dma_start3A_190 : memref<6256xf32, #tpu.memory_space<vmem_shared>>) target_semaphore(%run_scoped3A : memref<!tpu.dma_semaphore, #tpu.memory_space<semaphore_mem>>)
      %dma_wait3A = tpu.memref_slice %arg8[%multiple_of3A] : memref<100096xf32, #tpu.memory_space<vmem_shared>> -> memref<6256xf32, #tpu.memory_space<vmem_shared>>
      %dma_wait3A_191 = tpu.memref_slice %arg8[%multiple_of3A] : memref<100096xf32, #tpu.memory_space<vmem_shared>> -> memref<6256xf32, #tpu.memory_space<vmem_shared>>
      tpu.wait_dma2 semaphore(%run_scoped3A : memref<!tpu.dma_semaphore, #tpu.memory_space<semaphore_mem>>) src(%arg33 : memref<6256xf32, #tpu.memory_space<vmem>>) dst(%dma_wait3A_191 : memref<6256xf32, #tpu.memory_space<vmem_shared>>)
      tpu.yield
    }) : () -> ()
    "tpu.region"() ({
      %run_scoped3A = tpu.sem_alloc : memref<!tpu.dma_semaphore, #tpu.memory_space<semaphore_mem>>
      %dma_start3A = tpu.memref_slice %arg9[%multiple_of3A] : memref<100096xf32, #tpu.memory_space<vmem_shared>> -> memref<6256xf32, #tpu.memory_space<vmem_shared>>
      %dma_start3A_190 = tpu.memref_slice %arg9[%multiple_of3A] : memref<100096xf32, #tpu.memory_space<vmem_shared>> -> memref<6256xf32, #tpu.memory_space<vmem_shared>>
      tpu.enqueue_dma source(%arg33 : memref<6256xf32, #tpu.memory_space<vmem>>) target(%dma_start3A_190 : memref<6256xf32, #tpu.memory_space<vmem_shared>>) target_semaphore(%run_scoped3A : memref<!tpu.dma_semaphore, #tpu.memory_space<semaphore_mem>>)
      %dma_wait3A = tpu.memref_slice %arg9[%multiple_of3A] : memref<100096xf32, #tpu.memory_space<vmem_shared>> -> memref<6256xf32, #tpu.memory_space<vmem_shared>>
      %dma_wait3A_191 = tpu.memref_slice %arg9[%multiple_of3A] : memref<100096xf32, #tpu.memory_space<vmem_shared>> -> memref<6256xf32, #tpu.memory_space<vmem_shared>>
      tpu.wait_dma2 semaphore(%run_scoped3A : memref<!tpu.dma_semaphore, #tpu.memory_space<semaphore_mem>>) src(%arg33 : memref<6256xf32, #tpu.memory_space<vmem>>) dst(%dma_wait3A_191 : memref<6256xf32, #tpu.memory_space<vmem_shared>>)
      tpu.yield
    }) : () -> ()
    "tpu.region"() ({
      %run_scoped3A = tpu.sem_alloc : memref<!tpu.dma_semaphore, #tpu.memory_space<semaphore_mem>>
      %dma_start3A = tpu.memref_slice %arg10[%multiple_of3A] : memref<100096xf32, #tpu.memory_space<vmem_shared>> -> memref<6256xf32, #tpu.memory_space<vmem_shared>>
      %dma_start3A_190 = tpu.memref_slice %arg10[%multiple_of3A] : memref<100096xf32, #tpu.memory_space<vmem_shared>> -> memref<6256xf32, #tpu.memory_space<vmem_shared>>
      tpu.enqueue_dma source(%arg33 : memref<6256xf32, #tpu.memory_space<vmem>>) target(%dma_start3A_190 : memref<6256xf32, #tpu.memory_space<vmem_shared>>) target_semaphore(%run_scoped3A : memref<!tpu.dma_semaphore, #tpu.memory_space<semaphore_mem>>)
      %dma_wait3A = tpu.memref_slice %arg10[%multiple_of3A] : memref<100096xf32, #tpu.memory_space<vmem_shared>> -> memref<6256xf32, #tpu.memory_space<vmem_shared>>
      %dma_wait3A_191 = tpu.memref_slice %arg10[%multiple_of3A] : memref<100096xf32, #tpu.memory_space<vmem_shared>> -> memref<6256xf32, #tpu.memory_space<vmem_shared>>
      tpu.wait_dma2 semaphore(%run_scoped3A : memref<!tpu.dma_semaphore, #tpu.memory_space<semaphore_mem>>) src(%arg33 : memref<6256xf32, #tpu.memory_space<vmem>>) dst(%dma_wait3A_191 : memref<6256xf32, #tpu.memory_space<vmem_shared>>)
      tpu.yield
    }) : () -> ()
    "tpu.region"() ({
      %run_scoped3A = tpu.sem_alloc : memref<!tpu.dma_semaphore, #tpu.memory_space<semaphore_mem>>
      %dma_start3A = tpu.memref_slice %arg11[%multiple_of3A] : memref<100096xf32, #tpu.memory_space<vmem_shared>> -> memref<6256xf32, #tpu.memory_space<vmem_shared>>
      %dma_start3A_190 = tpu.memref_slice %arg11[%multiple_of3A] : memref<100096xf32, #tpu.memory_space<vmem_shared>> -> memref<6256xf32, #tpu.memory_space<vmem_shared>>
      tpu.enqueue_dma source(%arg33 : memref<6256xf32, #tpu.memory_space<vmem>>) target(%dma_start3A_190 : memref<6256xf32, #tpu.memory_space<vmem_shared>>) target_semaphore(%run_scoped3A : memref<!tpu.dma_semaphore, #tpu.memory_space<semaphore_mem>>)
      %dma_wait3A = tpu.memref_slice %arg11[%multiple_of3A] : memref<100096xf32, #tpu.memory_space<vmem_shared>> -> memref<6256xf32, #tpu.memory_space<vmem_shared>>
      %dma_wait3A_191 = tpu.memref_slice %arg11[%multiple_of3A] : memref<100096xf32, #tpu.memory_space<vmem_shared>> -> memref<6256xf32, #tpu.memory_space<vmem_shared>>
      tpu.wait_dma2 semaphore(%run_scoped3A : memref<!tpu.dma_semaphore, #tpu.memory_space<semaphore_mem>>) src(%arg33 : memref<6256xf32, #tpu.memory_space<vmem>>) dst(%dma_wait3A_191 : memref<6256xf32, #tpu.memory_space<vmem_shared>>)
      tpu.yield
    }) : () -> ()
    "tpu.region"() ({
      %run_scoped3A = tpu.sem_alloc : memref<!tpu.dma_semaphore, #tpu.memory_space<semaphore_mem>>
      %dma_start3A = tpu.memref_slice %arg12[%multiple_of3A] : memref<100096xf32, #tpu.memory_space<vmem_shared>> -> memref<6256xf32, #tpu.memory_space<vmem_shared>>
      %dma_start3A_190 = tpu.memref_slice %arg12[%multiple_of3A] : memref<100096xf32, #tpu.memory_space<vmem_shared>> -> memref<6256xf32, #tpu.memory_space<vmem_shared>>
      tpu.enqueue_dma source(%arg33 : memref<6256xf32, #tpu.memory_space<vmem>>) target(%dma_start3A_190 : memref<6256xf32, #tpu.memory_space<vmem_shared>>) target_semaphore(%run_scoped3A : memref<!tpu.dma_semaphore, #tpu.memory_space<semaphore_mem>>)
      %dma_wait3A = tpu.memref_slice %arg12[%multiple_of3A] : memref<100096xf32, #tpu.memory_space<vmem_shared>> -> memref<6256xf32, #tpu.memory_space<vmem_shared>>
      %dma_wait3A_191 = tpu.memref_slice %arg12[%multiple_of3A] : memref<100096xf32, #tpu.memory_space<vmem_shared>> -> memref<6256xf32, #tpu.memory_space<vmem_shared>>
      tpu.wait_dma2 semaphore(%run_scoped3A : memref<!tpu.dma_semaphore, #tpu.memory_space<semaphore_mem>>) src(%arg33 : memref<6256xf32, #tpu.memory_space<vmem>>) dst(%dma_wait3A_191 : memref<6256xf32, #tpu.memory_space<vmem_shared>>)
      tpu.yield
    }) : () -> ()
    "tpu.region"() ({
      %run_scoped3A = tpu.sem_alloc : memref<!tpu.dma_semaphore, #tpu.memory_space<semaphore_mem>>
      %dma_start3A = tpu.memref_slice %arg13[%multiple_of3A] : memref<100096xf32, #tpu.memory_space<vmem_shared>> -> memref<6256xf32, #tpu.memory_space<vmem_shared>>
      %dma_start3A_190 = tpu.memref_slice %arg13[%multiple_of3A] : memref<100096xf32, #tpu.memory_space<vmem_shared>> -> memref<6256xf32, #tpu.memory_space<vmem_shared>>
      tpu.enqueue_dma source(%arg33 : memref<6256xf32, #tpu.memory_space<vmem>>) target(%dma_start3A_190 : memref<6256xf32, #tpu.memory_space<vmem_shared>>) target_semaphore(%run_scoped3A : memref<!tpu.dma_semaphore, #tpu.memory_space<semaphore_mem>>)
      %dma_wait3A = tpu.memref_slice %arg13[%multiple_of3A] : memref<100096xf32, #tpu.memory_space<vmem_shared>> -> memref<6256xf32, #tpu.memory_space<vmem_shared>>
      %dma_wait3A_191 = tpu.memref_slice %arg13[%multiple_of3A] : memref<100096xf32, #tpu.memory_space<vmem_shared>> -> memref<6256xf32, #tpu.memory_space<vmem_shared>>
      tpu.wait_dma2 semaphore(%run_scoped3A : memref<!tpu.dma_semaphore, #tpu.memory_space<semaphore_mem>>) src(%arg33 : memref<6256xf32, #tpu.memory_space<vmem>>) dst(%dma_wait3A_191 : memref<6256xf32, #tpu.memory_space<vmem_shared>>)
      tpu.yield
    }) : () -> ()
    %mul3A_24 = arith.constant 8 : i32
    %mul3A_25 = arith.muli %arg0, %mul3A_24 : i32
    %add3A = arith.constant 0 : i32
    %add3A_26 = arith.addi %mul3A_25, %add3A : i32
    %mul3A_27 = arith.constant 100096 : i32
    %mul3A_28 = arith.muli %add3A_26, %mul3A_27 : i32
    %mul3A_29 = arith.constant 6256 : i32
    %mul3A_30 = arith.muli %arg1, %mul3A_29 : i32
    %add3A_31 = arith.addi %mul3A_28, %mul3A_30 : i32
    %multiple_of3A_32 = tpu.assume_multiple %add3A_31, 8 : i32
    "tpu.region"() ({
      %run_scoped3A = tpu.sem_alloc : memref<!tpu.dma_semaphore, #tpu.memory_space<semaphore_mem>>
      %dma_start3A = tpu.memref_slice %arg4[%multiple_of3A_32] : memref<1601536xf32, #tpu.memory_space<hbm>> -> memref<6256xf32, #tpu.memory_space<hbm>>
      %dma_start3A_190 = tpu.memref_slice %arg4[%multiple_of3A_32] : memref<1601536xf32, #tpu.memory_space<hbm>> -> memref<6256xf32, #tpu.memory_space<hbm>>
      tpu.enqueue_dma source(%dma_start3A_190 : memref<6256xf32, #tpu.memory_space<hbm>>) target(%arg33 : memref<6256xf32, #tpu.memory_space<vmem>>) target_semaphore(%run_scoped3A : memref<!tpu.dma_semaphore, #tpu.memory_space<semaphore_mem>>)
      %dma_wait3A = tpu.memref_slice %arg4[%multiple_of3A_32] : memref<1601536xf32, #tpu.memory_space<hbm>> -> memref<6256xf32, #tpu.memory_space<hbm>>
      %dma_wait3A_191 = tpu.memref_slice %arg4[%multiple_of3A_32] : memref<1601536xf32, #tpu.memory_space<hbm>> -> memref<6256xf32, #tpu.memory_space<hbm>>
      tpu.wait_dma2 semaphore(%run_scoped3A : memref<!tpu.dma_semaphore, #tpu.memory_space<semaphore_mem>>) src(%dma_wait3A_191 : memref<6256xf32, #tpu.memory_space<hbm>>) dst(%arg33 : memref<6256xf32, #tpu.memory_space<vmem>>)
      tpu.yield
    }) : () -> ()
    "tpu.region"() ({
      %run_scoped3A = tpu.sem_alloc : memref<!tpu.dma_semaphore, #tpu.memory_space<semaphore_mem>>
      %dma_start3A = tpu.memref_slice %arg15[%multiple_of3A] : memref<100096xf32, #tpu.memory_space<vmem_shared>> -> memref<6256xf32, #tpu.memory_space<vmem_shared>>
      %dma_start3A_190 = tpu.memref_slice %arg15[%multiple_of3A] : memref<100096xf32, #tpu.memory_space<vmem_shared>> -> memref<6256xf32, #tpu.memory_space<vmem_shared>>
      tpu.enqueue_dma source(%arg33 : memref<6256xf32, #tpu.memory_space<vmem>>) target(%dma_start3A_190 : memref<6256xf32, #tpu.memory_space<vmem_shared>>) target_semaphore(%run_scoped3A : memref<!tpu.dma_semaphore, #tpu.memory_space<semaphore_mem>>)
      %dma_wait3A = tpu.memref_slice %arg15[%multiple_of3A] : memref<100096xf32, #tpu.memory_space<vmem_shared>> -> memref<6256xf32, #tpu.memory_space<vmem_shared>>
      %dma_wait3A_191 = tpu.memref_slice %arg15[%multiple_of3A] : memref<100096xf32, #tpu.memory_space<vmem_shared>> -> memref<6256xf32, #tpu.memory_space<vmem_shared>>
      tpu.wait_dma2 semaphore(%run_scoped3A : memref<!tpu.dma_semaphore, #tpu.memory_space<semaphore_mem>>) src(%arg33 : memref<6256xf32, #tpu.memory_space<vmem>>) dst(%dma_wait3A_191 : memref<6256xf32, #tpu.memory_space<vmem_shared>>)
      tpu.yield
    }) : () -> ()
    %mul3A_33 = arith.constant 8 : i32
    %mul3A_34 = arith.muli %arg0, %mul3A_33 : i32
    %add3A_35 = arith.constant 1 : i32
    %add3A_36 = arith.addi %mul3A_34, %add3A_35 : i32
    %mul3A_37 = arith.constant 100096 : i32
    %mul3A_38 = arith.muli %add3A_36, %mul3A_37 : i32
    %mul3A_39 = arith.constant 6256 : i32
    %mul3A_40 = arith.muli %arg1, %mul3A_39 : i32
    %add3A_41 = arith.addi %mul3A_38, %mul3A_40 : i32
    %multiple_of3A_42 = tpu.assume_multiple %add3A_41, 8 : i32
    "tpu.region"() ({
      %run_scoped3A = tpu.sem_alloc : memref<!tpu.dma_semaphore, #tpu.memory_space<semaphore_mem>>
      %dma_start3A = tpu.memref_slice %arg4[%multiple_of3A_42] : memref<1601536xf32, #tpu.memory_space<hbm>> -> memref<6256xf32, #tpu.memory_space<hbm>>
      %dma_start3A_190 = tpu.memref_slice %arg4[%multiple_of3A_42] : memref<1601536xf32, #tpu.memory_space<hbm>> -> memref<6256xf32, #tpu.memory_space<hbm>>
      tpu.enqueue_dma source(%dma_start3A_190 : memref<6256xf32, #tpu.memory_space<hbm>>) target(%arg33 : memref<6256xf32, #tpu.memory_space<vmem>>) target_semaphore(%run_scoped3A : memref<!tpu.dma_semaphore, #tpu.memory_space<semaphore_mem>>)
      %dma_wait3A = tpu.memref_slice %arg4[%multiple_of3A_42] : memref<1601536xf32, #tpu.memory_space<hbm>> -> memref<6256xf32, #tpu.memory_space<hbm>>
      %dma_wait3A_191 = tpu.memref_slice %arg4[%multiple_of3A_42] : memref<1601536xf32, #tpu.memory_space<hbm>> -> memref<6256xf32, #tpu.memory_space<hbm>>
      tpu.wait_dma2 semaphore(%run_scoped3A : memref<!tpu.dma_semaphore, #tpu.memory_space<semaphore_mem>>) src(%dma_wait3A_191 : memref<6256xf32, #tpu.memory_space<hbm>>) dst(%arg33 : memref<6256xf32, #tpu.memory_space<vmem>>)
      tpu.yield
    }) : () -> ()
    "tpu.region"() ({
      %run_scoped3A = tpu.sem_alloc : memref<!tpu.dma_semaphore, #tpu.memory_space<semaphore_mem>>
      %dma_start3A = tpu.memref_slice %arg16[%multiple_of3A] : memref<100096xf32, #tpu.memory_space<vmem_shared>> -> memref<6256xf32, #tpu.memory_space<vmem_shared>>
      %dma_start3A_190 = tpu.memref_slice %arg16[%multiple_of3A] : memref<100096xf32, #tpu.memory_space<vmem_shared>> -> memref<6256xf32, #tpu.memory_space<vmem_shared>>
      tpu.enqueue_dma source(%arg33 : memref<6256xf32, #tpu.memory_space<vmem>>) target(%dma_start3A_190 : memref<6256xf32, #tpu.memory_space<vmem_shared>>) target_semaphore(%run_scoped3A : memref<!tpu.dma_semaphore, #tpu.memory_space<semaphore_mem>>)
      %dma_wait3A = tpu.memref_slice %arg16[%multiple_of3A] : memref<100096xf32, #tpu.memory_space<vmem_shared>> -> memref<6256xf32, #tpu.memory_space<vmem_shared>>
      %dma_wait3A_191 = tpu.memref_slice %arg16[%multiple_of3A] : memref<100096xf32, #tpu.memory_space<vmem_shared>> -> memref<6256xf32, #tpu.memory_space<vmem_shared>>
      tpu.wait_dma2 semaphore(%run_scoped3A : memref<!tpu.dma_semaphore, #tpu.memory_space<semaphore_mem>>) src(%arg33 : memref<6256xf32, #tpu.memory_space<vmem>>) dst(%dma_wait3A_191 : memref<6256xf32, #tpu.memory_space<vmem_shared>>)
      tpu.yield
    }) : () -> ()
    %mul3A_43 = arith.constant 8 : i32
    %mul3A_44 = arith.muli %arg0, %mul3A_43 : i32
    %add3A_45 = arith.constant 2 : i32
    %add3A_46 = arith.addi %mul3A_44, %add3A_45 : i32
    %mul3A_47 = arith.constant 100096 : i32
    %mul3A_48 = arith.muli %add3A_46, %mul3A_47 : i32
    %mul3A_49 = arith.constant 6256 : i32
    %mul3A_50 = arith.muli %arg1, %mul3A_49 : i32
    %add3A_51 = arith.addi %mul3A_48, %mul3A_50 : i32
    %multiple_of3A_52 = tpu.assume_multiple %add3A_51, 8 : i32
    "tpu.region"() ({
      %run_scoped3A = tpu.sem_alloc : memref<!tpu.dma_semaphore, #tpu.memory_space<semaphore_mem>>
      %dma_start3A = tpu.memref_slice %arg4[%multiple_of3A_52] : memref<1601536xf32, #tpu.memory_space<hbm>> -> memref<6256xf32, #tpu.memory_space<hbm>>
      %dma_start3A_190 = tpu.memref_slice %arg4[%multiple_of3A_52] : memref<1601536xf32, #tpu.memory_space<hbm>> -> memref<6256xf32, #tpu.memory_space<hbm>>
      tpu.enqueue_dma source(%dma_start3A_190 : memref<6256xf32, #tpu.memory_space<hbm>>) target(%arg33 : memref<6256xf32, #tpu.memory_space<vmem>>) target_semaphore(%run_scoped3A : memref<!tpu.dma_semaphore, #tpu.memory_space<semaphore_mem>>)
      %dma_wait3A = tpu.memref_slice %arg4[%multiple_of3A_52] : memref<1601536xf32, #tpu.memory_space<hbm>> -> memref<6256xf32, #tpu.memory_space<hbm>>
      %dma_wait3A_191 = tpu.memref_slice %arg4[%multiple_of3A_52] : memref<1601536xf32, #tpu.memory_space<hbm>> -> memref<6256xf32, #tpu.memory_space<hbm>>
      tpu.wait_dma2 semaphore(%run_scoped3A : memref<!tpu.dma_semaphore, #tpu.memory_space<semaphore_mem>>) src(%dma_wait3A_191 : memref<6256xf32, #tpu.memory_space<hbm>>) dst(%arg33 : memref<6256xf32, #tpu.memory_space<vmem>>)
      tpu.yield
    }) : () -> ()
    "tpu.region"() ({
      %run_scoped3A = tpu.sem_alloc : memref<!tpu.dma_semaphore, #tpu.memory_space<semaphore_mem>>
      %dma_start3A = tpu.memref_slice %arg17[%multiple_of3A] : memref<100096xf32, #tpu.memory_space<vmem_shared>> -> memref<6256xf32, #tpu.memory_space<vmem_shared>>
      %dma_start3A_190 = tpu.memref_slice %arg17[%multiple_of3A] : memref<100096xf32, #tpu.memory_space<vmem_shared>> -> memref<6256xf32, #tpu.memory_space<vmem_shared>>
      tpu.enqueue_dma source(%arg33 : memref<6256xf32, #tpu.memory_space<vmem>>) target(%dma_start3A_190 : memref<6256xf32, #tpu.memory_space<vmem_shared>>) target_semaphore(%run_scoped3A : memref<!tpu.dma_semaphore, #tpu.memory_space<semaphore_mem>>)
      %dma_wait3A = tpu.memref_slice %arg17[%multiple_of3A] : memref<100096xf32, #tpu.memory_space<vmem_shared>> -> memref<6256xf32, #tpu.memory_space<vmem_shared>>
      %dma_wait3A_191 = tpu.memref_slice %arg17[%multiple_of3A] : memref<100096xf32, #tpu.memory_space<vmem_shared>> -> memref<6256xf32, #tpu.memory_space<vmem_shared>>
      tpu.wait_dma2 semaphore(%run_scoped3A : memref<!tpu.dma_semaphore, #tpu.memory_space<semaphore_mem>>) src(%arg33 : memref<6256xf32, #tpu.memory_space<vmem>>) dst(%dma_wait3A_191 : memref<6256xf32, #tpu.memory_space<vmem_shared>>)
      tpu.yield
    }) : () -> ()
    %mul3A_53 = arith.constant 8 : i32
    %mul3A_54 = arith.muli %arg0, %mul3A_53 : i32
    %add3A_55 = arith.constant 3 : i32
    %add3A_56 = arith.addi %mul3A_54, %add3A_55 : i32
    %mul3A_57 = arith.constant 100096 : i32
    %mul3A_58 = arith.muli %add3A_56, %mul3A_57 : i32
    %mul3A_59 = arith.constant 6256 : i32
    %mul3A_60 = arith.muli %arg1, %mul3A_59 : i32
    %add3A_61 = arith.addi %mul3A_58, %mul3A_60 : i32
    %multiple_of3A_62 = tpu.assume_multiple %add3A_61, 8 : i32
    "tpu.region"() ({
      %run_scoped3A = tpu.sem_alloc : memref<!tpu.dma_semaphore, #tpu.memory_space<semaphore_mem>>
      %dma_start3A = tpu.memref_slice %arg4[%multiple_of3A_62] : memref<1601536xf32, #tpu.memory_space<hbm>> -> memref<6256xf32, #tpu.memory_space<hbm>>
      %dma_start3A_190 = tpu.memref_slice %arg4[%multiple_of3A_62] : memref<1601536xf32, #tpu.memory_space<hbm>> -> memref<6256xf32, #tpu.memory_space<hbm>>
      tpu.enqueue_dma source(%dma_start3A_190 : memref<6256xf32, #tpu.memory_space<hbm>>) target(%arg33 : memref<6256xf32, #tpu.memory_space<vmem>>) target_semaphore(%run_scoped3A : memref<!tpu.dma_semaphore, #tpu.memory_space<semaphore_mem>>)
      %dma_wait3A = tpu.memref_slice %arg4[%multiple_of3A_62] : memref<1601536xf32, #tpu.memory_space<hbm>> -> memref<6256xf32, #tpu.memory_space<hbm>>
      %dma_wait3A_191 = tpu.memref_slice %arg4[%multiple_of3A_62] : memref<1601536xf32, #tpu.memory_space<hbm>> -> memref<6256xf32, #tpu.memory_space<hbm>>
      tpu.wait_dma2 semaphore(%run_scoped3A : memref<!tpu.dma_semaphore, #tpu.memory_space<semaphore_mem>>) src(%dma_wait3A_191 : memref<6256xf32, #tpu.memory_space<hbm>>) dst(%arg33 : memref<6256xf32, #tpu.memory_space<vmem>>)
      tpu.yield
    }) : () -> ()
    "tpu.region"() ({
      %run_scoped3A = tpu.sem_alloc : memref<!tpu.dma_semaphore, #tpu.memory_space<semaphore_mem>>
      %dma_start3A = tpu.memref_slice %arg18[%multiple_of3A] : memref<100096xf32, #tpu.memory_space<vmem_shared>> -> memref<6256xf32, #tpu.memory_space<vmem_shared>>
      %dma_start3A_190 = tpu.memref_slice %arg18[%multiple_of3A] : memref<100096xf32, #tpu.memory_space<vmem_shared>> -> memref<6256xf32, #tpu.memory_space<vmem_shared>>
      tpu.enqueue_dma source(%arg33 : memref<6256xf32, #tpu.memory_space<vmem>>) target(%dma_start3A_190 : memref<6256xf32, #tpu.memory_space<vmem_shared>>) target_semaphore(%run_scoped3A : memref<!tpu.dma_semaphore, #tpu.memory_space<semaphore_mem>>)
      %dma_wait3A = tpu.memref_slice %arg18[%multiple_of3A] : memref<100096xf32, #tpu.memory_space<vmem_shared>> -> memref<6256xf32, #tpu.memory_space<vmem_shared>>
      %dma_wait3A_191 = tpu.memref_slice %arg18[%multiple_of3A] : memref<100096xf32, #tpu.memory_space<vmem_shared>> -> memref<6256xf32, #tpu.memory_space<vmem_shared>>
      tpu.wait_dma2 semaphore(%run_scoped3A : memref<!tpu.dma_semaphore, #tpu.memory_space<semaphore_mem>>) src(%arg33 : memref<6256xf32, #tpu.memory_space<vmem>>) dst(%dma_wait3A_191 : memref<6256xf32, #tpu.memory_space<vmem_shared>>)
      tpu.yield
    }) : () -> ()
    %mul3A_63 = arith.constant 8 : i32
    %mul3A_64 = arith.muli %arg0, %mul3A_63 : i32
    %add3A_65 = arith.constant 4 : i32
    %add3A_66 = arith.addi %mul3A_64, %add3A_65 : i32
    %mul3A_67 = arith.constant 100096 : i32
    %mul3A_68 = arith.muli %add3A_66, %mul3A_67 : i32
    %mul3A_69 = arith.constant 6256 : i32
    %mul3A_70 = arith.muli %arg1, %mul3A_69 : i32
    %add3A_71 = arith.addi %mul3A_68, %mul3A_70 : i32
    %multiple_of3A_72 = tpu.assume_multiple %add3A_71, 8 : i32
    "tpu.region"() ({
      %run_scoped3A = tpu.sem_alloc : memref<!tpu.dma_semaphore, #tpu.memory_space<semaphore_mem>>
      %dma_start3A = tpu.memref_slice %arg4[%multiple_of3A_72] : memref<1601536xf32, #tpu.memory_space<hbm>> -> memref<6256xf32, #tpu.memory_space<hbm>>
      %dma_start3A_190 = tpu.memref_slice %arg4[%multiple_of3A_72] : memref<1601536xf32, #tpu.memory_space<hbm>> -> memref<6256xf32, #tpu.memory_space<hbm>>
      tpu.enqueue_dma source(%dma_start3A_190 : memref<6256xf32, #tpu.memory_space<hbm>>) target(%arg33 : memref<6256xf32, #tpu.memory_space<vmem>>) target_semaphore(%run_scoped3A : memref<!tpu.dma_semaphore, #tpu.memory_space<semaphore_mem>>)
      %dma_wait3A = tpu.memref_slice %arg4[%multiple_of3A_72] : memref<1601536xf32, #tpu.memory_space<hbm>> -> memref<6256xf32, #tpu.memory_space<hbm>>
      %dma_wait3A_191 = tpu.memref_slice %arg4[%multiple_of3A_72] : memref<1601536xf32, #tpu.memory_space<hbm>> -> memref<6256xf32, #tpu.memory_space<hbm>>
      tpu.wait_dma2 semaphore(%run_scoped3A : memref<!tpu.dma_semaphore, #tpu.memory_space<semaphore_mem>>) src(%dma_wait3A_191 : memref<6256xf32, #tpu.memory_space<hbm>>) dst(%arg33 : memref<6256xf32, #tpu.memory_space<vmem>>)
      tpu.yield
    }) : () -> ()
    "tpu.region"() ({
      %run_scoped3A = tpu.sem_alloc : memref<!tpu.dma_semaphore, #tpu.memory_space<semaphore_mem>>
      %dma_start3A = tpu.memref_slice %arg19[%multiple_of3A] : memref<100096xf32, #tpu.memory_space<vmem_shared>> -> memref<6256xf32, #tpu.memory_space<vmem_shared>>
      %dma_start3A_190 = tpu.memref_slice %arg19[%multiple_of3A] : memref<100096xf32, #tpu.memory_space<vmem_shared>> -> memref<6256xf32, #tpu.memory_space<vmem_shared>>
      tpu.enqueue_dma source(%arg33 : memref<6256xf32, #tpu.memory_space<vmem>>) target(%dma_start3A_190 : memref<6256xf32, #tpu.memory_space<vmem_shared>>) target_semaphore(%run_scoped3A : memref<!tpu.dma_semaphore, #tpu.memory_space<semaphore_mem>>)
      %dma_wait3A = tpu.memref_slice %arg19[%multiple_of3A] : memref<100096xf32, #tpu.memory_space<vmem_shared>> -> memref<6256xf32, #tpu.memory_space<vmem_shared>>
      %dma_wait3A_191 = tpu.memref_slice %arg19[%multiple_of3A] : memref<100096xf32, #tpu.memory_space<vmem_shared>> -> memref<6256xf32, #tpu.memory_space<vmem_shared>>
      tpu.wait_dma2 semaphore(%run_scoped3A : memref<!tpu.dma_semaphore, #tpu.memory_space<semaphore_mem>>) src(%arg33 : memref<6256xf32, #tpu.memory_space<vmem>>) dst(%dma_wait3A_191 : memref<6256xf32, #tpu.memory_space<vmem_shared>>)
      tpu.yield
    }) : () -> ()
    %mul3A_73 = arith.constant 8 : i32
    %mul3A_74 = arith.muli %arg0, %mul3A_73 : i32
    %add3A_75 = arith.constant 5 : i32
    %add3A_76 = arith.addi %mul3A_74, %add3A_75 : i32
    %mul3A_77 = arith.constant 100096 : i32
    %mul3A_78 = arith.muli %add3A_76, %mul3A_77 : i32
    %mul3A_79 = arith.constant 6256 : i32
    %mul3A_80 = arith.muli %arg1, %mul3A_79 : i32
    %add3A_81 = arith.addi %mul3A_78, %mul3A_80 : i32
    %multiple_of3A_82 = tpu.assume_multiple %add3A_81, 8 : i32
    "tpu.region"() ({
      %run_scoped3A = tpu.sem_alloc : memref<!tpu.dma_semaphore, #tpu.memory_space<semaphore_mem>>
      %dma_start3A = tpu.memref_slice %arg4[%multiple_of3A_82] : memref<1601536xf32, #tpu.memory_space<hbm>> -> memref<6256xf32, #tpu.memory_space<hbm>>
      %dma_start3A_190 = tpu.memref_slice %arg4[%multiple_of3A_82] : memref<1601536xf32, #tpu.memory_space<hbm>> -> memref<6256xf32, #tpu.memory_space<hbm>>
      tpu.enqueue_dma source(%dma_start3A_190 : memref<6256xf32, #tpu.memory_space<hbm>>) target(%arg33 : memref<6256xf32, #tpu.memory_space<vmem>>) target_semaphore(%run_scoped3A : memref<!tpu.dma_semaphore, #tpu.memory_space<semaphore_mem>>)
      %dma_wait3A = tpu.memref_slice %arg4[%multiple_of3A_82] : memref<1601536xf32, #tpu.memory_space<hbm>> -> memref<6256xf32, #tpu.memory_space<hbm>>
      %dma_wait3A_191 = tpu.memref_slice %arg4[%multiple_of3A_82] : memref<1601536xf32, #tpu.memory_space<hbm>> -> memref<6256xf32, #tpu.memory_space<hbm>>
      tpu.wait_dma2 semaphore(%run_scoped3A : memref<!tpu.dma_semaphore, #tpu.memory_space<semaphore_mem>>) src(%dma_wait3A_191 : memref<6256xf32, #tpu.memory_space<hbm>>) dst(%arg33 : memref<6256xf32, #tpu.memory_space<vmem>>)
      tpu.yield
    }) : () -> ()
    "tpu.region"() ({
      %run_scoped3A = tpu.sem_alloc : memref<!tpu.dma_semaphore, #tpu.memory_space<semaphore_mem>>
      %dma_start3A = tpu.memref_slice %arg20[%multiple_of3A] : memref<100096xf32, #tpu.memory_space<vmem_shared>> -> memref<6256xf32, #tpu.memory_space<vmem_shared>>
      %dma_start3A_190 = tpu.memref_slice %arg20[%multiple_of3A] : memref<100096xf32, #tpu.memory_space<vmem_shared>> -> memref<6256xf32, #tpu.memory_space<vmem_shared>>
      tpu.enqueue_dma source(%arg33 : memref<6256xf32, #tpu.memory_space<vmem>>) target(%dma_start3A_190 : memref<6256xf32, #tpu.memory_space<vmem_shared>>) target_semaphore(%run_scoped3A : memref<!tpu.dma_semaphore, #tpu.memory_space<semaphore_mem>>)
      %dma_wait3A = tpu.memref_slice %arg20[%multiple_of3A] : memref<100096xf32, #tpu.memory_space<vmem_shared>> -> memref<6256xf32, #tpu.memory_space<vmem_shared>>
      %dma_wait3A_191 = tpu.memref_slice %arg20[%multiple_of3A] : memref<100096xf32, #tpu.memory_space<vmem_shared>> -> memref<6256xf32, #tpu.memory_space<vmem_shared>>
      tpu.wait_dma2 semaphore(%run_scoped3A : memref<!tpu.dma_semaphore, #tpu.memory_space<semaphore_mem>>) src(%arg33 : memref<6256xf32, #tpu.memory_space<vmem>>) dst(%dma_wait3A_191 : memref<6256xf32, #tpu.memory_space<vmem_shared>>)
      tpu.yield
    }) : () -> ()
    %mul3A_83 = arith.constant 8 : i32
    %mul3A_84 = arith.muli %arg0, %mul3A_83 : i32
    %add3A_85 = arith.constant 6 : i32
    %add3A_86 = arith.addi %mul3A_84, %add3A_85 : i32
    %mul3A_87 = arith.constant 100096 : i32
    %mul3A_88 = arith.muli %add3A_86, %mul3A_87 : i32
    %mul3A_89 = arith.constant 6256 : i32
    %mul3A_90 = arith.muli %arg1, %mul3A_89 : i32
    %add3A_91 = arith.addi %mul3A_88, %mul3A_90 : i32
    %multiple_of3A_92 = tpu.assume_multiple %add3A_91, 8 : i32
    "tpu.region"() ({
      %run_scoped3A = tpu.sem_alloc : memref<!tpu.dma_semaphore, #tpu.memory_space<semaphore_mem>>
      %dma_start3A = tpu.memref_slice %arg4[%multiple_of3A_92] : memref<1601536xf32, #tpu.memory_space<hbm>> -> memref<6256xf32, #tpu.memory_space<hbm>>
      %dma_start3A_190 = tpu.memref_slice %arg4[%multiple_of3A_92] : memref<1601536xf32, #tpu.memory_space<hbm>> -> memref<6256xf32, #tpu.memory_space<hbm>>
      tpu.enqueue_dma source(%dma_start3A_190 : memref<6256xf32, #tpu.memory_space<hbm>>) target(%arg33 : memref<6256xf32, #tpu.memory_space<vmem>>) target_semaphore(%run_scoped3A : memref<!tpu.dma_semaphore, #tpu.memory_space<semaphore_mem>>)
      %dma_wait3A = tpu.memref_slice %arg4[%multiple_of3A_92] : memref<1601536xf32, #tpu.memory_space<hbm>> -> memref<6256xf32, #tpu.memory_space<hbm>>
      %dma_wait3A_191 = tpu.memref_slice %arg4[%multiple_of3A_92] : memref<1601536xf32, #tpu.memory_space<hbm>> -> memref<6256xf32, #tpu.memory_space<hbm>>
      tpu.wait_dma2 semaphore(%run_scoped3A : memref<!tpu.dma_semaphore, #tpu.memory_space<semaphore_mem>>) src(%dma_wait3A_191 : memref<6256xf32, #tpu.memory_space<hbm>>) dst(%arg33 : memref<6256xf32, #tpu.memory_space<vmem>>)
      tpu.yield
    }) : () -> ()
    "tpu.region"() ({
      %run_scoped3A = tpu.sem_alloc : memref<!tpu.dma_semaphore, #tpu.memory_space<semaphore_mem>>
      %dma_start3A = tpu.memref_slice %arg21[%multiple_of3A] : memref<100096xf32, #tpu.memory_space<vmem_shared>> -> memref<6256xf32, #tpu.memory_space<vmem_shared>>
      %dma_start3A_190 = tpu.memref_slice %arg21[%multiple_of3A] : memref<100096xf32, #tpu.memory_space<vmem_shared>> -> memref<6256xf32, #tpu.memory_space<vmem_shared>>
      tpu.enqueue_dma source(%arg33 : memref<6256xf32, #tpu.memory_space<vmem>>) target(%dma_start3A_190 : memref<6256xf32, #tpu.memory_space<vmem_shared>>) target_semaphore(%run_scoped3A : memref<!tpu.dma_semaphore, #tpu.memory_space<semaphore_mem>>)
      %dma_wait3A = tpu.memref_slice %arg21[%multiple_of3A] : memref<100096xf32, #tpu.memory_space<vmem_shared>> -> memref<6256xf32, #tpu.memory_space<vmem_shared>>
      %dma_wait3A_191 = tpu.memref_slice %arg21[%multiple_of3A] : memref<100096xf32, #tpu.memory_space<vmem_shared>> -> memref<6256xf32, #tpu.memory_space<vmem_shared>>
      tpu.wait_dma2 semaphore(%run_scoped3A : memref<!tpu.dma_semaphore, #tpu.memory_space<semaphore_mem>>) src(%arg33 : memref<6256xf32, #tpu.memory_space<vmem>>) dst(%dma_wait3A_191 : memref<6256xf32, #tpu.memory_space<vmem_shared>>)
      tpu.yield
    }) : () -> ()
    %mul3A_93 = arith.constant 8 : i32
    %mul3A_94 = arith.muli %arg0, %mul3A_93 : i32
    %add3A_95 = arith.constant 7 : i32
    %add3A_96 = arith.addi %mul3A_94, %add3A_95 : i32
    %mul3A_97 = arith.constant 100096 : i32
    %mul3A_98 = arith.muli %add3A_96, %mul3A_97 : i32
    %mul3A_99 = arith.constant 6256 : i32
    %mul3A_100 = arith.muli %arg1, %mul3A_99 : i32
    %add3A_101 = arith.addi %mul3A_98, %mul3A_100 : i32
    %multiple_of3A_102 = tpu.assume_multiple %add3A_101, 8 : i32
    "tpu.region"() ({
      %run_scoped3A = tpu.sem_alloc : memref<!tpu.dma_semaphore, #tpu.memory_space<semaphore_mem>>
      %dma_start3A = tpu.memref_slice %arg4[%multiple_of3A_102] : memref<1601536xf32, #tpu.memory_space<hbm>> -> memref<6256xf32, #tpu.memory_space<hbm>>
      %dma_start3A_190 = tpu.memref_slice %arg4[%multiple_of3A_102] : memref<1601536xf32, #tpu.memory_space<hbm>> -> memref<6256xf32, #tpu.memory_space<hbm>>
      tpu.enqueue_dma source(%dma_start3A_190 : memref<6256xf32, #tpu.memory_space<hbm>>) target(%arg33 : memref<6256xf32, #tpu.memory_space<vmem>>) target_semaphore(%run_scoped3A : memref<!tpu.dma_semaphore, #tpu.memory_space<semaphore_mem>>)
      %dma_wait3A = tpu.memref_slice %arg4[%multiple_of3A_102] : memref<1601536xf32, #tpu.memory_space<hbm>> -> memref<6256xf32, #tpu.memory_space<hbm>>
      %dma_wait3A_191 = tpu.memref_slice %arg4[%multiple_of3A_102] : memref<1601536xf32, #tpu.memory_space<hbm>> -> memref<6256xf32, #tpu.memory_space<hbm>>
      tpu.wait_dma2 semaphore(%run_scoped3A : memref<!tpu.dma_semaphore, #tpu.memory_space<semaphore_mem>>) src(%dma_wait3A_191 : memref<6256xf32, #tpu.memory_space<hbm>>) dst(%arg33 : memref<6256xf32, #tpu.memory_space<vmem>>)
      tpu.yield
    }) : () -> ()
    "tpu.region"() ({
      %run_scoped3A = tpu.sem_alloc : memref<!tpu.dma_semaphore, #tpu.memory_space<semaphore_mem>>
      %dma_start3A = tpu.memref_slice %arg22[%multiple_of3A] : memref<100096xf32, #tpu.memory_space<vmem_shared>> -> memref<6256xf32, #tpu.memory_space<vmem_shared>>
      %dma_start3A_190 = tpu.memref_slice %arg22[%multiple_of3A] : memref<100096xf32, #tpu.memory_space<vmem_shared>> -> memref<6256xf32, #tpu.memory_space<vmem_shared>>
      tpu.enqueue_dma source(%arg33 : memref<6256xf32, #tpu.memory_space<vmem>>) target(%dma_start3A_190 : memref<6256xf32, #tpu.memory_space<vmem_shared>>) target_semaphore(%run_scoped3A : memref<!tpu.dma_semaphore, #tpu.memory_space<semaphore_mem>>)
      %dma_wait3A = tpu.memref_slice %arg22[%multiple_of3A] : memref<100096xf32, #tpu.memory_space<vmem_shared>> -> memref<6256xf32, #tpu.memory_space<vmem_shared>>
      %dma_wait3A_191 = tpu.memref_slice %arg22[%multiple_of3A] : memref<100096xf32, #tpu.memory_space<vmem_shared>> -> memref<6256xf32, #tpu.memory_space<vmem_shared>>
      tpu.wait_dma2 semaphore(%run_scoped3A : memref<!tpu.dma_semaphore, #tpu.memory_space<semaphore_mem>>) src(%arg33 : memref<6256xf32, #tpu.memory_space<vmem>>) dst(%dma_wait3A_191 : memref<6256xf32, #tpu.memory_space<vmem_shared>>)
      tpu.yield
    }) : () -> ()
    %barrier3A = arith.constant 0 : index
    tpu.barrier barrier_id(%barrier3A)
    %scan3A_103 = arith.constant 0 : i32
    %scan3A_104 = arith.constant 0 : i32
    %scan3A_105 = arith.constant 100 : i32
    %scan3A_106 = arith.addi %scan3A_104, %scan3A_105 : i32
    %scan3A_107 = arith.constant 1 : i32
    scf.for %scan3A_190 = %scan3A_104 to %scan3A_106 step %scan3A_107  : i32 {
      %mul3A_191 = arith.constant 2048 : i32
      %mul3A_192 = arith.muli %scan3A_190, %mul3A_191 : i32
      %add3A_193 = arith.addi %mul3A_0, %mul3A_192 : i32
      %multiple_of3A_194 = tpu.assume_multiple %add3A_193, 128 : i32
      "tpu.region"() ({
        %run_scoped3A = tpu.sem_alloc : memref<!tpu.dma_semaphore, #tpu.memory_space<semaphore_mem>>
        %dma_start3A_225 = tpu.memref_slice %arg2[%multiple_of3A_194] : memref<3276800xi32, #tpu.memory_space<hbm>> -> memref<2048xi32, #tpu.memory_space<hbm>>
        %dma_start3A_226 = tpu.memref_slice %arg2[%multiple_of3A_194] : memref<3276800xi32, #tpu.memory_space<hbm>> -> memref<2048xi32, #tpu.memory_space<hbm>>
        tpu.enqueue_dma source(%dma_start3A_226 : memref<2048xi32, #tpu.memory_space<hbm>>) target(%arg24 : memref<2048xi32, #tpu.memory_space<vmem>>) target_semaphore(%run_scoped3A : memref<!tpu.dma_semaphore, #tpu.memory_space<semaphore_mem>>)
        %dma_wait3A_227 = tpu.memref_slice %arg2[%multiple_of3A_194] : memref<3276800xi32, #tpu.memory_space<hbm>> -> memref<2048xi32, #tpu.memory_space<hbm>>
        %dma_wait3A_228 = tpu.memref_slice %arg2[%multiple_of3A_194] : memref<3276800xi32, #tpu.memory_space<hbm>> -> memref<2048xi32, #tpu.memory_space<hbm>>
        tpu.wait_dma2 semaphore(%run_scoped3A : memref<!tpu.dma_semaphore, #tpu.memory_space<semaphore_mem>>) src(%dma_wait3A_228 : memref<2048xi32, #tpu.memory_space<hbm>>) dst(%arg24 : memref<2048xi32, #tpu.memory_space<vmem>>)
        tpu.yield
      }) : () -> ()
      "tpu.region"() ({
        %run_scoped3A = tpu.sem_alloc : memref<!tpu.dma_semaphore, #tpu.memory_space<semaphore_mem>>
        %dma_start3A_225 = tpu.memref_slice %arg3[%multiple_of3A_194] : memref<3276800xi32, #tpu.memory_space<hbm>> -> memref<2048xi32, #tpu.memory_space<hbm>>
        %dma_start3A_226 = tpu.memref_slice %arg3[%multiple_of3A_194] : memref<3276800xi32, #tpu.memory_space<hbm>> -> memref<2048xi32, #tpu.memory_space<hbm>>
        tpu.enqueue_dma source(%dma_start3A_226 : memref<2048xi32, #tpu.memory_space<hbm>>) target(%arg14 : memref<2048xi32, #tpu.memory_space<vmem>>) target_semaphore(%run_scoped3A : memref<!tpu.dma_semaphore, #tpu.memory_space<semaphore_mem>>)
        %dma_wait3A_227 = tpu.memref_slice %arg3[%multiple_of3A_194] : memref<3276800xi32, #tpu.memory_space<hbm>> -> memref<2048xi32, #tpu.memory_space<hbm>>
        %dma_wait3A_228 = tpu.memref_slice %arg3[%multiple_of3A_194] : memref<3276800xi32, #tpu.memory_space<hbm>> -> memref<2048xi32, #tpu.memory_space<hbm>>
        tpu.wait_dma2 semaphore(%run_scoped3A : memref<!tpu.dma_semaphore, #tpu.memory_space<semaphore_mem>>) src(%dma_wait3A_228 : memref<2048xi32, #tpu.memory_space<hbm>>) dst(%arg14 : memref<2048xi32, #tpu.memory_space<vmem>>)
        tpu.yield
      }) : () -> ()
      %dma_start3A = arith.constant 0 : i32
      %dma_start3A_195 = tpu.memref_slice %arg15[%dma_start3A] : memref<100096xf32, #tpu.memory_space<vmem_shared>> -> memref<100096xf32, #tpu.memory_space<vmem_shared>>
      tpu.enqueue_indirect_dma source(%dma_start3A_195 : memref<100096xf32, #tpu.memory_space<vmem_shared>>) target(%arg25 : memref<2048xf32, #tpu.memory_space<vmem>>) offsets(%arg24 : memref<2048xi32, #tpu.memory_space<vmem>>) semaphore(%arg23 : memref<!tpu.dma_semaphore, #tpu.memory_space<semaphore_mem>>)
      %dma_start3A_196 = arith.constant 0 : i32
      %dma_start3A_197 = tpu.memref_slice %arg16[%dma_start3A_196] : memref<100096xf32, #tpu.memory_space<vmem_shared>> -> memref<100096xf32, #tpu.memory_space<vmem_shared>>
      tpu.enqueue_indirect_dma source(%dma_start3A_197 : memref<100096xf32, #tpu.memory_space<vmem_shared>>) target(%arg26 : memref<2048xf32, #tpu.memory_space<vmem>>) offsets(%arg24 : memref<2048xi32, #tpu.memory_space<vmem>>) semaphore(%arg23 : memref<!tpu.dma_semaphore, #tpu.memory_space<semaphore_mem>>)
      %dma_start3A_198 = arith.constant 0 : i32
      %dma_start3A_199 = tpu.memref_slice %arg17[%dma_start3A_198] : memref<100096xf32, #tpu.memory_space<vmem_shared>> -> memref<100096xf32, #tpu.memory_space<vmem_shared>>
      tpu.enqueue_indirect_dma source(%dma_start3A_199 : memref<100096xf32, #tpu.memory_space<vmem_shared>>) target(%arg27 : memref<2048xf32, #tpu.memory_space<vmem>>) offsets(%arg24 : memref<2048xi32, #tpu.memory_space<vmem>>) semaphore(%arg23 : memref<!tpu.dma_semaphore, #tpu.memory_space<semaphore_mem>>)
      %dma_start3A_200 = arith.constant 0 : i32
      %dma_start3A_201 = tpu.memref_slice %arg18[%dma_start3A_200] : memref<100096xf32, #tpu.memory_space<vmem_shared>> -> memref<100096xf32, #tpu.memory_space<vmem_shared>>
      tpu.enqueue_indirect_dma source(%dma_start3A_201 : memref<100096xf32, #tpu.memory_space<vmem_shared>>) target(%arg28 : memref<2048xf32, #tpu.memory_space<vmem>>) offsets(%arg24 : memref<2048xi32, #tpu.memory_space<vmem>>) semaphore(%arg23 : memref<!tpu.dma_semaphore, #tpu.memory_space<semaphore_mem>>)
      %dma_start3A_202 = arith.constant 0 : i32
      %dma_start3A_203 = tpu.memref_slice %arg19[%dma_start3A_202] : memref<100096xf32, #tpu.memory_space<vmem_shared>> -> memref<100096xf32, #tpu.memory_space<vmem_shared>>
      tpu.enqueue_indirect_dma source(%dma_start3A_203 : memref<100096xf32, #tpu.memory_space<vmem_shared>>) target(%arg29 : memref<2048xf32, #tpu.memory_space<vmem>>) offsets(%arg24 : memref<2048xi32, #tpu.memory_space<vmem>>) semaphore(%arg23 : memref<!tpu.dma_semaphore, #tpu.memory_space<semaphore_mem>>)
      %dma_start3A_204 = arith.constant 0 : i32
      %dma_start3A_205 = tpu.memref_slice %arg20[%dma_start3A_204] : memref<100096xf32, #tpu.memory_space<vmem_shared>> -> memref<100096xf32, #tpu.memory_space<vmem_shared>>
      tpu.enqueue_indirect_dma source(%dma_start3A_205 : memref<100096xf32, #tpu.memory_space<vmem_shared>>) target(%arg30 : memref<2048xf32, #tpu.memory_space<vmem>>) offsets(%arg24 : memref<2048xi32, #tpu.memory_space<vmem>>) semaphore(%arg23 : memref<!tpu.dma_semaphore, #tpu.memory_space<semaphore_mem>>)
      %dma_start3A_206 = arith.constant 0 : i32
      %dma_start3A_207 = tpu.memref_slice %arg21[%dma_start3A_206] : memref<100096xf32, #tpu.memory_space<vmem_shared>> -> memref<100096xf32, #tpu.memory_space<vmem_shared>>
      tpu.enqueue_indirect_dma source(%dma_start3A_207 : memref<100096xf32, #tpu.memory_space<vmem_shared>>) target(%arg31 : memref<2048xf32, #tpu.memory_space<vmem>>) offsets(%arg24 : memref<2048xi32, #tpu.memory_space<vmem>>) semaphore(%arg23 : memref<!tpu.dma_semaphore, #tpu.memory_space<semaphore_mem>>)
      %dma_start3A_208 = arith.constant 0 : i32
      %dma_start3A_209 = tpu.memref_slice %arg22[%dma_start3A_208] : memref<100096xf32, #tpu.memory_space<vmem_shared>> -> memref<100096xf32, #tpu.memory_space<vmem_shared>>
      tpu.enqueue_indirect_dma source(%dma_start3A_209 : memref<100096xf32, #tpu.memory_space<vmem_shared>>) target(%arg32 : memref<2048xf32, #tpu.memory_space<vmem>>) offsets(%arg24 : memref<2048xi32, #tpu.memory_space<vmem>>) semaphore(%arg23 : memref<!tpu.dma_semaphore, #tpu.memory_space<semaphore_mem>>)
      %dma_wait3A = arith.constant 0 : i32
      %dma_wait3A_210 = tpu.memref_slice %arg15[%dma_wait3A] : memref<100096xf32, #tpu.memory_space<vmem_shared>> -> memref<100096xf32, #tpu.memory_space<vmem_shared>>
      tpu.wait_indirect_dma semaphore(%arg23 : memref<!tpu.dma_semaphore, #tpu.memory_space<semaphore_mem>>) src(%dma_wait3A_210 : memref<100096xf32, #tpu.memory_space<vmem_shared>>) dst(%arg25 : memref<2048xf32, #tpu.memory_space<vmem>>)
      %dma_wait3A_211 = arith.constant 0 : i32
      %dma_wait3A_212 = tpu.memref_slice %arg16[%dma_wait3A_211] : memref<100096xf32, #tpu.memory_space<vmem_shared>> -> memref<100096xf32, #tpu.memory_space<vmem_shared>>
      tpu.wait_indirect_dma semaphore(%arg23 : memref<!tpu.dma_semaphore, #tpu.memory_space<semaphore_mem>>) src(%dma_wait3A_212 : memref<100096xf32, #tpu.memory_space<vmem_shared>>) dst(%arg26 : memref<2048xf32, #tpu.memory_space<vmem>>)
      %dma_wait3A_213 = arith.constant 0 : i32
      %dma_wait3A_214 = tpu.memref_slice %arg17[%dma_wait3A_213] : memref<100096xf32, #tpu.memory_space<vmem_shared>> -> memref<100096xf32, #tpu.memory_space<vmem_shared>>
      tpu.wait_indirect_dma semaphore(%arg23 : memref<!tpu.dma_semaphore, #tpu.memory_space<semaphore_mem>>) src(%dma_wait3A_214 : memref<100096xf32, #tpu.memory_space<vmem_shared>>) dst(%arg27 : memref<2048xf32, #tpu.memory_space<vmem>>)
      %dma_wait3A_215 = arith.constant 0 : i32
      %dma_wait3A_216 = tpu.memref_slice %arg18[%dma_wait3A_215] : memref<100096xf32, #tpu.memory_space<vmem_shared>> -> memref<100096xf32, #tpu.memory_space<vmem_shared>>
      tpu.wait_indirect_dma semaphore(%arg23 : memref<!tpu.dma_semaphore, #tpu.memory_space<semaphore_mem>>) src(%dma_wait3A_216 : memref<100096xf32, #tpu.memory_space<vmem_shared>>) dst(%arg28 : memref<2048xf32, #tpu.memory_space<vmem>>)
      %dma_wait3A_217 = arith.constant 0 : i32
      %dma_wait3A_218 = tpu.memref_slice %arg19[%dma_wait3A_217] : memref<100096xf32, #tpu.memory_space<vmem_shared>> -> memref<100096xf32, #tpu.memory_space<vmem_shared>>
      tpu.wait_indirect_dma semaphore(%arg23 : memref<!tpu.dma_semaphore, #tpu.memory_space<semaphore_mem>>) src(%dma_wait3A_218 : memref<100096xf32, #tpu.memory_space<vmem_shared>>) dst(%arg29 : memref<2048xf32, #tpu.memory_space<vmem>>)
      %dma_wait3A_219 = arith.constant 0 : i32
      %dma_wait3A_220 = tpu.memref_slice %arg20[%dma_wait3A_219] : memref<100096xf32, #tpu.memory_space<vmem_shared>> -> memref<100096xf32, #tpu.memory_space<vmem_shared>>
      tpu.wait_indirect_dma semaphore(%arg23 : memref<!tpu.dma_semaphore, #tpu.memory_space<semaphore_mem>>) src(%dma_wait3A_220 : memref<100096xf32, #tpu.memory_space<vmem_shared>>) dst(%arg30 : memref<2048xf32, #tpu.memory_space<vmem>>)
      %dma_wait3A_221 = arith.constant 0 : i32
      %dma_wait3A_222 = tpu.memref_slice %arg21[%dma_wait3A_221] : memref<100096xf32, #tpu.memory_space<vmem_shared>> -> memref<100096xf32, #tpu.memory_space<vmem_shared>>
      tpu.wait_indirect_dma semaphore(%arg23 : memref<!tpu.dma_semaphore, #tpu.memory_space<semaphore_mem>>) src(%dma_wait3A_222 : memref<100096xf32, #tpu.memory_space<vmem_shared>>) dst(%arg31 : memref<2048xf32, #tpu.memory_space<vmem>>)
      %dma_wait3A_223 = arith.constant 0 : i32
      %dma_wait3A_224 = tpu.memref_slice %arg22[%dma_wait3A_223] : memref<100096xf32, #tpu.memory_space<vmem_shared>> -> memref<100096xf32, #tpu.memory_space<vmem_shared>>
      tpu.wait_indirect_dma semaphore(%arg23 : memref<!tpu.dma_semaphore, #tpu.memory_space<semaphore_mem>>) src(%dma_wait3A_224 : memref<100096xf32, #tpu.memory_space<vmem_shared>>) dst(%arg32 : memref<2048xf32, #tpu.memory_space<vmem>>)
      "tpu.region"() ({
        %run_scoped3A = tpu.sem_alloc : memref<!tpu.dma_semaphore, #tpu.memory_space<semaphore_mem>>
        %dma_start3A_225 = arith.constant 0 : i32
        %dma_start3A_226 = tpu.memref_slice %arg6[%dma_start3A_225] : memref<100096xf32, #tpu.memory_space<vmem_shared>> -> memref<100096xf32, #tpu.memory_space<vmem_shared>>
        tpu.enqueue_indirect_dma source(%arg25 : memref<2048xf32, #tpu.memory_space<vmem>>) target(%dma_start3A_226 : memref<100096xf32, #tpu.memory_space<vmem_shared>>) offsets(%arg14 : memref<2048xi32, #tpu.memory_space<vmem>>) semaphore(%run_scoped3A : memref<!tpu.dma_semaphore, #tpu.memory_space<semaphore_mem>>) {add = true}
        %dma_wait3A_227 = arith.constant 0 : i32
        %dma_wait3A_228 = tpu.memref_slice %arg6[%dma_wait3A_227] : memref<100096xf32, #tpu.memory_space<vmem_shared>> -> memref<100096xf32, #tpu.memory_space<vmem_shared>>
        tpu.wait_indirect_dma semaphore(%run_scoped3A : memref<!tpu.dma_semaphore, #tpu.memory_space<semaphore_mem>>) src(%arg25 : memref<2048xf32, #tpu.memory_space<vmem>>) dst(%dma_wait3A_228 : memref<100096xf32, #tpu.memory_space<vmem_shared>>)
        tpu.yield
      }) : () -> ()
      "tpu.region"() ({
        %run_scoped3A = tpu.sem_alloc : memref<!tpu.dma_semaphore, #tpu.memory_space<semaphore_mem>>
        %dma_start3A_225 = arith.constant 0 : i32
        %dma_start3A_226 = tpu.memref_slice %arg7[%dma_start3A_225] : memref<100096xf32, #tpu.memory_space<vmem_shared>> -> memref<100096xf32, #tpu.memory_space<vmem_shared>>
        tpu.enqueue_indirect_dma source(%arg26 : memref<2048xf32, #tpu.memory_space<vmem>>) target(%dma_start3A_226 : memref<100096xf32, #tpu.memory_space<vmem_shared>>) offsets(%arg14 : memref<2048xi32, #tpu.memory_space<vmem>>) semaphore(%run_scoped3A : memref<!tpu.dma_semaphore, #tpu.memory_space<semaphore_mem>>) {add = true}
        %dma_wait3A_227 = arith.constant 0 : i32
        %dma_wait3A_228 = tpu.memref_slice %arg7[%dma_wait3A_227] : memref<100096xf32, #tpu.memory_space<vmem_shared>> -> memref<100096xf32, #tpu.memory_space<vmem_shared>>
        tpu.wait_indirect_dma semaphore(%run_scoped3A : memref<!tpu.dma_semaphore, #tpu.memory_space<semaphore_mem>>) src(%arg26 : memref<2048xf32, #tpu.memory_space<vmem>>) dst(%dma_wait3A_228 : memref<100096xf32, #tpu.memory_space<vmem_shared>>)
        tpu.yield
      }) : () -> ()
      "tpu.region"() ({
        %run_scoped3A = tpu.sem_alloc : memref<!tpu.dma_semaphore, #tpu.memory_space<semaphore_mem>>
        %dma_start3A_225 = arith.constant 0 : i32
        %dma_start3A_226 = tpu.memref_slice %arg8[%dma_start3A_225] : memref<100096xf32, #tpu.memory_space<vmem_shared>> -> memref<100096xf32, #tpu.memory_space<vmem_shared>>
        tpu.enqueue_indirect_dma source(%arg27 : memref<2048xf32, #tpu.memory_space<vmem>>) target(%dma_start3A_226 : memref<100096xf32, #tpu.memory_space<vmem_shared>>) offsets(%arg14 : memref<2048xi32, #tpu.memory_space<vmem>>) semaphore(%run_scoped3A : memref<!tpu.dma_semaphore, #tpu.memory_space<semaphore_mem>>) {add = true}
        %dma_wait3A_227 = arith.constant 0 : i32
        %dma_wait3A_228 = tpu.memref_slice %arg8[%dma_wait3A_227] : memref<100096xf32, #tpu.memory_space<vmem_shared>> -> memref<100096xf32, #tpu.memory_space<vmem_shared>>
        tpu.wait_indirect_dma semaphore(%run_scoped3A : memref<!tpu.dma_semaphore, #tpu.memory_space<semaphore_mem>>) src(%arg27 : memref<2048xf32, #tpu.memory_space<vmem>>) dst(%dma_wait3A_228 : memref<100096xf32, #tpu.memory_space<vmem_shared>>)
        tpu.yield
      }) : () -> ()
      "tpu.region"() ({
        %run_scoped3A = tpu.sem_alloc : memref<!tpu.dma_semaphore, #tpu.memory_space<semaphore_mem>>
        %dma_start3A_225 = arith.constant 0 : i32
        %dma_start3A_226 = tpu.memref_slice %arg9[%dma_start3A_225] : memref<100096xf32, #tpu.memory_space<vmem_shared>> -> memref<100096xf32, #tpu.memory_space<vmem_shared>>
        tpu.enqueue_indirect_dma source(%arg28 : memref<2048xf32, #tpu.memory_space<vmem>>) target(%dma_start3A_226 : memref<100096xf32, #tpu.memory_space<vmem_shared>>) offsets(%arg14 : memref<2048xi32, #tpu.memory_space<vmem>>) semaphore(%run_scoped3A : memref<!tpu.dma_semaphore, #tpu.memory_space<semaphore_mem>>) {add = true}
        %dma_wait3A_227 = arith.constant 0 : i32
        %dma_wait3A_228 = tpu.memref_slice %arg9[%dma_wait3A_227] : memref<100096xf32, #tpu.memory_space<vmem_shared>> -> memref<100096xf32, #tpu.memory_space<vmem_shared>>
        tpu.wait_indirect_dma semaphore(%run_scoped3A : memref<!tpu.dma_semaphore, #tpu.memory_space<semaphore_mem>>) src(%arg28 : memref<2048xf32, #tpu.memory_space<vmem>>) dst(%dma_wait3A_228 : memref<100096xf32, #tpu.memory_space<vmem_shared>>)
        tpu.yield
      }) : () -> ()
      "tpu.region"() ({
        %run_scoped3A = tpu.sem_alloc : memref<!tpu.dma_semaphore, #tpu.memory_space<semaphore_mem>>
        %dma_start3A_225 = arith.constant 0 : i32
        %dma_start3A_226 = tpu.memref_slice %arg10[%dma_start3A_225] : memref<100096xf32, #tpu.memory_space<vmem_shared>> -> memref<100096xf32, #tpu.memory_space<vmem_shared>>
        tpu.enqueue_indirect_dma source(%arg29 : memref<2048xf32, #tpu.memory_space<vmem>>) target(%dma_start3A_226 : memref<100096xf32, #tpu.memory_space<vmem_shared>>) offsets(%arg14 : memref<2048xi32, #tpu.memory_space<vmem>>) semaphore(%run_scoped3A : memref<!tpu.dma_semaphore, #tpu.memory_space<semaphore_mem>>) {add = true}
        %dma_wait3A_227 = arith.constant 0 : i32
        %dma_wait3A_228 = tpu.memref_slice %arg10[%dma_wait3A_227] : memref<100096xf32, #tpu.memory_space<vmem_shared>> -> memref<100096xf32, #tpu.memory_space<vmem_shared>>
        tpu.wait_indirect_dma semaphore(%run_scoped3A : memref<!tpu.dma_semaphore, #tpu.memory_space<semaphore_mem>>) src(%arg29 : memref<2048xf32, #tpu.memory_space<vmem>>) dst(%dma_wait3A_228 : memref<100096xf32, #tpu.memory_space<vmem_shared>>)
        tpu.yield
      }) : () -> ()
      "tpu.region"() ({
        %run_scoped3A = tpu.sem_alloc : memref<!tpu.dma_semaphore, #tpu.memory_space<semaphore_mem>>
        %dma_start3A_225 = arith.constant 0 : i32
        %dma_start3A_226 = tpu.memref_slice %arg11[%dma_start3A_225] : memref<100096xf32, #tpu.memory_space<vmem_shared>> -> memref<100096xf32, #tpu.memory_space<vmem_shared>>
        tpu.enqueue_indirect_dma source(%arg30 : memref<2048xf32, #tpu.memory_space<vmem>>) target(%dma_start3A_226 : memref<100096xf32, #tpu.memory_space<vmem_shared>>) offsets(%arg14 : memref<2048xi32, #tpu.memory_space<vmem>>) semaphore(%run_scoped3A : memref<!tpu.dma_semaphore, #tpu.memory_space<semaphore_mem>>) {add = true}
        %dma_wait3A_227 = arith.constant 0 : i32
        %dma_wait3A_228 = tpu.memref_slice %arg11[%dma_wait3A_227] : memref<100096xf32, #tpu.memory_space<vmem_shared>> -> memref<100096xf32, #tpu.memory_space<vmem_shared>>
        tpu.wait_indirect_dma semaphore(%run_scoped3A : memref<!tpu.dma_semaphore, #tpu.memory_space<semaphore_mem>>) src(%arg30 : memref<2048xf32, #tpu.memory_space<vmem>>) dst(%dma_wait3A_228 : memref<100096xf32, #tpu.memory_space<vmem_shared>>)
        tpu.yield
      }) : () -> ()
      "tpu.region"() ({
        %run_scoped3A = tpu.sem_alloc : memref<!tpu.dma_semaphore, #tpu.memory_space<semaphore_mem>>
        %dma_start3A_225 = arith.constant 0 : i32
        %dma_start3A_226 = tpu.memref_slice %arg12[%dma_start3A_225] : memref<100096xf32, #tpu.memory_space<vmem_shared>> -> memref<100096xf32, #tpu.memory_space<vmem_shared>>
        tpu.enqueue_indirect_dma source(%arg31 : memref<2048xf32, #tpu.memory_space<vmem>>) target(%dma_start3A_226 : memref<100096xf32, #tpu.memory_space<vmem_shared>>) offsets(%arg14 : memref<2048xi32, #tpu.memory_space<vmem>>) semaphore(%run_scoped3A : memref<!tpu.dma_semaphore, #tpu.memory_space<semaphore_mem>>) {add = true}
        %dma_wait3A_227 = arith.constant 0 : i32
        %dma_wait3A_228 = tpu.memref_slice %arg12[%dma_wait3A_227] : memref<100096xf32, #tpu.memory_space<vmem_shared>> -> memref<100096xf32, #tpu.memory_space<vmem_shared>>
        tpu.wait_indirect_dma semaphore(%run_scoped3A : memref<!tpu.dma_semaphore, #tpu.memory_space<semaphore_mem>>) src(%arg31 : memref<2048xf32, #tpu.memory_space<vmem>>) dst(%dma_wait3A_228 : memref<100096xf32, #tpu.memory_space<vmem_shared>>)
        tpu.yield
      }) : () -> ()
      "tpu.region"() ({
        %run_scoped3A = tpu.sem_alloc : memref<!tpu.dma_semaphore, #tpu.memory_space<semaphore_mem>>
        %dma_start3A_225 = arith.constant 0 : i32
        %dma_start3A_226 = tpu.memref_slice %arg13[%dma_start3A_225] : memref<100096xf32, #tpu.memory_space<vmem_shared>> -> memref<100096xf32, #tpu.memory_space<vmem_shared>>
        tpu.enqueue_indirect_dma source(%arg32 : memref<2048xf32, #tpu.memory_space<vmem>>) target(%dma_start3A_226 : memref<100096xf32, #tpu.memory_space<vmem_shared>>) offsets(%arg14 : memref<2048xi32, #tpu.memory_space<vmem>>) semaphore(%run_scoped3A : memref<!tpu.dma_semaphore, #tpu.memory_space<semaphore_mem>>) {add = true}
        %dma_wait3A_227 = arith.constant 0 : i32
        %dma_wait3A_228 = tpu.memref_slice %arg13[%dma_wait3A_227] : memref<100096xf32, #tpu.memory_space<vmem_shared>> -> memref<100096xf32, #tpu.memory_space<vmem_shared>>
        tpu.wait_indirect_dma semaphore(%run_scoped3A : memref<!tpu.dma_semaphore, #tpu.memory_space<semaphore_mem>>) src(%arg32 : memref<2048xf32, #tpu.memory_space<vmem>>) dst(%dma_wait3A_228 : memref<100096xf32, #tpu.memory_space<vmem_shared>>)
        tpu.yield
      }) : () -> ()
    }
    %scan3A_108 = arith.constant 100 : i32
    %barrier3A_109 = arith.constant 0 : index
    tpu.barrier barrier_id(%barrier3A_109)
    %mul3A_110 = arith.constant 8 : i32
    %mul3A_111 = arith.muli %arg0, %mul3A_110 : i32
    %add3A_112 = arith.constant 0 : i32
    %add3A_113 = arith.addi %mul3A_111, %add3A_112 : i32
    %mul3A_114 = arith.constant 100096 : i32
    %mul3A_115 = arith.muli %add3A_113, %mul3A_114 : i32
    %mul3A_116 = arith.constant 6256 : i32
    %mul3A_117 = arith.muli %arg1, %mul3A_116 : i32
    %add3A_118 = arith.addi %mul3A_115, %mul3A_117 : i32
    %multiple_of3A_119 = tpu.assume_multiple %add3A_118, 8 : i32
    "tpu.region"() ({
      %run_scoped3A = tpu.sem_alloc : memref<!tpu.dma_semaphore, #tpu.memory_space<semaphore_mem>>
      %dma_start3A = tpu.memref_slice %arg6[%multiple_of3A] : memref<100096xf32, #tpu.memory_space<vmem_shared>> -> memref<6256xf32, #tpu.memory_space<vmem_shared>>
      %dma_start3A_190 = tpu.memref_slice %arg6[%multiple_of3A] : memref<100096xf32, #tpu.memory_space<vmem_shared>> -> memref<6256xf32, #tpu.memory_space<vmem_shared>>
      tpu.enqueue_dma source(%dma_start3A_190 : memref<6256xf32, #tpu.memory_space<vmem_shared>>) target(%arg33 : memref<6256xf32, #tpu.memory_space<vmem>>) target_semaphore(%run_scoped3A : memref<!tpu.dma_semaphore, #tpu.memory_space<semaphore_mem>>)
      %dma_wait3A = tpu.memref_slice %arg6[%multiple_of3A] : memref<100096xf32, #tpu.memory_space<vmem_shared>> -> memref<6256xf32, #tpu.memory_space<vmem_shared>>
      %dma_wait3A_191 = tpu.memref_slice %arg6[%multiple_of3A] : memref<100096xf32, #tpu.memory_space<vmem_shared>> -> memref<6256xf32, #tpu.memory_space<vmem_shared>>
      tpu.wait_dma2 semaphore(%run_scoped3A : memref<!tpu.dma_semaphore, #tpu.memory_space<semaphore_mem>>) src(%dma_wait3A_191 : memref<6256xf32, #tpu.memory_space<vmem_shared>>) dst(%arg33 : memref<6256xf32, #tpu.memory_space<vmem>>)
      tpu.yield
    }) : () -> ()
    "tpu.region"() ({
      %run_scoped3A = tpu.sem_alloc : memref<!tpu.dma_semaphore, #tpu.memory_space<semaphore_mem>>
      %dma_start3A = tpu.memref_slice %arg5[%multiple_of3A_119] : memref<1601536xf32, #tpu.memory_space<hbm>> -> memref<6256xf32, #tpu.memory_space<hbm>>
      %dma_start3A_190 = tpu.memref_slice %arg5[%multiple_of3A_119] : memref<1601536xf32, #tpu.memory_space<hbm>> -> memref<6256xf32, #tpu.memory_space<hbm>>
      tpu.enqueue_dma source(%arg33 : memref<6256xf32, #tpu.memory_space<vmem>>) target(%dma_start3A_190 : memref<6256xf32, #tpu.memory_space<hbm>>) target_semaphore(%run_scoped3A : memref<!tpu.dma_semaphore, #tpu.memory_space<semaphore_mem>>)
      %dma_wait3A = tpu.memref_slice %arg5[%multiple_of3A_119] : memref<1601536xf32, #tpu.memory_space<hbm>> -> memref<6256xf32, #tpu.memory_space<hbm>>
      %dma_wait3A_191 = tpu.memref_slice %arg5[%multiple_of3A_119] : memref<1601536xf32, #tpu.memory_space<hbm>> -> memref<6256xf32, #tpu.memory_space<hbm>>
      tpu.wait_dma2 semaphore(%run_scoped3A : memref<!tpu.dma_semaphore, #tpu.memory_space<semaphore_mem>>) src(%arg33 : memref<6256xf32, #tpu.memory_space<vmem>>) dst(%dma_wait3A_191 : memref<6256xf32, #tpu.memory_space<hbm>>)
      tpu.yield
    }) : () -> ()
    %mul3A_120 = arith.constant 8 : i32
    %mul3A_121 = arith.muli %arg0, %mul3A_120 : i32
    %add3A_122 = arith.constant 1 : i32
    %add3A_123 = arith.addi %mul3A_121, %add3A_122 : i32
    %mul3A_124 = arith.constant 100096 : i32
    %mul3A_125 = arith.muli %add3A_123, %mul3A_124 : i32
    %mul3A_126 = arith.constant 6256 : i32
    %mul3A_127 = arith.muli %arg1, %mul3A_126 : i32
    %add3A_128 = arith.addi %mul3A_125, %mul3A_127 : i32
    %multiple_of3A_129 = tpu.assume_multiple %add3A_128, 8 : i32
    "tpu.region"() ({
      %run_scoped3A = tpu.sem_alloc : memref<!tpu.dma_semaphore, #tpu.memory_space<semaphore_mem>>
      %dma_start3A = tpu.memref_slice %arg7[%multiple_of3A] : memref<100096xf32, #tpu.memory_space<vmem_shared>> -> memref<6256xf32, #tpu.memory_space<vmem_shared>>
      %dma_start3A_190 = tpu.memref_slice %arg7[%multiple_of3A] : memref<100096xf32, #tpu.memory_space<vmem_shared>> -> memref<6256xf32, #tpu.memory_space<vmem_shared>>
      tpu.enqueue_dma source(%dma_start3A_190 : memref<6256xf32, #tpu.memory_space<vmem_shared>>) target(%arg33 : memref<6256xf32, #tpu.memory_space<vmem>>) target_semaphore(%run_scoped3A : memref<!tpu.dma_semaphore, #tpu.memory_space<semaphore_mem>>)
      %dma_wait3A = tpu.memref_slice %arg7[%multiple_of3A] : memref<100096xf32, #tpu.memory_space<vmem_shared>> -> memref<6256xf32, #tpu.memory_space<vmem_shared>>
      %dma_wait3A_191 = tpu.memref_slice %arg7[%multiple_of3A] : memref<100096xf32, #tpu.memory_space<vmem_shared>> -> memref<6256xf32, #tpu.memory_space<vmem_shared>>
      tpu.wait_dma2 semaphore(%run_scoped3A : memref<!tpu.dma_semaphore, #tpu.memory_space<semaphore_mem>>) src(%dma_wait3A_191 : memref<6256xf32, #tpu.memory_space<vmem_shared>>) dst(%arg33 : memref<6256xf32, #tpu.memory_space<vmem>>)
      tpu.yield
    }) : () -> ()
    "tpu.region"() ({
      %run_scoped3A = tpu.sem_alloc : memref<!tpu.dma_semaphore, #tpu.memory_space<semaphore_mem>>
      %dma_start3A = tpu.memref_slice %arg5[%multiple_of3A_129] : memref<1601536xf32, #tpu.memory_space<hbm>> -> memref<6256xf32, #tpu.memory_space<hbm>>
      %dma_start3A_190 = tpu.memref_slice %arg5[%multiple_of3A_129] : memref<1601536xf32, #tpu.memory_space<hbm>> -> memref<6256xf32, #tpu.memory_space<hbm>>
      tpu.enqueue_dma source(%arg33 : memref<6256xf32, #tpu.memory_space<vmem>>) target(%dma_start3A_190 : memref<6256xf32, #tpu.memory_space<hbm>>) target_semaphore(%run_scoped3A : memref<!tpu.dma_semaphore, #tpu.memory_space<semaphore_mem>>)
      %dma_wait3A = tpu.memref_slice %arg5[%multiple_of3A_129] : memref<1601536xf32, #tpu.memory_space<hbm>> -> memref<6256xf32, #tpu.memory_space<hbm>>
      %dma_wait3A_191 = tpu.memref_slice %arg5[%multiple_of3A_129] : memref<1601536xf32, #tpu.memory_space<hbm>> -> memref<6256xf32, #tpu.memory_space<hbm>>
      tpu.wait_dma2 semaphore(%run_scoped3A : memref<!tpu.dma_semaphore, #tpu.memory_space<semaphore_mem>>) src(%arg33 : memref<6256xf32, #tpu.memory_space<vmem>>) dst(%dma_wait3A_191 : memref<6256xf32, #tpu.memory_space<hbm>>)
      tpu.yield
    }) : () -> ()
    %mul3A_130 = arith.constant 8 : i32
    %mul3A_131 = arith.muli %arg0, %mul3A_130 : i32
    %add3A_132 = arith.constant 2 : i32
    %add3A_133 = arith.addi %mul3A_131, %add3A_132 : i32
    %mul3A_134 = arith.constant 100096 : i32
    %mul3A_135 = arith.muli %add3A_133, %mul3A_134 : i32
    %mul3A_136 = arith.constant 6256 : i32
    %mul3A_137 = arith.muli %arg1, %mul3A_136 : i32
    %add3A_138 = arith.addi %mul3A_135, %mul3A_137 : i32
    %multiple_of3A_139 = tpu.assume_multiple %add3A_138, 8 : i32
    "tpu.region"() ({
      %run_scoped3A = tpu.sem_alloc : memref<!tpu.dma_semaphore, #tpu.memory_space<semaphore_mem>>
      %dma_start3A = tpu.memref_slice %arg8[%multiple_of3A] : memref<100096xf32, #tpu.memory_space<vmem_shared>> -> memref<6256xf32, #tpu.memory_space<vmem_shared>>
      %dma_start3A_190 = tpu.memref_slice %arg8[%multiple_of3A] : memref<100096xf32, #tpu.memory_space<vmem_shared>> -> memref<6256xf32, #tpu.memory_space<vmem_shared>>
      tpu.enqueue_dma source(%dma_start3A_190 : memref<6256xf32, #tpu.memory_space<vmem_shared>>) target(%arg33 : memref<6256xf32, #tpu.memory_space<vmem>>) target_semaphore(%run_scoped3A : memref<!tpu.dma_semaphore, #tpu.memory_space<semaphore_mem>>)
      %dma_wait3A = tpu.memref_slice %arg8[%multiple_of3A] : memref<100096xf32, #tpu.memory_space<vmem_shared>> -> memref<6256xf32, #tpu.memory_space<vmem_shared>>
      %dma_wait3A_191 = tpu.memref_slice %arg8[%multiple_of3A] : memref<100096xf32, #tpu.memory_space<vmem_shared>> -> memref<6256xf32, #tpu.memory_space<vmem_shared>>
      tpu.wait_dma2 semaphore(%run_scoped3A : memref<!tpu.dma_semaphore, #tpu.memory_space<semaphore_mem>>) src(%dma_wait3A_191 : memref<6256xf32, #tpu.memory_space<vmem_shared>>) dst(%arg33 : memref<6256xf32, #tpu.memory_space<vmem>>)
      tpu.yield
    }) : () -> ()
    "tpu.region"() ({
      %run_scoped3A = tpu.sem_alloc : memref<!tpu.dma_semaphore, #tpu.memory_space<semaphore_mem>>
      %dma_start3A = tpu.memref_slice %arg5[%multiple_of3A_139] : memref<1601536xf32, #tpu.memory_space<hbm>> -> memref<6256xf32, #tpu.memory_space<hbm>>
      %dma_start3A_190 = tpu.memref_slice %arg5[%multiple_of3A_139] : memref<1601536xf32, #tpu.memory_space<hbm>> -> memref<6256xf32, #tpu.memory_space<hbm>>
      tpu.enqueue_dma source(%arg33 : memref<6256xf32, #tpu.memory_space<vmem>>) target(%dma_start3A_190 : memref<6256xf32, #tpu.memory_space<hbm>>) target_semaphore(%run_scoped3A : memref<!tpu.dma_semaphore, #tpu.memory_space<semaphore_mem>>)
      %dma_wait3A = tpu.memref_slice %arg5[%multiple_of3A_139] : memref<1601536xf32, #tpu.memory_space<hbm>> -> memref<6256xf32, #tpu.memory_space<hbm>>
      %dma_wait3A_191 = tpu.memref_slice %arg5[%multiple_of3A_139] : memref<1601536xf32, #tpu.memory_space<hbm>> -> memref<6256xf32, #tpu.memory_space<hbm>>
      tpu.wait_dma2 semaphore(%run_scoped3A : memref<!tpu.dma_semaphore, #tpu.memory_space<semaphore_mem>>) src(%arg33 : memref<6256xf32, #tpu.memory_space<vmem>>) dst(%dma_wait3A_191 : memref<6256xf32, #tpu.memory_space<hbm>>)
      tpu.yield
    }) : () -> ()
    %mul3A_140 = arith.constant 8 : i32
    %mul3A_141 = arith.muli %arg0, %mul3A_140 : i32
    %add3A_142 = arith.constant 3 : i32
    %add3A_143 = arith.addi %mul3A_141, %add3A_142 : i32
    %mul3A_144 = arith.constant 100096 : i32
    %mul3A_145 = arith.muli %add3A_143, %mul3A_144 : i32
    %mul3A_146 = arith.constant 6256 : i32
    %mul3A_147 = arith.muli %arg1, %mul3A_146 : i32
    %add3A_148 = arith.addi %mul3A_145, %mul3A_147 : i32
    %multiple_of3A_149 = tpu.assume_multiple %add3A_148, 8 : i32
    "tpu.region"() ({
      %run_scoped3A = tpu.sem_alloc : memref<!tpu.dma_semaphore, #tpu.memory_space<semaphore_mem>>
      %dma_start3A = tpu.memref_slice %arg9[%multiple_of3A] : memref<100096xf32, #tpu.memory_space<vmem_shared>> -> memref<6256xf32, #tpu.memory_space<vmem_shared>>
      %dma_start3A_190 = tpu.memref_slice %arg9[%multiple_of3A] : memref<100096xf32, #tpu.memory_space<vmem_shared>> -> memref<6256xf32, #tpu.memory_space<vmem_shared>>
      tpu.enqueue_dma source(%dma_start3A_190 : memref<6256xf32, #tpu.memory_space<vmem_shared>>) target(%arg33 : memref<6256xf32, #tpu.memory_space<vmem>>) target_semaphore(%run_scoped3A : memref<!tpu.dma_semaphore, #tpu.memory_space<semaphore_mem>>)
      %dma_wait3A = tpu.memref_slice %arg9[%multiple_of3A] : memref<100096xf32, #tpu.memory_space<vmem_shared>> -> memref<6256xf32, #tpu.memory_space<vmem_shared>>
      %dma_wait3A_191 = tpu.memref_slice %arg9[%multiple_of3A] : memref<100096xf32, #tpu.memory_space<vmem_shared>> -> memref<6256xf32, #tpu.memory_space<vmem_shared>>
      tpu.wait_dma2 semaphore(%run_scoped3A : memref<!tpu.dma_semaphore, #tpu.memory_space<semaphore_mem>>) src(%dma_wait3A_191 : memref<6256xf32, #tpu.memory_space<vmem_shared>>) dst(%arg33 : memref<6256xf32, #tpu.memory_space<vmem>>)
      tpu.yield
    }) : () -> ()
    "tpu.region"() ({
      %run_scoped3A = tpu.sem_alloc : memref<!tpu.dma_semaphore, #tpu.memory_space<semaphore_mem>>
      %dma_start3A = tpu.memref_slice %arg5[%multiple_of3A_149] : memref<1601536xf32, #tpu.memory_space<hbm>> -> memref<6256xf32, #tpu.memory_space<hbm>>
      %dma_start3A_190 = tpu.memref_slice %arg5[%multiple_of3A_149] : memref<1601536xf32, #tpu.memory_space<hbm>> -> memref<6256xf32, #tpu.memory_space<hbm>>
      tpu.enqueue_dma source(%arg33 : memref<6256xf32, #tpu.memory_space<vmem>>) target(%dma_start3A_190 : memref<6256xf32, #tpu.memory_space<hbm>>) target_semaphore(%run_scoped3A : memref<!tpu.dma_semaphore, #tpu.memory_space<semaphore_mem>>)
      %dma_wait3A = tpu.memref_slice %arg5[%multiple_of3A_149] : memref<1601536xf32, #tpu.memory_space<hbm>> -> memref<6256xf32, #tpu.memory_space<hbm>>
      %dma_wait3A_191 = tpu.memref_slice %arg5[%multiple_of3A_149] : memref<1601536xf32, #tpu.memory_space<hbm>> -> memref<6256xf32, #tpu.memory_space<hbm>>
      tpu.wait_dma2 semaphore(%run_scoped3A : memref<!tpu.dma_semaphore, #tpu.memory_space<semaphore_mem>>) src(%arg33 : memref<6256xf32, #tpu.memory_space<vmem>>) dst(%dma_wait3A_191 : memref<6256xf32, #tpu.memory_space<hbm>>)
      tpu.yield
    }) : () -> ()
    %mul3A_150 = arith.constant 8 : i32
    %mul3A_151 = arith.muli %arg0, %mul3A_150 : i32
    %add3A_152 = arith.constant 4 : i32
    %add3A_153 = arith.addi %mul3A_151, %add3A_152 : i32
    %mul3A_154 = arith.constant 100096 : i32
    %mul3A_155 = arith.muli %add3A_153, %mul3A_154 : i32
    %mul3A_156 = arith.constant 6256 : i32
    %mul3A_157 = arith.muli %arg1, %mul3A_156 : i32
    %add3A_158 = arith.addi %mul3A_155, %mul3A_157 : i32
    %multiple_of3A_159 = tpu.assume_multiple %add3A_158, 8 : i32
    "tpu.region"() ({
      %run_scoped3A = tpu.sem_alloc : memref<!tpu.dma_semaphore, #tpu.memory_space<semaphore_mem>>
      %dma_start3A = tpu.memref_slice %arg10[%multiple_of3A] : memref<100096xf32, #tpu.memory_space<vmem_shared>> -> memref<6256xf32, #tpu.memory_space<vmem_shared>>
      %dma_start3A_190 = tpu.memref_slice %arg10[%multiple_of3A] : memref<100096xf32, #tpu.memory_space<vmem_shared>> -> memref<6256xf32, #tpu.memory_space<vmem_shared>>
      tpu.enqueue_dma source(%dma_start3A_190 : memref<6256xf32, #tpu.memory_space<vmem_shared>>) target(%arg33 : memref<6256xf32, #tpu.memory_space<vmem>>) target_semaphore(%run_scoped3A : memref<!tpu.dma_semaphore, #tpu.memory_space<semaphore_mem>>)
      %dma_wait3A = tpu.memref_slice %arg10[%multiple_of3A] : memref<100096xf32, #tpu.memory_space<vmem_shared>> -> memref<6256xf32, #tpu.memory_space<vmem_shared>>
      %dma_wait3A_191 = tpu.memref_slice %arg10[%multiple_of3A] : memref<100096xf32, #tpu.memory_space<vmem_shared>> -> memref<6256xf32, #tpu.memory_space<vmem_shared>>
      tpu.wait_dma2 semaphore(%run_scoped3A : memref<!tpu.dma_semaphore, #tpu.memory_space<semaphore_mem>>) src(%dma_wait3A_191 : memref<6256xf32, #tpu.memory_space<vmem_shared>>) dst(%arg33 : memref<6256xf32, #tpu.memory_space<vmem>>)
      tpu.yield
    }) : () -> ()
    "tpu.region"() ({
      %run_scoped3A = tpu.sem_alloc : memref<!tpu.dma_semaphore, #tpu.memory_space<semaphore_mem>>
      %dma_start3A = tpu.memref_slice %arg5[%multiple_of3A_159] : memref<1601536xf32, #tpu.memory_space<hbm>> -> memref<6256xf32, #tpu.memory_space<hbm>>
      %dma_start3A_190 = tpu.memref_slice %arg5[%multiple_of3A_159] : memref<1601536xf32, #tpu.memory_space<hbm>> -> memref<6256xf32, #tpu.memory_space<hbm>>
      tpu.enqueue_dma source(%arg33 : memref<6256xf32, #tpu.memory_space<vmem>>) target(%dma_start3A_190 : memref<6256xf32, #tpu.memory_space<hbm>>) target_semaphore(%run_scoped3A : memref<!tpu.dma_semaphore, #tpu.memory_space<semaphore_mem>>)
      %dma_wait3A = tpu.memref_slice %arg5[%multiple_of3A_159] : memref<1601536xf32, #tpu.memory_space<hbm>> -> memref<6256xf32, #tpu.memory_space<hbm>>
      %dma_wait3A_191 = tpu.memref_slice %arg5[%multiple_of3A_159] : memref<1601536xf32, #tpu.memory_space<hbm>> -> memref<6256xf32, #tpu.memory_space<hbm>>
      tpu.wait_dma2 semaphore(%run_scoped3A : memref<!tpu.dma_semaphore, #tpu.memory_space<semaphore_mem>>) src(%arg33 : memref<6256xf32, #tpu.memory_space<vmem>>) dst(%dma_wait3A_191 : memref<6256xf32, #tpu.memory_space<hbm>>)
      tpu.yield
    }) : () -> ()
    %mul3A_160 = arith.constant 8 : i32
    %mul3A_161 = arith.muli %arg0, %mul3A_160 : i32
    %add3A_162 = arith.constant 5 : i32
    %add3A_163 = arith.addi %mul3A_161, %add3A_162 : i32
    %mul3A_164 = arith.constant 100096 : i32
    %mul3A_165 = arith.muli %add3A_163, %mul3A_164 : i32
    %mul3A_166 = arith.constant 6256 : i32
    %mul3A_167 = arith.muli %arg1, %mul3A_166 : i32
    %add3A_168 = arith.addi %mul3A_165, %mul3A_167 : i32
    %multiple_of3A_169 = tpu.assume_multiple %add3A_168, 8 : i32
    "tpu.region"() ({
      %run_scoped3A = tpu.sem_alloc : memref<!tpu.dma_semaphore, #tpu.memory_space<semaphore_mem>>
      %dma_start3A = tpu.memref_slice %arg11[%multiple_of3A] : memref<100096xf32, #tpu.memory_space<vmem_shared>> -> memref<6256xf32, #tpu.memory_space<vmem_shared>>
      %dma_start3A_190 = tpu.memref_slice %arg11[%multiple_of3A] : memref<100096xf32, #tpu.memory_space<vmem_shared>> -> memref<6256xf32, #tpu.memory_space<vmem_shared>>
      tpu.enqueue_dma source(%dma_start3A_190 : memref<6256xf32, #tpu.memory_space<vmem_shared>>) target(%arg33 : memref<6256xf32, #tpu.memory_space<vmem>>) target_semaphore(%run_scoped3A : memref<!tpu.dma_semaphore, #tpu.memory_space<semaphore_mem>>)
      %dma_wait3A = tpu.memref_slice %arg11[%multiple_of3A] : memref<100096xf32, #tpu.memory_space<vmem_shared>> -> memref<6256xf32, #tpu.memory_space<vmem_shared>>
      %dma_wait3A_191 = tpu.memref_slice %arg11[%multiple_of3A] : memref<100096xf32, #tpu.memory_space<vmem_shared>> -> memref<6256xf32, #tpu.memory_space<vmem_shared>>
      tpu.wait_dma2 semaphore(%run_scoped3A : memref<!tpu.dma_semaphore, #tpu.memory_space<semaphore_mem>>) src(%dma_wait3A_191 : memref<6256xf32, #tpu.memory_space<vmem_shared>>) dst(%arg33 : memref<6256xf32, #tpu.memory_space<vmem>>)
      tpu.yield
    }) : () -> ()
    "tpu.region"() ({
      %run_scoped3A = tpu.sem_alloc : memref<!tpu.dma_semaphore, #tpu.memory_space<semaphore_mem>>
      %dma_start3A = tpu.memref_slice %arg5[%multiple_of3A_169] : memref<1601536xf32, #tpu.memory_space<hbm>> -> memref<6256xf32, #tpu.memory_space<hbm>>
      %dma_start3A_190 = tpu.memref_slice %arg5[%multiple_of3A_169] : memref<1601536xf32, #tpu.memory_space<hbm>> -> memref<6256xf32, #tpu.memory_space<hbm>>
      tpu.enqueue_dma source(%arg33 : memref<6256xf32, #tpu.memory_space<vmem>>) target(%dma_start3A_190 : memref<6256xf32, #tpu.memory_space<hbm>>) target_semaphore(%run_scoped3A : memref<!tpu.dma_semaphore, #tpu.memory_space<semaphore_mem>>)
      %dma_wait3A = tpu.memref_slice %arg5[%multiple_of3A_169] : memref<1601536xf32, #tpu.memory_space<hbm>> -> memref<6256xf32, #tpu.memory_space<hbm>>
      %dma_wait3A_191 = tpu.memref_slice %arg5[%multiple_of3A_169] : memref<1601536xf32, #tpu.memory_space<hbm>> -> memref<6256xf32, #tpu.memory_space<hbm>>
      tpu.wait_dma2 semaphore(%run_scoped3A : memref<!tpu.dma_semaphore, #tpu.memory_space<semaphore_mem>>) src(%arg33 : memref<6256xf32, #tpu.memory_space<vmem>>) dst(%dma_wait3A_191 : memref<6256xf32, #tpu.memory_space<hbm>>)
      tpu.yield
    }) : () -> ()
    %mul3A_170 = arith.constant 8 : i32
    %mul3A_171 = arith.muli %arg0, %mul3A_170 : i32
    %add3A_172 = arith.constant 6 : i32
    %add3A_173 = arith.addi %mul3A_171, %add3A_172 : i32
    %mul3A_174 = arith.constant 100096 : i32
    %mul3A_175 = arith.muli %add3A_173, %mul3A_174 : i32
    %mul3A_176 = arith.constant 6256 : i32
    %mul3A_177 = arith.muli %arg1, %mul3A_176 : i32
    %add3A_178 = arith.addi %mul3A_175, %mul3A_177 : i32
    %multiple_of3A_179 = tpu.assume_multiple %add3A_178, 8 : i32
    "tpu.region"() ({
      %run_scoped3A = tpu.sem_alloc : memref<!tpu.dma_semaphore, #tpu.memory_space<semaphore_mem>>
      %dma_start3A = tpu.memref_slice %arg12[%multiple_of3A] : memref<100096xf32, #tpu.memory_space<vmem_shared>> -> memref<6256xf32, #tpu.memory_space<vmem_shared>>
      %dma_start3A_190 = tpu.memref_slice %arg12[%multiple_of3A] : memref<100096xf32, #tpu.memory_space<vmem_shared>> -> memref<6256xf32, #tpu.memory_space<vmem_shared>>
      tpu.enqueue_dma source(%dma_start3A_190 : memref<6256xf32, #tpu.memory_space<vmem_shared>>) target(%arg33 : memref<6256xf32, #tpu.memory_space<vmem>>) target_semaphore(%run_scoped3A : memref<!tpu.dma_semaphore, #tpu.memory_space<semaphore_mem>>)
      %dma_wait3A = tpu.memref_slice %arg12[%multiple_of3A] : memref<100096xf32, #tpu.memory_space<vmem_shared>> -> memref<6256xf32, #tpu.memory_space<vmem_shared>>
      %dma_wait3A_191 = tpu.memref_slice %arg12[%multiple_of3A] : memref<100096xf32, #tpu.memory_space<vmem_shared>> -> memref<6256xf32, #tpu.memory_space<vmem_shared>>
      tpu.wait_dma2 semaphore(%run_scoped3A : memref<!tpu.dma_semaphore, #tpu.memory_space<semaphore_mem>>) src(%dma_wait3A_191 : memref<6256xf32, #tpu.memory_space<vmem_shared>>) dst(%arg33 : memref<6256xf32, #tpu.memory_space<vmem>>)
      tpu.yield
    }) : () -> ()
    "tpu.region"() ({
      %run_scoped3A = tpu.sem_alloc : memref<!tpu.dma_semaphore, #tpu.memory_space<semaphore_mem>>
      %dma_start3A = tpu.memref_slice %arg5[%multiple_of3A_179] : memref<1601536xf32, #tpu.memory_space<hbm>> -> memref<6256xf32, #tpu.memory_space<hbm>>
      %dma_start3A_190 = tpu.memref_slice %arg5[%multiple_of3A_179] : memref<1601536xf32, #tpu.memory_space<hbm>> -> memref<6256xf32, #tpu.memory_space<hbm>>
      tpu.enqueue_dma source(%arg33 : memref<6256xf32, #tpu.memory_space<vmem>>) target(%dma_start3A_190 : memref<6256xf32, #tpu.memory_space<hbm>>) target_semaphore(%run_scoped3A : memref<!tpu.dma_semaphore, #tpu.memory_space<semaphore_mem>>)
      %dma_wait3A = tpu.memref_slice %arg5[%multiple_of3A_179] : memref<1601536xf32, #tpu.memory_space<hbm>> -> memref<6256xf32, #tpu.memory_space<hbm>>
      %dma_wait3A_191 = tpu.memref_slice %arg5[%multiple_of3A_179] : memref<1601536xf32, #tpu.memory_space<hbm>> -> memref<6256xf32, #tpu.memory_space<hbm>>
      tpu.wait_dma2 semaphore(%run_scoped3A : memref<!tpu.dma_semaphore, #tpu.memory_space<semaphore_mem>>) src(%arg33 : memref<6256xf32, #tpu.memory_space<vmem>>) dst(%dma_wait3A_191 : memref<6256xf32, #tpu.memory_space<hbm>>)
      tpu.yield
    }) : () -> ()
    %mul3A_180 = arith.constant 8 : i32
    %mul3A_181 = arith.muli %arg0, %mul3A_180 : i32
    %add3A_182 = arith.constant 7 : i32
    %add3A_183 = arith.addi %mul3A_181, %add3A_182 : i32
    %mul3A_184 = arith.constant 100096 : i32
    %mul3A_185 = arith.muli %add3A_183, %mul3A_184 : i32
    %mul3A_186 = arith.constant 6256 : i32
    %mul3A_187 = arith.muli %arg1, %mul3A_186 : i32
    %add3A_188 = arith.addi %mul3A_185, %mul3A_187 : i32
    %multiple_of3A_189 = tpu.assume_multiple %add3A_188, 8 : i32
    "tpu.region"() ({
      %run_scoped3A = tpu.sem_alloc : memref<!tpu.dma_semaphore, #tpu.memory_space<semaphore_mem>>
      %dma_start3A = tpu.memref_slice %arg13[%multiple_of3A] : memref<100096xf32, #tpu.memory_space<vmem_shared>> -> memref<6256xf32, #tpu.memory_space<vmem_shared>>
      %dma_start3A_190 = tpu.memref_slice %arg13[%multiple_of3A] : memref<100096xf32, #tpu.memory_space<vmem_shared>> -> memref<6256xf32, #tpu.memory_space<vmem_shared>>
      tpu.enqueue_dma source(%dma_start3A_190 : memref<6256xf32, #tpu.memory_space<vmem_shared>>) target(%arg33 : memref<6256xf32, #tpu.memory_space<vmem>>) target_semaphore(%run_scoped3A : memref<!tpu.dma_semaphore, #tpu.memory_space<semaphore_mem>>)
      %dma_wait3A = tpu.memref_slice %arg13[%multiple_of3A] : memref<100096xf32, #tpu.memory_space<vmem_shared>> -> memref<6256xf32, #tpu.memory_space<vmem_shared>>
      %dma_wait3A_191 = tpu.memref_slice %arg13[%multiple_of3A] : memref<100096xf32, #tpu.memory_space<vmem_shared>> -> memref<6256xf32, #tpu.memory_space<vmem_shared>>
      tpu.wait_dma2 semaphore(%run_scoped3A : memref<!tpu.dma_semaphore, #tpu.memory_space<semaphore_mem>>) src(%dma_wait3A_191 : memref<6256xf32, #tpu.memory_space<vmem_shared>>) dst(%arg33 : memref<6256xf32, #tpu.memory_space<vmem>>)
      tpu.yield
    }) : () -> ()
    "tpu.region"() ({
      %run_scoped3A = tpu.sem_alloc : memref<!tpu.dma_semaphore, #tpu.memory_space<semaphore_mem>>
      %dma_start3A = tpu.memref_slice %arg5[%multiple_of3A_189] : memref<1601536xf32, #tpu.memory_space<hbm>> -> memref<6256xf32, #tpu.memory_space<hbm>>
      %dma_start3A_190 = tpu.memref_slice %arg5[%multiple_of3A_189] : memref<1601536xf32, #tpu.memory_space<hbm>> -> memref<6256xf32, #tpu.memory_space<hbm>>
      tpu.enqueue_dma source(%arg33 : memref<6256xf32, #tpu.memory_space<vmem>>) target(%dma_start3A_190 : memref<6256xf32, #tpu.memory_space<hbm>>) target_semaphore(%run_scoped3A : memref<!tpu.dma_semaphore, #tpu.memory_space<semaphore_mem>>)
      %dma_wait3A = tpu.memref_slice %arg5[%multiple_of3A_189] : memref<1601536xf32, #tpu.memory_space<hbm>> -> memref<6256xf32, #tpu.memory_space<hbm>>
      %dma_wait3A_191 = tpu.memref_slice %arg5[%multiple_of3A_189] : memref<1601536xf32, #tpu.memory_space<hbm>> -> memref<6256xf32, #tpu.memory_space<hbm>>
      tpu.wait_dma2 semaphore(%run_scoped3A : memref<!tpu.dma_semaphore, #tpu.memory_space<semaphore_mem>>) src(%arg33 : memref<6256xf32, #tpu.memory_space<vmem>>) dst(%dma_wait3A_191 : memref<6256xf32, #tpu.memory_space<hbm>>)
      tpu.yield
    }) : () -> ()
    return
  }
}

module attributes {stable_mosaic.version = 14 : i64} {
  func.func @_t1_body(%arg0: memref<2x100096xf32, #tpu.memory_space<vmem>>, %arg1: memref<16x1xf32, #tpu.memory_space<vmem>>, %arg2: memref<16x1xf32, #tpu.memory_space<vmem>>, %arg3: memref<16x16xf32, #tpu.memory_space<vmem>>, %arg4: memref<16x100096xf32, #tpu.memory_space<vmem>>) attributes {dimension_semantics = [], scalar_prefetch = 0 : i64, scratch_operands = 0 : i64, tpu.core_type = #tpu.core_type<tc>} {
    %get3A = arith.constant 0 : index
    %get3A_0 = arith.constant 0 : index
    %get3A_1 = vector.load %arg0[%get3A, %get3A_0] : memref<2x100096xf32, #tpu.memory_space<vmem>>, vector<1x100096xf32>
    %get3A_2 = arith.constant 1 : index
    %get3A_3 = arith.constant 0 : index
    %get3A_4 = vector.load %arg0[%get3A_2, %get3A_3] : memref<2x100096xf32, #tpu.memory_space<vmem>>, vector<1x100096xf32>
    %add3A = arith.addf %get3A_1, %get3A_4 : vector<1x100096xf32>
    %get3A_5 = arith.constant 0 : index
    %get3A_6 = arith.constant 0 : index
    %get3A_7 = vector.load %arg1[%get3A_5, %get3A_6] : memref<16x1xf32, #tpu.memory_space<vmem>>, vector<16x1xf32>
    %mul3A = vector.broadcast %get3A_7 : vector<16x1xf32> to vector<16x100096xf32>
    %mul3A_8 = vector.broadcast %add3A : vector<1x100096xf32> to vector<16x100096xf32>
    %mul3A_9 = arith.mulf %mul3A, %mul3A_8 : vector<16x100096xf32>
    %get3A_10 = arith.constant 0 : index
    %get3A_11 = arith.constant 0 : index
    %get3A_12 = vector.load %arg2[%get3A_10, %get3A_11] : memref<16x1xf32, #tpu.memory_space<vmem>>, vector<16x1xf32>
    %add3A_13 = vector.broadcast %get3A_12 : vector<16x1xf32> to vector<16x100096xf32>
    %add3A_14 = arith.addf %mul3A_9, %add3A_13 : vector<16x100096xf32>
    %mul3A_15 = arith.constant 0.00999999977 : f32
    %mul3A_16 = vector.broadcast %mul3A_15 : f32 to vector<16x100096xf32>
    %mul3A_17 = arith.mulf %mul3A_16, %add3A_14 : vector<16x100096xf32>
    %max3A = arith.maximumf %add3A_14, %mul3A_17 : vector<16x100096xf32>
    %get3A_18 = arith.constant 0 : index
    %get3A_19 = arith.constant 0 : index
    %get3A_20 = vector.load %arg3[%get3A_18, %get3A_19] : memref<16x16xf32, #tpu.memory_space<vmem>>, vector<16x16xf32>
    %dot_general3A = arith.constant dense<0.000000e+00> : vector<16x100096xf32>
    %dot_general3A_21 = tpu.matmul %get3A_20, %max3A, %dot_general3A {dimension_numbers = #tpu.dot_dimension_numbers<[1], [0], [0], [1], [0, 0, 1, 1], [], []>, transpose_lhs_hint = false} : vector<16x16xf32>, vector<16x100096xf32>, vector<16x100096xf32> -> vector<16x100096xf32>
    %swap3A = arith.constant 0 : index
    %swap3A_22 = arith.constant 0 : index
    %swap3A_23 = vector.load %arg4[%swap3A, %swap3A_22] : memref<16x100096xf32, #tpu.memory_space<vmem>>, vector<16x100096xf32>
    tpu.vector_store %arg4[%swap3A, %swap3A_22], %dot_general3A_21 {strides = array<i32>} : memref<16x100096xf32, #tpu.memory_space<vmem>>, vector<16x100096xf32>,
    return
  }
}

module attributes {stable_mosaic.version = 14 : i64} {
  func.func @_t2_body(%arg0: memref<16x100096xf32, #tpu.memory_space<vmem>>, %arg1: memref<16x1xf32, #tpu.memory_space<vmem>>, %arg2: memref<16x16xf32, #tpu.memory_space<vmem>>, %arg3: memref<16x100096xf32, #tpu.memory_space<vmem>>) attributes {dimension_semantics = [], scalar_prefetch = 0 : i64, scratch_operands = 0 : i64, tpu.core_type = #tpu.core_type<tc>} {
    %get3A = arith.constant 0 : index
    %get3A_0 = arith.constant 0 : index
    %get3A_1 = vector.load %arg0[%get3A, %get3A_0] : memref<16x100096xf32, #tpu.memory_space<vmem>>, vector<16x100096xf32>
    %get3A_2 = arith.constant 0 : index
    %get3A_3 = arith.constant 0 : index
    %get3A_4 = vector.load %arg1[%get3A_2, %get3A_3] : memref<16x1xf32, #tpu.memory_space<vmem>>, vector<16x1xf32>
    %add3A = vector.broadcast %get3A_4 : vector<16x1xf32> to vector<16x100096xf32>
    %add3A_5 = arith.addf %get3A_1, %add3A : vector<16x100096xf32>
    %mul3A = arith.constant 0.00999999977 : f32
    %mul3A_6 = vector.broadcast %mul3A : f32 to vector<16x100096xf32>
    %mul3A_7 = arith.mulf %mul3A_6, %add3A_5 : vector<16x100096xf32>
    %max3A = arith.maximumf %add3A_5, %mul3A_7 : vector<16x100096xf32>
    %get3A_8 = arith.constant 0 : index
    %get3A_9 = arith.constant 0 : index
    %get3A_10 = vector.load %arg2[%get3A_8, %get3A_9] : memref<16x16xf32, #tpu.memory_space<vmem>>, vector<16x16xf32>
    %dot_general3A = arith.constant dense<0.000000e+00> : vector<16x100096xf32>
    %dot_general3A_11 = tpu.matmul %get3A_10, %max3A, %dot_general3A {dimension_numbers = #tpu.dot_dimension_numbers<[1], [0], [0], [1], [0, 0, 1, 1], [], []>, transpose_lhs_hint = false} : vector<16x16xf32>, vector<16x100096xf32>, vector<16x100096xf32> -> vector<16x100096xf32>
    %swap3A = arith.constant 0 : index
    %swap3A_12 = arith.constant 0 : index
    %swap3A_13 = vector.load %arg3[%swap3A, %swap3A_12] : memref<16x100096xf32, #tpu.memory_space<vmem>>, vector<16x100096xf32>
    tpu.vector_store %arg3[%swap3A, %swap3A_12], %dot_general3A_11 {strides = array<i32>} : memref<16x100096xf32, #tpu.memory_space<vmem>>, vector<16x100096xf32>,
    return
  }
}

module attributes {stable_mosaic.version = 14 : i64} {
  func.func @_t2_body(%arg0: memref<16x100096xf32, #tpu.memory_space<vmem>>, %arg1: memref<16x1xf32, #tpu.memory_space<vmem>>, %arg2: memref<1x16xf32, #tpu.memory_space<vmem>>, %arg3: memref<1x100096xf32, #tpu.memory_space<vmem>>) attributes {dimension_semantics = [], scalar_prefetch = 0 : i64, scratch_operands = 0 : i64, tpu.core_type = #tpu.core_type<tc>} {
    %get3A = arith.constant 0 : index
    %get3A_0 = arith.constant 0 : index
    %get3A_1 = vector.load %arg0[%get3A, %get3A_0] : memref<16x100096xf32, #tpu.memory_space<vmem>>, vector<16x100096xf32>
    %get3A_2 = arith.constant 0 : index
    %get3A_3 = arith.constant 0 : index
    %get3A_4 = vector.load %arg1[%get3A_2, %get3A_3] : memref<16x1xf32, #tpu.memory_space<vmem>>, vector<16x1xf32>
    %add3A = vector.broadcast %get3A_4 : vector<16x1xf32> to vector<16x100096xf32>
    %add3A_5 = arith.addf %get3A_1, %add3A : vector<16x100096xf32>
    %mul3A = arith.constant 0.00999999977 : f32
    %mul3A_6 = vector.broadcast %mul3A : f32 to vector<16x100096xf32>
    %mul3A_7 = arith.mulf %mul3A_6, %add3A_5 : vector<16x100096xf32>
    %max3A = arith.maximumf %add3A_5, %mul3A_7 : vector<16x100096xf32>
    %get3A_8 = arith.constant 0 : index
    %get3A_9 = arith.constant 0 : index
    %get3A_10 = vector.load %arg2[%get3A_8, %get3A_9] : memref<1x16xf32, #tpu.memory_space<vmem>>, vector<1x16xf32>
    %dot_general3A = arith.constant dense<0.000000e+00> : vector<1x100096xf32>
    %dot_general3A_11 = tpu.matmul %get3A_10, %max3A, %dot_general3A {dimension_numbers = #tpu.dot_dimension_numbers<[1], [0], [0], [1], [0, 0, 1, 1], [], []>, transpose_lhs_hint = false} : vector<1x16xf32>, vector<16x100096xf32>, vector<1x100096xf32> -> vector<1x100096xf32>
    %swap3A = arith.constant 0 : index
    %swap3A_12 = arith.constant 0 : index
    %swap3A_13 = vector.load %arg3[%swap3A, %swap3A_12] : memref<1x100096xf32, #tpu.memory_space<vmem>>, vector<1x100096xf32>
    tpu.vector_store %arg3[%swap3A, %swap3A_12], %dot_general3A_11 {strides = array<i32>} : memref<1x100096xf32, #tpu.memory_space<vmem>>, vector<1x100096xf32>,
    return
  }
}

module attributes {stable_mosaic.version = 14 : i64} {
  func.func @_t4_body(%arg0: memref<32x16xf32, #tpu.memory_space<vmem>>, %arg1: memref<1x1xf32, #tpu.memory_space<vmem>>, %arg2: memref<1x1xf32, #tpu.memory_space<vmem>>) attributes {dimension_semantics = [], scalar_prefetch = 0 : i64, scratch_operands = 0 : i64, tpu.core_type = #tpu.core_type<tc>} {
    %get3A = arith.constant 0 : index
    %get3A_0 = arith.constant 0 : index
    %get3A_1 = vector.load %arg0[%get3A, %get3A_0] : memref<32x16xf32, #tpu.memory_space<vmem>>, vector<32x16xf32>
    %reduce_sum3A = vector.shape_cast %get3A_1 : vector<32x16xf32> to vector<1x32x16xf32>
    %reduce_sum3A_2 = arith.constant dense<0.000000e+00> : vector<1xf32>
    %reduce_sum3A_3 = vector.multi_reduction <add>, %reduce_sum3A, %reduce_sum3A_2 [1, 2] : vector<1x32x16xf32> to vector<1xf32>
    %reduce_sum3A_4 = vector.shape_cast %reduce_sum3A_3 : vector<1xf32> to vector<1x1x1xf32>
    %reduce_sum3A_5 = vector.extract %reduce_sum3A_4[0, 0, 0] : f32 from vector<1x1x1xf32>
    %get3A_6 = arith.constant 0 : index
    %get3A_7 = arith.constant 0 : index
    %get3A_8 = vector.load %arg1[%get3A_6, %get3A_7] : memref<1x1xf32, #tpu.memory_space<vmem>>, vector<1x1xf32>
    %get3A_9 = vector.extract %get3A_8[0, 0] : f32 from vector<1x1xf32>
    %add3A = arith.addf %reduce_sum3A_5, %get3A_9 : f32
    %mul3A = arith.constant 0.00999999977 : f32
    %mul3A_10 = arith.mulf %mul3A, %add3A : f32
    %max3A = arith.maximumf %add3A, %mul3A_10 : f32
    %broadcast_in_dim3A = vector.broadcast %max3A : f32 to vector<1x1xf32>
    %swap3A = arith.constant 0 : index
    %swap3A_11 = arith.constant 0 : index
    %swap3A_12 = vector.load %arg2[%swap3A, %swap3A_11] : memref<1x1xf32, #tpu.memory_space<vmem>>, vector<1x1xf32>
    tpu.vector_store %arg2[%swap3A, %swap3A_11], %broadcast_in_dim3A {strides = array<i32>} : memref<1x1xf32, #tpu.memory_space<vmem>>, vector<1x1xf32>,
    return
  }
}

</mosaic_0001>

<sc_bundles>
// kernel: kernel.10.cloned.1.call-start
scs
__scs_entry_jumppad:
0x0: {  	(pc) =	sbr.rel $0x88, $3  }
0x1: {  	(tag) =	ssettag $0x0;
	lr =	simm.s32 $0x1  }
0x2: {  	[smem:$0x3F97] =	sst lr;
	_ =	strace $0xD0000000  }
0x3: {  	_ = 	snop  }
0x4: {  	_ = 	snop  }
0x5: {  	_ = 	snop  }
0x6: {  	_ = 	snop  }
0x7: {  	_ = 	snop  }
__scs_overlays_trampoline_lowered:
0x8: {  	[smem:$0x3FA6] =	sst s0  }
0x9: {  	[smem:$0x3FA7] =	sst s1  }
0xa: {  	[smem:$0x3FA8] =	sst s2  }
0xb: {  	[smem:$0x3FA9] =	sst s3  }
0xc: {  	[smem:$0x3FAA] =	sst s4  }
0xd: {  	[smem:$0x3FAB] =	sst s5  }
0xe: {  	[smem:$0x3FAC] =	sst s6  }
0xf: {  	[smem:$0x3FAD] =	sst s7  }
0x10: {  	[smem:$0x3FAE] =	sst s8  }
0x11: {  	[smem:$0x3FAF] =	sst s9;
	s0 =	simm.s32 @!p0 $0x0  }
0x12: {  	s1 =	sld [smem:$0x3F95];
	s0 =	simm.s32 @p0 $0x1  }
0x13: {  	[smem:$0x3FB0] =	sst s0;
	s0 =	simm.s32 @!p1 $0x0  }
0x14: {  	s2 =	sld [smem:$0x3F94];
	s0 =	simm.s32 @p1 $0x1  }
0x15: {  	[smem:$0x3FB1] =	sst s0;
	s0 =	simm.s32 @!p2 $0x0  }
0x16: {  	s3 =	sld [smem:$0x3FDB];
	s0 =	simm.s32 @p2 $0x1  }
0x17: {  	s4 =	simm.s32 $0x1BF5;
	[smem:$0x3FB3] =	sst s0  }
0x18: {  	s0 =	sld [smem:$0x3F96];
	_ =	swait.ge [sflag:s4], $0x0  }
0x19: {  	s7 =	sld [smem:$0x3F97]  }
0x1a: {  	s8 =	sadd.s32 $0xFFFFE003, lr  }
0x1b: {  	s9 =	sadd.s32 $0xFFFFFEF7, lr;
	s5 =	simm.s32 $0xFFFFFFFF;
	p2 =	slt.u32 s8, $0xFFFFF086  }
0x1c: {  	p1 =	slt.u32 s9, $0xF7A;
	s5 =	simm.s32 @!p2 $0x0  }
0x1d: {  	s5 =	simm.s32 @p1 $0x1;
	p0 =	seq.s32 s7, s2  }
0x1e: {  	s7 =	smul.u32 @!p0 $0xF7A, s2;
	p2 =	seq.s32 @!p0 s5, $0x0  }
0x1f: {  	s9 =	smul.u32 $0xF7A, s1;
	s8 =	simm.s32 @!p0 $0x1BF5;
	p2 =	por !p2, p0  }
0x20: {  	[sflag:s8] =	ssyncset.s32 @!p0 $0xFFFFF086;
	s6 =	sadd.s32 @!p0 s3, s7;
	s7 =	simm.s32 @!p0 $0x108  }
0x21: {  	s3 =	sadd.s32 s3, s9;
	s6 =	sadd.s32 @!p0 $0x88, s6;
	s7 =	simm.s32 @p2 $0x1082  }
0x22: {  	[simem:s7], [sflag:s8] =	dma.local @!p0 [hbm:s6], $0xF7A  }
0x23: {  	s9 =	sor.u32 $0xD0000000, s2;
	s6 =	simm.s32 $0x108;
	_ =	swait.ge @!p0 [sflag:s8], $0x0  }
0x24: {  	s3 =	sadd.s32 $0x88, s3;
	s6 =	simm.s32 @!p1 $0x1082;
	[sflag:s4] =	ssyncset.s32 $0xFFFFF086  }
0x25: {  	[simem:s6], [sflag:s4] =	dma.local [hbm:s3], $0xF7A  }
0x26: {  	[smem:$0x3F97] =	sst s1;
	(tag) =	ssettag s2;
	_ =	strace s9  }
0x27: {  	s1 =	sld [smem:$0x3FA7]  }
0x28: {  	s2 =	sld [smem:$0x3FA8]  }
0x29: {  	s4 =	sld [smem:$0x3FAA]  }
0x2a: {  	p0 =	seq.s32 s5, $0x0;
	s5 =	sld [smem:$0x3FAB]  }
0x2b: {  	s6 =	sld [smem:$0x3FAC]  }
0x2c: {  	s7 =	sld [smem:$0x3FAD]  }
0x2d: {  	s3 =	simm.s32 $0x108;
	s8 =	sld [smem:$0x3FAE]  }
0x2e: {  	s3 =	simm.s32 @!p0 $0x1082;
	s9 =	sld [smem:$0x3FAF]  }
0x2f: {  	lr =	sadd.s32 s0, s3;
	s0 =	sld [smem:$0x3FA6]  }
0x30: {  	s3 =	sld [smem:$0x3FA9]  }
0x31: {  	[smem:$0x3FB2] =	sst s10  }
0x32: {  	s10 =	sld [smem:$0x3FB0];
	_ =	sdelay $0x3  }
0x33: {  	p0 =	seq.s32 s10, $0x1;
	s10 =	sld [smem:$0x3FB2];
	_ =	sdelay $0x3  }
0x34: {  	[smem:$0x3FB2] =	sst s10  }
0x35: {  	s10 =	sld [smem:$0x3FB1];
	_ =	sdelay $0x3  }
0x36: {  	p1 =	seq.s32 s10, $0x1;
	s10 =	sld [smem:$0x3FB2];
	_ =	sdelay $0x3  }
0x37: {  	[smem:$0x3FB2] =	sst s10  }
0x38: {  	s10 =	sld [smem:$0x3FB3]  }
0x39: {  	_ = 	snop;
	(pc) =	sbr.ind lr, $3  }
0x3a: {  	_ = 	snop  }
0x3b: {  	_ = 	snop  }
0x3c: {  	p2 =	seq.s32 s10, $0x1;
	s10 =	sld [smem:$0x3FB2]  }
0x3d: {  	_ =	shalt  }
0x3e: {  	_ =	shalt  }
0x3f: {  	_ =	shalt  }
0x40: {  	_ =	shalt  }
0x41: {  	_ =	shalt  }
0x42: {  	_ =	shalt  }
0x43: {  	_ =	shalt  }
0x44: {  	_ =	shalt  }
0x45: {  	_ =	shalt  }
0x46: {  	_ =	shalt  }
0x47: {  	_ =	shalt  }
0x48: {  	_ =	shalt  }
0x49: {  	_ =	shalt  }
0x4a: {  	_ =	shalt  }
0x4b: {  	_ =	shalt  }
0x4c: {  	_ =	shalt  }
0x4d: {  	_ =	shalt  }
0x4e: {  	_ =	shalt  }
0x4f: {  	_ =	shalt  }
0x50: {  	_ =	shalt  }
0x51: {  	_ =	shalt  }
0x52: {  	_ =	shalt  }
0x53: {  	_ =	shalt  }
0x54: {  	_ =	shalt  }
0x55: {  	_ =	shalt  }
0x56: {  	_ =	shalt  }
0x57: {  	_ =	shalt  }
0x58: {  	_ =	shalt  }
0x59: {  	_ =	shalt  }
0x5a: {  	_ =	shalt  }
0x5b: {  	_ =	shalt  }
0x5c: {  	_ =	shalt  }
0x5d: {  	_ =	shalt  }
0x5e: {  	_ =	shalt  }
0x5f: {  	_ =	shalt  }
0x60: {  	_ =	shalt  }
0x61: {  	_ =	shalt  }
0x62: {  	_ =	shalt  }
0x63: {  	_ =	shalt  }
0x64: {  	_ =	shalt  }
0x65: {  	_ =	shalt  }
0x66: {  	_ =	shalt  }
0x67: {  	_ =	shalt  }
0x68: {  	_ =	shalt  }
0x69: {  	_ =	shalt  }
0x6a: {  	_ =	shalt  }
0x6b: {  	_ =	shalt  }
0x6c: {  	_ =	shalt  }
0x6d: {  	_ =	shalt  }
0x6e: {  	_ =	shalt  }
0x6f: {  	_ =	shalt  }
0x70: {  	_ =	shalt  }
0x71: {  	_ =	shalt  }
0x72: {  	_ =	shalt  }
0x73: {  	_ =	shalt  }
0x74: {  	_ =	shalt  }
0x75: {  	_ =	shalt  }
0x76: {  	_ =	shalt  }
0x77: {  	_ =	shalt  }
0x78: {  	_ =	shalt  }
0x79: {  	_ =	shalt  }
0x7a: {  	_ =	shalt  }
0x7b: {  	_ =	shalt  }
0x7c: {  	_ =	shalt  }
0x7d: {  	_ =	shalt  }
0x7e: {  	_ =	shalt  }
0x7f: {  	_ =	shalt  }
0x80: {  	_ =	shalt  }
0x81: {  	_ =	shalt  }
0x82: {  	_ =	shalt  }
0x83: {  	_ =	shalt  }
0x84: {  	_ =	shalt  }
0x85: {  	_ =	shalt  }
0x86: {  	_ =	shalt  }
0x87: {  	_ =	shalt  }
.Lfunc_end0:
.L_simem_size_0:
called_computation_lowered:
.L_overlay_start_0:
0x88: {  	s2 =	sld [smem:$0x3FD9]  }
0x89: {  	s3 =	sld [smem:$0x3FFE];
	_ =	sdelay $0x1  }
0x8a: {  	s1 =	srdreg.scid  }
0x8b: {  	s0 =	sand.u32 $0x1, s1  }
0x8c: {  	s16 =	sshll.u32 s0, $0xA;
	s2 =	sadd.s32 s3, s2  }
0x8d: {  	s2 =	sadd.s32 s2, s16  }
0x8e: {  	[smem:$0x3FBE] =	sst s2  }
0x8f: {  	_ = 	snop  }
0x90: {  	(tm) =	ssettm $0x1  }
0x91: {  	s17 =	sld [smem:$0x3FFB];
	_ =	sdelay $0x3  }
0x92: {  	_ =	strace s17  }
0x93: {  	s2 =	sld [smem:$0x3FFC];
	_ =	sdelay $0x3  }
0x94: {  	_ =	strace s2  }
0x95: {  	s2 =	sld [smem:$0x3FFD];
	_ =	sdelay $0x3  }
0x96: {  	_ =	strace s2  }
0x97: {  	_ =	strace $0x8FFFFFFF  }
0x98: {  	s18 =	sld [smem:$0x3FDB];
	_ =	sdelay $0x1  }
0x99: {  	s19 =	simm.s32 $_scs_section_size  }
0x9a: {  	s4 =	simm.s32 $_size__tile_overlayer_lowered;
	s5 =	simm.s32 $_tile_overlayer_lowered  }
0x9b: {  	s22 =	simm.s32 $0x1BFF;
	s21 =	sshll.u32 s5, $0x1;
	s2 =	sadd.s32 s19, s18  }
0x9c: {  	s6 =	simm.s32 $0x0;
	s20 =	sshll.u32 s4, $0x1;
	s4 =	sadd.s32 s21, s2  }
0x9d: {  	[timem:s6], [sflag:s22] =	dma.local [hbm:s4], s20  }
0x9e: {  	_ =	swait.ge [sflag:s22], s20  }
0x9f: {  	s3 =	ssub.s32 $0x0, s20;
	[sflag:s22] =	ssyncset.done $0x0  }
0xa0: {  	[sflag:s22] =	ssyncadd.s32 s3;
	_ =	sdelay $0x1  }
0xa1: {  	s23 =	simm.s32 $0x1B8B  }
0xa2: {  	_ =	swait.ge [sflag:s23], $0x1  }
0xa3: {  	[sflag:s23] =	ssyncset.done $0x0  }
0xa4: {  	s25 =	simm.s32 $0x1B8E;
	s24 =	sld [smem:$0x3FFE];
	[sflag:s23] =	ssyncadd.s32 $0xFFFFFFFF  }
0xa5: {  	s26 =	simm.s32 $execute0_lowered;
	[smem:$0x3FD2] =	sst s25  }
0xa6: {  	s4 =	sshll.u32 s26, $0x1;
	_ =	strace $0x80000046;
	[dreg:$0x1] =	wrdreg $0xFFFFFFFF  }
0xa7: {  	s28 =	simm.s32 $_size_execute0_lowered;
	s2 =	sadd.s32 s2, s4;
	[dreg:$0x0] =	wrdreg $0x0  }
0xa8: {  	s4 =	sshll.u32 s28, $0x1;
	[dreg:$0x2] =	wrdreg s2  }
0xa9: {  	[dreg:$0x3] =	wrdreg s4  }
0xaa: {  	[dreg:$0x4] =	wrdreg $0xC0  }
0xab: {  	_ =	task [dreg:s6], $0x5FFFF  }
0xac: {  	[dreg:$0x1] =	wrdreg $0xFFFFFFFF  }
0xad: {  	[dreg:$0x0] =	wrdreg $0x60  }
0xae: {  	[dreg:$0x2] =	wrdreg s24  }
0xaf: {  	[dreg:$0x3] =	wrdreg $0x0  }
0xb0: {  	[dreg:$0x4] =	wrdreg $0x9  }
0xb1: {  	_ =	task.clear_ibuf [dreg:s6], $0x5FFFF;
	_ =	strace $0x90000046  }
0xb2: {  	s29 =	simm.s32 $0x9;
	_ =	strace $0x80000048  }
0xb3: {  	_ =	swait.ge [sflag:s29], $0x1  }
0xb4: {  	[sflag:s29] =	ssyncadd.s32 $0xFFFFFFFF  }
0xb5: {  	_ =	strace $0x90000048  }
0xb6: {  	_ =	sfence  }
0xb7: {  	s30 =	sld [smem:$0x0];
	_ =	sdelay $0x2  }
0xb8: {  	s31 =	sshll.u32 s1, $0xD;
	s1 =	sshrl.u32 s1, $0x2  }
0xb9: {  	s3 =	sand.u32 $0x4000, s31;
	s1 =	sadd.s32 s1, s30  }
0xba: {  	s0 =	sor.u32 s3, s0;
	s1 =	sshll.u32 s1, $0x11  }
0xbb: {  	s0 =	sor.u32 s1, s0  }
0xbc: {  	s0 =	sadd.s32 $0x8F2B, s0  }
0xbd: {  	[sflag:s0] =	ssyncadd.remote.s32 $0x1  }
0xbe: {  	_ =	sfence.sel $0xFFFF  }
0xbf: {  	[dreg:$0x0] =	wrdreg $0xFFFFFFFF;
	(pc) =	sbr.abs _section_cstart, $3  }
0xc0: {  	[dreg:$0x1] =	wrdreg $0xFFFFFFFF  }
0xc1: {  	_ =	task.clear_ibuf [dreg:s6], $0x2FFFF;
	_ =	strace $0x9FFFFFFF  }
0xc2: {  	(tm) =	ssettm $0x7FFFFFFF  }
0xc3: {  	_ =	shalt  }
tec
execute0_lowered:
.L_overlay_start_1:
0x0: {  	(tag) =	ssettag $0x1  }
0x1: {  	s7 =	rddreg [dreg:$0x0]  }
0x2: {  	s2 =	rddreg [dreg:$0x1]  }
0x3: {  	s0 =	rddreg [dreg:$0x2];
	s4 =	srdreg.scid  }
0x4: {  	s1 =	stileid.u32;
	s3 =	simm.s32 $0x0;
	s13 =	simm.s32 $0x3070  }
0x5: {  	s14 =	simm.s32 $0x2070;
	s15 =	simm.s32 $0x1870;
	s16 =	simm.s32 $0x800  }
0x6: {  	s17 =	simm.s32 $0x2870;
	s18 =	simm.s32 $0x0;
	s8 =	sand.u32 $0x1, s4  }
0x7: {  	s9 =	smul.u32 $0x1870, s1;
	[smem:$0x7FF] =	sst s3;
	s4 =	sadd.s32 $0x65800, s7  }
0x8: {  	s5 =	sadd.s32 $0x1800, s7;
	s6 =	sadd.s32 $0xC9800, s7;
	s10 =	smul.u32 $0x18700, s8  }
0x9: {  	_ =	strace $0x80000047;
	s11 =	ssub.s32 $0x2, s8;
	s8 =	sshll.u32 s8, $0x4  }
0xa: {  	s12 =	sshrl.u32 s11, $0x1;
	s31 =	sor.u32 s1, s8;
	s10 =	sadd.s32 s9, s10  }
0xb: {  	s8 =	sadd.s32 s9, s2;
	s11 =	ssub.s32 s11, s12;
	s10 =	sshrl.u32 s10, $0x3  }
0xc: {  	s12 =	simm.s32 $0x1;
	s10 =	sadd.s32 s10, s7;
	s7 =	smul.u32 $0x19000, s31  }
0xd: {  	v0 =	vimm.f32 $0.0e+00;
	s9 =	sadd.s32 $0xCCA00, s10;
	s10 =	smax.u32 s11, $0x1;
	s11 =	simm.s32 $0x1B770  }
.LBB2_1:
0xe: {  	s19 =	simm.s32 $0x40;
	s20 =	simm.s32 $0x0  }
.LBB2_2:
0xf: {  	p0 =	sne.s32 s19, $0x6180;
	[tilespmem:s20+$0x1B770] =	vst v0;
	s20 =	smov.u32 s19;
	s19 =	sadd.s32 $0x40, s19  }
.Ltmp0:
0x10: {  	(pc) =	sbr.rel @p0 .LBB2_2-.Ltmp0, $2  }
0x11: {  	_ =	sdelay $0x2  }
0x12: {  	s20 =	sshra.s32 s20, $0x2  }
0x13: {  	[tilespmem:s20+$0x1B770] =	vst v0  }
0x14: {  	[spmem:s8] =	stream.linear.scatter [tilespmem:s11], [sflag:$0x1], $0x1870, $0x38;
	[tilespmem:$0x1CFE0] =	vst v63  }
0x15: {  	_ =	swait.ge [sflag:s12], $0x1870  }
0x16: {  	[sflag:s12] =	ssyncset.done $0x0  }
0x17: {  	s19 =	simm.s32 $0x0;
	[sflag:s12] =	ssyncadd.s32 $0xFFFFE790  }
0x18: {  	[tilespmem:s13], [sflag:$0x1] =	stream.linear.gather [hbm4b:s6+s19], $0x18700, $0x38;
	[tilespmem:$0x1CFE0] =	vst v63  }
0x19: {  	_ =	swait.ge [sflag:s12], $0x18700  }
0x1a: {  	[sflag:s12] =	ssyncset.done $0x0  }
0x1b: {  	[sflag:s12] =	ssyncadd.s32 $0xFFFE7900  }
0x1c: {  	s20 =	simm.s32 $0x0;
	[bflag:$0x0] =	sbarrier.arrive $0xFFFF  }
.LBB2_4:
0x1d: {  	s21 =	sshll.u32 s20, $0xB  }
0x1e: {  	s21 =	sadd.s32 s7, s21  }
0x1f: {  	s21 =	sshrl.u32 s21, $0x3  }
0x20: {  	s22 =	sadd.s32 s4, s21  }
0x21: {  	[tilespmem:s14], [sflag:$0x1] =	stream.linear.gather [hbm4b:s22+s19], $0x800, $0x38;
	[tilespmem:$0x1CFE0] =	vst v63  }
0x22: {  	_ =	swait.ge [sflag:s12], $0x800  }
0x23: {  	[sflag:s12] =	ssyncset.done $0x0  }
0x24: {  	s21 =	sadd.s32 s5, s21;
	[sflag:s12] =	ssyncadd.s32 $0xFFFFF800  }
0x25: {  	[tilespmem:s15], [sflag:$0x1] =	stream.linear.gather [hbm4b:s21+s19], $0x800, $0x38;
	[tilespmem:$0x1CFE0] =	vst v63  }
0x26: {  	_ =	swait.ge [sflag:s12], $0x800  }
0x27: {  	[sflag:s12] =	ssyncset.done $0x0  }
0x28: {  	s21 =	simm.s32 $0x0;
	[sflag:s12] =	ssyncadd.s32 $0xFFFFF800  }
0x29: {  	v1 =	vld [tilespmem:s21+$0x2070];
	_ =	sdelay $0x7  }
0x2a: {  	s23 =	simm.s32 $0x80;
	s22 =	simm.s32 $0x10;
	v1 =	vld.idx.msk [tilespmem:v1+s13+$0x0], $0xffff  }
.LBB2_5:
0x2b: {  	p0 =	sne.s32 s23, $0x1FC0;
	v2 =	vld [tilespmem:s22+$0x2070];
	_ =	sdelay $0x3  }
.Ltmp1:
0x2c: {  	(pc) =	sbr.rel @p0 .LBB2_5-.Ltmp1, $2  }
0x2d: {  	[tilespmem:s21+$0x2870] =	vst v1;
	s21 =	smov.u32 s22;
	_ =	sdelay $0x2  }
0x2e: {  	s22 =	sshra.s32 s23, $0x2;
	s23 =	sadd.s32 $0x40, s23;
	v1 =	vld.idx.msk [tilespmem:v2+s13+$0x0], $0xffff  }
0x2f: {  	v2 =	vld [tilespmem:s22+$0x2070];
	_ =	sdelay $0x6  }
0x30: {  	[tilespmem:s21+$0x2870] =	vst v1  }
0x31: {  	v1 =	vld.idx.msk [tilespmem:v2+s13+$0x0], $0xffff;
	_ =	sdelay $0x2  }
0x32: {  	s20 =	sadd.s32 $0x1, s20  }
0x33: {  	p0 =	sne.s32 s20, $0x32  }
.Ltmp2:
0x34: {  	[tilespmem:s22+$0x2870] =	vst v1;
	(pc) =	sbr.rel @p0 .LBB2_4-.Ltmp2, $4  }
0x35: {  	[spmem:s2] =	stream.indirect.scatter.add.f32 [tilespmem:s17], [sflag:$0x1], $0x1, s15, s16, $0xb8;
	[tilespmem:$0x1CFE0] =	vst v63  }
0x36: {  	_ =	swait.ge [sflag:s12], $0x800  }
0x37: {  	[sflag:s12] =	ssyncset.done $0x0  }
0x38: {  	[sflag:s12] =	ssyncadd.s32 $0xFFFFF800  }
0x39: {  	[bflag:$0x0] =	sbarrier.arrive $0xFFFF  }
0x3a: {  	[tilespmem:s11], [sflag:$0x1] =	stream.linear.gather [spmem:s8], $0x1870, $0x38;
	[tilespmem:$0x1CFE0] =	vst v63  }
0x3b: {  	s18 =	sadd.s32 $0x1, s18;
	_ =	swait.ge [sflag:s12], $0x1870  }
0x3c: {  	p0 =	sne.s32 s18, s10;
	[sflag:s12] =	ssyncset.done $0x0  }
.Ltmp3:
0x3d: {  	[sflag:s12] =	ssyncadd.s32 $0xFFFFE790;
	(pc) =	sbr.rel @p0 .LBB2_1-.Ltmp3, $4  }
0x3e: {  	[hbm4b:s9+s3] =	stream.linear.scatter [tilespmem:s11], [sflag:$0x1], $0x1870, $0x38;
	[tilespmem:$0x1CFE0] =	vst v63  }
0x3f: {  	_ =	swait.ge [sflag:s12], $0x1870  }
0x40: {  	[sflag:s12] =	ssyncset.done $0x0  }
0x41: {  	[sflag:s12] =	ssyncadd.s32 $0xFFFFE790  }
0x42: {  	_ =	sfence.sel $0x180000  }
0x43: {  	[bflag:$0x0] =	sbarrier.arrive $0xFFFF  }
0x44: {  	p0 =	sne.s32 s1, $0x0;
	_ =	strace $0x90000047  }
0x45: {  	s0 =	sadd.s32 @!p0 $0x100000, s0;
	[bflag:$0x2] =	sbarrier.arrive $0xFFFF  }
0x46: {  	[sflag:s0] =	ssyncadd.tile.s32 @!p0 $0x1;
	_ =	shalt  }
.Lfunc_end2:
_tile_overlayer_lowered:
.L_overlay_start_2:
0x47: {  	(tag) =	ssettag $0x2  }
0x48: {  	s0 =	rddreg [dreg:$0x0];
	s2 =	stileid.u32  }
0x49: {  	s1 =	rddreg [dreg:$0x1];
	p0 =	sne.s32 s2, $0x0  }
0x4a: {  	s3 =	rddreg [dreg:$0x2];
	[bflag:$0x3] =	sbarrier.arrive $0xFFFF;
	s2 =	simm.s32 @!p0 $0x1C01  }
0x4b: {  	[timem:s3], [sflag:s2] =	dma.local @!p0 [hbm:s0], s1  }
0x4c: {  	s0 =	simm.s32 @!p0 $0x1  }
0x4d: {  	_ =	swait.ge @!p0 [sflag:s0], s1  }
0x4e: {  	s1 =	ssub.s32 @!p0 $0x0, s1;
	[sflag:s0] =	ssyncset.done @!p0 $0x0  }
0x4f: {  	[sflag:s0] =	ssyncadd.s32 @!p0 s1  }
0x50: {  	[bflag:$0x3] =	sbarrier.arrive $0xFFFF  }
0x51: {  	_ =	shalt  }

// kernel: kernel.13.cloned.1.call-start
scs
__scs_entry_jumppad:
0x0: {  	(pc) =	sbr.rel $0x88, $3  }
0x1: {  	(tag) =	ssettag $0x0;
	lr =	simm.s32 $0x1  }
0x2: {  	[smem:$0x3F97] =	sst lr;
	_ =	strace $0xD0000000  }
0x3: {  	_ = 	snop  }
0x4: {  	_ = 	snop  }
0x5: {  	_ = 	snop  }
0x6: {  	_ = 	snop  }
0x7: {  	_ = 	snop  }
__scs_overlays_trampoline_lowered:
0x8: {  	[smem:$0x3FA6] =	sst s0  }
0x9: {  	[smem:$0x3FA7] =	sst s1  }
0xa: {  	[smem:$0x3FA8] =	sst s2  }
0xb: {  	[smem:$0x3FA9] =	sst s3  }
0xc: {  	[smem:$0x3FAA] =	sst s4  }
0xd: {  	[smem:$0x3FAB] =	sst s5  }
0xe: {  	[smem:$0x3FAC] =	sst s6  }
0xf: {  	[smem:$0x3FAD] =	sst s7  }
0x10: {  	[smem:$0x3FAE] =	sst s8  }
0x11: {  	[smem:$0x3FAF] =	sst s9;
	s0 =	simm.s32 @!p0 $0x0  }
0x12: {  	s1 =	sld [smem:$0x3F95];
	s0 =	simm.s32 @p0 $0x1  }
0x13: {  	[smem:$0x3FB0] =	sst s0;
	s0 =	simm.s32 @!p1 $0x0  }
0x14: {  	s2 =	sld [smem:$0x3F94];
	s0 =	simm.s32 @p1 $0x1  }
0x15: {  	[smem:$0x3FB1] =	sst s0;
	s0 =	simm.s32 @!p2 $0x0  }
0x16: {  	s3 =	sld [smem:$0x3FDB];
	s0 =	simm.s32 @p2 $0x1  }
0x17: {  	s4 =	simm.s32 $0x1BF5;
	[smem:$0x3FB3] =	sst s0  }
0x18: {  	s0 =	sld [smem:$0x3F96];
	_ =	swait.ge [sflag:s4], $0x0  }
0x19: {  	s7 =	sld [smem:$0x3F97]  }
0x1a: {  	s8 =	sadd.s32 $0xFFFFE003, lr  }
0x1b: {  	s9 =	sadd.s32 $0xFFFFFEF7, lr;
	s5 =	simm.s32 $0xFFFFFFFF;
	p2 =	slt.u32 s8, $0xFFFFF086  }
0x1c: {  	p1 =	slt.u32 s9, $0xF7A;
	s5 =	simm.s32 @!p2 $0x0  }
0x1d: {  	s5 =	simm.s32 @p1 $0x1;
	p0 =	seq.s32 s7, s2  }
0x1e: {  	s7 =	smul.u32 @!p0 $0xF7A, s2;
	p2 =	seq.s32 @!p0 s5, $0x0  }
0x1f: {  	s9 =	smul.u32 $0xF7A, s1;
	s8 =	simm.s32 @!p0 $0x1BF5;
	p2 =	por !p2, p0  }
0x20: {  	[sflag:s8] =	ssyncset.s32 @!p0 $0xFFFFF086;
	s6 =	sadd.s32 @!p0 s3, s7;
	s7 =	simm.s32 @!p0 $0x108  }
0x21: {  	s3 =	sadd.s32 s3, s9;
	s6 =	sadd.s32 @!p0 $0x88, s6;
	s7 =	simm.s32 @p2 $0x1082  }
0x22: {  	[simem:s7], [sflag:s8] =	dma.local @!p0 [hbm:s6], $0xF7A  }
0x23: {  	s9 =	sor.u32 $0xD0000000, s2;
	s6 =	simm.s32 $0x108;
	_ =	swait.ge @!p0 [sflag:s8], $0x0  }
0x24: {  	s3 =	sadd.s32 $0x88, s3;
	s6 =	simm.s32 @!p1 $0x1082;
	[sflag:s4] =	ssyncset.s32 $0xFFFFF086  }
0x25: {  	[simem:s6], [sflag:s4] =	dma.local [hbm:s3], $0xF7A  }
0x26: {  	[smem:$0x3F97] =	sst s1;
	(tag) =	ssettag s2;
	_ =	strace s9  }
0x27: {  	s1 =	sld [smem:$0x3FA7]  }
0x28: {  	s2 =	sld [smem:$0x3FA8]  }
0x29: {  	s4 =	sld [smem:$0x3FAA]  }
0x2a: {  	p0 =	seq.s32 s5, $0x0;
	s5 =	sld [smem:$0x3FAB]  }
0x2b: {  	s6 =	sld [smem:$0x3FAC]  }
0x2c: {  	s7 =	sld [smem:$0x3FAD]  }
0x2d: {  	s3 =	simm.s32 $0x108;
	s8 =	sld [smem:$0x3FAE]  }
0x2e: {  	s3 =	simm.s32 @!p0 $0x1082;
	s9 =	sld [smem:$0x3FAF]  }
0x2f: {  	lr =	sadd.s32 s0, s3;
	s0 =	sld [smem:$0x3FA6]  }
0x30: {  	s3 =	sld [smem:$0x3FA9]  }
0x31: {  	[smem:$0x3FB2] =	sst s10  }
0x32: {  	s10 =	sld [smem:$0x3FB0];
	_ =	sdelay $0x3  }
0x33: {  	p0 =	seq.s32 s10, $0x1;
	s10 =	sld [smem:$0x3FB2];
	_ =	sdelay $0x3  }
0x34: {  	[smem:$0x3FB2] =	sst s10  }
0x35: {  	s10 =	sld [smem:$0x3FB1];
	_ =	sdelay $0x3  }
0x36: {  	p1 =	seq.s32 s10, $0x1;
	s10 =	sld [smem:$0x3FB2];
	_ =	sdelay $0x3  }
0x37: {  	[smem:$0x3FB2] =	sst s10  }
0x38: {  	s10 =	sld [smem:$0x3FB3]  }
0x39: {  	_ = 	snop;
	(pc) =	sbr.ind lr, $3  }
0x3a: {  	_ = 	snop  }
0x3b: {  	_ = 	snop  }
0x3c: {  	p2 =	seq.s32 s10, $0x1;
	s10 =	sld [smem:$0x3FB2]  }
0x3d: {  	_ =	shalt  }
0x3e: {  	_ =	shalt  }
0x3f: {  	_ =	shalt  }
0x40: {  	_ =	shalt  }
0x41: {  	_ =	shalt  }
0x42: {  	_ =	shalt  }
0x43: {  	_ =	shalt  }
0x44: {  	_ =	shalt  }
0x45: {  	_ =	shalt  }
0x46: {  	_ =	shalt  }
0x47: {  	_ =	shalt  }
0x48: {  	_ =	shalt  }
0x49: {  	_ =	shalt  }
0x4a: {  	_ =	shalt  }
0x4b: {  	_ =	shalt  }
0x4c: {  	_ =	shalt  }
0x4d: {  	_ =	shalt  }
0x4e: {  	_ =	shalt  }
0x4f: {  	_ =	shalt  }
0x50: {  	_ =	shalt  }
0x51: {  	_ =	shalt  }
0x52: {  	_ =	shalt  }
0x53: {  	_ =	shalt  }
0x54: {  	_ =	shalt  }
0x55: {  	_ =	shalt  }
0x56: {  	_ =	shalt  }
0x57: {  	_ =	shalt  }
0x58: {  	_ =	shalt  }
0x59: {  	_ =	shalt  }
0x5a: {  	_ =	shalt  }
0x5b: {  	_ =	shalt  }
0x5c: {  	_ =	shalt  }
0x5d: {  	_ =	shalt  }
0x5e: {  	_ =	shalt  }
0x5f: {  	_ =	shalt  }
0x60: {  	_ =	shalt  }
0x61: {  	_ =	shalt  }
0x62: {  	_ =	shalt  }
0x63: {  	_ =	shalt  }
0x64: {  	_ =	shalt  }
0x65: {  	_ =	shalt  }
0x66: {  	_ =	shalt  }
0x67: {  	_ =	shalt  }
0x68: {  	_ =	shalt  }
0x69: {  	_ =	shalt  }
0x6a: {  	_ =	shalt  }
0x6b: {  	_ =	shalt  }
0x6c: {  	_ =	shalt  }
0x6d: {  	_ =	shalt  }
0x6e: {  	_ =	shalt  }
0x6f: {  	_ =	shalt  }
0x70: {  	_ =	shalt  }
0x71: {  	_ =	shalt  }
0x72: {  	_ =	shalt  }
0x73: {  	_ =	shalt  }
0x74: {  	_ =	shalt  }
0x75: {  	_ =	shalt  }
0x76: {  	_ =	shalt  }
0x77: {  	_ =	shalt  }
0x78: {  	_ =	shalt  }
0x79: {  	_ =	shalt  }
0x7a: {  	_ =	shalt  }
0x7b: {  	_ =	shalt  }
0x7c: {  	_ =	shalt  }
0x7d: {  	_ =	shalt  }
0x7e: {  	_ =	shalt  }
0x7f: {  	_ =	shalt  }
0x80: {  	_ =	shalt  }
0x81: {  	_ =	shalt  }
0x82: {  	_ =	shalt  }
0x83: {  	_ =	shalt  }
0x84: {  	_ =	shalt  }
0x85: {  	_ =	shalt  }
0x86: {  	_ =	shalt  }
0x87: {  	_ =	shalt  }
.Lfunc_end0:
.L_simem_size_0:
called_computation.1_lowered:
.L_overlay_start_0:
0x88: {  	s2 =	sld [smem:$0x3FD9]  }
0x89: {  	s3 =	sld [smem:$0x3FFE];
	_ =	sdelay $0x1  }
0x8a: {  	s1 =	srdreg.scid  }
0x8b: {  	s0 =	sand.u32 $0x1, s1  }
0x8c: {  	s11 =	sshll.u32 s0, $0xA;
	s2 =	sadd.s32 s3, s2  }
0x8d: {  	s2 =	sadd.s32 s2, s11  }
0x8e: {  	[smem:$0x3FBE] =	sst s2  }
0x8f: {  	_ = 	snop  }
0x90: {  	(tm) =	ssettm $0x1  }
0x91: {  	s12 =	sld [smem:$0x3FFB];
	_ =	sdelay $0x3  }
0x92: {  	_ =	strace s12  }
0x93: {  	s2 =	sld [smem:$0x3FFC];
	_ =	sdelay $0x3  }
0x94: {  	_ =	strace s2  }
0x95: {  	s2 =	sld [smem:$0x3FFD];
	_ =	sdelay $0x3  }
0x96: {  	_ =	strace s2  }
0x97: {  	_ =	strace $0x8FFFFFFF  }
0x98: {  	s13 =	sld [smem:$0x3FDB];
	_ =	sdelay $0x1  }
0x99: {  	s14 =	simm.s32 $_scs_section_size  }
0x9a: {  	s4 =	simm.s32 $_size__tile_task_arg_handler_lowered;
	s5 =	simm.s32 $_tile_task_arg_handler_lowered  }
0x9b: {  	s17 =	simm.s32 $0x1BFF;
	s16 =	sshll.u32 s5, $0x1;
	s3 =	sadd.s32 s14, s13  }
0x9c: {  	s6 =	simm.s32 $0x60;
	s15 =	sshll.u32 s4, $0x1;
	s4 =	sadd.s32 s16, s3  }
0x9d: {  	[timem:s6], [sflag:s17] =	dma.local [hbm:s4], s15  }
0x9e: {  	_ =	swait.ge [sflag:s17], s15  }
0x9f: {  	s18 =	simm.s32 $_tile_overlayer_lowered;
	s2 =	ssub.s32 $0x0, s15;
	[sflag:s17] =	ssyncset.done $0x0  }
0xa0: {  	s19 =	simm.s32 $_size__tile_overlayer_lowered;
	s4 =	sshll.u32 s18, $0x1;
	[sflag:s17] =	ssyncadd.s32 s2  }
0xa1: {  	s21 =	simm.s32 $0x0;
	s20 =	sshll.u32 s19, $0x1;
	s4 =	sadd.s32 s4, s3  }
0xa2: {  	[timem:s21], [sflag:s17] =	dma.local [hbm:s4], s20  }
0xa3: {  	_ =	swait.ge [sflag:s17], s20  }
0xa4: {  	s22 =	ssub.s32 $0x0, s20;
	[sflag:s17] =	ssyncset.done $0x0  }
0xa5: {  	[sflag:s17] =	ssyncadd.s32 s22;
	_ =	sdelay $0x1  }
0xa6: {  	s23 =	simm.s32 $0x1B8B  }
0xa7: {  	_ =	swait.ge [sflag:s23], $0x1  }
0xa8: {  	[sflag:s23] =	ssyncset.done $0x0  }
0xa9: {  	s25 =	simm.s32 $0x1B8E;
	s24 =	sld [smem:$0x3FFE];
	[sflag:s23] =	ssyncadd.s32 $0xFFFFFFFF  }
0xaa: {  	s26 =	simm.s32 $execute0_lowered;
	[smem:$0x3FD2] =	sst s25  }
0xab: {  	s5 =	sshll.u32 s26, $0x1;
	_ =	strace $0x80000049;
	[dreg:$0x1] =	wrdreg $0xFFFFFFFF  }
0xac: {  	s28 =	simm.s32 $_size_execute0_lowered;
	s3 =	sadd.s32 s3, s5;
	[dreg:$0x0] =	wrdreg $0x0  }
0xad: {  	s5 =	sshll.u32 s28, $0x1;
	[dreg:$0x2] =	wrdreg s3  }
0xae: {  	[dreg:$0x3] =	wrdreg s5  }
0xaf: {  	[dreg:$0x4] =	wrdreg $0xC0  }
0xb0: {  	_ =	task [dreg:s21], $0x5FFFF  }
0xb1: {  	[dreg:$0x1] =	wrdreg $0xFFFFFFFF  }
0xb2: {  	[dreg:$0x0] =	wrdreg $0x30  }
0xb3: {  	[dreg:$0x2] =	wrdreg $0x0  }
0xb4: {  	[dreg:$0x3] =	wrdreg $0x145B00  }
0xb5: {  	[dreg:$0x4] =	wrdreg $0x15E200  }
0xb6: {  	[dreg:$0x5] =	wrdreg $0x176900  }
0xb7: {  	[dreg:$0x6] =	wrdreg $0x9  }
0xb8: {  	_ =	task [dreg:s21], $0x7FFFF  }
0xb9: {  	[dreg:$0x1] =	wrdreg $0xFFFFFFFF  }
0xba: {  	[dreg:$0x0] =	wrdreg $0x60  }
0xbb: {  	[dreg:$0x2] =	wrdreg s24  }
0xbc: {  	[dreg:$0x3] =	wrdreg $0x0  }
0xbd: {  	[dreg:$0x4] =	wrdreg $0x18700  }
0xbe: {  	[dreg:$0x5] =	wrdreg $0x30E00  }
0xbf: {  	[dreg:$0x6] =	wrdreg $0x49500  }
0xc0: {  	[dreg:$0x7] =	wrdreg $0x61C00  }
0xc1: {  	[dreg:$0x8] =	wrdreg $0x7A300  }
0xc2: {  	[dreg:$0x9] =	wrdreg $0x92A00  }
0xc3: {  	[dreg:$0xa] =	wrdreg $0xAB100  }
0xc4: {  	[dreg:$0xb] =	wrdreg $0xCB800  }
0xc5: {  	[dreg:$0xc] =	wrdreg $0xE3F00  }
0xc6: {  	[dreg:$0xd] =	wrdreg $0xFC600  }
0xc7: {  	[dreg:$0xe] =	wrdreg $0x114D00  }
0xc8: {  	[dreg:$0xf] =	wrdreg $0x12D400  }
0xc9: {  	_ =	task.clear_ibuf [dreg:s21], $0x10FFFF;
	_ =	strace $0x90000049  }
0xca: {  	s29 =	simm.s32 $0x9;
	_ =	strace $0x8000004B  }
0xcb: {  	_ =	swait.ge [sflag:s29], $0x1  }
0xcc: {  	[sflag:s29] =	ssyncadd.s32 $0xFFFFFFFF  }
0xcd: {  	_ =	strace $0x9000004B  }
0xce: {  	_ =	sfence  }
0xcf: {  	s30 =	sld [smem:$0x0];
	_ =	sdelay $0x2  }
0xd0: {  	s31 =	sshll.u32 s1, $0xD;
	s1 =	sshrl.u32 s1, $0x2  }
0xd1: {  	s4 =	sand.u32 $0x4000, s31;
	s1 =	sadd.s32 s1, s30  }
0xd2: {  	s0 =	sor.u32 s4, s0;
	s1 =	sshll.u32 s1, $0x11  }
0xd3: {  	s0 =	sor.u32 s1, s0  }
0xd4: {  	s0 =	sadd.s32 $0x8F2B, s0  }
0xd5: {  	[sflag:s0] =	ssyncadd.remote.s32 $0x1  }
0xd6: {  	_ =	sfence.sel $0xFFFF  }
0xd7: {  	[dreg:$0x0] =	wrdreg $0xFFFFFFFF;
	(pc) =	sbr.abs _section_cstart, $3  }
0xd8: {  	[dreg:$0x1] =	wrdreg $0xFFFFFFFF  }
0xd9: {  	_ =	task.clear_ibuf [dreg:s21], $0x2FFFF;
	_ =	strace $0x9FFFFFFF  }
0xda: {  	(tm) =	ssettm $0x7FFFFFFF  }
0xdb: {  	_ =	shalt  }
tec
_tile_task_arg_handler_lowered:
.L_overlay_start_1:
0x0: {  	(tag) =	ssettag $0x1  }
0x1: {  	s0 =	rddreg [dreg:$0x0]  }
0x2: {  	s1 =	rddreg [dreg:$0x1]  }
0x3: {  	s2 =	rddreg [dreg:$0x2]  }
0x4: {  	s3 =	rddreg [dreg:$0x3]  }
0x5: {  	s4 =	rddreg [dreg:$0x4]  }
0x6: {  	s5 =	rddreg [dreg:$0x5]  }
0x7: {  	s6 =	rddreg [dreg:$0x6]  }
0x8: {  	s7 =	rddreg [dreg:$0x7]  }
0x9: {  	s8 =	rddreg [dreg:$0x8]  }
0xa: {  	s9 =	rddreg [dreg:$0x9]  }
0xb: {  	s10 =	rddreg [dreg:$0xa]  }
0xc: {  	s11 =	rddreg [dreg:$0xb]  }
0xd: {  	s12 =	rddreg [dreg:$0xc]  }
0xe: {  	s13 =	rddreg [dreg:$0xd]  }
0xf: {  	[smem:s0] =	sst s1  }
0x10: {  	[smem:s0+$0x1] =	sst s2  }
0x11: {  	[smem:s0+$0x2] =	sst s3  }
0x12: {  	[smem:s0+$0x3] =	sst s4  }
0x13: {  	[smem:s0+$0x4] =	sst s5  }
0x14: {  	[smem:s0+$0x5] =	sst s6  }
0x15: {  	[smem:s0+$0x6] =	sst s7  }
0x16: {  	[smem:s0+$0x7] =	sst s8  }
0x17: {  	[smem:s0+$0x8] =	sst s9  }
0x18: {  	[smem:s0+$0x9] =	sst s10  }
0x19: {  	[smem:s0+$0xA] =	sst s11  }
0x1a: {  	[smem:s0+$0xB] =	sst s12  }
0x1b: {  	[smem:s0+$0xC] =	sst s13;
	_ =	shalt  }
.Lfunc_end2:
execute0_lowered:
.L_overlay_start_2:
0x1c: {  	(tag) =	ssettag $0x2  }
0x1d: {  	s0 =	rddreg [dreg:$0x0]  }
0x1e: {  	s2 =	rddreg [dreg:$0x1]  }
0x1f: {  	s3 =	rddreg [dreg:$0x2]  }
0x20: {  	s4 =	rddreg [dreg:$0x3]  }
0x21: {  	s5 =	rddreg [dreg:$0x4]  }
0x22: {  	s6 =	rddreg [dreg:$0x5]  }
0x23: {  	s7 =	rddreg [dreg:$0x6]  }
0x24: {  	s8 =	rddreg [dreg:$0x7]  }
0x25: {  	s9 =	rddreg [dreg:$0x8]  }
0x26: {  	s10 =	rddreg [dreg:$0x9]  }
0x27: {  	s11 =	rddreg [dreg:$0xa]  }
0x28: {  	s12 =	rddreg [dreg:$0xb]  }
0x29: {  	s15 =	rddreg [dreg:$0xc]  }
0x2a: {  	s14 =	rddreg [dreg:$0xd];
	s1 =	simm.s32 $0x0  }
0x2b: {  	s16 =	stileid.u32;
	[smem:$0x7FF] =	sst s1  }
0x2c: {  	s13 =	srdreg.scid;
	s18 =	sld [smem:$0x0]  }
0x2d: {  	s20 =	smul.u32 $0x6400, s16;
	s29 =	sld [smem:$0x1]  }
0x2e: {  	s13 =	sand.u32 $0x1, s13;
	s17 =	smul.u32 $0x1870, s16;
	s21 =	sld [smem:$0x3]  }
0x2f: {  	s30 =	sld [smem:$0x2];
	s19 =	smul.u32 $0xC3800, s13;
	s13 =	ssub.s32 $0x2, s13  }
0x30: {  	s1 =	sadd.s32 s20, s0;
	s20 =	sadd.s32 $0xC9800, s0;
	s0 =	sadd.s32 $0xFA600, s0  }
0x31: {  	s19 =	sadd.s32 s17, s19;
	[dreg:$0x11] =	wrdreg s21;
	s21 =	sshrl.u32 s13, $0x1  }
0x32: {  	s19 =	sshrl.u32 s19, $0x3;
	_ =	strace $0x8000004A;
	s13 =	ssub.s32 s13, s21  }
0x33: {  	s22 =	sadd.s32 s20, s19;
	s21 =	sadd.s32 $0x30E0, s19;
	[dreg:$0x10] =	wrdreg s18  }
0x34: {  	[dreg:$0x12] =	wrdreg s22;
	s23 =	sadd.s32 s20, s21;
	s22 =	sadd.s32 $0x61C0, s19  }
0x35: {  	[dreg:$0x13] =	wrdreg s23;
	s23 =	sadd.s32 $0x92A0, s19;
	s24 =	sadd.s32 s20, s22  }
0x36: {  	[dreg:$0x14] =	wrdreg s24;
	s25 =	sadd.s32 s20, s23;
	s24 =	sadd.s32 $0xC380, s19  }
0x37: {  	[dreg:$0x15] =	wrdreg s25;
	s26 =	sadd.s32 s20, s24;
	s25 =	sadd.s32 $0xF460, s19  }
0x38: {  	s28 =	sadd.s32 $0x15620, s19;
	[dreg:$0x16] =	wrdreg s26;
	s16 =	sadd.s32 s20, s25  }
0x39: {  	s26 =	sadd.s32 $0x12540, s19;
	s19 =	sadd.s32 s0, s19;
	[dreg:$0x17] =	wrdreg s16  }
0x3a: {  	s16 =	sadd.s32 s20, s26;
	[dreg:$0x1a] =	wrdreg s19  }
0x3b: {  	s20 =	sadd.s32 s20, s28;
	[dreg:$0x18] =	wrdreg s16  }
0x3c: {  	s19 =	sadd.s32 s17, s3;
	[dreg:$0x19] =	wrdreg s20  }
0x3d: {  	s20 =	sadd.s32 s0, s21;
	[smem:$0x7EE] =	sst s19  }
0x3e: {  	s21 =	sadd.s32 s0, s22;
	[dreg:$0x1b] =	wrdreg s20  }
0x3f: {  	s22 =	sadd.s32 s0, s23;
	[dreg:$0x1c] =	wrdreg s21  }
0x40: {  	s23 =	sadd.s32 s0, s24;
	[dreg:$0x1d] =	wrdreg s22  }
0x41: {  	s24 =	sadd.s32 s0, s25;
	[dreg:$0x1e] =	wrdreg s23  }
0x42: {  	s25 =	sadd.s32 s0, s26;
	[dreg:$0x1f] =	wrdreg s24  }
0x43: {  	s0 =	sadd.s32 s0, s28;
	[smem:$0x7EB] =	sst s25  }
0x44: {  	s26 =	sadd.s32 $0x1800, s1;
	[smem:$0x7EC] =	sst s0  }
0x45: {  	s1 =	sadd.s32 $0x65800, s1;
	[dreg:$0xe] =	wrdreg s26  }
0x46: {  	s16 =	sadd.s32 s17, s2;
	[dreg:$0xf] =	wrdreg s1  }
0x47: {  	s19 =	sadd.s32 s17, s12;
	[smem:$0x7ED] =	sst s16  }
0x48: {  	s20 =	sadd.s32 s17, s4;
	[smem:$0x7F7] =	sst s19  }
0x49: {  	s22 =	sadd.s32 s17, s5;
	[smem:$0x7EF] =	sst s20  }
0x4a: {  	s23 =	sadd.s32 s17, s6;
	[smem:$0x7F0] =	sst s22  }
0x4b: {  	s24 =	sadd.s32 s17, s7;
	[smem:$0x7F1] =	sst s23  }
0x4c: {  	s25 =	sadd.s32 s17, s8;
	[smem:$0x7F2] =	sst s24  }
0x4d: {  	s26 =	sadd.s32 s17, s9;
	[smem:$0x7F3] =	sst s25  }
0x4e: {  	s1 =	sadd.s32 s17, s10;
	[smem:$0x7F4] =	sst s26  }
0x4f: {  	s31 =	simm.s32 $0x800;
	s16 =	sadd.s32 s17, s11;
	[smem:$0x7F5] =	sst s1  }
0x50: {  	s28 =	simm.s32 $0x1BF00;
	[smem:$0x7F6] =	sst s16;
	s20 =	sadd.s32 s17, s15  }
0x51: {  	s21 =	smov.u32 s30;
	s22 =	sadd.s32 s17, s14;
	[smem:$0x7F8] =	sst s20  }
0x52: {  	s19 =	simm.s32 $0x2;
	s23 =	sadd.s32 s17, s18;
	[smem:$0x7F9] =	sst s22  }
0x53: {  	s24 =	sadd.s32 s17, s29;
	s25 =	sadd.s32 s17, s30;
	[smem:$0x7FA] =	sst s23  }
0x54: {  	s17 =	smov.u32 s29;
	s16 =	simm.s32 $0x0;
	[smem:$0x7FB] =	sst s24  }
0x55: {  	s26 =	smax.u32 s13, $0x1;
	s30 =	simm.s32 $0xC380;
	[smem:$0x7FC] =	sst s25  }
0x56: {  	s29 =	simm.s32 $0x1;
	s1 =	simm.s32 $0x0;
	[smem:$0x7FD] =	sst s26  }
0x57: {  	s20 =	simm.s32 $0x18F00;
	s22 =	simm.s32 $0x19700;
	s23 =	simm.s32 $0x19F00  }
0x58: {  	v0 =	vimm.f32 $0.0e+00;
	s24 =	simm.s32 $0x1A700;
	s25 =	simm.s32 $0x1AF00;
	s26 =	simm.s32 $0x1B700  }
.LBB3_1:
0x59: {  	[smem:$0x7EA] =	sst s1;
	s0 =	simm.s32 $0x40;
	s1 =	simm.s32 $0x0  }
.LBB3_2:
0x5a: {  	p0 =	sne.s32 s0, $0x6180;
	[tilespmem:s1+$0x1D700] =	vst v0;
	s1 =	smov.u32 s0;
	s0 =	sadd.s32 $0x40, s0  }
.Ltmp0:
0x5b: {  	(pc) =	sbr.rel @p0 .LBB3_2-.Ltmp0, $2  }
0x5c: {  	_ =	sdelay $0x2  }
0x5d: {  	s1 =	sshra.s32 s1, $0x2  }
0x5e: {  	s0 =	sld [smem:$0x7ED];
	_ =	sdelay $0x1  }
0x5f: {  	[tilespmem:s1+$0x1D700] =	vst v0;
	s13 =	simm.s32 $0x1D700  }
0x60: {  	[spmem:s0] =	stream.linear.scatter [tilespmem:s13], [sflag:$0x2], $0x1870, $0x38;
	[tilespmem:$0x1EF70] =	vst v63  }
0x61: {  	_ =	swait.ge [sflag:s19], $0x1870  }
0x62: {  	s1 =	sld [smem:$0x7EE]  }
0x63: {  	[sflag:s19] =	ssyncset.done $0x0  }
0x64: {  	[sflag:s19] =	ssyncadd.s32 $0xFFFFE790  }
0x65: {  	[spmem:s1] =	stream.linear.scatter [tilespmem:s13], [sflag:$0x2], $0x1870, $0x38;
	[tilespmem:$0x1EF70] =	vst v63  }
0x66: {  	_ =	swait.ge [sflag:s19], $0x1870  }
0x67: {  	s18 =	sld [smem:$0x7EF]  }
0x68: {  	[sflag:s19] =	ssyncset.done $0x0  }
0x69: {  	[sflag:s19] =	ssyncadd.s32 $0xFFFFE790  }
0x6a: {  	[spmem:s18] =	stream.linear.scatter [tilespmem:s13], [sflag:$0x2], $0x1870, $0x38;
	[tilespmem:$0x1EF70] =	vst v63  }
0x6b: {  	_ =	swait.ge [sflag:s19], $0x1870  }
0x6c: {  	s1 =	sld [smem:$0x7F0]  }
0x6d: {  	[sflag:s19] =	ssyncset.done $0x0  }
0x6e: {  	[sflag:s19] =	ssyncadd.s32 $0xFFFFE790  }
0x6f: {  	[spmem:s1] =	stream.linear.scatter [tilespmem:s13], [sflag:$0x2], $0x1870, $0x38;
	[tilespmem:$0x1EF70] =	vst v63  }
0x70: {  	_ =	swait.ge [sflag:s19], $0x1870  }
0x71: {  	s18 =	sld [smem:$0x7F1]  }
0x72: {  	[sflag:s19] =	ssyncset.done $0x0  }
0x73: {  	[sflag:s19] =	ssyncadd.s32 $0xFFFFE790  }
0x74: {  	[spmem:s18] =	stream.linear.scatter [tilespmem:s13], [sflag:$0x2], $0x1870, $0x38;
	[tilespmem:$0x1EF70] =	vst v63  }
0x75: {  	_ =	swait.ge [sflag:s19], $0x1870  }
0x76: {  	s1 =	sld [smem:$0x7F2]  }
0x77: {  	[sflag:s19] =	ssyncset.done $0x0  }
0x78: {  	[sflag:s19] =	ssyncadd.s32 $0xFFFFE790  }
0x79: {  	[spmem:s1] =	stream.linear.scatter [tilespmem:s13], [sflag:$0x2], $0x1870, $0x38;
	[tilespmem:$0x1EF70] =	vst v63  }
0x7a: {  	_ =	swait.ge [sflag:s19], $0x1870  }
0x7b: {  	s18 =	sld [smem:$0x7F3]  }
0x7c: {  	[sflag:s19] =	ssyncset.done $0x0  }
0x7d: {  	[sflag:s19] =	ssyncadd.s32 $0xFFFFE790  }
0x7e: {  	[spmem:s18] =	stream.linear.scatter [tilespmem:s13], [sflag:$0x2], $0x1870, $0x38;
	[tilespmem:$0x1EF70] =	vst v63  }
0x7f: {  	_ =	swait.ge [sflag:s19], $0x1870  }
0x80: {  	s1 =	sld [smem:$0x7F4]  }
0x81: {  	[sflag:s19] =	ssyncset.done $0x0  }
0x82: {  	[sflag:s19] =	ssyncadd.s32 $0xFFFFE790  }
0x83: {  	[spmem:s1] =	stream.linear.scatter [tilespmem:s13], [sflag:$0x2], $0x1870, $0x38;
	[tilespmem:$0x1EF70] =	vst v63  }
0x84: {  	_ =	swait.ge [sflag:s19], $0x1870  }
0x85: {  	[sflag:s19] =	ssyncset.done $0x0  }
0x86: {  	s0 =	simm.s32 $0x0;
	s18 =	rddreg [dreg:$0x12];
	[sflag:s19] =	ssyncadd.s32 $0xFFFFE790  }
0x87: {  	[tilespmem:s13], [sflag:$0x2] =	stream.linear.gather [hbm4b:s18+s0], $0x1870, $0x38;
	[tilespmem:$0x1EF70] =	vst v63  }
0x88: {  	_ =	swait.ge [sflag:s19], $0x1870  }
0x89: {  	s18 =	sld [smem:$0x7F5]  }
0x8a: {  	[sflag:s19] =	ssyncset.done $0x0  }
0x8b: {  	[sflag:s19] =	ssyncadd.s32 $0xFFFFE790  }
0x8c: {  	[spmem:s18] =	stream.linear.scatter [tilespmem:s13], [sflag:$0x2], $0x1870, $0x38;
	[tilespmem:$0x1EF70] =	vst v63  }
0x8d: {  	_ =	swait.ge [sflag:s19], $0x1870  }
0x8e: {  	[sflag:s19] =	ssyncset.done $0x0  }
0x8f: {  	s18 =	rddreg [dreg:$0x13];
	[sflag:s19] =	ssyncadd.s32 $0xFFFFE790  }
0x90: {  	[tilespmem:s13], [sflag:$0x2] =	stream.linear.gather [hbm4b:s18+s0], $0x1870, $0x38;
	[tilespmem:$0x1EF70] =	vst v63  }
0x91: {  	_ =	swait.ge [sflag:s19], $0x1870  }
0x92: {  	s18 =	sld [smem:$0x7F6]  }
0x93: {  	[sflag:s19] =	ssyncset.done $0x0  }
0x94: {  	[sflag:s19] =	ssyncadd.s32 $0xFFFFE790  }
0x95: {  	[spmem:s18] =	stream.linear.scatter [tilespmem:s13], [sflag:$0x2], $0x1870, $0x38;
	[tilespmem:$0x1EF70] =	vst v63  }
0x96: {  	_ =	swait.ge [sflag:s19], $0x1870  }
0x97: {  	[sflag:s19] =	ssyncset.done $0x0  }
0x98: {  	s18 =	rddreg [dreg:$0x14];
	[sflag:s19] =	ssyncadd.s32 $0xFFFFE790  }
0x99: {  	[tilespmem:s13], [sflag:$0x2] =	stream.linear.gather [hbm4b:s18+s0], $0x1870, $0x38;
	[tilespmem:$0x1EF70] =	vst v63  }
0x9a: {  	_ =	swait.ge [sflag:s19], $0x1870  }
0x9b: {  	s18 =	sld [smem:$0x7F7]  }
0x9c: {  	[sflag:s19] =	ssyncset.done $0x0  }
0x9d: {  	[sflag:s19] =	ssyncadd.s32 $0xFFFFE790  }
0x9e: {  	[spmem:s18] =	stream.linear.scatter [tilespmem:s13], [sflag:$0x2], $0x1870, $0x38;
	[tilespmem:$0x1EF70] =	vst v63  }
0x9f: {  	_ =	swait.ge [sflag:s19], $0x1870  }
0xa0: {  	[sflag:s19] =	ssyncset.done $0x0  }
0xa1: {  	s18 =	rddreg [dreg:$0x15];
	[sflag:s19] =	ssyncadd.s32 $0xFFFFE790  }
0xa2: {  	[tilespmem:s13], [sflag:$0x2] =	stream.linear.gather [hbm4b:s18+s0], $0x1870, $0x38;
	[tilespmem:$0x1EF70] =	vst v63  }
0xa3: {  	_ =	swait.ge [sflag:s19], $0x1870  }
0xa4: {  	s18 =	sld [smem:$0x7F8]  }
0xa5: {  	[sflag:s19] =	ssyncset.done $0x0  }
0xa6: {  	[sflag:s19] =	ssyncadd.s32 $0xFFFFE790  }
0xa7: {  	[spmem:s18] =	stream.linear.scatter [tilespmem:s13], [sflag:$0x2], $0x1870, $0x38;
	[tilespmem:$0x1EF70] =	vst v63  }
0xa8: {  	_ =	swait.ge [sflag:s19], $0x1870  }
0xa9: {  	[sflag:s19] =	ssyncset.done $0x0  }
0xaa: {  	s18 =	rddreg [dreg:$0x16];
	[sflag:s19] =	ssyncadd.s32 $0xFFFFE790  }
0xab: {  	[tilespmem:s13], [sflag:$0x2] =	stream.linear.gather [hbm4b:s18+s0], $0x1870, $0x38;
	[tilespmem:$0x1EF70] =	vst v63  }
0xac: {  	_ =	swait.ge [sflag:s19], $0x1870  }
0xad: {  	s18 =	sld [smem:$0x7F9]  }
0xae: {  	[sflag:s19] =	ssyncset.done $0x0  }
0xaf: {  	[sflag:s19] =	ssyncadd.s32 $0xFFFFE790  }
0xb0: {  	[spmem:s18] =	stream.linear.scatter [tilespmem:s13], [sflag:$0x2], $0x1870, $0x38;
	[tilespmem:$0x1EF70] =	vst v63  }
0xb1: {  	_ =	swait.ge [sflag:s19], $0x1870  }
0xb2: {  	[sflag:s19] =	ssyncset.done $0x0  }
0xb3: {  	s18 =	rddreg [dreg:$0x17];
	[sflag:s19] =	ssyncadd.s32 $0xFFFFE790  }
0xb4: {  	[tilespmem:s13], [sflag:$0x2] =	stream.linear.gather [hbm4b:s18+s0], $0x1870, $0x38;
	[tilespmem:$0x1EF70] =	vst v63  }
0xb5: {  	_ =	swait.ge [sflag:s19], $0x1870  }
0xb6: {  	s18 =	sld [smem:$0x7FA]  }
0xb7: {  	[sflag:s19] =	ssyncset.done $0x0  }
0xb8: {  	[sflag:s19] =	ssyncadd.s32 $0xFFFFE790  }
0xb9: {  	[spmem:s18] =	stream.linear.scatter [tilespmem:s13], [sflag:$0x2], $0x1870, $0x38;
	[tilespmem:$0x1EF70] =	vst v63  }
0xba: {  	_ =	swait.ge [sflag:s19], $0x1870  }
0xbb: {  	[sflag:s19] =	ssyncset.done $0x0  }
0xbc: {  	s18 =	rddreg [dreg:$0x18];
	[sflag:s19] =	ssyncadd.s32 $0xFFFFE790  }
0xbd: {  	[tilespmem:s13], [sflag:$0x2] =	stream.linear.gather [hbm4b:s18+s0], $0x1870, $0x38;
	[tilespmem:$0x1EF70] =	vst v63  }
0xbe: {  	_ =	swait.ge [sflag:s19], $0x1870  }
0xbf: {  	s18 =	sld [smem:$0x7FB]  }
0xc0: {  	[sflag:s19] =	ssyncset.done $0x0  }
0xc1: {  	[sflag:s19] =	ssyncadd.s32 $0xFFFFE790  }
0xc2: {  	[spmem:s18] =	stream.linear.scatter [tilespmem:s13], [sflag:$0x2], $0x1870, $0x38;
	[tilespmem:$0x1EF70] =	vst v63  }
0xc3: {  	_ =	swait.ge [sflag:s19], $0x1870  }
0xc4: {  	[sflag:s19] =	ssyncset.done $0x0  }
0xc5: {  	s18 =	rddreg [dreg:$0x19];
	[sflag:s19] =	ssyncadd.s32 $0xFFFFE790  }
0xc6: {  	[tilespmem:s13], [sflag:$0x2] =	stream.linear.gather [hbm4b:s18+s0], $0x1870, $0x38;
	[tilespmem:$0x1EF70] =	vst v63  }
0xc7: {  	_ =	swait.ge [sflag:s19], $0x1870  }
0xc8: {  	s18 =	sld [smem:$0x7FC]  }
0xc9: {  	[sflag:s19] =	ssyncset.done $0x0  }
0xca: {  	[sflag:s19] =	ssyncadd.s32 $0xFFFFE790  }
0xcb: {  	[spmem:s18] =	stream.linear.scatter [tilespmem:s13], [sflag:$0x2], $0x1870, $0x38;
	[tilespmem:$0x1EF70] =	vst v63  }
0xcc: {  	_ =	swait.ge [sflag:s19], $0x1870  }
0xcd: {  	[sflag:s19] =	ssyncset.done $0x0  }
0xce: {  	[sflag:s19] =	ssyncadd.s32 $0xFFFFE790  }
0xcf: {  	[bflag:$0x0] =	sbarrier.arrive $0xFFFF  }
0xd0: {  	s1 =	rddreg [dreg:$0xf]  }
0xd1: {  	s0 =	sadd.s32 $0x0, s1  }
0xd2: {  	[tilespmem:s20], [sflag:$0x2] =	stream.linear.gather [hbm4b:s0+s16], $0x800, $0x38;
	[tilespmem:$0x1EF70] =	vst v63  }
0xd3: {  	_ =	swait.ge [sflag:s19], $0x800  }
0xd4: {  	s13 =	rddreg [dreg:$0xe];
	[sflag:s19] =	ssyncset.done $0x0  }
0xd5: {  	[sflag:s19] =	ssyncadd.s32 $0xFFFFF800;
	s0 =	sadd.s32 $0x0, s13  }
0xd6: {  	[tilespmem:s30], [sflag:$0x2] =	stream.linear.gather [hbm4b:s0+s16], $0x800, $0x38;
	[tilespmem:$0x1EF70] =	vst v63  }
0xd7: {  	_ =	swait.ge [sflag:s19], $0x800  }
0xd8: {  	[sflag:s19] =	ssyncset.done $0x0  }
0xd9: {  	[sflag:s19] =	ssyncadd.s32 $0xFFFFF800  }
0xda: {  	[tilespmem:s22], [sflag:$0x1] =	stream.indirect.gather [spmem:s10], $0x1, s20, s31, $0xb8;
	[tilespmem:$0x1EF70] =	vst v63  }
0xdb: {  	_ = 	snop  }
0xdc: {  	[tilespmem:s23], [sflag:$0x1] =	stream.indirect.gather [spmem:s11], $0x1, s20, s31, $0xb8;
	[tilespmem:$0x1EF70] =	vst v63  }
0xdd: {  	_ = 	snop  }
0xde: {  	[tilespmem:s24], [sflag:$0x1] =	stream.indirect.gather [spmem:s12], $0x1, s20, s31, $0xb8;
	[tilespmem:$0x1EF70] =	vst v63  }
0xdf: {  	_ = 	snop  }
0xe0: {  	[tilespmem:s25], [sflag:$0x1] =	stream.indirect.gather [spmem:s15], $0x1, s20, s31, $0xb8;
	[tilespmem:$0x1EF70] =	vst v63  }
0xe1: {  	_ = 	snop  }
0xe2: {  	[tilespmem:s26], [sflag:$0x1] =	stream.indirect.gather [spmem:s14], $0x1, s20, s31, $0xb8;
	[tilespmem:$0x1EF70] =	vst v63  }
0xe3: {  	s18 =	rddreg [dreg:$0x10]  }
0xe4: {  	[tilespmem:s28], [sflag:$0x1] =	stream.indirect.gather [spmem:s18], $0x1, s20, s31, $0xb8;
	[tilespmem:$0x1EF70] =	vst v63  }
0xe5: {  	s1 =	simm.s32 $0x1C700  }
0xe6: {  	[tilespmem:s1], [sflag:$0x1] =	stream.indirect.gather [spmem:s17], $0x1, s20, s31, $0xb8;
	[tilespmem:$0x1EF70] =	vst v63  }
0xe7: {  	s16 =	simm.s32 $0x1CF00  }
0xe8: {  	[tilespmem:s16], [sflag:$0x1] =	stream.indirect.gather [spmem:s21], $0x1, s20, s31, $0xb8;
	[tilespmem:$0x1EF70] =	vst v63  }
0xe9: {  	_ =	swait.ge [sflag:s29], $0x800  }
0xea: {  	[sflag:s29] =	ssyncset.done $0x0  }
0xeb: {  	[sflag:s29] =	ssyncadd.s32 $0xFFFFF800  }
0xec: {  	_ =	swait.ge [sflag:s29], $0x800  }
0xed: {  	[sflag:s29] =	ssyncset.done $0x0  }
0xee: {  	[sflag:s29] =	ssyncadd.s32 $0xFFFFF800  }
0xef: {  	_ =	swait.ge [sflag:s29], $0x800  }
0xf0: {  	[sflag:s29] =	ssyncset.done $0x0  }
0xf1: {  	[sflag:s29] =	ssyncadd.s32 $0xFFFFF800  }
0xf2: {  	_ =	swait.ge [sflag:s29], $0x800  }
0xf3: {  	[sflag:s29] =	ssyncset.done $0x0  }
0xf4: {  	[sflag:s29] =	ssyncadd.s32 $0xFFFFF800  }
0xf5: {  	_ =	swait.ge [sflag:s29], $0x800  }
0xf6: {  	[sflag:s29] =	ssyncset.done $0x0  }
0xf7: {  	[sflag:s29] =	ssyncadd.s32 $0xFFFFF800  }
0xf8: {  	_ =	swait.ge [sflag:s29], $0x800  }
0xf9: {  	[sflag:s29] =	ssyncset.done $0x0  }
0xfa: {  	[sflag:s29] =	ssyncadd.s32 $0xFFFFF800  }
0xfb: {  	_ =	swait.ge [sflag:s29], $0x800  }
0xfc: {  	[sflag:s29] =	ssyncset.done $0x0  }
0xfd: {  	[sflag:s29] =	ssyncadd.s32 $0xFFFFF800  }
0xfe: {  	_ =	swait.ge [sflag:s29], $0x800  }
0xff: {  	[sflag:s29] =	ssyncset.done $0x0  }
0x100: {  	[sflag:s29] =	ssyncadd.s32 $0xFFFFF800  }
0x101: {  	[spmem:s2] =	stream.indirect.scatter.add.f32 [tilespmem:s22], [sflag:$0x2], $0x1, s30, s31, $0xb8;
	[tilespmem:$0x1EF70] =	vst v63  }
0x102: {  	_ =	swait.ge [sflag:s19], $0x800  }
0x103: {  	[sflag:s19] =	ssyncset.done $0x0  }
0x104: {  	[sflag:s19] =	ssyncadd.s32 $0xFFFFF800  }
0x105: {  	[spmem:s3] =	stream.indirect.scatter.add.f32 [tilespmem:s23], [sflag:$0x2], $0x1, s30, s31, $0xb8;
	[tilespmem:$0x1EF70] =	vst v63  }
0x106: {  	_ =	swait.ge [sflag:s19], $0x800  }
0x107: {  	[sflag:s19] =	ssyncset.done $0x0  }
0x108: {  	[sflag:s19] =	ssyncadd.s32 $0xFFFFF800  }
0x109: {  	[spmem:s4] =	stream.indirect.scatter.add.f32 [tilespmem:s24], [sflag:$0x2], $0x1, s30, s31, $0xb8;
	[tilespmem:$0x1EF70] =	vst v63  }
0x10a: {  	_ =	swait.ge [sflag:s19], $0x800  }
0x10b: {  	[sflag:s19] =	ssyncset.done $0x0  }
0x10c: {  	[sflag:s19] =	ssyncadd.s32 $0xFFFFF800  }
0x10d: {  	[spmem:s5] =	stream.indirect.scatter.add.f32 [tilespmem:s25], [sflag:$0x2], $0x1, s30, s31, $0xb8;
	[tilespmem:$0x1EF70] =	vst v63  }
0x10e: {  	_ =	swait.ge [sflag:s19], $0x800  }
0x10f: {  	[sflag:s19] =	ssyncset.done $0x0  }
0x110: {  	[sflag:s19] =	ssyncadd.s32 $0xFFFFF800  }
0x111: {  	[spmem:s6] =	stream.indirect.scatter.add.f32 [tilespmem:s26], [sflag:$0x2], $0x1, s30, s31, $0xb8;
	[tilespmem:$0x1EF70] =	vst v63  }
0x112: {  	_ =	swait.ge [sflag:s19], $0x800  }
0x113: {  	[sflag:s19] =	ssyncset.done $0x0  }
0x114: {  	[sflag:s19] =	ssyncadd.s32 $0xFFFFF800  }
0x115: {  	[spmem:s7] =	stream.indirect.scatter.add.f32 [tilespmem:s28], [sflag:$0x2], $0x1, s30, s31, $0xb8;
	[tilespmem:$0x1EF70] =	vst v63  }
0x116: {  	_ =	swait.ge [sflag:s19], $0x800  }
0x117: {  	[sflag:s19] =	ssyncset.done $0x0  }
0x118: {  	[sflag:s19] =	ssyncadd.s32 $0xFFFFF800  }
0x119: {  	[spmem:s8] =	stream.indirect.scatter.add.f32 [tilespmem:s1], [sflag:$0x2], $0x1, s30, s31, $0xb8;
	[tilespmem:$0x1EF70] =	vst v63  }
0x11a: {  	_ =	swait.ge [sflag:s19], $0x800  }
0x11b: {  	[sflag:s19] =	ssyncset.done $0x0  }
0x11c: {  	s0 =	simm.s32 $0x200;
	[sflag:s19] =	ssyncadd.s32 $0xFFFFF800  }
0x11d: {  	[spmem:s9] =	stream.indirect.scatter.add.f32 [tilespmem:s16], [sflag:$0x2], $0x1, s30, s31, $0xb8;
	[tilespmem:$0x1EF70] =	vst v63  }
0x11e: {  	s18 =	smov.u32 s21;
	s21 =	smov.u32 s17;
	_ =	swait.ge [sflag:s19], $0x800  }
0x11f: {  	s17 =	simm.s32 $0x100;
	s1 =	rddreg [dreg:$0xf];
	[sflag:s19] =	ssyncset.done $0x0  }
.LBB3_4:
0x120: {  	[sflag:s19] =	ssyncadd.s32 $0xFFFFF800;
	s16 =	smov.u32 s14  }
0x121: {  	s14 =	smov.u32 s15;
	s15 =	smov.u32 s12;
	s12 =	smov.u32 s11  }
0x122: {  	s11 =	smov.u32 s10;
	s10 =	smov.u32 s9;
	s9 =	smov.u32 s8  }
0x123: {  	s8 =	smov.u32 s7;
	s7 =	smov.u32 s6;
	s6 =	smov.u32 s5  }
0x124: {  	s5 =	smov.u32 s4;
	s1 =	sadd.s32 s17, s1;
	s13 =	simm.s32 $0x0  }
0x125: {  	[tilespmem:s20], [sflag:$0x2] =	stream.linear.gather [hbm4b:s1+s13], $0x800, $0x38;
	[tilespmem:$0x1EF70] =	vst v63  }
0x126: {  	s4 =	smov.u32 s3;
	s3 =	smov.u32 s2;
	_ =	swait.ge [sflag:s19], $0x800  }
0x127: {  	s2 =	smov.u32 s0;
	s1 =	rddreg [dreg:$0xe];
	[sflag:s19] =	ssyncset.done $0x0  }
0x128: {  	[sflag:s19] =	ssyncadd.s32 $0xFFFFF800;
	s1 =	sadd.s32 s17, s1;
	s17 =	smov.u32 s2  }
0x129: {  	s2 =	smov.u32 s3;
	s3 =	smov.u32 s4;
	s4 =	smov.u32 s5  }
0x12a: {  	s5 =	smov.u32 s6;
	s6 =	smov.u32 s7;
	s7 =	smov.u32 s8  }
0x12b: {  	s8 =	smov.u32 s9;
	s9 =	smov.u32 s10;
	s10 =	smov.u32 s11  }
0x12c: {  	s11 =	smov.u32 s12;
	s12 =	smov.u32 s15;
	s15 =	smov.u32 s14  }
0x12d: {  	[tilespmem:s30], [sflag:$0x2] =	stream.linear.gather [hbm4b:s1+s13], $0x800, $0x38;
	[tilespmem:$0x1EF70] =	vst v63  }
0x12e: {  	s14 =	smov.u32 s16;
	s16 =	rddreg [dreg:$0x10];
	_ =	swait.ge [sflag:s19], $0x800  }
0x12f: {  	[sflag:s19] =	ssyncset.done $0x0  }
0x130: {  	[sflag:s19] =	ssyncadd.s32 $0xFFFFF800  }
0x131: {  	[tilespmem:s22], [sflag:$0x1] =	stream.indirect.gather [spmem:s10], $0x1, s20, s31, $0xb8;
	[tilespmem:$0x1EF70] =	vst v63  }
0x132: {  	_ = 	snop  }
0x133: {  	[tilespmem:s23], [sflag:$0x1] =	stream.indirect.gather [spmem:s11], $0x1, s20, s31, $0xb8;
	[tilespmem:$0x1EF70] =	vst v63  }
0x134: {  	_ = 	snop  }
0x135: {  	[tilespmem:s24], [sflag:$0x1] =	stream.indirect.gather [spmem:s12], $0x1, s20, s31, $0xb8;
	[tilespmem:$0x1EF70] =	vst v63  }
0x136: {  	_ = 	snop  }
0x137: {  	[tilespmem:s25], [sflag:$0x1] =	stream.indirect.gather [spmem:s15], $0x1, s20, s31, $0xb8;
	[tilespmem:$0x1EF70] =	vst v63  }
0x138: {  	_ = 	snop  }
0x139: {  	[tilespmem:s26], [sflag:$0x1] =	stream.indirect.gather [spmem:s14], $0x1, s20, s31, $0xb8;
	[tilespmem:$0x1EF70] =	vst v63  }
0x13a: {  	_ = 	snop  }
0x13b: {  	[tilespmem:s28], [sflag:$0x1] =	stream.indirect.gather [spmem:s16], $0x1, s20, s31, $0xb8;
	[tilespmem:$0x1EF70] =	vst v63  }
0x13c: {  	s13 =	simm.s32 $0x1C700  }
0x13d: {  	[tilespmem:s13], [sflag:$0x1] =	stream.indirect.gather [spmem:s21], $0x1, s20, s31, $0xb8;
	[tilespmem:$0x1EF70] =	vst v63  }
0x13e: {  	s1 =	simm.s32 $0x1CF00  }
0x13f: {  	[tilespmem:s1], [sflag:$0x1] =	stream.indirect.gather [spmem:s18], $0x1, s20, s31, $0xb8;
	[tilespmem:$0x1EF70] =	vst v63  }
0x140: {  	_ =	swait.ge [sflag:s29], $0x800  }
0x141: {  	[sflag:s29] =	ssyncset.done $0x0  }
0x142: {  	[sflag:s29] =	ssyncadd.s32 $0xFFFFF800  }
0x143: {  	_ =	swait.ge [sflag:s29], $0x800  }
0x144: {  	[sflag:s29] =	ssyncset.done $0x0  }
0x145: {  	[sflag:s29] =	ssyncadd.s32 $0xFFFFF800  }
0x146: {  	_ =	swait.ge [sflag:s29], $0x800  }
0x147: {  	[sflag:s29] =	ssyncset.done $0x0  }
0x148: {  	[sflag:s29] =	ssyncadd.s32 $0xFFFFF800  }
0x149: {  	_ =	swait.ge [sflag:s29], $0x800  }
0x14a: {  	[sflag:s29] =	ssyncset.done $0x0  }
0x14b: {  	[sflag:s29] =	ssyncadd.s32 $0xFFFFF800  }
0x14c: {  	_ =	swait.ge [sflag:s29], $0x800  }
0x14d: {  	[sflag:s29] =	ssyncset.done $0x0  }
0x14e: {  	[sflag:s29] =	ssyncadd.s32 $0xFFFFF800  }
0x14f: {  	_ =	swait.ge [sflag:s29], $0x800  }
0x150: {  	[sflag:s29] =	ssyncset.done $0x0  }
0x151: {  	[sflag:s29] =	ssyncadd.s32 $0xFFFFF800  }
0x152: {  	_ =	swait.ge [sflag:s29], $0x800  }
0x153: {  	[sflag:s29] =	ssyncset.done $0x0  }
0x154: {  	[sflag:s29] =	ssyncadd.s32 $0xFFFFF800  }
0x155: {  	_ =	swait.ge [sflag:s29], $0x800  }
0x156: {  	[sflag:s29] =	ssyncset.done $0x0  }
0x157: {  	[sflag:s29] =	ssyncadd.s32 $0xFFFFF800  }
0x158: {  	[spmem:s2] =	stream.indirect.scatter.add.f32 [tilespmem:s22], [sflag:$0x2], $0x1, s30, s31, $0xb8;
	[tilespmem:$0x1EF70] =	vst v63  }
0x159: {  	_ =	swait.ge [sflag:s19], $0x800  }
0x15a: {  	[sflag:s19] =	ssyncset.done $0x0  }
0x15b: {  	[sflag:s19] =	ssyncadd.s32 $0xFFFFF800  }
0x15c: {  	[spmem:s3] =	stream.indirect.scatter.add.f32 [tilespmem:s23], [sflag:$0x2], $0x1, s30, s31, $0xb8;
	[tilespmem:$0x1EF70] =	vst v63  }
0x15d: {  	_ =	swait.ge [sflag:s19], $0x800  }
0x15e: {  	[sflag:s19] =	ssyncset.done $0x0  }
0x15f: {  	[sflag:s19] =	ssyncadd.s32 $0xFFFFF800  }
0x160: {  	[spmem:s4] =	stream.indirect.scatter.add.f32 [tilespmem:s24], [sflag:$0x2], $0x1, s30, s31, $0xb8;
	[tilespmem:$0x1EF70] =	vst v63  }
0x161: {  	_ =	swait.ge [sflag:s19], $0x800  }
0x162: {  	[sflag:s19] =	ssyncset.done $0x0  }
0x163: {  	[sflag:s19] =	ssyncadd.s32 $0xFFFFF800  }
0x164: {  	[spmem:s5] =	stream.indirect.scatter.add.f32 [tilespmem:s25], [sflag:$0x2], $0x1, s30, s31, $0xb8;
	[tilespmem:$0x1EF70] =	vst v63  }
0x165: {  	_ =	swait.ge [sflag:s19], $0x800  }
0x166: {  	[sflag:s19] =	ssyncset.done $0x0  }
0x167: {  	[sflag:s19] =	ssyncadd.s32 $0xFFFFF800  }
0x168: {  	[spmem:s6] =	stream.indirect.scatter.add.f32 [tilespmem:s26], [sflag:$0x2], $0x1, s30, s31, $0xb8;
	[tilespmem:$0x1EF70] =	vst v63  }
0x169: {  	_ =	swait.ge [sflag:s19], $0x800  }
0x16a: {  	[sflag:s19] =	ssyncset.done $0x0  }
0x16b: {  	[sflag:s19] =	ssyncadd.s32 $0xFFFFF800  }
0x16c: {  	[spmem:s7] =	stream.indirect.scatter.add.f32 [tilespmem:s28], [sflag:$0x2], $0x1, s30, s31, $0xb8;
	[tilespmem:$0x1EF70] =	vst v63  }
0x16d: {  	_ =	swait.ge [sflag:s19], $0x800  }
0x16e: {  	[sflag:s19] =	ssyncset.done $0x0  }
0x16f: {  	[sflag:s19] =	ssyncadd.s32 $0xFFFFF800  }
0x170: {  	[spmem:s8] =	stream.indirect.scatter.add.f32 [tilespmem:s13], [sflag:$0x2], $0x1, s30, s31, $0xb8;
	[tilespmem:$0x1EF70] =	vst v63  }
0x171: {  	p0 =	sne.s32 s0, $0x6300;
	_ =	swait.ge [sflag:s19], $0x800  }
.Ltmp1:
0x172: {  	[sflag:s19] =	ssyncset.done $0x0;
	(pc) =	sbr.rel @p0 .LBB3_4-.Ltmp1, $4  }
0x173: {  	[sflag:s19] =	ssyncadd.s32 $0xFFFFF800  }
0x174: {  	[spmem:s9] =	stream.indirect.scatter.add.f32 [tilespmem:s1], [sflag:$0x2], $0x1, s30, s31, $0xb8;
	[tilespmem:$0x1EF70] =	vst v63  }
0x175: {  	_ =	swait.ge [sflag:s19], $0x800  }
0x176: {  	s0 =	sadd.s32 $0x100, s0;
	s1 =	rddreg [dreg:$0xf];
	[sflag:s19] =	ssyncset.done $0x0  }
0x177: {  	[sflag:s19] =	ssyncadd.s32 $0xFFFFF800;
	s0 =	sadd.s32 s17, s1;
	s13 =	simm.s32 $0x0  }
0x178: {  	[tilespmem:s20], [sflag:$0x2] =	stream.linear.gather [hbm4b:s0+s13], $0x800, $0x38;
	[tilespmem:$0x1EF70] =	vst v63  }
0x179: {  	_ =	swait.ge [sflag:s19], $0x800  }
0x17a: {  	s1 =	rddreg [dreg:$0xe];
	[sflag:s19] =	ssyncset.done $0x0  }
0x17b: {  	s0 =	sadd.s32 s17, s1;
	[sflag:s19] =	ssyncadd.s32 $0xFFFFF800  }
0x17c: {  	[tilespmem:s30], [sflag:$0x2] =	stream.linear.gather [hbm4b:s0+s13], $0x800, $0x38;
	[tilespmem:$0x1EF70] =	vst v63  }
0x17d: {  	_ =	swait.ge [sflag:s19], $0x800  }
0x17e: {  	[sflag:s19] =	ssyncset.done $0x0  }
0x17f: {  	[sflag:s19] =	ssyncadd.s32 $0xFFFFF800  }
0x180: {  	[tilespmem:s22], [sflag:$0x1] =	stream.indirect.gather [spmem:s10], $0x1, s20, s31, $0xb8;
	[tilespmem:$0x1EF70] =	vst v63  }
0x181: {  	_ = 	snop  }
0x182: {  	[tilespmem:s23], [sflag:$0x1] =	stream.indirect.gather [spmem:s11], $0x1, s20, s31, $0xb8;
	[tilespmem:$0x1EF70] =	vst v63  }
0x183: {  	_ = 	snop  }
0x184: {  	[tilespmem:s24], [sflag:$0x1] =	stream.indirect.gather [spmem:s12], $0x1, s20, s31, $0xb8;
	[tilespmem:$0x1EF70] =	vst v63  }
0x185: {  	_ = 	snop  }
0x186: {  	[tilespmem:s25], [sflag:$0x1] =	stream.indirect.gather [spmem:s15], $0x1, s20, s31, $0xb8;
	[tilespmem:$0x1EF70] =	vst v63  }
0x187: {  	_ = 	snop  }
0x188: {  	[tilespmem:s26], [sflag:$0x1] =	stream.indirect.gather [spmem:s14], $0x1, s20, s31, $0xb8;
	[tilespmem:$0x1EF70] =	vst v63  }
0x189: {  	_ = 	snop  }
0x18a: {  	[tilespmem:s28], [sflag:$0x1] =	stream.indirect.gather [spmem:s16], $0x1, s20, s31, $0xb8;
	[tilespmem:$0x1EF70] =	vst v63  }
0x18b: {  	s16 =	simm.s32 $0x1C700  }
0x18c: {  	[tilespmem:s16], [sflag:$0x1] =	stream.indirect.gather [spmem:s21], $0x1, s20, s31, $0xb8;
	[tilespmem:$0x1EF70] =	vst v63  }
0x18d: {  	s17 =	simm.s32 $0x1CF00  }
0x18e: {  	[tilespmem:s17], [sflag:$0x1] =	stream.indirect.gather [spmem:s18], $0x1, s20, s31, $0xb8;
	[tilespmem:$0x1EF70] =	vst v63  }
0x18f: {  	_ =	swait.ge [sflag:s29], $0x800  }
0x190: {  	[sflag:s29] =	ssyncset.done $0x0  }
0x191: {  	[sflag:s29] =	ssyncadd.s32 $0xFFFFF800  }
0x192: {  	_ =	swait.ge [sflag:s29], $0x800  }
0x193: {  	[sflag:s29] =	ssyncset.done $0x0  }
0x194: {  	[sflag:s29] =	ssyncadd.s32 $0xFFFFF800  }
0x195: {  	_ =	swait.ge [sflag:s29], $0x800  }
0x196: {  	[sflag:s29] =	ssyncset.done $0x0  }
0x197: {  	[sflag:s29] =	ssyncadd.s32 $0xFFFFF800  }
0x198: {  	_ =	swait.ge [sflag:s29], $0x800  }
0x199: {  	[sflag:s29] =	ssyncset.done $0x0  }
0x19a: {  	[sflag:s29] =	ssyncadd.s32 $0xFFFFF800  }
0x19b: {  	_ =	swait.ge [sflag:s29], $0x800  }
0x19c: {  	[sflag:s29] =	ssyncset.done $0x0  }
0x19d: {  	[sflag:s29] =	ssyncadd.s32 $0xFFFFF800  }
0x19e: {  	_ =	swait.ge [sflag:s29], $0x800  }
0x19f: {  	[sflag:s29] =	ssyncset.done $0x0  }
0x1a0: {  	[sflag:s29] =	ssyncadd.s32 $0xFFFFF800  }
0x1a1: {  	_ =	swait.ge [sflag:s29], $0x800  }
0x1a2: {  	[sflag:s29] =	ssyncset.done $0x0  }
0x1a3: {  	[sflag:s29] =	ssyncadd.s32 $0xFFFFF800  }
0x1a4: {  	_ =	swait.ge [sflag:s29], $0x800  }
0x1a5: {  	[sflag:s29] =	ssyncset.done $0x0  }
0x1a6: {  	[sflag:s29] =	ssyncadd.s32 $0xFFFFF800  }
0x1a7: {  	[spmem:s2] =	stream.indirect.scatter.add.f32 [tilespmem:s22], [sflag:$0x2], $0x1, s30, s31, $0xb8;
	[tilespmem:$0x1EF70] =	vst v63  }
0x1a8: {  	_ =	swait.ge [sflag:s19], $0x800  }
0x1a9: {  	[sflag:s19] =	ssyncset.done $0x0  }
0x1aa: {  	[sflag:s19] =	ssyncadd.s32 $0xFFFFF800  }
0x1ab: {  	[spmem:s3] =	stream.indirect.scatter.add.f32 [tilespmem:s23], [sflag:$0x2], $0x1, s30, s31, $0xb8;
	[tilespmem:$0x1EF70] =	vst v63  }
0x1ac: {  	_ =	swait.ge [sflag:s19], $0x800  }
0x1ad: {  	[sflag:s19] =	ssyncset.done $0x0  }
0x1ae: {  	[sflag:s19] =	ssyncadd.s32 $0xFFFFF800  }
0x1af: {  	[spmem:s4] =	stream.indirect.scatter.add.f32 [tilespmem:s24], [sflag:$0x2], $0x1, s30, s31, $0xb8;
	[tilespmem:$0x1EF70] =	vst v63  }
0x1b0: {  	_ =	swait.ge [sflag:s19], $0x800  }
0x1b1: {  	[sflag:s19] =	ssyncset.done $0x0  }
0x1b2: {  	[sflag:s19] =	ssyncadd.s32 $0xFFFFF800  }
0x1b3: {  	[spmem:s5] =	stream.indirect.scatter.add.f32 [tilespmem:s25], [sflag:$0x2], $0x1, s30, s31, $0xb8;
	[tilespmem:$0x1EF70] =	vst v63  }
0x1b4: {  	_ =	swait.ge [sflag:s19], $0x800  }
0x1b5: {  	[sflag:s19] =	ssyncset.done $0x0  }
0x1b6: {  	[sflag:s19] =	ssyncadd.s32 $0xFFFFF800  }
0x1b7: {  	[spmem:s6] =	stream.indirect.scatter.add.f32 [tilespmem:s26], [sflag:$0x2], $0x1, s30, s31, $0xb8;
	[tilespmem:$0x1EF70] =	vst v63  }
0x1b8: {  	_ =	swait.ge [sflag:s19], $0x800  }
0x1b9: {  	[sflag:s19] =	ssyncset.done $0x0  }
0x1ba: {  	[sflag:s19] =	ssyncadd.s32 $0xFFFFF800  }
0x1bb: {  	[spmem:s7] =	stream.indirect.scatter.add.f32 [tilespmem:s28], [sflag:$0x2], $0x1, s30, s31, $0xb8;
	[tilespmem:$0x1EF70] =	vst v63  }
0x1bc: {  	_ =	swait.ge [sflag:s19], $0x800  }
0x1bd: {  	[sflag:s19] =	ssyncset.done $0x0  }
0x1be: {  	[sflag:s19] =	ssyncadd.s32 $0xFFFFF800  }
0x1bf: {  	[spmem:s8] =	stream.indirect.scatter.add.f32 [tilespmem:s16], [sflag:$0x2], $0x1, s30, s31, $0xb8;
	[tilespmem:$0x1EF70] =	vst v63  }
0x1c0: {  	_ =	swait.ge [sflag:s19], $0x800  }
0x1c1: {  	[sflag:s19] =	ssyncset.done $0x0  }
0x1c2: {  	[sflag:s19] =	ssyncadd.s32 $0xFFFFF800  }
0x1c3: {  	[spmem:s9] =	stream.indirect.scatter.add.f32 [tilespmem:s17], [sflag:$0x2], $0x1, s30, s31, $0xb8;
	[tilespmem:$0x1EF70] =	vst v63  }
0x1c4: {  	_ =	swait.ge [sflag:s19], $0x800  }
0x1c5: {  	[sflag:s19] =	ssyncset.done $0x0  }
0x1c6: {  	[sflag:s19] =	ssyncadd.s32 $0xFFFFF800  }
0x1c7: {  	[bflag:$0x0] =	sbarrier.arrive $0xFFFF  }
0x1c8: {  	s16 =	sld [smem:$0x7ED];
	_ =	sdelay $0x1  }
0x1c9: {  	s1 =	simm.s32 $0x1D700  }
0x1ca: {  	[tilespmem:s1], [sflag:$0x2] =	stream.linear.gather [spmem:s16], $0x1870, $0x38;
	[tilespmem:$0x1EF70] =	vst v63  }
0x1cb: {  	_ =	swait.ge [sflag:s19], $0x1870  }
0x1cc: {  	[sflag:s19] =	ssyncset.done $0x0  }
0x1cd: {  	s17 =	rddreg [dreg:$0x1a];
	[sflag:s19] =	ssyncadd.s32 $0xFFFFE790  }
0x1ce: {  	[hbm4b:s17+s13] =	stream.linear.scatter [tilespmem:s1], [sflag:$0x2], $0x1870, $0x38;
	[tilespmem:$0x1EF70] =	vst v63  }
0x1cf: {  	_ =	swait.ge [sflag:s19], $0x1870  }
0x1d0: {  	s16 =	sld [smem:$0x7EE]  }
0x1d1: {  	[sflag:s19] =	ssyncset.done $0x0  }
0x1d2: {  	[sflag:s19] =	ssyncadd.s32 $0xFFFFE790  }
0x1d3: {  	[tilespmem:s1], [sflag:$0x2] =	stream.linear.gather [spmem:s16], $0x1870, $0x38;
	[tilespmem:$0x1EF70] =	vst v63  }
0x1d4: {  	_ =	swait.ge [sflag:s19], $0x1870  }
0x1d5: {  	[sflag:s19] =	ssyncset.done $0x0  }
0x1d6: {  	s17 =	rddreg [dreg:$0x1b];
	[sflag:s19] =	ssyncadd.s32 $0xFFFFE790  }
0x1d7: {  	[hbm4b:s17+s13] =	stream.linear.scatter [tilespmem:s1], [sflag:$0x2], $0x1870, $0x38;
	[tilespmem:$0x1EF70] =	vst v63  }
0x1d8: {  	_ =	swait.ge [sflag:s19], $0x1870  }
0x1d9: {  	s16 =	sld [smem:$0x7EF]  }
0x1da: {  	[sflag:s19] =	ssyncset.done $0x0  }
0x1db: {  	[sflag:s19] =	ssyncadd.s32 $0xFFFFE790  }
0x1dc: {  	[tilespmem:s1], [sflag:$0x2] =	stream.linear.gather [spmem:s16], $0x1870, $0x38;
	[tilespmem:$0x1EF70] =	vst v63  }
0x1dd: {  	_ =	swait.ge [sflag:s19], $0x1870  }
0x1de: {  	[sflag:s19] =	ssyncset.done $0x0  }
0x1df: {  	s17 =	rddreg [dreg:$0x1c];
	[sflag:s19] =	ssyncadd.s32 $0xFFFFE790  }
0x1e0: {  	[hbm4b:s17+s13] =	stream.linear.scatter [tilespmem:s1], [sflag:$0x2], $0x1870, $0x38;
	[tilespmem:$0x1EF70] =	vst v63  }
0x1e1: {  	_ =	swait.ge [sflag:s19], $0x1870  }
0x1e2: {  	s16 =	sld [smem:$0x7F0]  }
0x1e3: {  	[sflag:s19] =	ssyncset.done $0x0  }
0x1e4: {  	[sflag:s19] =	ssyncadd.s32 $0xFFFFE790  }
0x1e5: {  	[tilespmem:s1], [sflag:$0x2] =	stream.linear.gather [spmem:s16], $0x1870, $0x38;
	[tilespmem:$0x1EF70] =	vst v63  }
0x1e6: {  	_ =	swait.ge [sflag:s19], $0x1870  }
0x1e7: {  	[sflag:s19] =	ssyncset.done $0x0  }
0x1e8: {  	s17 =	rddreg [dreg:$0x1d];
	[sflag:s19] =	ssyncadd.s32 $0xFFFFE790  }
0x1e9: {  	[hbm4b:s17+s13] =	stream.linear.scatter [tilespmem:s1], [sflag:$0x2], $0x1870, $0x38;
	[tilespmem:$0x1EF70] =	vst v63  }
0x1ea: {  	_ =	swait.ge [sflag:s19], $0x1870  }
0x1eb: {  	s16 =	sld [smem:$0x7F1]  }
0x1ec: {  	[sflag:s19] =	ssyncset.done $0x0  }
0x1ed: {  	[sflag:s19] =	ssyncadd.s32 $0xFFFFE790  }
0x1ee: {  	[tilespmem:s1], [sflag:$0x2] =	stream.linear.gather [spmem:s16], $0x1870, $0x38;
	[tilespmem:$0x1EF70] =	vst v63  }
0x1ef: {  	_ =	swait.ge [sflag:s19], $0x1870  }
0x1f0: {  	[sflag:s19] =	ssyncset.done $0x0  }
0x1f1: {  	s17 =	rddreg [dreg:$0x1e];
	[sflag:s19] =	ssyncadd.s32 $0xFFFFE790  }
0x1f2: {  	[hbm4b:s17+s13] =	stream.linear.scatter [tilespmem:s1], [sflag:$0x2], $0x1870, $0x38;
	[tilespmem:$0x1EF70] =	vst v63  }
0x1f3: {  	_ =	swait.ge [sflag:s19], $0x1870  }
0x1f4: {  	s16 =	sld [smem:$0x7F2]  }
0x1f5: {  	[sflag:s19] =	ssyncset.done $0x0  }
0x1f6: {  	[sflag:s19] =	ssyncadd.s32 $0xFFFFE790  }
0x1f7: {  	[tilespmem:s1], [sflag:$0x2] =	stream.linear.gather [spmem:s16], $0x1870, $0x38;
	[tilespmem:$0x1EF70] =	vst v63  }
0x1f8: {  	_ =	swait.ge [sflag:s19], $0x1870  }
0x1f9: {  	[sflag:s19] =	ssyncset.done $0x0  }
0x1fa: {  	s17 =	rddreg [dreg:$0x1f];
	[sflag:s19] =	ssyncadd.s32 $0xFFFFE790  }
0x1fb: {  	[hbm4b:s17+s13] =	stream.linear.scatter [tilespmem:s1], [sflag:$0x2], $0x1870, $0x38;
	[tilespmem:$0x1EF70] =	vst v63  }
0x1fc: {  	_ =	swait.ge [sflag:s19], $0x1870  }
0x1fd: {  	s16 =	sld [smem:$0x7F3]  }
0x1fe: {  	[sflag:s19] =	ssyncset.done $0x0  }
0x1ff: {  	[sflag:s19] =	ssyncadd.s32 $0xFFFFE790  }
0x200: {  	[tilespmem:s1], [sflag:$0x2] =	stream.linear.gather [spmem:s16], $0x1870, $0x38;
	[tilespmem:$0x1EF70] =	vst v63  }
0x201: {  	_ =	swait.ge [sflag:s19], $0x1870  }
0x202: {  	s17 =	sld [smem:$0x7EB]  }
0x203: {  	[sflag:s19] =	ssyncset.done $0x0  }
0x204: {  	[sflag:s19] =	ssyncadd.s32 $0xFFFFE790  }
0x205: {  	[hbm4b:s17+s13] =	stream.linear.scatter [tilespmem:s1], [sflag:$0x2], $0x1870, $0x38;
	[tilespmem:$0x1EF70] =	vst v63  }
0x206: {  	_ =	swait.ge [sflag:s19], $0x1870  }
0x207: {  	s16 =	sld [smem:$0x7F4]  }
0x208: {  	[sflag:s19] =	ssyncset.done $0x0  }
0x209: {  	[sflag:s19] =	ssyncadd.s32 $0xFFFFE790  }
0x20a: {  	[tilespmem:s1], [sflag:$0x2] =	stream.linear.gather [spmem:s16], $0x1870, $0x38;
	[tilespmem:$0x1EF70] =	vst v63  }
0x20b: {  	_ =	swait.ge [sflag:s19], $0x1870  }
0x20c: {  	s17 =	sld [smem:$0x7EC]  }
0x20d: {  	[sflag:s19] =	ssyncset.done $0x0  }
0x20e: {  	[sflag:s19] =	ssyncadd.s32 $0xFFFFE790  }
0x20f: {  	[hbm4b:s17+s13] =	stream.linear.scatter [tilespmem:s1], [sflag:$0x2], $0x1870, $0x38;
	[tilespmem:$0x1EF70] =	vst v63  }
0x210: {  	_ =	swait.ge [sflag:s19], $0x1870  }
0x211: {  	s16 =	sld [smem:$0x7EA]  }
0x212: {  	s17 =	sld [smem:$0x7FD];
	_ =	sdelay $0x1  }
0x213: {  	s1 =	sadd.s32 $0x1, s16  }
0x214: {  	p0 =	sne.s32 s1, s17  }
.Ltmp2:
0x215: {  	_ = 	snop;
	(pc) =	sbr.rel @p0 .LBB3_1-.Ltmp2, $4  }
0x216: {  	_ = 	snop  }
0x217: {  	[sflag:s19] =	ssyncset.done $0x0  }
0x218: {  	[sflag:s19] =	ssyncadd.s32 $0xFFFFE790  }
0x219: {  	s16 =	simm.s32 $0x0;
	s17 =	smov.u32 s21;
	s21 =	smov.u32 s18  }
0x21a: {  	_ =	sfence.sel $0x180000  }
0x21b: {  	[bflag:$0x0] =	sbarrier.arrive $0xFFFF  }
0x21c: {  	_ =	strace $0x9000004A  }
0x21d: {  	s0 =	stileid.u32;
	[bflag:$0x2] =	sbarrier.arrive $0xFFFF  }
0x21e: {  	p0 =	sne.s32 s0, $0x0;
	s0 =	rddreg [dreg:$0x11]  }
0x21f: {  	s0 =	sadd.s32 @!p0 $0x100000, s0  }
0x220: {  	[sflag:s0] =	ssyncadd.tile.s32 @!p0 $0x1;
	_ =	shalt  }
.Lfunc_end3:
_tile_overlayer_lowered:
.L_overlay_start_3:
0x221: {  	(tag) =	ssettag $0x3  }
0x222: {  	s0 =	rddreg [dreg:$0x0];
	s2 =	stileid.u32  }
0x223: {  	s1 =	rddreg [dreg:$0x1];
	p0 =	sne.s32 s2, $0x0  }
0x224: {  	s3 =	rddreg [dreg:$0x2];
	[bflag:$0x3] =	sbarrier.arrive $0xFFFF;
	s2 =	simm.s32 @!p0 $0x1C02  }
0x225: {  	[timem:s3], [sflag:s2] =	dma.local @!p0 [hbm:s0], s1  }
0x226: {  	s0 =	simm.s32 @!p0 $0x2  }
0x227: {  	_ =	swait.ge @!p0 [sflag:s0], s1  }
0x228: {  	s1 =	ssub.s32 @!p0 $0x0, s1;
	[sflag:s0] =	ssyncset.done @!p0 $0x0  }
0x229: {  	[sflag:s0] =	ssyncadd.s32 @!p0 s1  }
0x22a: {  	[bflag:$0x3] =	sbarrier.arrive $0xFFFF  }
0x22b: {  	_ =	shalt  }

// kernel: kernel.16.cloned.1.call-start
scs
__scs_entry_jumppad:
0x0: {  	(pc) =	sbr.rel $0x88, $3  }
0x1: {  	(tag) =	ssettag $0x0;
	lr =	simm.s32 $0x1  }
0x2: {  	[smem:$0x3F97] =	sst lr;
	_ =	strace $0xD0000000  }
0x3: {  	_ = 	snop  }
0x4: {  	_ = 	snop  }
0x5: {  	_ = 	snop  }
0x6: {  	_ = 	snop  }
0x7: {  	_ = 	snop  }
__scs_overlays_trampoline_lowered:
0x8: {  	[smem:$0x3FA6] =	sst s0  }
0x9: {  	[smem:$0x3FA7] =	sst s1  }
0xa: {  	[smem:$0x3FA8] =	sst s2  }
0xb: {  	[smem:$0x3FA9] =	sst s3  }
0xc: {  	[smem:$0x3FAA] =	sst s4  }
0xd: {  	[smem:$0x3FAB] =	sst s5  }
0xe: {  	[smem:$0x3FAC] =	sst s6  }
0xf: {  	[smem:$0x3FAD] =	sst s7  }
0x10: {  	[smem:$0x3FAE] =	sst s8  }
0x11: {  	[smem:$0x3FAF] =	sst s9;
	s0 =	simm.s32 @!p0 $0x0  }
0x12: {  	s1 =	sld [smem:$0x3F95];
	s0 =	simm.s32 @p0 $0x1  }
0x13: {  	[smem:$0x3FB0] =	sst s0;
	s0 =	simm.s32 @!p1 $0x0  }
0x14: {  	s2 =	sld [smem:$0x3F94];
	s0 =	simm.s32 @p1 $0x1  }
0x15: {  	[smem:$0x3FB1] =	sst s0;
	s0 =	simm.s32 @!p2 $0x0  }
0x16: {  	s3 =	sld [smem:$0x3FDB];
	s0 =	simm.s32 @p2 $0x1  }
0x17: {  	s4 =	simm.s32 $0x1BF5;
	[smem:$0x3FB3] =	sst s0  }
0x18: {  	s0 =	sld [smem:$0x3F96];
	_ =	swait.ge [sflag:s4], $0x0  }
0x19: {  	s7 =	sld [smem:$0x3F97]  }
0x1a: {  	s8 =	sadd.s32 $0xFFFFE003, lr  }
0x1b: {  	s9 =	sadd.s32 $0xFFFFFEF7, lr;
	s5 =	simm.s32 $0xFFFFFFFF;
	p2 =	slt.u32 s8, $0xFFFFF086  }
0x1c: {  	p1 =	slt.u32 s9, $0xF7A;
	s5 =	simm.s32 @!p2 $0x0  }
0x1d: {  	s5 =	simm.s32 @p1 $0x1;
	p0 =	seq.s32 s7, s2  }
0x1e: {  	s7 =	smul.u32 @!p0 $0xF7A, s2;
	p2 =	seq.s32 @!p0 s5, $0x0  }
0x1f: {  	s9 =	smul.u32 $0xF7A, s1;
	s8 =	simm.s32 @!p0 $0x1BF5;
	p2 =	por !p2, p0  }
0x20: {  	[sflag:s8] =	ssyncset.s32 @!p0 $0xFFFFF086;
	s6 =	sadd.s32 @!p0 s3, s7;
	s7 =	simm.s32 @!p0 $0x108  }
0x21: {  	s3 =	sadd.s32 s3, s9;
	s6 =	sadd.s32 @!p0 $0x88, s6;
	s7 =	simm.s32 @p2 $0x1082  }
0x22: {  	[simem:s7], [sflag:s8] =	dma.local @!p0 [hbm:s6], $0xF7A  }
0x23: {  	s9 =	sor.u32 $0xD0000000, s2;
	s6 =	simm.s32 $0x108;
	_ =	swait.ge @!p0 [sflag:s8], $0x0  }
0x24: {  	s3 =	sadd.s32 $0x88, s3;
	s6 =	simm.s32 @!p1 $0x1082;
	[sflag:s4] =	ssyncset.s32 $0xFFFFF086  }
0x25: {  	[simem:s6], [sflag:s4] =	dma.local [hbm:s3], $0xF7A  }
0x26: {  	[smem:$0x3F97] =	sst s1;
	(tag) =	ssettag s2;
	_ =	strace s9  }
0x27: {  	s1 =	sld [smem:$0x3FA7]  }
0x28: {  	s2 =	sld [smem:$0x3FA8]  }
0x29: {  	s4 =	sld [smem:$0x3FAA]  }
0x2a: {  	p0 =	seq.s32 s5, $0x0;
	s5 =	sld [smem:$0x3FAB]  }
0x2b: {  	s6 =	sld [smem:$0x3FAC]  }
0x2c: {  	s7 =	sld [smem:$0x3FAD]  }
0x2d: {  	s3 =	simm.s32 $0x108;
	s8 =	sld [smem:$0x3FAE]  }
0x2e: {  	s3 =	simm.s32 @!p0 $0x1082;
	s9 =	sld [smem:$0x3FAF]  }
0x2f: {  	lr =	sadd.s32 s0, s3;
	s0 =	sld [smem:$0x3FA6]  }
0x30: {  	s3 =	sld [smem:$0x3FA9]  }
0x31: {  	[smem:$0x3FB2] =	sst s10  }
0x32: {  	s10 =	sld [smem:$0x3FB0];
	_ =	sdelay $0x3  }
0x33: {  	p0 =	seq.s32 s10, $0x1;
	s10 =	sld [smem:$0x3FB2];
	_ =	sdelay $0x3  }
0x34: {  	[smem:$0x3FB2] =	sst s10  }
0x35: {  	s10 =	sld [smem:$0x3FB1];
	_ =	sdelay $0x3  }
0x36: {  	p1 =	seq.s32 s10, $0x1;
	s10 =	sld [smem:$0x3FB2];
	_ =	sdelay $0x3  }
0x37: {  	[smem:$0x3FB2] =	sst s10  }
0x38: {  	s10 =	sld [smem:$0x3FB3]  }
0x39: {  	_ = 	snop;
	(pc) =	sbr.ind lr, $3  }
0x3a: {  	_ = 	snop  }
0x3b: {  	_ = 	snop  }
0x3c: {  	p2 =	seq.s32 s10, $0x1;
	s10 =	sld [smem:$0x3FB2]  }
0x3d: {  	_ =	shalt  }
0x3e: {  	_ =	shalt  }
0x3f: {  	_ =	shalt  }
0x40: {  	_ =	shalt  }
0x41: {  	_ =	shalt  }
0x42: {  	_ =	shalt  }
0x43: {  	_ =	shalt  }
0x44: {  	_ =	shalt  }
0x45: {  	_ =	shalt  }
0x46: {  	_ =	shalt  }
0x47: {  	_ =	shalt  }
0x48: {  	_ =	shalt  }
0x49: {  	_ =	shalt  }
0x4a: {  	_ =	shalt  }
0x4b: {  	_ =	shalt  }
0x4c: {  	_ =	shalt  }
0x4d: {  	_ =	shalt  }
0x4e: {  	_ =	shalt  }
0x4f: {  	_ =	shalt  }
0x50: {  	_ =	shalt  }
0x51: {  	_ =	shalt  }
0x52: {  	_ =	shalt  }
0x53: {  	_ =	shalt  }
0x54: {  	_ =	shalt  }
0x55: {  	_ =	shalt  }
0x56: {  	_ =	shalt  }
0x57: {  	_ =	shalt  }
0x58: {  	_ =	shalt  }
0x59: {  	_ =	shalt  }
0x5a: {  	_ =	shalt  }
0x5b: {  	_ =	shalt  }
0x5c: {  	_ =	shalt  }
0x5d: {  	_ =	shalt  }
0x5e: {  	_ =	shalt  }
0x5f: {  	_ =	shalt  }
0x60: {  	_ =	shalt  }
0x61: {  	_ =	shalt  }
0x62: {  	_ =	shalt  }
0x63: {  	_ =	shalt  }
0x64: {  	_ =	shalt  }
0x65: {  	_ =	shalt  }
0x66: {  	_ =	shalt  }
0x67: {  	_ =	shalt  }
0x68: {  	_ =	shalt  }
0x69: {  	_ =	shalt  }
0x6a: {  	_ =	shalt  }
0x6b: {  	_ =	shalt  }
0x6c: {  	_ =	shalt  }
0x6d: {  	_ =	shalt  }
0x6e: {  	_ =	shalt  }
0x6f: {  	_ =	shalt  }
0x70: {  	_ =	shalt  }
0x71: {  	_ =	shalt  }
0x72: {  	_ =	shalt  }
0x73: {  	_ =	shalt  }
0x74: {  	_ =	shalt  }
0x75: {  	_ =	shalt  }
0x76: {  	_ =	shalt  }
0x77: {  	_ =	shalt  }
0x78: {  	_ =	shalt  }
0x79: {  	_ =	shalt  }
0x7a: {  	_ =	shalt  }
0x7b: {  	_ =	shalt  }
0x7c: {  	_ =	shalt  }
0x7d: {  	_ =	shalt  }
0x7e: {  	_ =	shalt  }
0x7f: {  	_ =	shalt  }
0x80: {  	_ =	shalt  }
0x81: {  	_ =	shalt  }
0x82: {  	_ =	shalt  }
0x83: {  	_ =	shalt  }
0x84: {  	_ =	shalt  }
0x85: {  	_ =	shalt  }
0x86: {  	_ =	shalt  }
0x87: {  	_ =	shalt  }
.Lfunc_end0:
.L_simem_size_0:
called_computation.2_lowered:
.L_overlay_start_0:
0x88: {  	s2 =	sld [smem:$0x3FD9]  }
0x89: {  	s3 =	sld [smem:$0x3FFE];
	_ =	sdelay $0x1  }
0x8a: {  	s1 =	srdreg.scid  }
0x8b: {  	s0 =	sand.u32 $0x1, s1  }
0x8c: {  	s11 =	sshll.u32 s0, $0xA;
	s2 =	sadd.s32 s3, s2  }
0x8d: {  	s2 =	sadd.s32 s2, s11  }
0x8e: {  	[smem:$0x3FBE] =	sst s2  }
0x8f: {  	_ = 	snop  }
0x90: {  	(tm) =	ssettm $0x1  }
0x91: {  	s12 =	sld [smem:$0x3FFB];
	_ =	sdelay $0x3  }
0x92: {  	_ =	strace s12  }
0x93: {  	s2 =	sld [smem:$0x3FFC];
	_ =	sdelay $0x3  }
0x94: {  	_ =	strace s2  }
0x95: {  	s2 =	sld [smem:$0x3FFD];
	_ =	sdelay $0x3  }
0x96: {  	_ =	strace s2  }
0x97: {  	_ =	strace $0x8FFFFFFF  }
0x98: {  	s13 =	sld [smem:$0x3FDB];
	_ =	sdelay $0x1  }
0x99: {  	s14 =	simm.s32 $_scs_section_size  }
0x9a: {  	s4 =	simm.s32 $_size__tile_task_arg_handler_lowered;
	s5 =	simm.s32 $_tile_task_arg_handler_lowered  }
0x9b: {  	s17 =	simm.s32 $0x1BFF;
	s16 =	sshll.u32 s5, $0x1;
	s3 =	sadd.s32 s14, s13  }
0x9c: {  	s6 =	simm.s32 $0x60;
	s15 =	sshll.u32 s4, $0x1;
	s4 =	sadd.s32 s16, s3  }
0x9d: {  	[timem:s6], [sflag:s17] =	dma.local [hbm:s4], s15  }
0x9e: {  	_ =	swait.ge [sflag:s17], s15  }
0x9f: {  	s18 =	simm.s32 $_tile_overlayer_lowered;
	s2 =	ssub.s32 $0x0, s15;
	[sflag:s17] =	ssyncset.done $0x0  }
0xa0: {  	s19 =	simm.s32 $_size__tile_overlayer_lowered;
	s4 =	sshll.u32 s18, $0x1;
	[sflag:s17] =	ssyncadd.s32 s2  }
0xa1: {  	s21 =	simm.s32 $0x0;
	s20 =	sshll.u32 s19, $0x1;
	s4 =	sadd.s32 s4, s3  }
0xa2: {  	[timem:s21], [sflag:s17] =	dma.local [hbm:s4], s20  }
0xa3: {  	_ =	swait.ge [sflag:s17], s20  }
0xa4: {  	s22 =	ssub.s32 $0x0, s20;
	[sflag:s17] =	ssyncset.done $0x0  }
0xa5: {  	[sflag:s17] =	ssyncadd.s32 s22;
	_ =	sdelay $0x1  }
0xa6: {  	s23 =	simm.s32 $0x1B8B  }
0xa7: {  	_ =	swait.ge [sflag:s23], $0x1  }
0xa8: {  	[sflag:s23] =	ssyncset.done $0x0  }
0xa9: {  	s25 =	simm.s32 $0x1B8E;
	s24 =	sld [smem:$0x3FFE];
	[sflag:s23] =	ssyncadd.s32 $0xFFFFFFFF  }
0xaa: {  	s26 =	simm.s32 $execute0_lowered;
	[smem:$0x3FD2] =	sst s25  }
0xab: {  	s5 =	sshll.u32 s26, $0x1;
	_ =	strace $0x8000004C;
	[dreg:$0x1] =	wrdreg $0xFFFFFFFF  }
0xac: {  	s28 =	simm.s32 $_size_execute0_lowered;
	s3 =	sadd.s32 s3, s5;
	[dreg:$0x0] =	wrdreg $0x0  }
0xad: {  	s5 =	sshll.u32 s28, $0x1;
	[dreg:$0x2] =	wrdreg s3  }
0xae: {  	[dreg:$0x3] =	wrdreg s5  }
0xaf: {  	[dreg:$0x4] =	wrdreg $0xC0  }
0xb0: {  	_ =	task [dreg:s21], $0x5FFFF  }
0xb1: {  	[dreg:$0x1] =	wrdreg $0xFFFFFFFF  }
0xb2: {  	[dreg:$0x0] =	wrdreg $0x30  }
0xb3: {  	[dreg:$0x2] =	wrdreg $0x0  }
0xb4: {  	[dreg:$0x3] =	wrdreg $0x145B00  }
0xb5: {  	[dreg:$0x4] =	wrdreg $0x15E200  }
0xb6: {  	[dreg:$0x5] =	wrdreg $0x176900  }
0xb7: {  	[dreg:$0x6] =	wrdreg $0x9  }
0xb8: {  	_ =	task [dreg:s21], $0x7FFFF  }
0xb9: {  	[dreg:$0x1] =	wrdreg $0xFFFFFFFF  }
0xba: {  	[dreg:$0x0] =	wrdreg $0x60  }
0xbb: {  	[dreg:$0x2] =	wrdreg s24  }
0xbc: {  	[dreg:$0x3] =	wrdreg $0x0  }
0xbd: {  	[dreg:$0x4] =	wrdreg $0x18700  }
0xbe: {  	[dreg:$0x5] =	wrdreg $0x30E00  }
0xbf: {  	[dreg:$0x6] =	wrdreg $0x49500  }
0xc0: {  	[dreg:$0x7] =	wrdreg $0x61C00  }
0xc1: {  	[dreg:$0x8] =	wrdreg $0x7A300  }
0xc2: {  	[dreg:$0x9] =	wrdreg $0x92A00  }
0xc3: {  	[dreg:$0xa] =	wrdreg $0xAB100  }
0xc4: {  	[dreg:$0xb] =	wrdreg $0xCB800  }
0xc5: {  	[dreg:$0xc] =	wrdreg $0xE3F00  }
0xc6: {  	[dreg:$0xd] =	wrdreg $0xFC600  }
0xc7: {  	[dreg:$0xe] =	wrdreg $0x114D00  }
0xc8: {  	[dreg:$0xf] =	wrdreg $0x12D400  }
0xc9: {  	_ =	task.clear_ibuf [dreg:s21], $0x10FFFF;
	_ =	strace $0x9000004C  }
0xca: {  	s29 =	simm.s32 $0x9;
	_ =	strace $0x8000004E  }
0xcb: {  	_ =	swait.ge [sflag:s29], $0x1  }
0xcc: {  	[sflag:s29] =	ssyncadd.s32 $0xFFFFFFFF  }
0xcd: {  	_ =	strace $0x9000004E  }
0xce: {  	_ =	sfence  }
0xcf: {  	s30 =	sld [smem:$0x0];
	_ =	sdelay $0x2  }
0xd0: {  	s31 =	sshll.u32 s1, $0xD;
	s1 =	sshrl.u32 s1, $0x2  }
0xd1: {  	s4 =	sand.u32 $0x4000, s31;
	s1 =	sadd.s32 s1, s30  }
0xd2: {  	s0 =	sor.u32 s4, s0;
	s1 =	sshll.u32 s1, $0x11  }
0xd3: {  	s0 =	sor.u32 s1, s0  }
0xd4: {  	s0 =	sadd.s32 $0x8F2B, s0  }
0xd5: {  	[sflag:s0] =	ssyncadd.remote.s32 $0x1  }
0xd6: {  	_ =	sfence.sel $0xFFFF  }
0xd7: {  	[dreg:$0x0] =	wrdreg $0xFFFFFFFF;
	(pc) =	sbr.abs _section_cstart, $3  }
0xd8: {  	[dreg:$0x1] =	wrdreg $0xFFFFFFFF  }
0xd9: {  	_ =	task.clear_ibuf [dreg:s21], $0x2FFFF;
	_ =	strace $0x9FFFFFFF  }
0xda: {  	(tm) =	ssettm $0x7FFFFFFF  }
0xdb: {  	_ =	shalt  }
tec
_tile_task_arg_handler_lowered:
.L_overlay_start_1:
0x0: {  	(tag) =	ssettag $0x1  }
0x1: {  	s0 =	rddreg [dreg:$0x0]  }
0x2: {  	s1 =	rddreg [dreg:$0x1]  }
0x3: {  	s2 =	rddreg [dreg:$0x2]  }
0x4: {  	s3 =	rddreg [dreg:$0x3]  }
0x5: {  	s4 =	rddreg [dreg:$0x4]  }
0x6: {  	s5 =	rddreg [dreg:$0x5]  }
0x7: {  	s6 =	rddreg [dreg:$0x6]  }
0x8: {  	s7 =	rddreg [dreg:$0x7]  }
0x9: {  	s8 =	rddreg [dreg:$0x8]  }
0xa: {  	s9 =	rddreg [dreg:$0x9]  }
0xb: {  	s10 =	rddreg [dreg:$0xa]  }
0xc: {  	s11 =	rddreg [dreg:$0xb]  }
0xd: {  	s12 =	rddreg [dreg:$0xc]  }
0xe: {  	s13 =	rddreg [dreg:$0xd]  }
0xf: {  	[smem:s0] =	sst s1  }
0x10: {  	[smem:s0+$0x1] =	sst s2  }
0x11: {  	[smem:s0+$0x2] =	sst s3  }
0x12: {  	[smem:s0+$0x3] =	sst s4  }
0x13: {  	[smem:s0+$0x4] =	sst s5  }
0x14: {  	[smem:s0+$0x5] =	sst s6  }
0x15: {  	[smem:s0+$0x6] =	sst s7  }
0x16: {  	[smem:s0+$0x7] =	sst s8  }
0x17: {  	[smem:s0+$0x8] =	sst s9  }
0x18: {  	[smem:s0+$0x9] =	sst s10  }
0x19: {  	[smem:s0+$0xA] =	sst s11  }
0x1a: {  	[smem:s0+$0xB] =	sst s12  }
0x1b: {  	[smem:s0+$0xC] =	sst s13;
	_ =	shalt  }
.Lfunc_end2:
execute0_lowered:
.L_overlay_start_2:
0x1c: {  	(tag) =	ssettag $0x2  }
0x1d: {  	s0 =	rddreg [dreg:$0x0]  }
0x1e: {  	s2 =	rddreg [dreg:$0x1]  }
0x1f: {  	s3 =	rddreg [dreg:$0x2]  }
0x20: {  	s4 =	rddreg [dreg:$0x3]  }
0x21: {  	s5 =	rddreg [dreg:$0x4]  }
0x22: {  	s6 =	rddreg [dreg:$0x5]  }
0x23: {  	s7 =	rddreg [dreg:$0x6]  }
0x24: {  	s8 =	rddreg [dreg:$0x7]  }
0x25: {  	s9 =	rddreg [dreg:$0x8]  }
0x26: {  	s10 =	rddreg [dreg:$0x9]  }
0x27: {  	s11 =	rddreg [dreg:$0xa]  }
0x28: {  	s12 =	rddreg [dreg:$0xb]  }
0x29: {  	s15 =	rddreg [dreg:$0xc]  }
0x2a: {  	s14 =	rddreg [dreg:$0xd];
	s1 =	simm.s32 $0x0  }
0x2b: {  	s16 =	stileid.u32;
	[smem:$0x7FF] =	sst s1  }
0x2c: {  	s13 =	srdreg.scid;
	s18 =	sld [smem:$0x0]  }
0x2d: {  	s20 =	smul.u32 $0x6400, s16;
	s29 =	sld [smem:$0x1]  }
0x2e: {  	s13 =	sand.u32 $0x1, s13;
	s17 =	smul.u32 $0x1870, s16;
	s21 =	sld [smem:$0x3]  }
0x2f: {  	s30 =	sld [smem:$0x2];
	s19 =	smul.u32 $0xC3800, s13;
	s13 =	ssub.s32 $0x2, s13  }
0x30: {  	s1 =	sadd.s32 s20, s0;
	s20 =	sadd.s32 $0xC9800, s0;
	s0 =	sadd.s32 $0xFA600, s0  }
0x31: {  	s19 =	sadd.s32 s17, s19;
	[dreg:$0x11] =	wrdreg s21;
	s21 =	sshrl.u32 s13, $0x1  }
0x32: {  	s19 =	sshrl.u32 s19, $0x3;
	_ =	strace $0x8000004D;
	s13 =	ssub.s32 s13, s21  }
0x33: {  	s22 =	sadd.s32 s20, s19;
	s21 =	sadd.s32 $0x30E0, s19;
	[dreg:$0x10] =	wrdreg s18  }
0x34: {  	[dreg:$0x12] =	wrdreg s22;
	s23 =	sadd.s32 s20, s21;
	s22 =	sadd.s32 $0x61C0, s19  }
0x35: {  	[dreg:$0x13] =	wrdreg s23;
	s23 =	sadd.s32 $0x92A0, s19;
	s24 =	sadd.s32 s20, s22  }
0x36: {  	[dreg:$0x14] =	wrdreg s24;
	s25 =	sadd.s32 s20, s23;
	s24 =	sadd.s32 $0xC380, s19  }
0x37: {  	[dreg:$0x15] =	wrdreg s25;
	s26 =	sadd.s32 s20, s24;
	s25 =	sadd.s32 $0xF460, s19  }
0x38: {  	s28 =	sadd.s32 $0x15620, s19;
	[dreg:$0x16] =	wrdreg s26;
	s16 =	sadd.s32 s20, s25  }
0x39: {  	s26 =	sadd.s32 $0x12540, s19;
	s19 =	sadd.s32 s0, s19;
	[dreg:$0x17] =	wrdreg s16  }
0x3a: {  	s16 =	sadd.s32 s20, s26;
	[dreg:$0x1a] =	wrdreg s19  }
0x3b: {  	s20 =	sadd.s32 s20, s28;
	[dreg:$0x18] =	wrdreg s16  }
0x3c: {  	s19 =	sadd.s32 s17, s3;
	[dreg:$0x19] =	wrdreg s20  }
0x3d: {  	s20 =	sadd.s32 s0, s21;
	[smem:$0x7EE] =	sst s19  }
0x3e: {  	s21 =	sadd.s32 s0, s22;
	[dreg:$0x1b] =	wrdreg s20  }
0x3f: {  	s22 =	sadd.s32 s0, s23;
	[dreg:$0x1c] =	wrdreg s21  }
0x40: {  	s23 =	sadd.s32 s0, s24;
	[dreg:$0x1d] =	wrdreg s22  }
0x41: {  	s24 =	sadd.s32 s0, s25;
	[dreg:$0x1e] =	wrdreg s23  }
0x42: {  	s25 =	sadd.s32 s0, s26;
	[dreg:$0x1f] =	wrdreg s24  }
0x43: {  	s0 =	sadd.s32 s0, s28;
	[smem:$0x7EB] =	sst s25  }
0x44: {  	s26 =	sadd.s32 $0x1800, s1;
	[smem:$0x7EC] =	sst s0  }
0x45: {  	s1 =	sadd.s32 $0x65800, s1;
	[dreg:$0xe] =	wrdreg s26  }
0x46: {  	s16 =	sadd.s32 s17, s2;
	[dreg:$0xf] =	wrdreg s1  }
0x47: {  	s19 =	sadd.s32 s17, s12;
	[smem:$0x7ED] =	sst s16  }
0x48: {  	s20 =	sadd.s32 s17, s4;
	[smem:$0x7F7] =	sst s19  }
0x49: {  	s22 =	sadd.s32 s17, s5;
	[smem:$0x7EF] =	sst s20  }
0x4a: {  	s23 =	sadd.s32 s17, s6;
	[smem:$0x7F0] =	sst s22  }
0x4b: {  	s24 =	sadd.s32 s17, s7;
	[smem:$0x7F1] =	sst s23  }
0x4c: {  	s25 =	sadd.s32 s17, s8;
	[smem:$0x7F2] =	sst s24  }
0x4d: {  	s26 =	sadd.s32 s17, s9;
	[smem:$0x7F3] =	sst s25  }
0x4e: {  	s1 =	sadd.s32 s17, s10;
	[smem:$0x7F4] =	sst s26  }
0x4f: {  	s31 =	simm.s32 $0x800;
	s16 =	sadd.s32 s17, s11;
	[smem:$0x7F5] =	sst s1  }
0x50: {  	s28 =	simm.s32 $0x1BF00;
	[smem:$0x7F6] =	sst s16;
	s20 =	sadd.s32 s17, s15  }
0x51: {  	s21 =	smov.u32 s30;
	s22 =	sadd.s32 s17, s14;
	[smem:$0x7F8] =	sst s20  }
0x52: {  	s19 =	simm.s32 $0x2;
	s23 =	sadd.s32 s17, s18;
	[smem:$0x7F9] =	sst s22  }
0x53: {  	s24 =	sadd.s32 s17, s29;
	s25 =	sadd.s32 s17, s30;
	[smem:$0x7FA] =	sst s23  }
0x54: {  	s17 =	smov.u32 s29;
	s16 =	simm.s32 $0x0;
	[smem:$0x7FB] =	sst s24  }
0x55: {  	s26 =	smax.u32 s13, $0x1;
	s30 =	simm.s32 $0xC380;
	[smem:$0x7FC] =	sst s25  }
0x56: {  	s29 =	simm.s32 $0x1;
	s1 =	simm.s32 $0x0;
	[smem:$0x7FD] =	sst s26  }
0x57: {  	s20 =	simm.s32 $0x18F00;
	s22 =	simm.s32 $0x19700;
	s23 =	simm.s32 $0x19F00  }
0x58: {  	v0 =	vimm.f32 $0.0e+00;
	s24 =	simm.s32 $0x1A700;
	s25 =	simm.s32 $0x1AF00;
	s26 =	simm.s32 $0x1B700  }
.LBB3_1:
0x59: {  	[smem:$0x7EA] =	sst s1;
	s0 =	simm.s32 $0x40;
	s1 =	simm.s32 $0x0  }
.LBB3_2:
0x5a: {  	p0 =	sne.s32 s0, $0x6180;
	[tilespmem:s1+$0x1D700] =	vst v0;
	s1 =	smov.u32 s0;
	s0 =	sadd.s32 $0x40, s0  }
.Ltmp0:
0x5b: {  	(pc) =	sbr.rel @p0 .LBB3_2-.Ltmp0, $2  }
0x5c: {  	_ =	sdelay $0x2  }
0x5d: {  	s1 =	sshra.s32 s1, $0x2  }
0x5e: {  	s0 =	sld [smem:$0x7ED];
	_ =	sdelay $0x1  }
0x5f: {  	[tilespmem:s1+$0x1D700] =	vst v0;
	s13 =	simm.s32 $0x1D700  }
0x60: {  	[spmem:s0] =	stream.linear.scatter [tilespmem:s13], [sflag:$0x2], $0x1870, $0x38;
	[tilespmem:$0x1EF70] =	vst v63  }
0x61: {  	_ =	swait.ge [sflag:s19], $0x1870  }
0x62: {  	s1 =	sld [smem:$0x7EE]  }
0x63: {  	[sflag:s19] =	ssyncset.done $0x0  }
0x64: {  	[sflag:s19] =	ssyncadd.s32 $0xFFFFE790  }
0x65: {  	[spmem:s1] =	stream.linear.scatter [tilespmem:s13], [sflag:$0x2], $0x1870, $0x38;
	[tilespmem:$0x1EF70] =	vst v63  }
0x66: {  	_ =	swait.ge [sflag:s19], $0x1870  }
0x67: {  	s18 =	sld [smem:$0x7EF]  }
0x68: {  	[sflag:s19] =	ssyncset.done $0x0  }
0x69: {  	[sflag:s19] =	ssyncadd.s32 $0xFFFFE790  }
0x6a: {  	[spmem:s18] =	stream.linear.scatter [tilespmem:s13], [sflag:$0x2], $0x1870, $0x38;
	[tilespmem:$0x1EF70] =	vst v63  }
0x6b: {  	_ =	swait.ge [sflag:s19], $0x1870  }
0x6c: {  	s1 =	sld [smem:$0x7F0]  }
0x6d: {  	[sflag:s19] =	ssyncset.done $0x0  }
0x6e: {  	[sflag:s19] =	ssyncadd.s32 $0xFFFFE790  }
0x6f: {  	[spmem:s1] =	stream.linear.scatter [tilespmem:s13], [sflag:$0x2], $0x1870, $0x38;
	[tilespmem:$0x1EF70] =	vst v63  }
0x70: {  	_ =	swait.ge [sflag:s19], $0x1870  }
0x71: {  	s18 =	sld [smem:$0x7F1]  }
0x72: {  	[sflag:s19] =	ssyncset.done $0x0  }
0x73: {  	[sflag:s19] =	ssyncadd.s32 $0xFFFFE790  }
0x74: {  	[spmem:s18] =	stream.linear.scatter [tilespmem:s13], [sflag:$0x2], $0x1870, $0x38;
	[tilespmem:$0x1EF70] =	vst v63  }
0x75: {  	_ =	swait.ge [sflag:s19], $0x1870  }
0x76: {  	s1 =	sld [smem:$0x7F2]  }
0x77: {  	[sflag:s19] =	ssyncset.done $0x0  }
0x78: {  	[sflag:s19] =	ssyncadd.s32 $0xFFFFE790  }
0x79: {  	[spmem:s1] =	stream.linear.scatter [tilespmem:s13], [sflag:$0x2], $0x1870, $0x38;
	[tilespmem:$0x1EF70] =	vst v63  }
0x7a: {  	_ =	swait.ge [sflag:s19], $0x1870  }
0x7b: {  	s18 =	sld [smem:$0x7F3]  }
0x7c: {  	[sflag:s19] =	ssyncset.done $0x0  }
0x7d: {  	[sflag:s19] =	ssyncadd.s32 $0xFFFFE790  }
0x7e: {  	[spmem:s18] =	stream.linear.scatter [tilespmem:s13], [sflag:$0x2], $0x1870, $0x38;
	[tilespmem:$0x1EF70] =	vst v63  }
0x7f: {  	_ =	swait.ge [sflag:s19], $0x1870  }
0x80: {  	s1 =	sld [smem:$0x7F4]  }
0x81: {  	[sflag:s19] =	ssyncset.done $0x0  }
0x82: {  	[sflag:s19] =	ssyncadd.s32 $0xFFFFE790  }
0x83: {  	[spmem:s1] =	stream.linear.scatter [tilespmem:s13], [sflag:$0x2], $0x1870, $0x38;
	[tilespmem:$0x1EF70] =	vst v63  }
0x84: {  	_ =	swait.ge [sflag:s19], $0x1870  }
0x85: {  	[sflag:s19] =	ssyncset.done $0x0  }
0x86: {  	s0 =	simm.s32 $0x0;
	s18 =	rddreg [dreg:$0x12];
	[sflag:s19] =	ssyncadd.s32 $0xFFFFE790  }
0x87: {  	[tilespmem:s13], [sflag:$0x2] =	stream.linear.gather [hbm4b:s18+s0], $0x1870, $0x38;
	[tilespmem:$0x1EF70] =	vst v63  }
0x88: {  	_ =	swait.ge [sflag:s19], $0x1870  }
0x89: {  	s18 =	sld [smem:$0x7F5]  }
0x8a: {  	[sflag:s19] =	ssyncset.done $0x0  }
0x8b: {  	[sflag:s19] =	ssyncadd.s32 $0xFFFFE790  }
0x8c: {  	[spmem:s18] =	stream.linear.scatter [tilespmem:s13], [sflag:$0x2], $0x1870, $0x38;
	[tilespmem:$0x1EF70] =	vst v63  }
0x8d: {  	_ =	swait.ge [sflag:s19], $0x1870  }
0x8e: {  	[sflag:s19] =	ssyncset.done $0x0  }
0x8f: {  	s18 =	rddreg [dreg:$0x13];
	[sflag:s19] =	ssyncadd.s32 $0xFFFFE790  }
0x90: {  	[tilespmem:s13], [sflag:$0x2] =	stream.linear.gather [hbm4b:s18+s0], $0x1870, $0x38;
	[tilespmem:$0x1EF70] =	vst v63  }
0x91: {  	_ =	swait.ge [sflag:s19], $0x1870  }
0x92: {  	s18 =	sld [smem:$0x7F6]  }
0x93: {  	[sflag:s19] =	ssyncset.done $0x0  }
0x94: {  	[sflag:s19] =	ssyncadd.s32 $0xFFFFE790  }
0x95: {  	[spmem:s18] =	stream.linear.scatter [tilespmem:s13], [sflag:$0x2], $0x1870, $0x38;
	[tilespmem:$0x1EF70] =	vst v63  }
0x96: {  	_ =	swait.ge [sflag:s19], $0x1870  }
0x97: {  	[sflag:s19] =	ssyncset.done $0x0  }
0x98: {  	s18 =	rddreg [dreg:$0x14];
	[sflag:s19] =	ssyncadd.s32 $0xFFFFE790  }
0x99: {  	[tilespmem:s13], [sflag:$0x2] =	stream.linear.gather [hbm4b:s18+s0], $0x1870, $0x38;
	[tilespmem:$0x1EF70] =	vst v63  }
0x9a: {  	_ =	swait.ge [sflag:s19], $0x1870  }
0x9b: {  	s18 =	sld [smem:$0x7F7]  }
0x9c: {  	[sflag:s19] =	ssyncset.done $0x0  }
0x9d: {  	[sflag:s19] =	ssyncadd.s32 $0xFFFFE790  }
0x9e: {  	[spmem:s18] =	stream.linear.scatter [tilespmem:s13], [sflag:$0x2], $0x1870, $0x38;
	[tilespmem:$0x1EF70] =	vst v63  }
0x9f: {  	_ =	swait.ge [sflag:s19], $0x1870  }
0xa0: {  	[sflag:s19] =	ssyncset.done $0x0  }
0xa1: {  	s18 =	rddreg [dreg:$0x15];
	[sflag:s19] =	ssyncadd.s32 $0xFFFFE790  }
0xa2: {  	[tilespmem:s13], [sflag:$0x2] =	stream.linear.gather [hbm4b:s18+s0], $0x1870, $0x38;
	[tilespmem:$0x1EF70] =	vst v63  }
0xa3: {  	_ =	swait.ge [sflag:s19], $0x1870  }
0xa4: {  	s18 =	sld [smem:$0x7F8]  }
0xa5: {  	[sflag:s19] =	ssyncset.done $0x0  }
0xa6: {  	[sflag:s19] =	ssyncadd.s32 $0xFFFFE790  }
0xa7: {  	[spmem:s18] =	stream.linear.scatter [tilespmem:s13], [sflag:$0x2], $0x1870, $0x38;
	[tilespmem:$0x1EF70] =	vst v63  }
0xa8: {  	_ =	swait.ge [sflag:s19], $0x1870  }
0xa9: {  	[sflag:s19] =	ssyncset.done $0x0  }
0xaa: {  	s18 =	rddreg [dreg:$0x16];
	[sflag:s19] =	ssyncadd.s32 $0xFFFFE790  }
0xab: {  	[tilespmem:s13], [sflag:$0x2] =	stream.linear.gather [hbm4b:s18+s0], $0x1870, $0x38;
	[tilespmem:$0x1EF70] =	vst v63  }
0xac: {  	_ =	swait.ge [sflag:s19], $0x1870  }
0xad: {  	s18 =	sld [smem:$0x7F9]  }
0xae: {  	[sflag:s19] =	ssyncset.done $0x0  }
0xaf: {  	[sflag:s19] =	ssyncadd.s32 $0xFFFFE790  }
0xb0: {  	[spmem:s18] =	stream.linear.scatter [tilespmem:s13], [sflag:$0x2], $0x1870, $0x38;
	[tilespmem:$0x1EF70] =	vst v63  }
0xb1: {  	_ =	swait.ge [sflag:s19], $0x1870  }
0xb2: {  	[sflag:s19] =	ssyncset.done $0x0  }
0xb3: {  	s18 =	rddreg [dreg:$0x17];
	[sflag:s19] =	ssyncadd.s32 $0xFFFFE790  }
0xb4: {  	[tilespmem:s13], [sflag:$0x2] =	stream.linear.gather [hbm4b:s18+s0], $0x1870, $0x38;
	[tilespmem:$0x1EF70] =	vst v63  }
0xb5: {  	_ =	swait.ge [sflag:s19], $0x1870  }
0xb6: {  	s18 =	sld [smem:$0x7FA]  }
0xb7: {  	[sflag:s19] =	ssyncset.done $0x0  }
0xb8: {  	[sflag:s19] =	ssyncadd.s32 $0xFFFFE790  }
0xb9: {  	[spmem:s18] =	stream.linear.scatter [tilespmem:s13], [sflag:$0x2], $0x1870, $0x38;
	[tilespmem:$0x1EF70] =	vst v63  }
0xba: {  	_ =	swait.ge [sflag:s19], $0x1870  }
0xbb: {  	[sflag:s19] =	ssyncset.done $0x0  }
0xbc: {  	s18 =	rddreg [dreg:$0x18];
	[sflag:s19] =	ssyncadd.s32 $0xFFFFE790  }
0xbd: {  	[tilespmem:s13], [sflag:$0x2] =	stream.linear.gather [hbm4b:s18+s0], $0x1870, $0x38;
	[tilespmem:$0x1EF70] =	vst v63  }
0xbe: {  	_ =	swait.ge [sflag:s19], $0x1870  }
0xbf: {  	s18 =	sld [smem:$0x7FB]  }
0xc0: {  	[sflag:s19] =	ssyncset.done $0x0  }
0xc1: {  	[sflag:s19] =	ssyncadd.s32 $0xFFFFE790  }
0xc2: {  	[spmem:s18] =	stream.linear.scatter [tilespmem:s13], [sflag:$0x2], $0x1870, $0x38;
	[tilespmem:$0x1EF70] =	vst v63  }
0xc3: {  	_ =	swait.ge [sflag:s19], $0x1870  }
0xc4: {  	[sflag:s19] =	ssyncset.done $0x0  }
0xc5: {  	s18 =	rddreg [dreg:$0x19];
	[sflag:s19] =	ssyncadd.s32 $0xFFFFE790  }
0xc6: {  	[tilespmem:s13], [sflag:$0x2] =	stream.linear.gather [hbm4b:s18+s0], $0x1870, $0x38;
	[tilespmem:$0x1EF70] =	vst v63  }
0xc7: {  	_ =	swait.ge [sflag:s19], $0x1870  }
0xc8: {  	s18 =	sld [smem:$0x7FC]  }
0xc9: {  	[sflag:s19] =	ssyncset.done $0x0  }
0xca: {  	[sflag:s19] =	ssyncadd.s32 $0xFFFFE790  }
0xcb: {  	[spmem:s18] =	stream.linear.scatter [tilespmem:s13], [sflag:$0x2], $0x1870, $0x38;
	[tilespmem:$0x1EF70] =	vst v63  }
0xcc: {  	_ =	swait.ge [sflag:s19], $0x1870  }
0xcd: {  	[sflag:s19] =	ssyncset.done $0x0  }
0xce: {  	[sflag:s19] =	ssyncadd.s32 $0xFFFFE790  }
0xcf: {  	[bflag:$0x0] =	sbarrier.arrive $0xFFFF  }
0xd0: {  	s1 =	rddreg [dreg:$0xf]  }
0xd1: {  	s0 =	sadd.s32 $0x0, s1  }
0xd2: {  	[tilespmem:s20], [sflag:$0x2] =	stream.linear.gather [hbm4b:s0+s16], $0x800, $0x38;
	[tilespmem:$0x1EF70] =	vst v63  }
0xd3: {  	_ =	swait.ge [sflag:s19], $0x800  }
0xd4: {  	s13 =	rddreg [dreg:$0xe];
	[sflag:s19] =	ssyncset.done $0x0  }
0xd5: {  	[sflag:s19] =	ssyncadd.s32 $0xFFFFF800;
	s0 =	sadd.s32 $0x0, s13  }
0xd6: {  	[tilespmem:s30], [sflag:$0x2] =	stream.linear.gather [hbm4b:s0+s16], $0x800, $0x38;
	[tilespmem:$0x1EF70] =	vst v63  }
0xd7: {  	_ =	swait.ge [sflag:s19], $0x800  }
0xd8: {  	[sflag:s19] =	ssyncset.done $0x0  }
0xd9: {  	[sflag:s19] =	ssyncadd.s32 $0xFFFFF800  }
0xda: {  	[tilespmem:s22], [sflag:$0x1] =	stream.indirect.gather [spmem:s10], $0x1, s20, s31, $0xb8;
	[tilespmem:$0x1EF70] =	vst v63  }
0xdb: {  	_ = 	snop  }
0xdc: {  	[tilespmem:s23], [sflag:$0x1] =	stream.indirect.gather [spmem:s11], $0x1, s20, s31, $0xb8;
	[tilespmem:$0x1EF70] =	vst v63  }
0xdd: {  	_ = 	snop  }
0xde: {  	[tilespmem:s24], [sflag:$0x1] =	stream.indirect.gather [spmem:s12], $0x1, s20, s31, $0xb8;
	[tilespmem:$0x1EF70] =	vst v63  }
0xdf: {  	_ = 	snop  }
0xe0: {  	[tilespmem:s25], [sflag:$0x1] =	stream.indirect.gather [spmem:s15], $0x1, s20, s31, $0xb8;
	[tilespmem:$0x1EF70] =	vst v63  }
0xe1: {  	_ = 	snop  }
0xe2: {  	[tilespmem:s26], [sflag:$0x1] =	stream.indirect.gather [spmem:s14], $0x1, s20, s31, $0xb8;
	[tilespmem:$0x1EF70] =	vst v63  }
0xe3: {  	s18 =	rddreg [dreg:$0x10]  }
0xe4: {  	[tilespmem:s28], [sflag:$0x1] =	stream.indirect.gather [spmem:s18], $0x1, s20, s31, $0xb8;
	[tilespmem:$0x1EF70] =	vst v63  }
0xe5: {  	s1 =	simm.s32 $0x1C700  }
0xe6: {  	[tilespmem:s1], [sflag:$0x1] =	stream.indirect.gather [spmem:s17], $0x1, s20, s31, $0xb8;
	[tilespmem:$0x1EF70] =	vst v63  }
0xe7: {  	s16 =	simm.s32 $0x1CF00  }
0xe8: {  	[tilespmem:s16], [sflag:$0x1] =	stream.indirect.gather [spmem:s21], $0x1, s20, s31, $0xb8;
	[tilespmem:$0x1EF70] =	vst v63  }
0xe9: {  	_ =	swait.ge [sflag:s29], $0x800  }
0xea: {  	[sflag:s29] =	ssyncset.done $0x0  }
0xeb: {  	[sflag:s29] =	ssyncadd.s32 $0xFFFFF800  }
0xec: {  	_ =	swait.ge [sflag:s29], $0x800  }
0xed: {  	[sflag:s29] =	ssyncset.done $0x0  }
0xee: {  	[sflag:s29] =	ssyncadd.s32 $0xFFFFF800  }
0xef: {  	_ =	swait.ge [sflag:s29], $0x800  }
0xf0: {  	[sflag:s29] =	ssyncset.done $0x0  }
0xf1: {  	[sflag:s29] =	ssyncadd.s32 $0xFFFFF800  }
0xf2: {  	_ =	swait.ge [sflag:s29], $0x800  }
0xf3: {  	[sflag:s29] =	ssyncset.done $0x0  }
0xf4: {  	[sflag:s29] =	ssyncadd.s32 $0xFFFFF800  }
0xf5: {  	_ =	swait.ge [sflag:s29], $0x800  }
0xf6: {  	[sflag:s29] =	ssyncset.done $0x0  }
0xf7: {  	[sflag:s29] =	ssyncadd.s32 $0xFFFFF800  }
0xf8: {  	_ =	swait.ge [sflag:s29], $0x800  }
0xf9: {  	[sflag:s29] =	ssyncset.done $0x0  }
0xfa: {  	[sflag:s29] =	ssyncadd.s32 $0xFFFFF800  }
0xfb: {  	_ =	swait.ge [sflag:s29], $0x800  }
0xfc: {  	[sflag:s29] =	ssyncset.done $0x0  }
0xfd: {  	[sflag:s29] =	ssyncadd.s32 $0xFFFFF800  }
0xfe: {  	_ =	swait.ge [sflag:s29], $0x800  }
0xff: {  	[sflag:s29] =	ssyncset.done $0x0  }
0x100: {  	[sflag:s29] =	ssyncadd.s32 $0xFFFFF800  }
0x101: {  	[spmem:s2] =	stream.indirect.scatter.add.f32 [tilespmem:s22], [sflag:$0x2], $0x1, s30, s31, $0xb8;
	[tilespmem:$0x1EF70] =	vst v63  }
0x102: {  	_ =	swait.ge [sflag:s19], $0x800  }
0x103: {  	[sflag:s19] =	ssyncset.done $0x0  }
0x104: {  	[sflag:s19] =	ssyncadd.s32 $0xFFFFF800  }
0x105: {  	[spmem:s3] =	stream.indirect.scatter.add.f32 [tilespmem:s23], [sflag:$0x2], $0x1, s30, s31, $0xb8;
	[tilespmem:$0x1EF70] =	vst v63  }
0x106: {  	_ =	swait.ge [sflag:s19], $0x800  }
0x107: {  	[sflag:s19] =	ssyncset.done $0x0  }
0x108: {  	[sflag:s19] =	ssyncadd.s32 $0xFFFFF800  }
0x109: {  	[spmem:s4] =	stream.indirect.scatter.add.f32 [tilespmem:s24], [sflag:$0x2], $0x1, s30, s31, $0xb8;
	[tilespmem:$0x1EF70] =	vst v63  }
0x10a: {  	_ =	swait.ge [sflag:s19], $0x800  }
0x10b: {  	[sflag:s19] =	ssyncset.done $0x0  }
0x10c: {  	[sflag:s19] =	ssyncadd.s32 $0xFFFFF800  }
0x10d: {  	[spmem:s5] =	stream.indirect.scatter.add.f32 [tilespmem:s25], [sflag:$0x2], $0x1, s30, s31, $0xb8;
	[tilespmem:$0x1EF70] =	vst v63  }
0x10e: {  	_ =	swait.ge [sflag:s19], $0x800  }
0x10f: {  	[sflag:s19] =	ssyncset.done $0x0  }
0x110: {  	[sflag:s19] =	ssyncadd.s32 $0xFFFFF800  }
0x111: {  	[spmem:s6] =	stream.indirect.scatter.add.f32 [tilespmem:s26], [sflag:$0x2], $0x1, s30, s31, $0xb8;
	[tilespmem:$0x1EF70] =	vst v63  }
0x112: {  	_ =	swait.ge [sflag:s19], $0x800  }
0x113: {  	[sflag:s19] =	ssyncset.done $0x0  }
0x114: {  	[sflag:s19] =	ssyncadd.s32 $0xFFFFF800  }
0x115: {  	[spmem:s7] =	stream.indirect.scatter.add.f32 [tilespmem:s28], [sflag:$0x2], $0x1, s30, s31, $0xb8;
	[tilespmem:$0x1EF70] =	vst v63  }
0x116: {  	_ =	swait.ge [sflag:s19], $0x800  }
0x117: {  	[sflag:s19] =	ssyncset.done $0x0  }
0x118: {  	[sflag:s19] =	ssyncadd.s32 $0xFFFFF800  }
0x119: {  	[spmem:s8] =	stream.indirect.scatter.add.f32 [tilespmem:s1], [sflag:$0x2], $0x1, s30, s31, $0xb8;
	[tilespmem:$0x1EF70] =	vst v63  }
0x11a: {  	_ =	swait.ge [sflag:s19], $0x800  }
0x11b: {  	[sflag:s19] =	ssyncset.done $0x0  }
0x11c: {  	s0 =	simm.s32 $0x200;
	[sflag:s19] =	ssyncadd.s32 $0xFFFFF800  }
0x11d: {  	[spmem:s9] =	stream.indirect.scatter.add.f32 [tilespmem:s16], [sflag:$0x2], $0x1, s30, s31, $0xb8;
	[tilespmem:$0x1EF70] =	vst v63  }
0x11e: {  	s18 =	smov.u32 s21;
	s21 =	smov.u32 s17;
	_ =	swait.ge [sflag:s19], $0x800  }
0x11f: {  	s17 =	simm.s32 $0x100;
	s1 =	rddreg [dreg:$0xf];
	[sflag:s19] =	ssyncset.done $0x0  }
.LBB3_4:
0x120: {  	[sflag:s19] =	ssyncadd.s32 $0xFFFFF800;
	s16 =	smov.u32 s14  }
0x121: {  	s14 =	smov.u32 s15;
	s15 =	smov.u32 s12;
	s12 =	smov.u32 s11  }
0x122: {  	s11 =	smov.u32 s10;
	s10 =	smov.u32 s9;
	s9 =	smov.u32 s8  }
0x123: {  	s8 =	smov.u32 s7;
	s7 =	smov.u32 s6;
	s6 =	smov.u32 s5  }
0x124: {  	s5 =	smov.u32 s4;
	s1 =	sadd.s32 s17, s1;
	s13 =	simm.s32 $0x0  }
0x125: {  	[tilespmem:s20], [sflag:$0x2] =	stream.linear.gather [hbm4b:s1+s13], $0x800, $0x38;
	[tilespmem:$0x1EF70] =	vst v63  }
0x126: {  	s4 =	smov.u32 s3;
	s3 =	smov.u32 s2;
	_ =	swait.ge [sflag:s19], $0x800  }
0x127: {  	s2 =	smov.u32 s0;
	s1 =	rddreg [dreg:$0xe];
	[sflag:s19] =	ssyncset.done $0x0  }
0x128: {  	[sflag:s19] =	ssyncadd.s32 $0xFFFFF800;
	s1 =	sadd.s32 s17, s1;
	s17 =	smov.u32 s2  }
0x129: {  	s2 =	smov.u32 s3;
	s3 =	smov.u32 s4;
	s4 =	smov.u32 s5  }
0x12a: {  	s5 =	smov.u32 s6;
	s6 =	smov.u32 s7;
	s7 =	smov.u32 s8  }
0x12b: {  	s8 =	smov.u32 s9;
	s9 =	smov.u32 s10;
	s10 =	smov.u32 s11  }
0x12c: {  	s11 =	smov.u32 s12;
	s12 =	smov.u32 s15;
	s15 =	smov.u32 s14  }
0x12d: {  	[tilespmem:s30], [sflag:$0x2] =	stream.linear.gather [hbm4b:s1+s13], $0x800, $0x38;
	[tilespmem:$0x1EF70] =	vst v63  }
0x12e: {  	s14 =	smov.u32 s16;
	s16 =	rddreg [dreg:$0x10];
	_ =	swait.ge [sflag:s19], $0x800  }
0x12f: {  	[sflag:s19] =	ssyncset.done $0x0  }
0x130: {  	[sflag:s19] =	ssyncadd.s32 $0xFFFFF800  }
0x131: {  	[tilespmem:s22], [sflag:$0x1] =	stream.indirect.gather [spmem:s10], $0x1, s20, s31, $0xb8;
	[tilespmem:$0x1EF70] =	vst v63  }
0x132: {  	_ = 	snop  }
0x133: {  	[tilespmem:s23], [sflag:$0x1] =	stream.indirect.gather [spmem:s11], $0x1, s20, s31, $0xb8;
	[tilespmem:$0x1EF70] =	vst v63  }
0x134: {  	_ = 	snop  }
0x135: {  	[tilespmem:s24], [sflag:$0x1] =	stream.indirect.gather [spmem:s12], $0x1, s20, s31, $0xb8;
	[tilespmem:$0x1EF70] =	vst v63  }
0x136: {  	_ = 	snop  }
0x137: {  	[tilespmem:s25], [sflag:$0x1] =	stream.indirect.gather [spmem:s15], $0x1, s20, s31, $0xb8;
	[tilespmem:$0x1EF70] =	vst v63  }
0x138: {  	_ = 	snop  }
0x139: {  	[tilespmem:s26], [sflag:$0x1] =	stream.indirect.gather [spmem:s14], $0x1, s20, s31, $0xb8;
	[tilespmem:$0x1EF70] =	vst v63  }
0x13a: {  	_ = 	snop  }
0x13b: {  	[tilespmem:s28], [sflag:$0x1] =	stream.indirect.gather [spmem:s16], $0x1, s20, s31, $0xb8;
	[tilespmem:$0x1EF70] =	vst v63  }
0x13c: {  	s13 =	simm.s32 $0x1C700  }
0x13d: {  	[tilespmem:s13], [sflag:$0x1] =	stream.indirect.gather [spmem:s21], $0x1, s20, s31, $0xb8;
	[tilespmem:$0x1EF70] =	vst v63  }
0x13e: {  	s1 =	simm.s32 $0x1CF00  }
0x13f: {  	[tilespmem:s1], [sflag:$0x1] =	stream.indirect.gather [spmem:s18], $0x1, s20, s31, $0xb8;
	[tilespmem:$0x1EF70] =	vst v63  }
0x140: {  	_ =	swait.ge [sflag:s29], $0x800  }
0x141: {  	[sflag:s29] =	ssyncset.done $0x0  }
0x142: {  	[sflag:s29] =	ssyncadd.s32 $0xFFFFF800  }
0x143: {  	_ =	swait.ge [sflag:s29], $0x800  }
0x144: {  	[sflag:s29] =	ssyncset.done $0x0  }
0x145: {  	[sflag:s29] =	ssyncadd.s32 $0xFFFFF800  }
0x146: {  	_ =	swait.ge [sflag:s29], $0x800  }
0x147: {  	[sflag:s29] =	ssyncset.done $0x0  }
0x148: {  	[sflag:s29] =	ssyncadd.s32 $0xFFFFF800  }
0x149: {  	_ =	swait.ge [sflag:s29], $0x800  }
0x14a: {  	[sflag:s29] =	ssyncset.done $0x0  }
0x14b: {  	[sflag:s29] =	ssyncadd.s32 $0xFFFFF800  }
0x14c: {  	_ =	swait.ge [sflag:s29], $0x800  }
0x14d: {  	[sflag:s29] =	ssyncset.done $0x0  }
0x14e: {  	[sflag:s29] =	ssyncadd.s32 $0xFFFFF800  }
0x14f: {  	_ =	swait.ge [sflag:s29], $0x800  }
0x150: {  	[sflag:s29] =	ssyncset.done $0x0  }
0x151: {  	[sflag:s29] =	ssyncadd.s32 $0xFFFFF800  }
0x152: {  	_ =	swait.ge [sflag:s29], $0x800  }
0x153: {  	[sflag:s29] =	ssyncset.done $0x0  }
0x154: {  	[sflag:s29] =	ssyncadd.s32 $0xFFFFF800  }
0x155: {  	_ =	swait.ge [sflag:s29], $0x800  }
0x156: {  	[sflag:s29] =	ssyncset.done $0x0  }
0x157: {  	[sflag:s29] =	ssyncadd.s32 $0xFFFFF800  }
0x158: {  	[spmem:s2] =	stream.indirect.scatter.add.f32 [tilespmem:s22], [sflag:$0x2], $0x1, s30, s31, $0xb8;
	[tilespmem:$0x1EF70] =	vst v63  }
0x159: {  	_ =	swait.ge [sflag:s19], $0x800  }
0x15a: {  	[sflag:s19] =	ssyncset.done $0x0  }
0x15b: {  	[sflag:s19] =	ssyncadd.s32 $0xFFFFF800  }
0x15c: {  	[spmem:s3] =	stream.indirect.scatter.add.f32 [tilespmem:s23], [sflag:$0x2], $0x1, s30, s31, $0xb8;
	[tilespmem:$0x1EF70] =	vst v63  }
0x15d: {  	_ =	swait.ge [sflag:s19], $0x800  }
0x15e: {  	[sflag:s19] =	ssyncset.done $0x0  }
0x15f: {  	[sflag:s19] =	ssyncadd.s32 $0xFFFFF800  }
0x160: {  	[spmem:s4] =	stream.indirect.scatter.add.f32 [tilespmem:s24], [sflag:$0x2], $0x1, s30, s31, $0xb8;
	[tilespmem:$0x1EF70] =	vst v63  }
0x161: {  	_ =	swait.ge [sflag:s19], $0x800  }
0x162: {  	[sflag:s19] =	ssyncset.done $0x0  }
0x163: {  	[sflag:s19] =	ssyncadd.s32 $0xFFFFF800  }
0x164: {  	[spmem:s5] =	stream.indirect.scatter.add.f32 [tilespmem:s25], [sflag:$0x2], $0x1, s30, s31, $0xb8;
	[tilespmem:$0x1EF70] =	vst v63  }
0x165: {  	_ =	swait.ge [sflag:s19], $0x800  }
0x166: {  	[sflag:s19] =	ssyncset.done $0x0  }
0x167: {  	[sflag:s19] =	ssyncadd.s32 $0xFFFFF800  }
0x168: {  	[spmem:s6] =	stream.indirect.scatter.add.f32 [tilespmem:s26], [sflag:$0x2], $0x1, s30, s31, $0xb8;
	[tilespmem:$0x1EF70] =	vst v63  }
0x169: {  	_ =	swait.ge [sflag:s19], $0x800  }
0x16a: {  	[sflag:s19] =	ssyncset.done $0x0  }
0x16b: {  	[sflag:s19] =	ssyncadd.s32 $0xFFFFF800  }
0x16c: {  	[spmem:s7] =	stream.indirect.scatter.add.f32 [tilespmem:s28], [sflag:$0x2], $0x1, s30, s31, $0xb8;
	[tilespmem:$0x1EF70] =	vst v63  }
0x16d: {  	_ =	swait.ge [sflag:s19], $0x800  }
0x16e: {  	[sflag:s19] =	ssyncset.done $0x0  }
0x16f: {  	[sflag:s19] =	ssyncadd.s32 $0xFFFFF800  }
0x170: {  	[spmem:s8] =	stream.indirect.scatter.add.f32 [tilespmem:s13], [sflag:$0x2], $0x1, s30, s31, $0xb8;
	[tilespmem:$0x1EF70] =	vst v63  }
0x171: {  	p0 =	sne.s32 s0, $0x6300;
	_ =	swait.ge [sflag:s19], $0x800  }
.Ltmp1:
0x172: {  	[sflag:s19] =	ssyncset.done $0x0;
	(pc) =	sbr.rel @p0 .LBB3_4-.Ltmp1, $4  }
0x173: {  	[sflag:s19] =	ssyncadd.s32 $0xFFFFF800  }
0x174: {  	[spmem:s9] =	stream.indirect.scatter.add.f32 [tilespmem:s1], [sflag:$0x2], $0x1, s30, s31, $0xb8;
	[tilespmem:$0x1EF70] =	vst v63  }
0x175: {  	_ =	swait.ge [sflag:s19], $0x800  }
0x176: {  	s0 =	sadd.s32 $0x100, s0;
	s1 =	rddreg [dreg:$0xf];
	[sflag:s19] =	ssyncset.done $0x0  }
0x177: {  	[sflag:s19] =	ssyncadd.s32 $0xFFFFF800;
	s0 =	sadd.s32 s17, s1;
	s13 =	simm.s32 $0x0  }
0x178: {  	[tilespmem:s20], [sflag:$0x2] =	stream.linear.gather [hbm4b:s0+s13], $0x800, $0x38;
	[tilespmem:$0x1EF70] =	vst v63  }
0x179: {  	_ =	swait.ge [sflag:s19], $0x800  }
0x17a: {  	s1 =	rddreg [dreg:$0xe];
	[sflag:s19] =	ssyncset.done $0x0  }
0x17b: {  	s0 =	sadd.s32 s17, s1;
	[sflag:s19] =	ssyncadd.s32 $0xFFFFF800  }
0x17c: {  	[tilespmem:s30], [sflag:$0x2] =	stream.linear.gather [hbm4b:s0+s13], $0x800, $0x38;
	[tilespmem:$0x1EF70] =	vst v63  }
0x17d: {  	_ =	swait.ge [sflag:s19], $0x800  }
0x17e: {  	[sflag:s19] =	ssyncset.done $0x0  }
0x17f: {  	[sflag:s19] =	ssyncadd.s32 $0xFFFFF800  }
0x180: {  	[tilespmem:s22], [sflag:$0x1] =	stream.indirect.gather [spmem:s10], $0x1, s20, s31, $0xb8;
	[tilespmem:$0x1EF70] =	vst v63  }
0x181: {  	_ = 	snop  }
0x182: {  	[tilespmem:s23], [sflag:$0x1] =	stream.indirect.gather [spmem:s11], $0x1, s20, s31, $0xb8;
	[tilespmem:$0x1EF70] =	vst v63  }
0x183: {  	_ = 	snop  }
0x184: {  	[tilespmem:s24], [sflag:$0x1] =	stream.indirect.gather [spmem:s12], $0x1, s20, s31, $0xb8;
	[tilespmem:$0x1EF70] =	vst v63  }
0x185: {  	_ = 	snop  }
0x186: {  	[tilespmem:s25], [sflag:$0x1] =	stream.indirect.gather [spmem:s15], $0x1, s20, s31, $0xb8;
	[tilespmem:$0x1EF70] =	vst v63  }
0x187: {  	_ = 	snop  }
0x188: {  	[tilespmem:s26], [sflag:$0x1] =	stream.indirect.gather [spmem:s14], $0x1, s20, s31, $0xb8;
	[tilespmem:$0x1EF70] =	vst v63  }
0x189: {  	_ = 	snop  }
0x18a: {  	[tilespmem:s28], [sflag:$0x1] =	stream.indirect.gather [spmem:s16], $0x1, s20, s31, $0xb8;
	[tilespmem:$0x1EF70] =	vst v63  }
0x18b: {  	s16 =	simm.s32 $0x1C700  }
0x18c: {  	[tilespmem:s16], [sflag:$0x1] =	stream.indirect.gather [spmem:s21], $0x1, s20, s31, $0xb8;
	[tilespmem:$0x1EF70] =	vst v63  }
0x18d: {  	s17 =	simm.s32 $0x1CF00  }
0x18e: {  	[tilespmem:s17], [sflag:$0x1] =	stream.indirect.gather [spmem:s18], $0x1, s20, s31, $0xb8;
	[tilespmem:$0x1EF70] =	vst v63  }
0x18f: {  	_ =	swait.ge [sflag:s29], $0x800  }
0x190: {  	[sflag:s29] =	ssyncset.done $0x0  }
0x191: {  	[sflag:s29] =	ssyncadd.s32 $0xFFFFF800  }
0x192: {  	_ =	swait.ge [sflag:s29], $0x800  }
0x193: {  	[sflag:s29] =	ssyncset.done $0x0  }
0x194: {  	[sflag:s29] =	ssyncadd.s32 $0xFFFFF800  }
0x195: {  	_ =	swait.ge [sflag:s29], $0x800  }
0x196: {  	[sflag:s29] =	ssyncset.done $0x0  }
0x197: {  	[sflag:s29] =	ssyncadd.s32 $0xFFFFF800  }
0x198: {  	_ =	swait.ge [sflag:s29], $0x800  }
0x199: {  	[sflag:s29] =	ssyncset.done $0x0  }
0x19a: {  	[sflag:s29] =	ssyncadd.s32 $0xFFFFF800  }
0x19b: {  	_ =	swait.ge [sflag:s29], $0x800  }
0x19c: {  	[sflag:s29] =	ssyncset.done $0x0  }
0x19d: {  	[sflag:s29] =	ssyncadd.s32 $0xFFFFF800  }
0x19e: {  	_ =	swait.ge [sflag:s29], $0x800  }
0x19f: {  	[sflag:s29] =	ssyncset.done $0x0  }
0x1a0: {  	[sflag:s29] =	ssyncadd.s32 $0xFFFFF800  }
0x1a1: {  	_ =	swait.ge [sflag:s29], $0x800  }
0x1a2: {  	[sflag:s29] =	ssyncset.done $0x0  }
0x1a3: {  	[sflag:s29] =	ssyncadd.s32 $0xFFFFF800  }
0x1a4: {  	_ =	swait.ge [sflag:s29], $0x800  }
0x1a5: {  	[sflag:s29] =	ssyncset.done $0x0  }
0x1a6: {  	[sflag:s29] =	ssyncadd.s32 $0xFFFFF800  }
0x1a7: {  	[spmem:s2] =	stream.indirect.scatter.add.f32 [tilespmem:s22], [sflag:$0x2], $0x1, s30, s31, $0xb8;
	[tilespmem:$0x1EF70] =	vst v63  }
0x1a8: {  	_ =	swait.ge [sflag:s19], $0x800  }
0x1a9: {  	[sflag:s19] =	ssyncset.done $0x0  }
0x1aa: {  	[sflag:s19] =	ssyncadd.s32 $0xFFFFF800  }
0x1ab: {  	[spmem:s3] =	stream.indirect.scatter.add.f32 [tilespmem:s23], [sflag:$0x2], $0x1, s30, s31, $0xb8;
	[tilespmem:$0x1EF70] =	vst v63  }
0x1ac: {  	_ =	swait.ge [sflag:s19], $0x800  }
0x1ad: {  	[sflag:s19] =	ssyncset.done $0x0  }
0x1ae: {  	[sflag:s19] =	ssyncadd.s32 $0xFFFFF800  }
0x1af: {  	[spmem:s4] =	stream.indirect.scatter.add.f32 [tilespmem:s24], [sflag:$0x2], $0x1, s30, s31, $0xb8;
	[tilespmem:$0x1EF70] =	vst v63  }
0x1b0: {  	_ =	swait.ge [sflag:s19], $0x800  }
0x1b1: {  	[sflag:s19] =	ssyncset.done $0x0  }
0x1b2: {  	[sflag:s19] =	ssyncadd.s32 $0xFFFFF800  }
0x1b3: {  	[spmem:s5] =	stream.indirect.scatter.add.f32 [tilespmem:s25], [sflag:$0x2], $0x1, s30, s31, $0xb8;
	[tilespmem:$0x1EF70] =	vst v63  }
0x1b4: {  	_ =	swait.ge [sflag:s19], $0x800  }
0x1b5: {  	[sflag:s19] =	ssyncset.done $0x0  }
0x1b6: {  	[sflag:s19] =	ssyncadd.s32 $0xFFFFF800  }
0x1b7: {  	[spmem:s6] =	stream.indirect.scatter.add.f32 [tilespmem:s26], [sflag:$0x2], $0x1, s30, s31, $0xb8;
	[tilespmem:$0x1EF70] =	vst v63  }
0x1b8: {  	_ =	swait.ge [sflag:s19], $0x800  }
0x1b9: {  	[sflag:s19] =	ssyncset.done $0x0  }
0x1ba: {  	[sflag:s19] =	ssyncadd.s32 $0xFFFFF800  }
0x1bb: {  	[spmem:s7] =	stream.indirect.scatter.add.f32 [tilespmem:s28], [sflag:$0x2], $0x1, s30, s31, $0xb8;
	[tilespmem:$0x1EF70] =	vst v63  }
0x1bc: {  	_ =	swait.ge [sflag:s19], $0x800  }
0x1bd: {  	[sflag:s19] =	ssyncset.done $0x0  }
0x1be: {  	[sflag:s19] =	ssyncadd.s32 $0xFFFFF800  }
0x1bf: {  	[spmem:s8] =	stream.indirect.scatter.add.f32 [tilespmem:s16], [sflag:$0x2], $0x1, s30, s31, $0xb8;
	[tilespmem:$0x1EF70] =	vst v63  }
0x1c0: {  	_ =	swait.ge [sflag:s19], $0x800  }
0x1c1: {  	[sflag:s19] =	ssyncset.done $0x0  }
0x1c2: {  	[sflag:s19] =	ssyncadd.s32 $0xFFFFF800  }
0x1c3: {  	[spmem:s9] =	stream.indirect.scatter.add.f32 [tilespmem:s17], [sflag:$0x2], $0x1, s30, s31, $0xb8;
	[tilespmem:$0x1EF70] =	vst v63  }
0x1c4: {  	_ =	swait.ge [sflag:s19], $0x800  }
0x1c5: {  	[sflag:s19] =	ssyncset.done $0x0  }
0x1c6: {  	[sflag:s19] =	ssyncadd.s32 $0xFFFFF800  }
0x1c7: {  	[bflag:$0x0] =	sbarrier.arrive $0xFFFF  }
0x1c8: {  	s16 =	sld [smem:$0x7ED];
	_ =	sdelay $0x1  }
0x1c9: {  	s1 =	simm.s32 $0x1D700  }
0x1ca: {  	[tilespmem:s1], [sflag:$0x2] =	stream.linear.gather [spmem:s16], $0x1870, $0x38;
	[tilespmem:$0x1EF70] =	vst v63  }
0x1cb: {  	_ =	swait.ge [sflag:s19], $0x1870  }
0x1cc: {  	[sflag:s19] =	ssyncset.done $0x0  }
0x1cd: {  	s17 =	rddreg [dreg:$0x1a];
	[sflag:s19] =	ssyncadd.s32 $0xFFFFE790  }
0x1ce: {  	[hbm4b:s17+s13] =	stream.linear.scatter [tilespmem:s1], [sflag:$0x2], $0x1870, $0x38;
	[tilespmem:$0x1EF70] =	vst v63  }
0x1cf: {  	_ =	swait.ge [sflag:s19], $0x1870  }
0x1d0: {  	s16 =	sld [smem:$0x7EE]  }
0x1d1: {  	[sflag:s19] =	ssyncset.done $0x0  }
0x1d2: {  	[sflag:s19] =	ssyncadd.s32 $0xFFFFE790  }
0x1d3: {  	[tilespmem:s1], [sflag:$0x2] =	stream.linear.gather [spmem:s16], $0x1870, $0x38;
	[tilespmem:$0x1EF70] =	vst v63  }
0x1d4: {  	_ =	swait.ge [sflag:s19], $0x1870  }
0x1d5: {  	[sflag:s19] =	ssyncset.done $0x0  }
0x1d6: {  	s17 =	rddreg [dreg:$0x1b];
	[sflag:s19] =	ssyncadd.s32 $0xFFFFE790  }
0x1d7: {  	[hbm4b:s17+s13] =	stream.linear.scatter [tilespmem:s1], [sflag:$0x2], $0x1870, $0x38;
	[tilespmem:$0x1EF70] =	vst v63  }
0x1d8: {  	_ =	swait.ge [sflag:s19], $0x1870  }
0x1d9: {  	s16 =	sld [smem:$0x7EF]  }
0x1da: {  	[sflag:s19] =	ssyncset.done $0x0  }
0x1db: {  	[sflag:s19] =	ssyncadd.s32 $0xFFFFE790  }
0x1dc: {  	[tilespmem:s1], [sflag:$0x2] =	stream.linear.gather [spmem:s16], $0x1870, $0x38;
	[tilespmem:$0x1EF70] =	vst v63  }
0x1dd: {  	_ =	swait.ge [sflag:s19], $0x1870  }
0x1de: {  	[sflag:s19] =	ssyncset.done $0x0  }
0x1df: {  	s17 =	rddreg [dreg:$0x1c];
	[sflag:s19] =	ssyncadd.s32 $0xFFFFE790  }
0x1e0: {  	[hbm4b:s17+s13] =	stream.linear.scatter [tilespmem:s1], [sflag:$0x2], $0x1870, $0x38;
	[tilespmem:$0x1EF70] =	vst v63  }
0x1e1: {  	_ =	swait.ge [sflag:s19], $0x1870  }
0x1e2: {  	s16 =	sld [smem:$0x7F0]  }
0x1e3: {  	[sflag:s19] =	ssyncset.done $0x0  }
0x1e4: {  	[sflag:s19] =	ssyncadd.s32 $0xFFFFE790  }
0x1e5: {  	[tilespmem:s1], [sflag:$0x2] =	stream.linear.gather [spmem:s16], $0x1870, $0x38;
	[tilespmem:$0x1EF70] =	vst v63  }
0x1e6: {  	_ =	swait.ge [sflag:s19], $0x1870  }
0x1e7: {  	[sflag:s19] =	ssyncset.done $0x0  }
0x1e8: {  	s17 =	rddreg [dreg:$0x1d];
	[sflag:s19] =	ssyncadd.s32 $0xFFFFE790  }
0x1e9: {  	[hbm4b:s17+s13] =	stream.linear.scatter [tilespmem:s1], [sflag:$0x2], $0x1870, $0x38;
	[tilespmem:$0x1EF70] =	vst v63  }
0x1ea: {  	_ =	swait.ge [sflag:s19], $0x1870  }
0x1eb: {  	s16 =	sld [smem:$0x7F1]  }
0x1ec: {  	[sflag:s19] =	ssyncset.done $0x0  }
0x1ed: {  	[sflag:s19] =	ssyncadd.s32 $0xFFFFE790  }
0x1ee: {  	[tilespmem:s1], [sflag:$0x2] =	stream.linear.gather [spmem:s16], $0x1870, $0x38;
	[tilespmem:$0x1EF70] =	vst v63  }
0x1ef: {  	_ =	swait.ge [sflag:s19], $0x1870  }
0x1f0: {  	[sflag:s19] =	ssyncset.done $0x0  }
0x1f1: {  	s17 =	rddreg [dreg:$0x1e];
	[sflag:s19] =	ssyncadd.s32 $0xFFFFE790  }
0x1f2: {  	[hbm4b:s17+s13] =	stream.linear.scatter [tilespmem:s1], [sflag:$0x2], $0x1870, $0x38;
	[tilespmem:$0x1EF70] =	vst v63  }
0x1f3: {  	_ =	swait.ge [sflag:s19], $0x1870  }
0x1f4: {  	s16 =	sld [smem:$0x7F2]  }
0x1f5: {  	[sflag:s19] =	ssyncset.done $0x0  }
0x1f6: {  	[sflag:s19] =	ssyncadd.s32 $0xFFFFE790  }
0x1f7: {  	[tilespmem:s1], [sflag:$0x2] =	stream.linear.gather [spmem:s16], $0x1870, $0x38;
	[tilespmem:$0x1EF70] =	vst v63  }
0x1f8: {  	_ =	swait.ge [sflag:s19], $0x1870  }
0x1f9: {  	[sflag:s19] =	ssyncset.done $0x0  }
0x1fa: {  	s17 =	rddreg [dreg:$0x1f];
	[sflag:s19] =	ssyncadd.s32 $0xFFFFE790  }
0x1fb: {  	[hbm4b:s17+s13] =	stream.linear.scatter [tilespmem:s1], [sflag:$0x2], $0x1870, $0x38;
	[tilespmem:$0x1EF70] =	vst v63  }
0x1fc: {  	_ =	swait.ge [sflag:s19], $0x1870  }
0x1fd: {  	s16 =	sld [smem:$0x7F3]  }
0x1fe: {  	[sflag:s19] =	ssyncset.done $0x0  }
0x1ff: {  	[sflag:s19] =	ssyncadd.s32 $0xFFFFE790  }
0x200: {  	[tilespmem:s1], [sflag:$0x2] =	stream.linear.gather [spmem:s16], $0x1870, $0x38;
	[tilespmem:$0x1EF70] =	vst v63  }
0x201: {  	_ =	swait.ge [sflag:s19], $0x1870  }
0x202: {  	s17 =	sld [smem:$0x7EB]  }
0x203: {  	[sflag:s19] =	ssyncset.done $0x0  }
0x204: {  	[sflag:s19] =	ssyncadd.s32 $0xFFFFE790  }
0x205: {  	[hbm4b:s17+s13] =	stream.linear.scatter [tilespmem:s1], [sflag:$0x2], $0x1870, $0x38;
	[tilespmem:$0x1EF70] =	vst v63  }
0x206: {  	_ =	swait.ge [sflag:s19], $0x1870  }
0x207: {  	s16 =	sld [smem:$0x7F4]  }
0x208: {  	[sflag:s19] =	ssyncset.done $0x0  }
0x209: {  	[sflag:s19] =	ssyncadd.s32 $0xFFFFE790  }
0x20a: {  	[tilespmem:s1], [sflag:$0x2] =	stream.linear.gather [spmem:s16], $0x1870, $0x38;
	[tilespmem:$0x1EF70] =	vst v63  }
0x20b: {  	_ =	swait.ge [sflag:s19], $0x1870  }
0x20c: {  	s17 =	sld [smem:$0x7EC]  }
0x20d: {  	[sflag:s19] =	ssyncset.done $0x0  }
0x20e: {  	[sflag:s19] =	ssyncadd.s32 $0xFFFFE790  }
0x20f: {  	[hbm4b:s17+s13] =	stream.linear.scatter [tilespmem:s1], [sflag:$0x2], $0x1870, $0x38;
	[tilespmem:$0x1EF70] =	vst v63  }
0x210: {  	_ =	swait.ge [sflag:s19], $0x1870  }
0x211: {  	s16 =	sld [smem:$0x7EA]  }
0x212: {  	s17 =	sld [smem:$0x7FD];
	_ =	sdelay $0x1  }
0x213: {  	s1 =	sadd.s32 $0x1, s16  }
0x214: {  	p0 =	sne.s32 s1, s17  }
.Ltmp2:
0x215: {  	_ = 	snop;
	(pc) =	sbr.rel @p0 .LBB3_1-.Ltmp2, $4  }
0x216: {  	_ = 	snop  }
0x217: {  	[sflag:s19] =	ssyncset.done $0x0  }
0x218: {  	[sflag:s19] =	ssyncadd.s32 $0xFFFFE790  }
0x219: {  	s16 =	simm.s32 $0x0;
	s17 =	smov.u32 s21;
	s21 =	smov.u32 s18  }
0x21a: {  	_ =	sfence.sel $0x180000  }
0x21b: {  	[bflag:$0x0] =	sbarrier.arrive $0xFFFF  }
0x21c: {  	_ =	strace $0x9000004D  }
0x21d: {  	s0 =	stileid.u32;
	[bflag:$0x2] =	sbarrier.arrive $0xFFFF  }
0x21e: {  	p0 =	sne.s32 s0, $0x0;
	s0 =	rddreg [dreg:$0x11]  }
0x21f: {  	s0 =	sadd.s32 @!p0 $0x100000, s0  }
0x220: {  	[sflag:s0] =	ssyncadd.tile.s32 @!p0 $0x1;
	_ =	shalt  }
.Lfunc_end3:
_tile_overlayer_lowered:
.L_overlay_start_3:
0x221: {  	(tag) =	ssettag $0x3  }
0x222: {  	s0 =	rddreg [dreg:$0x0];
	s2 =	stileid.u32  }
0x223: {  	s1 =	rddreg [dreg:$0x1];
	p0 =	sne.s32 s2, $0x0  }
0x224: {  	s3 =	rddreg [dreg:$0x2];
	[bflag:$0x3] =	sbarrier.arrive $0xFFFF;
	s2 =	simm.s32 @!p0 $0x1C02  }
0x225: {  	[timem:s3], [sflag:s2] =	dma.local @!p0 [hbm:s0], s1  }
0x226: {  	s0 =	simm.s32 @!p0 $0x2  }
0x227: {  	_ =	swait.ge @!p0 [sflag:s0], s1  }
0x228: {  	s1 =	ssub.s32 @!p0 $0x0, s1;
	[sflag:s0] =	ssyncset.done @!p0 $0x0  }
0x229: {  	[sflag:s0] =	ssyncadd.s32 @!p0 s1  }
0x22a: {  	[bflag:$0x3] =	sbarrier.arrive $0xFFFF  }
0x22b: {  	_ =	shalt  }

// kernel: kernel.19.cloned.1.call-start
scs
__scs_entry_jumppad:
0x0: {  	(pc) =	sbr.rel $0x88, $3  }
0x1: {  	(tag) =	ssettag $0x0;
	lr =	simm.s32 $0x1  }
0x2: {  	[smem:$0x3F97] =	sst lr;
	_ =	strace $0xD0000000  }
0x3: {  	_ = 	snop  }
0x4: {  	_ = 	snop  }
0x5: {  	_ = 	snop  }
0x6: {  	_ = 	snop  }
0x7: {  	_ = 	snop  }
__scs_overlays_trampoline_lowered:
0x8: {  	[smem:$0x3FA6] =	sst s0  }
0x9: {  	[smem:$0x3FA7] =	sst s1  }
0xa: {  	[smem:$0x3FA8] =	sst s2  }
0xb: {  	[smem:$0x3FA9] =	sst s3  }
0xc: {  	[smem:$0x3FAA] =	sst s4  }
0xd: {  	[smem:$0x3FAB] =	sst s5  }
0xe: {  	[smem:$0x3FAC] =	sst s6  }
0xf: {  	[smem:$0x3FAD] =	sst s7  }
0x10: {  	[smem:$0x3FAE] =	sst s8  }
0x11: {  	[smem:$0x3FAF] =	sst s9;
	s0 =	simm.s32 @!p0 $0x0  }
0x12: {  	s1 =	sld [smem:$0x3F95];
	s0 =	simm.s32 @p0 $0x1  }
0x13: {  	[smem:$0x3FB0] =	sst s0;
	s0 =	simm.s32 @!p1 $0x0  }
0x14: {  	s2 =	sld [smem:$0x3F94];
	s0 =	simm.s32 @p1 $0x1  }
0x15: {  	[smem:$0x3FB1] =	sst s0;
	s0 =	simm.s32 @!p2 $0x0  }
0x16: {  	s3 =	sld [smem:$0x3FDB];
	s0 =	simm.s32 @p2 $0x1  }
0x17: {  	s4 =	simm.s32 $0x1BF5;
	[smem:$0x3FB3] =	sst s0  }
0x18: {  	s0 =	sld [smem:$0x3F96];
	_ =	swait.ge [sflag:s4], $0x0  }
0x19: {  	s7 =	sld [smem:$0x3F97]  }
0x1a: {  	s8 =	sadd.s32 $0xFFFFE003, lr  }
0x1b: {  	s9 =	sadd.s32 $0xFFFFFEF7, lr;
	s5 =	simm.s32 $0xFFFFFFFF;
	p2 =	slt.u32 s8, $0xFFFFF086  }
0x1c: {  	p1 =	slt.u32 s9, $0xF7A;
	s5 =	simm.s32 @!p2 $0x0  }
0x1d: {  	s5 =	simm.s32 @p1 $0x1;
	p0 =	seq.s32 s7, s2  }
0x1e: {  	s7 =	smul.u32 @!p0 $0xF7A, s2;
	p2 =	seq.s32 @!p0 s5, $0x0  }
0x1f: {  	s9 =	smul.u32 $0xF7A, s1;
	s8 =	simm.s32 @!p0 $0x1BF5;
	p2 =	por !p2, p0  }
0x20: {  	[sflag:s8] =	ssyncset.s32 @!p0 $0xFFFFF086;
	s6 =	sadd.s32 @!p0 s3, s7;
	s7 =	simm.s32 @!p0 $0x108  }
0x21: {  	s3 =	sadd.s32 s3, s9;
	s6 =	sadd.s32 @!p0 $0x88, s6;
	s7 =	simm.s32 @p2 $0x1082  }
0x22: {  	[simem:s7], [sflag:s8] =	dma.local @!p0 [hbm:s6], $0xF7A  }
0x23: {  	s9 =	sor.u32 $0xD0000000, s2;
	s6 =	simm.s32 $0x108;
	_ =	swait.ge @!p0 [sflag:s8], $0x0  }
0x24: {  	s3 =	sadd.s32 $0x88, s3;
	s6 =	simm.s32 @!p1 $0x1082;
	[sflag:s4] =	ssyncset.s32 $0xFFFFF086  }
0x25: {  	[simem:s6], [sflag:s4] =	dma.local [hbm:s3], $0xF7A  }
0x26: {  	[smem:$0x3F97] =	sst s1;
	(tag) =	ssettag s2;
	_ =	strace s9  }
0x27: {  	s1 =	sld [smem:$0x3FA7]  }
0x28: {  	s2 =	sld [smem:$0x3FA8]  }
0x29: {  	s4 =	sld [smem:$0x3FAA]  }
0x2a: {  	p0 =	seq.s32 s5, $0x0;
	s5 =	sld [smem:$0x3FAB]  }
0x2b: {  	s6 =	sld [smem:$0x3FAC]  }
0x2c: {  	s7 =	sld [smem:$0x3FAD]  }
0x2d: {  	s3 =	simm.s32 $0x108;
	s8 =	sld [smem:$0x3FAE]  }
0x2e: {  	s3 =	simm.s32 @!p0 $0x1082;
	s9 =	sld [smem:$0x3FAF]  }
0x2f: {  	lr =	sadd.s32 s0, s3;
	s0 =	sld [smem:$0x3FA6]  }
0x30: {  	s3 =	sld [smem:$0x3FA9]  }
0x31: {  	[smem:$0x3FB2] =	sst s10  }
0x32: {  	s10 =	sld [smem:$0x3FB0];
	_ =	sdelay $0x3  }
0x33: {  	p0 =	seq.s32 s10, $0x1;
	s10 =	sld [smem:$0x3FB2];
	_ =	sdelay $0x3  }
0x34: {  	[smem:$0x3FB2] =	sst s10  }
0x35: {  	s10 =	sld [smem:$0x3FB1];
	_ =	sdelay $0x3  }
0x36: {  	p1 =	seq.s32 s10, $0x1;
	s10 =	sld [smem:$0x3FB2];
	_ =	sdelay $0x3  }
0x37: {  	[smem:$0x3FB2] =	sst s10  }
0x38: {  	s10 =	sld [smem:$0x3FB3]  }
0x39: {  	_ = 	snop;
	(pc) =	sbr.ind lr, $3  }
0x3a: {  	_ = 	snop  }
0x3b: {  	_ = 	snop  }
0x3c: {  	p2 =	seq.s32 s10, $0x1;
	s10 =	sld [smem:$0x3FB2]  }
0x3d: {  	_ =	shalt  }
0x3e: {  	_ =	shalt  }
0x3f: {  	_ =	shalt  }
0x40: {  	_ =	shalt  }
0x41: {  	_ =	shalt  }
0x42: {  	_ =	shalt  }
0x43: {  	_ =	shalt  }
0x44: {  	_ =	shalt  }
0x45: {  	_ =	shalt  }
0x46: {  	_ =	shalt  }
0x47: {  	_ =	shalt  }
0x48: {  	_ =	shalt  }
0x49: {  	_ =	shalt  }
0x4a: {  	_ =	shalt  }
0x4b: {  	_ =	shalt  }
0x4c: {  	_ =	shalt  }
0x4d: {  	_ =	shalt  }
0x4e: {  	_ =	shalt  }
0x4f: {  	_ =	shalt  }
0x50: {  	_ =	shalt  }
0x51: {  	_ =	shalt  }
0x52: {  	_ =	shalt  }
0x53: {  	_ =	shalt  }
0x54: {  	_ =	shalt  }
0x55: {  	_ =	shalt  }
0x56: {  	_ =	shalt  }
0x57: {  	_ =	shalt  }
0x58: {  	_ =	shalt  }
0x59: {  	_ =	shalt  }
0x5a: {  	_ =	shalt  }
0x5b: {  	_ =	shalt  }
0x5c: {  	_ =	shalt  }
0x5d: {  	_ =	shalt  }
0x5e: {  	_ =	shalt  }
0x5f: {  	_ =	shalt  }
0x60: {  	_ =	shalt  }
0x61: {  	_ =	shalt  }
0x62: {  	_ =	shalt  }
0x63: {  	_ =	shalt  }
0x64: {  	_ =	shalt  }
0x65: {  	_ =	shalt  }
0x66: {  	_ =	shalt  }
0x67: {  	_ =	shalt  }
0x68: {  	_ =	shalt  }
0x69: {  	_ =	shalt  }
0x6a: {  	_ =	shalt  }
0x6b: {  	_ =	shalt  }
0x6c: {  	_ =	shalt  }
0x6d: {  	_ =	shalt  }
0x6e: {  	_ =	shalt  }
0x6f: {  	_ =	shalt  }
0x70: {  	_ =	shalt  }
0x71: {  	_ =	shalt  }
0x72: {  	_ =	shalt  }
0x73: {  	_ =	shalt  }
0x74: {  	_ =	shalt  }
0x75: {  	_ =	shalt  }
0x76: {  	_ =	shalt  }
0x77: {  	_ =	shalt  }
0x78: {  	_ =	shalt  }
0x79: {  	_ =	shalt  }
0x7a: {  	_ =	shalt  }
0x7b: {  	_ =	shalt  }
0x7c: {  	_ =	shalt  }
0x7d: {  	_ =	shalt  }
0x7e: {  	_ =	shalt  }
0x7f: {  	_ =	shalt  }
0x80: {  	_ =	shalt  }
0x81: {  	_ =	shalt  }
0x82: {  	_ =	shalt  }
0x83: {  	_ =	shalt  }
0x84: {  	_ =	shalt  }
0x85: {  	_ =	shalt  }
0x86: {  	_ =	shalt  }
0x87: {  	_ =	shalt  }
.Lfunc_end0:
.L_simem_size_0:
called_computation.3_lowered:
.L_overlay_start_0:
0x88: {  	s2 =	sld [smem:$0x3FD9]  }
0x89: {  	s3 =	sld [smem:$0x3FFE];
	_ =	sdelay $0x1  }
0x8a: {  	s1 =	srdreg.scid  }
0x8b: {  	s0 =	sand.u32 $0x1, s1  }
0x8c: {  	s16 =	sshll.u32 s0, $0xA;
	s2 =	sadd.s32 s3, s2  }
0x8d: {  	s2 =	sadd.s32 s2, s16  }
0x8e: {  	[smem:$0x3FBE] =	sst s2  }
0x8f: {  	_ = 	snop  }
0x90: {  	(tm) =	ssettm $0x1  }
0x91: {  	s17 =	sld [smem:$0x3FFB];
	_ =	sdelay $0x3  }
0x92: {  	_ =	strace s17  }
0x93: {  	s2 =	sld [smem:$0x3FFC];
	_ =	sdelay $0x3  }
0x94: {  	_ =	strace s2  }
0x95: {  	s2 =	sld [smem:$0x3FFD];
	_ =	sdelay $0x3  }
0x96: {  	_ =	strace s2  }
0x97: {  	_ =	strace $0x8FFFFFFF  }
0x98: {  	s18 =	sld [smem:$0x3FDB];
	_ =	sdelay $0x1  }
0x99: {  	s19 =	simm.s32 $_scs_section_size  }
0x9a: {  	s4 =	simm.s32 $_size__tile_overlayer_lowered;
	s5 =	simm.s32 $_tile_overlayer_lowered  }
0x9b: {  	s22 =	simm.s32 $0x1BFF;
	s21 =	sshll.u32 s5, $0x1;
	s2 =	sadd.s32 s19, s18  }
0x9c: {  	s6 =	simm.s32 $0x0;
	s20 =	sshll.u32 s4, $0x1;
	s4 =	sadd.s32 s21, s2  }
0x9d: {  	[timem:s6], [sflag:s22] =	dma.local [hbm:s4], s20  }
0x9e: {  	_ =	swait.ge [sflag:s22], s20  }
0x9f: {  	s3 =	ssub.s32 $0x0, s20;
	[sflag:s22] =	ssyncset.done $0x0  }
0xa0: {  	[sflag:s22] =	ssyncadd.s32 s3;
	_ =	sdelay $0x1  }
0xa1: {  	s23 =	simm.s32 $0x1B8B  }
0xa2: {  	_ =	swait.ge [sflag:s23], $0x1  }
0xa3: {  	[sflag:s23] =	ssyncset.done $0x0  }
0xa4: {  	s25 =	simm.s32 $0x1B8E;
	s24 =	sld [smem:$0x3FFE];
	[sflag:s23] =	ssyncadd.s32 $0xFFFFFFFF  }
0xa5: {  	s26 =	simm.s32 $execute0_lowered;
	[smem:$0x3FD2] =	sst s25  }
0xa6: {  	s4 =	sshll.u32 s26, $0x1;
	_ =	strace $0x8000004F;
	[dreg:$0x1] =	wrdreg $0xFFFFFFFF  }
0xa7: {  	s28 =	simm.s32 $_size_execute0_lowered;
	s2 =	sadd.s32 s2, s4;
	[dreg:$0x0] =	wrdreg $0x0  }
0xa8: {  	s4 =	sshll.u32 s28, $0x1;
	[dreg:$0x2] =	wrdreg s2  }
0xa9: {  	[dreg:$0x3] =	wrdreg s4  }
0xaa: {  	[dreg:$0x4] =	wrdreg $0xC0  }
0xab: {  	_ =	task [dreg:s6], $0x5FFFF  }
0xac: {  	[dreg:$0x1] =	wrdreg $0xFFFFFFFF  }
0xad: {  	[dreg:$0x0] =	wrdreg $0x60  }
0xae: {  	[dreg:$0x2] =	wrdreg s24  }
0xaf: {  	[dreg:$0x3] =	wrdreg $0x9  }
0xb0: {  	_ =	task.clear_ibuf [dreg:s6], $0x4FFFF;
	_ =	strace $0x9000004F  }
0xb1: {  	s29 =	simm.s32 $0x9;
	_ =	strace $0x80000051  }
0xb2: {  	_ =	swait.ge [sflag:s29], $0x1  }
0xb3: {  	[sflag:s29] =	ssyncadd.s32 $0xFFFFFFFF  }
0xb4: {  	_ =	strace $0x90000051  }
0xb5: {  	_ =	sfence  }
0xb6: {  	s30 =	sld [smem:$0x0];
	_ =	sdelay $0x2  }
0xb7: {  	s31 =	sshll.u32 s1, $0xD;
	s1 =	sshrl.u32 s1, $0x2  }
0xb8: {  	s3 =	sand.u32 $0x4000, s31;
	s1 =	sadd.s32 s1, s30  }
0xb9: {  	s0 =	sor.u32 s3, s0;
	s1 =	sshll.u32 s1, $0x11  }
0xba: {  	s0 =	sor.u32 s1, s0  }
0xbb: {  	s0 =	sadd.s32 $0x8F2B, s0  }
0xbc: {  	[sflag:s0] =	ssyncadd.remote.s32 $0x1  }
0xbd: {  	_ =	sfence.sel $0xFFFF  }
0xbe: {  	[dreg:$0x0] =	wrdreg $0xFFFFFFFF;
	(pc) =	sbr.abs _section_cstart, $3  }
0xbf: {  	[dreg:$0x1] =	wrdreg $0xFFFFFFFF  }
0xc0: {  	_ =	task.clear_ibuf [dreg:s6], $0x2FFFF;
	_ =	strace $0x9FFFFFFF  }
0xc1: {  	(tm) =	ssettm $0x7FFFFFFF  }
tec
execute0_lowered:
.L_overlay_start_1:
0x0: {  	(tag) =	ssettag $0x1  }
0x1: {  	s6 =	rddreg [dreg:$0x0]  }
0x2: {  	s1 =	srdreg.scid;
	s0 =	rddreg [dreg:$0x1]  }
0x3: {  	s2 =	simm.s32 $0x0;
	s10 =	simm.s32 $0x1;
	s11 =	simm.s32 $0x810  }
0x4: {  	s12 =	simm.s32 $0x800;
	s13 =	simm.s32 $0x0;
	s17 =	simm.s32 $0x0  }
0x5: {  	s5 =	sand.u32 $0x1, s1;
	[smem:$0x7FF] =	sst s2;
	s1 =	stileid.u32  }
0x6: {  	s3 =	sadd.s32 $0x65800, s6;
	s4 =	sshll.u32 s5, $0x4;
	_ =	strace $0x80000050  }
0x7: {  	s9 =	ssub.s32 $0x2, s5;
	s5 =	sadd.s32 $0xC9800, s6;
	s7 =	sor.u32 s1, s4  }
0x8: {  	s4 =	sadd.s32 $0x1800, s6;
	s31 =	sshrl.u32 s9, $0x1;
	s8 =	sshll.u32 s7, $0x1  }
0x9: {  	s9 =	ssub.s32 s9, s31;
	s8 =	sadd.s32 s8, s6;
	s6 =	smul.u32 $0x19000, s7  }
0xa: {  	s7 =	sadd.s32 $0xCCA00, s8;
	s8 =	smax.u32 s9, $0x1;
	s9 =	simm.s32 $0x1010  }
.LBB2_1:
0xb: {  	[tilespmem:s9], [sflag:$0x1] =	stream.linear.gather [hbm4b:s5+s2], $0x18700, $0x38;
	[tilespmem:$0x19710] =	vst v63  }
0xc: {  	_ =	swait.ge [sflag:s10], $0x18700  }
0xd: {  	[sflag:s10] =	ssyncset.done $0x0  }
0xe: {  	v0 =	vimm.f32 $0.0e+00;
	s14 =	simm.s32 $0x0;
	[sflag:s10] =	ssyncadd.s32 $0xFFFE7900  }
.LBB2_2:
0xf: {  	s15 =	sshll.u32 s14, $0xB  }
0x10: {  	s15 =	sadd.s32 s6, s15  }
0x11: {  	s15 =	sshrl.u32 s15, $0x3  }
0x12: {  	s16 =	sadd.s32 s3, s15  }
0x13: {  	[tilespmem:s11], [sflag:$0x1] =	stream.linear.gather [hbm4b:s16+s17], $0x800, $0x38;
	[tilespmem:$0x19710] =	vst v63  }
0x14: {  	_ =	swait.ge [sflag:s10], $0x800  }
0x15: {  	[sflag:s10] =	ssyncset.done $0x0  }
0x16: {  	s15 =	sadd.s32 s4, s15;
	[sflag:s10] =	ssyncadd.s32 $0xFFFFF800  }
0x17: {  	[tilespmem:s17], [sflag:$0x1] =	stream.linear.gather [hbm4b:s15+s17], $0x800, $0x38;
	[tilespmem:$0x19710] =	vst v63  }
0x18: {  	_ =	swait.ge [sflag:s10], $0x800  }
0x19: {  	[sflag:s10] =	ssyncset.done $0x0  }
0x1a: {  	s31 =	simm.s32 $0x0;
	[sflag:s10] =	ssyncadd.s32 $0xFFFFF800  }
0x1b: {  	v2 =	vld [tilespmem:s31+$0x810];
	_ =	sdelay $0x6  }
0x1c: {  	v1 =	vld [tilespmem:s31+$0x0]  }
0x1d: {  	s16 =	simm.s32 $0x80;
	s15 =	simm.s32 $0x10;
	v2 =	vld.idx.msk [tilespmem:v2+s9+$0x0], $0xffff  }
.LBB2_3:
0x1e: {  	p0 =	sne.s32 s16, $0x1FC0;
	v3 =	vld [tilespmem:s15+$0x810];
	_ =	sdelay $0x3  }
.Ltmp0:
0x1f: {  	vm0 =	veq.s32 v1, $0x1;
	(pc) =	sbr.rel @p0 .LBB2_3-.Ltmp0, $4  }
0x20: {  	v1 =	vnsel vm0, $0x0, v2  }
0x21: {  	v0 =	vadd.f32 v1, v0  }
0x22: {  	v1 =	vld [tilespmem:s15+$0x0]  }
0x23: {  	s15 =	sshra.s32 s16, $0x2;
	s16 =	sadd.s32 $0x40, s16;
	v2 =	vld.idx.msk [tilespmem:v3+s9+$0x0], $0xffff  }
0x24: {  	v3 =	vld [tilespmem:s15+$0x810];
	_ =	sdelay $0x6  }
0x25: {  	v4 =	vld [tilespmem:s15+$0x0]  }
0x26: {  	s14 =	sadd.s32 $0x1, s14;
	v3 =	vld.idx.msk [tilespmem:v3+s9+$0x0], $0xffff  }
0x27: {  	p0 =	sne.s32 s14, $0x32  }
.Ltmp1:
0x28: {  	vm0 =	veq.s32 v1, $0x1;
	(pc) =	sbr.rel @p0 .LBB2_2-.Ltmp1, $4  }
0x29: {  	v1 =	vnsel vm0, $0x0, v2  }
0x2a: {  	v0 =	vadd.f32 v1, v0;
	vm15 =	veq.s32 v4, $0x1  }
0x2b: {  	v1 =	vnsel vm15, $0x0, v3  }
0x2c: {  	v0 =	vadd.f32 v1, v0  }
0x2d: {  	s13 =	sadd.s32 $0x1, s13  }
0x2e: {  	p0 =	sne.s32 s13, s8  }
.Ltmp2:
0x2f: {  	[tilespmem:$0x800] =	vst v0;
	(pc) =	sbr.rel @p0 .LBB2_1-.Ltmp2, $4  }
0x30: {  	[hbm4b:s7+s2] =	stream.linear.scatter [tilespmem:s12], [sflag:$0x1], $0x10, $0x38;
	[tilespmem:$0x19710] =	vst v63  }
0x31: {  	_ =	swait.ge [sflag:s10], $0x10  }
0x32: {  	[sflag:s10] =	ssyncset.done $0x0  }
0x33: {  	[sflag:s10] =	ssyncadd.s32 $0xFFFFFFF0  }
0x34: {  	_ =	sfence.sel $0x180000  }
0x35: {  	[bflag:$0x0] =	sbarrier.arrive $0xFFFF  }
0x36: {  	p0 =	sne.s32 s1, $0x0;
	_ =	strace $0x90000050  }
0x37: {  	s0 =	sadd.s32 @!p0 $0x100000, s0;
	[bflag:$0x2] =	sbarrier.arrive $0xFFFF  }
0x38: {  	[sflag:s0] =	ssyncadd.tile.s32 @!p0 $0x1;
	_ =	shalt  }
.Lfunc_end2:
_tile_overlayer_lowered:
.L_overlay_start_2:
0x39: {  	(tag) =	ssettag $0x2  }
0x3a: {  	s0 =	rddreg [dreg:$0x0];
	s2 =	stileid.u32  }
0x3b: {  	s1 =	rddreg [dreg:$0x1];
	p0 =	sne.s32 s2, $0x0  }
0x3c: {  	s3 =	rddreg [dreg:$0x2];
	[bflag:$0x3] =	sbarrier.arrive $0xFFFF;
	s2 =	simm.s32 @!p0 $0x1C01  }
0x3d: {  	[timem:s3], [sflag:s2] =	dma.local @!p0 [hbm:s0], s1  }
0x3e: {  	s0 =	simm.s32 @!p0 $0x1  }
0x3f: {  	_ =	swait.ge @!p0 [sflag:s0], s1  }
0x40: {  	s1 =	ssub.s32 @!p0 $0x0, s1;
	[sflag:s0] =	ssyncset.done @!p0 $0x0  }
0x41: {  	[sflag:s0] =	ssyncadd.s32 @!p0 s1  }
0x42: {  	[bflag:$0x3] =	sbarrier.arrive $0xFFFF  }
0x43: {  	_ =	shalt  }

</sc_bundles>
